<compile_context>
chip_gen: v7x
topology: tpu7x:2x2x1
jax: 0.10.2.dev20260603
libtpu: 0.0.44.dev20260713+nightly
codegen_flags: <defaults>
</compile_context>

<pallas_src>
import functools

import jax
import jax.numpy as jnp
from jax import lax
from jax.experimental import pallas as pl
from jax.experimental.pallas import tpu as pltpu
from jax.experimental.pallas import tpu_sc as plsc

N = 10000
E = 320000
D = 128
H = 128
LYR = 5
G = 16

NC = 2
NS = 16
EPT = E // (NC * NS)
CH = 80
NCHUNK = EPT // CH
NP = 10240
RPT = NP // NS
ZR = 32

BLK = 1000
NBLK = N // BLK


def _seg_body(h_hbm, src_hbm, dst_hbm, out_hbm,
              src_all, dst_all, src_a, dst_a, src_b, dst_b,
              rows_a, rows_b, zbuf, acc_sh, sem_a, sem_b):
    c = lax.axis_index("c")
    s = lax.axis_index("s")

    def _zb(k, carry):
        i = k // 8
        j = k - i * 8
        zbuf[i, pl.ds(j * 16, 16)] = jnp.zeros((16,), jnp.float32)
        return carry

    lax.fori_loop(0, ZR * 8, _zb, 0)

    def _zc(r, carry):
        pltpu.sync_copy(zbuf, acc_sh.at[pl.ds(s * RPT + r * ZR, ZR)])
        return carry

    lax.fori_loop(0, RPT // ZR, _zc, 0)
    plsc.subcore_barrier()

    base = (c * NS + s) * EPT
    pltpu.sync_copy(src_hbm.at[pl.ds(base, EPT)], src_all)
    pltpu.sync_copy(dst_hbm.at[pl.ds(base, EPT)], dst_all)

    def _stage(k, sv, dv):
        off = k * CH
        for i in range(CH // 16):
            sv[pl.ds(i * 16, 16)] = src_all[pl.ds(off + i * 16, 16)]
            dv[pl.ds(i * 16, 16)] = dst_all[pl.ds(off + i * 16, 16)]

    def _pair(p, carry):
        k0 = p * 2
        _stage(k0, src_a, dst_a)
        ca = pltpu.async_copy(h_hbm.at[src_a], rows_a, sem_a)
        _stage(k0 + 1, src_b, dst_b)
        cb = pltpu.async_copy(h_hbm.at[src_b], rows_b, sem_b)
        ca.wait()
        pltpu.sync_copy(rows_a, acc_sh.at[dst_a], add=True)
        cb.wait()
        pltpu.sync_copy(rows_b, acc_sh.at[dst_b], add=True)
        return carry

    lax.fori_loop(0, NCHUNK // 2, _pair, 0)
    _stage(NCHUNK - 1, src_a, dst_a)
    pltpu.async_copy(h_hbm.at[src_a], rows_a, sem_a).wait()
    pltpu.sync_copy(rows_a, acc_sh.at[dst_a], add=True)
    plsc.subcore_barrier()

    pltpu.sync_copy(acc_sh.at[pl.ds(s * RPT, RPT)],
                    out_hbm.at[pl.ds(c * NP + s * RPT, RPT)])


@functools.cache
def _get_seg_sum():
    return pl.kernel(
        _seg_body,
        mesh=plsc.VectorSubcoreMesh(core_axis_name="c", subcore_axis_name="s"),
        out_type=jax.ShapeDtypeStruct((NC * NP, D), jnp.float32),
        scratch_types=[
            pltpu.VMEM((EPT,), jnp.int32),
            pltpu.VMEM((EPT,), jnp.int32),
            pltpu.VMEM((CH,), jnp.int32),
            pltpu.VMEM((CH,), jnp.int32),
            pltpu.VMEM((CH,), jnp.int32),
            pltpu.VMEM((CH,), jnp.int32),
            pltpu.VMEM((CH, D), jnp.float32),
            pltpu.VMEM((CH, D), jnp.float32),
            pltpu.VMEM((ZR, D), jnp.float32),
            pltpu.VMEM_SHARED((NP, D), jnp.float32),
            pltpu.SemaphoreType.DMA,
            pltpu.SemaphoreType.DMA,
        ],
    )


def _emb_body(x_ref, w_ref, b_ref, o_ref):
    o_ref[...] = (jnp.dot(x_ref[...], w_ref[...],
                          preferred_element_type=jnp.float32) + b_ref[...])


def _emb(x, w, b):
    return pl.pallas_call(
        _emb_body,
        grid=(NBLK,),
        in_specs=[
            pl.BlockSpec((BLK, D), lambda i: (i, 0)),
            pl.BlockSpec((D, H), lambda i: (0, 0)),
            pl.BlockSpec((1, H), lambda i: (0, 0)),
        ],
        out_specs=pl.BlockSpec((BLK, H), lambda i: (i, 0)),
        out_shape=jax.ShapeDtypeStruct((N, H), jnp.float32),
    )(x, w, b)


def _p1_body(h_ref, p0_ref, p1_ref, w1_ref, b1_ref, w2_ref, b2_ref,
             u_ref, st_ref, acc):
    i = pl.program_id(0)
    m = h_ref[...] + p0_ref[...] + p1_ref[...]
    t = jnp.maximum(jnp.dot(m, w1_ref[...],
                            preferred_element_type=jnp.float32) + b1_ref[...],
                    0.0)
    u = jnp.dot(t, w2_ref[...], preferred_element_type=jnp.float32) + b2_ref[...]
    u_ref[...] = u

    @pl.when(i == 0)
    def _():
        acc[...] = jnp.zeros_like(acc)

    acc[...] += jnp.sum(u, axis=0, keepdims=True)

    @pl.when(i == pl.num_programs(0) - 1)
    def _():
        st_ref[...] = acc[...]


def _pass1(h, p0, p1, w1, b1, w2, b2):
    return pl.pallas_call(
        _p1_body,
        grid=(NBLK,),
        in_specs=[
            pl.BlockSpec((BLK, H), lambda i: (i, 0)),
            pl.BlockSpec((BLK, H), lambda i: (i, 0)),
            pl.BlockSpec((BLK, H), lambda i: (i, 0)),
            pl.BlockSpec((H, 2 * H), lambda i: (0, 0)),
            pl.BlockSpec((1, 2 * H), lambda i: (0, 0)),
            pl.BlockSpec((2 * H, H), lambda i: (0, 0)),
            pl.BlockSpec((1, H), lambda i: (0, 0)),
        ],
        out_specs=[
            pl.BlockSpec((BLK, H), lambda i: (i, 0)),
            pl.BlockSpec((1, H), lambda i: (0, 0)),
        ],
        out_shape=[
            jax.ShapeDtypeStruct((N, H), jnp.float32),
            jax.ShapeDtypeStruct((1, H), jnp.float32),
        ],
        scratch_shapes=[pltpu.VMEM((1, H), jnp.float32)],
    )(h, p0, p1, w1, b1, w2, b2)


def _pv_body(u_ref, ms_ref, sq_ref, acc):
    i = pl.program_id(0)

    @pl.when(i == 0)
    def _():
        acc[...] = jnp.zeros_like(acc)

    dv = u_ref[...] - ms_ref[...] / N
    acc[...] += jnp.sum(dv * dv, axis=0, keepdims=True)

    @pl.when(i == pl.num_programs(0) - 1)
    def _():
        sq_ref[...] = acc[...]


def _passvar(u, ms):
    return pl.pallas_call(
        _pv_body,
        grid=(NBLK,),
        in_specs=[
            pl.BlockSpec((BLK, H), lambda i: (i, 0)),
            pl.BlockSpec((1, H), lambda i: (0, 0)),
        ],
        out_specs=pl.BlockSpec((1, H), lambda i: (0, 0)),
        out_shape=jax.ShapeDtypeStruct((1, H), jnp.float32),
        scratch_shapes=[pltpu.VMEM((1, H), jnp.float32)],
    )(u, ms)


def _p2_body(u_ref, ms_ref, sq_ref, hp_ref, g_ref, b_ref, o_ref, *, resid):
    mu = ms_ref[...] / N
    var = sq_ref[...] / N
    y = (u_ref[...] - mu) / jnp.sqrt(var + 1e-5) * g_ref[...] + b_ref[...]
    y = jnp.maximum(y, 0.0)
    if resid:
        y = y + hp_ref[...]
    o_ref[...] = y


def _pass2(u, ms, sq, hprev, g, b, resid):
    return pl.pallas_call(
        functools.partial(_p2_body, resid=resid),
        grid=(NBLK,),
        in_specs=[
            pl.BlockSpec((BLK, H), lambda i: (i, 0)),
            pl.BlockSpec((1, H), lambda i: (0, 0)),
            pl.BlockSpec((1, H), lambda i: (0, 0)),
            pl.BlockSpec((BLK, H), lambda i: (i, 0)),
            pl.BlockSpec((1, H), lambda i: (0, 0)),
            pl.BlockSpec((1, H), lambda i: (0, 0)),
        ],
        out_specs=pl.BlockSpec((BLK, H), lambda i: (i, 0)),
        out_shape=jax.ShapeDtypeStruct((N, H), jnp.float32),
    )(u, ms, sq, hprev, g, b)


def _pool_body(b3_ref, h_ref, wg1_ref, bg1_ref, lng_ref, lnb_ref,
               wg2_ref, bg2_ref, o_ref, sums, cnts):
    i = pl.program_id(0)

    @pl.when(i == 0)
    def _():
        sums[...] = jnp.zeros_like(sums)
        cnts[...] = jnp.zeros_like(cnts)

    bidx = b3_ref[0, 0, :]
    onehot = (bidx[:, None] ==
              lax.broadcasted_iota(jnp.int32, (BLK, G), 1)).astype(jnp.float32)
    sums[...] += lax.dot_general(onehot, h_ref[...],
                                 (((0,), (0,)), ((), ())),
                                 preferred_element_type=jnp.float32)
    cnts[...] += jnp.sum(onehot, axis=0)[:, None]

    @pl.when(i == pl.num_programs(0) - 1)
    def _():
        gf = sums[...] / jnp.maximum(cnts[...], 1.0)
        y = jnp.dot(gf, wg1_ref[...],
                    preferred_element_type=jnp.float32) + bg1_ref[...]
        mu = jnp.mean(y, axis=-1, keepdims=True)
        var = jnp.mean((y - mu) * (y - mu), axis=-1, keepdims=True)
        y = (y - mu) / jnp.sqrt(var + 1e-5) * lng_ref[...] + lnb_ref[...]
        y = jnp.maximum(y, 0.0)
        o_ref[...] = jnp.dot(y, wg2_ref[...],
                             preferred_element_type=jnp.float32) + bg2_ref[...]


def _pool(batch3, h, wg1, bg1, lng, lnb, wg2, bg2):
    return pl.pallas_call(
        _pool_body,
        grid=(NBLK,),
        in_specs=[
            pl.BlockSpec((1, 1, BLK), lambda i: (i, 0, 0)),
            pl.BlockSpec((BLK, H), lambda i: (i, 0)),
            pl.BlockSpec((H, H), lambda i: (0, 0)),
            pl.BlockSpec((1, H), lambda i: (0, 0)),
            pl.BlockSpec((1, H), lambda i: (0, 0)),
            pl.BlockSpec((1, H), lambda i: (0, 0)),
            pl.BlockSpec((H, H), lambda i: (0, 0)),
            pl.BlockSpec((1, H), lambda i: (0, 0)),
        ],
        out_specs=pl.BlockSpec((G, H), lambda i: (0, 0)),
        out_shape=jax.ShapeDtypeStruct((G, H), jnp.float32),
        scratch_shapes=[
            pltpu.VMEM((G, H), jnp.float32),
            pltpu.VMEM((G, 1), jnp.float32),
        ],
    )(batch3, h, wg1, bg1, lng, lnb, wg2, bg2)


def kernel(x, edge_index, batch, W_emb, b_emb, W1, b1, W2, b2,
           bn_g, bn_b, Wg1, bg1, ln_g, ln_b, Wg2, bg2):
    src = edge_index[0]
    dst = edge_index[1]
    batch3 = batch.reshape(NBLK, 1, BLK)

    h = _emb(x, W_emb, b_emb.reshape(1, H))
    for i in range(LYR):
        parts = _get_seg_sum()(h, src, dst)
        p0 = parts[:N]
        p1 = parts[NP:NP + N]
        u, ms = _pass1(h, p0, p1, W1[i], b1[i].reshape(1, 2 * H),
                       W2[i], b2[i].reshape(1, H))
        sq = _passvar(u, ms)
        h = _pass2(u, ms, sq, h, bn_g[i].reshape(1, H), bn_b[i].reshape(1, H),
                   resid=(i > 0))
    graph_features = _pool(batch3, h, Wg1, bg1.reshape(1, H),
                           ln_g.reshape(1, H), ln_b.reshape(1, H),
                           Wg2, bg2.reshape(1, H))
    return (h, graph_features)

# --- scband reference (transcript-rebuilt; emitter-appended) ---
"""Pipeline reference for scband-ginencoder-56427280335346 (READ-ONLY COPY).

The authoritative reference and input builder live on the scoring server;
editing this copy changes nothing except your own understanding.
"""

import jax, jax.numpy as jnp
import numpy as np

N = 10000
E = 320000
D = 128
H = 128
L = 5
G = 16


def setup_inputs(seed: int = 0) -> dict:
    key = jax.random.key(seed)
    ks = jax.random.split(key, 12)
    x = jax.random.normal(ks[0], (N, D), dtype=jnp.float32)
    edge_index = jax.random.randint(ks[1], (2, E), 0, N)
    batch = jnp.sort(jax.random.randint(ks[2], (N,), 0, G))
    s_in = float(np.sqrt(2.0 / (D + H)))
    s_mid = float(np.sqrt(2.0 / (H + 2 * H)))
    s_out = float(np.sqrt(2.0 / (H + H)))
    W_emb = jax.random.normal(ks[3], (D, H), dtype=jnp.float32) * s_in
    b_emb = jnp.zeros((H,), jnp.float32)
    W1 = jax.random.normal(ks[4], (L, H, 2 * H), dtype=jnp.float32) * s_mid
    b1 = jnp.zeros((L, 2 * H), jnp.float32)
    W2 = jax.random.normal(ks[5], (L, 2 * H, H), dtype=jnp.float32) * s_mid
    b2 = jnp.zeros((L, H), jnp.float32)
    bn_g = jnp.ones((L, H), jnp.float32)
    bn_b = jnp.zeros((L, H), jnp.float32)
    Wg1 = jax.random.normal(ks[6], (H, H), dtype=jnp.float32) * s_out
    bg1 = jnp.zeros((H,), jnp.float32)
    ln_g = jnp.ones((H,), jnp.float32)
    ln_b = jnp.zeros((H,), jnp.float32)
    Wg2 = jax.random.normal(ks[7], (H, H), dtype=jnp.float32) * s_out
    bg2 = jnp.zeros((H,), jnp.float32)
    return {"x": x, "edge_index": edge_index, "batch": batch,
            "W_emb": W_emb, "b_emb": b_emb, "W1": W1, "b1": b1,
            "W2": W2, "b2": b2, "bn_g": bn_g, "bn_b": bn_b,
            "Wg1": Wg1, "bg1": bg1, "ln_g": ln_g, "ln_b": ln_b,
            "Wg2": Wg2, "bg2": bg2}


def reference(x, edge_index, batch, W_emb, b_emb, W1, b1, W2, b2,
              bn_g, bn_b, Wg1, bg1, ln_g, ln_b, Wg2, bg2):
    # node embedding
    h = x @ W_emb + b_emb
    src = edge_index[0]
    dst = edge_index[1]
    for i in range(L):
        h_prev = h
        # GINConv with eps=0: mlp((1+eps)*x + sum_{j in N(i)} x_j)
        msgs = h[src]  # gather source node features per edge
        agg = jax.ops.segment_sum(msgs, dst, num_segments=N)  # scatter-add to dst
        m = h + agg
        m = jnp.maximum(m @ W1[i] + b1[i], 0.0) @ W2[i] + b2[i]
        # BatchNorm1d (training mode: batch statistics, biased var)
        mu = m.mean(axis=0)
        var = m.var(axis=0)
        h = (m - mu) / jnp.sqrt(var + 1e-5) * bn_g[i] + bn_b[i]
        h = jnp.maximum(h, 0.0)
        # dropout p=0.0 -> identity
        if i > 0:
            h = h + h_prev
    node_features = h  # output_projection is Identity (hidden_dim == output_dim)
    # global mean pool over graph ids
    sums = jax.ops.segment_sum(node_features, batch, num_segments=G)
    cnt = jax.ops.segment_sum(jnp.ones((node_features.shape[0], 1), node_features.dtype), batch, num_segments=G)
    gf = sums / jnp.clip(cnt, 1.0, None)
    # graph_mlp: Linear -> LayerNorm -> ReLU -> Dropout(0) -> Linear
    y = gf @ Wg1 + bg1
    mu = y.mean(axis=-1, keepdims=True)
    var = y.var(axis=-1, keepdims=True)
    y = (y - mu) / jnp.sqrt(var + 1e-5) * ln_g + ln_b
    y = jnp.maximum(y, 0.0)
    graph_features = y @ Wg2 + bg2
    return (node_features, graph_features)

if __name__ == "__main__":
    import jax
    _d = setup_inputs()
    print(jax.jit(kernel)(*tuple(_d.values())))

</pallas_src>

<mosaic_0001>
#map = affine_map<(d0, d1) -> (0, 0)>
#map1 = affine_map<(d0, d1) -> (0)>
module attributes {stable_mosaic.version = 14 : i64} {
  func.func @_seg_body(%arg0: i32, %arg1: i32, %arg2: memref<10000x128xf32, #tpu.memory_space<hbm>>, %arg3: memref<320000xi32, #tpu.memory_space<hbm>>, %arg4: memref<320000xi32, #tpu.memory_space<hbm>>, %arg5: memref<20480x128xf32, #tpu.memory_space<hbm>>, %arg6: memref<10000xi32, #tpu.memory_space<vmem>>, %arg7: memref<10000xi32, #tpu.memory_space<vmem>>, %arg8: memref<80xi32, #tpu.memory_space<vmem>>, %arg9: memref<80xi32, #tpu.memory_space<vmem>>, %arg10: memref<80xi32, #tpu.memory_space<vmem>>, %arg11: memref<80xi32, #tpu.memory_space<vmem>>, %arg12: memref<80x128xf32, #tpu.memory_space<vmem>>, %arg13: memref<80x128xf32, #tpu.memory_space<vmem>>, %arg14: memref<32x128xf32, #tpu.memory_space<vmem>>, %arg15: memref<10240x128xf32, #tpu.memory_space<vmem_shared>>, %arg16: memref<!tpu.dma_semaphore, #tpu.memory_space<semaphore_mem>>, %arg17: memref<!tpu.dma_semaphore, #tpu.memory_space<semaphore_mem>>) attributes {dimension_semantics = [#tpu.dimension_semantics<core_parallel>, #tpu.dimension_semantics<subcore_parallel>], iteration_bounds = array<i64: 2, 16>, scalar_prefetch = 0 : i64, scratch_operands = 12 : i64, tpu.core_type = #tpu.core_type<sc_vector_subcore>, window_params = [{transform_indices = #map}, {transform_indices = #map1}, {transform_indices = #map1}, {transform_indices = #map}]} {
    %scan3A = arith.constant 0 : i32
    %scan3A_0 = arith.constant 0 : i32
    %scan3A_1 = arith.constant 256 : i32
    %scan3A_2 = arith.addi %scan3A_0, %scan3A_1 : i32
    %scan3A_3 = arith.constant 1 : i32
    scf.for %scan3A_100 = %scan3A_0 to %scan3A_2 step %scan3A_3  : i32 {
      %jit3A = arith.constant 8 : i32
      %div3A = arith.divsi %scan3A_100, %jit3A : i32
      %sign3A = arith.constant 0 : i32
      %sign3A_101 = arith.cmpi sgt, %scan3A_100, %sign3A : i32
      %sign3A_102 = arith.extui %sign3A_101 : i1 to i32
      %sign3A_103 = arith.constant 0 : i32
      %sign3A_104 = arith.cmpi slt, %scan3A_100, %sign3A_103 : i32
      %sign3A_105 = arith.extui %sign3A_104 : i1 to i32
      %sign3A_106 = arith.subi %sign3A_102, %sign3A_105 : i32
      %sign3A_107 = arith.constant 0 : i32
      %sign3A_108 = arith.cmpi sgt, %jit3A, %sign3A_107 : i32
      %sign3A_109 = arith.extui %sign3A_108 : i1 to i32
      %sign3A_110 = arith.constant 0 : i32
      %sign3A_111 = arith.cmpi slt, %jit3A, %sign3A_110 : i32
      %sign3A_112 = arith.extui %sign3A_111 : i1 to i32
      %sign3A_113 = arith.subi %sign3A_109, %sign3A_112 : i32
      %ne3A = arith.cmpi ne, %sign3A_106, %sign3A_113 : i32
      %rem3A = arith.remsi %scan3A_100, %jit3A : i32
      %ne3A_114 = arith.constant 0 : i32
      %ne3A_115 = arith.cmpi ne, %rem3A, %ne3A_114 : i32
      %and3A = arith.andi %ne3A, %ne3A_115 : i1
      %sub3A = arith.constant 1 : i32
      %sub3A_116 = arith.subi %div3A, %sub3A : i32
      %select_n3A = arith.select %and3A, %sub3A_116, %div3A : i32
      %mul3A_117 = arith.constant 8 : i32
      %mul3A_118 = arith.muli %select_n3A, %mul3A_117 : i32
      %sub3A_119 = arith.subi %scan3A_100, %mul3A_118 : i32
      %broadcast_in_dim3A = arith.constant 0.000000e+00 : f32
      %broadcast_in_dim3A_120 = vector.broadcast %broadcast_in_dim3A : f32 to vector<16xf32>
      %mul3A_121 = arith.constant 16 : i32
      %mul3A_122 = arith.muli %sub3A_119, %mul3A_121 : i32
      %swap3A_123 = arith.index_cast %select_n3A : i32 to index
      %swap3A_124 = arith.index_cast %mul3A_122 : i32 to index
      %swap3A_125 = tpu.vector_load %arg14[%swap3A_123, %swap3A_124] {strides = array<i32>} : memref<32x128xf32, #tpu.memory_space<vmem>>, vector<1x16xf32>,
      %swap3A_126 = vector.shape_cast %swap3A_125 : vector<1x16xf32> to vector<16xf32>
      %swap3A_127 = vector.shape_cast %broadcast_in_dim3A_120 : vector<16xf32> to vector<1x16xf32>
      tpu.vector_store %arg14[%swap3A_123, %swap3A_124], %swap3A_127 {strides = array<i32>} : memref<32x128xf32, #tpu.memory_space<vmem>>, vector<1x16xf32>,
    }
    %scan3A_4 = arith.constant 256 : i32
    %scan3A_5 = arith.constant 0 : i32
    %scan3A_6 = arith.constant 0 : i32
    %scan3A_7 = arith.constant 20 : i32
    %scan3A_8 = arith.addi %scan3A_6, %scan3A_7 : i32
    %scan3A_9 = arith.constant 1 : i32
    scf.for %scan3A_100 = %scan3A_6 to %scan3A_8 step %scan3A_9  : i32 {
      %mul3A_101 = arith.constant 640 : i32
      %mul3A_102 = arith.muli %arg1, %mul3A_101 : i32
      %mul3A_103 = arith.constant 32 : i32
      %mul3A_104 = arith.muli %scan3A_100, %mul3A_103 : i32
      %add3A_105 = arith.addi %mul3A_102, %mul3A_104 : i32
      "tpu.region"() ({
        %run_scoped3A = tpu.sem_alloc : memref<!tpu.dma_semaphore, #tpu.memory_space<semaphore_mem>>
        %dma_start3A_106 = arith.constant 0 : i32
        %dma_start3A_107 = tpu.memref_slice %arg15[%add3A_105, %dma_start3A_106] : memref<10240x128xf32, #tpu.memory_space<vmem_shared>> -> memref<32x128xf32, #tpu.memory_space<vmem_shared>>
        %dma_start3A_108 = arith.constant 0 : i32
        %dma_start3A_109 = tpu.memref_slice %arg15[%add3A_105, %dma_start3A_108] : memref<10240x128xf32, #tpu.memory_space<vmem_shared>> -> memref<32x128xf32, #tpu.memory_space<vmem_shared>>
        tpu.enqueue_dma source(%arg14 : memref<32x128xf32, #tpu.memory_space<vmem>>) target(%dma_start3A_109 : memref<32x128xf32, #tpu.memory_space<vmem_shared>>) target_semaphore(%run_scoped3A : memref<!tpu.dma_semaphore, #tpu.memory_space<semaphore_mem>>)
        %dma_wait3A_110 = arith.constant 0 : i32
        %dma_wait3A_111 = tpu.memref_slice %arg15[%add3A_105, %dma_wait3A_110] : memref<10240x128xf32, #tpu.memory_space<vmem_shared>> -> memref<32x128xf32, #tpu.memory_space<vmem_shared>>
        %dma_wait3A_112 = arith.constant 0 : i32
        %dma_wait3A_113 = tpu.memref_slice %arg15[%add3A_105, %dma_wait3A_112] : memref<10240x128xf32, #tpu.memory_space<vmem_shared>> -> memref<32x128xf32, #tpu.memory_space<vmem_shared>>
        tpu.wait_dma2 semaphore(%run_scoped3A : memref<!tpu.dma_semaphore, #tpu.memory_space<semaphore_mem>>) src(%arg14 : memref<32x128xf32, #tpu.memory_space<vmem>>) dst(%dma_wait3A_113 : memref<32x128xf32, #tpu.memory_space<vmem_shared>>)
        tpu.yield
      }) : () -> ()
    }
    %scan3A_10 = arith.constant 20 : i32
    %barrier3A = arith.constant 0 : index
    tpu.barrier barrier_id(%barrier3A)
    %mul3A = arith.constant 16 : i32
    %mul3A_11 = arith.muli %arg0, %mul3A : i32
    %add3A = arith.addi %mul3A_11, %arg1 : i32
    %mul3A_12 = arith.constant 10000 : i32
    %mul3A_13 = arith.muli %add3A, %mul3A_12 : i32
    "tpu.region"() ({
      %run_scoped3A = tpu.sem_alloc : memref<!tpu.dma_semaphore, #tpu.memory_space<semaphore_mem>>
      %dma_start3A_100 = tpu.memref_slice %arg3[%mul3A_13] : memref<320000xi32, #tpu.memory_space<hbm>> -> memref<10000xi32, #tpu.memory_space<hbm>>
      %dma_start3A_101 = tpu.memref_slice %arg3[%mul3A_13] : memref<320000xi32, #tpu.memory_space<hbm>> -> memref<10000xi32, #tpu.memory_space<hbm>>
      tpu.enqueue_dma source(%dma_start3A_101 : memref<10000xi32, #tpu.memory_space<hbm>>) target(%arg6 : memref<10000xi32, #tpu.memory_space<vmem>>) target_semaphore(%run_scoped3A : memref<!tpu.dma_semaphore, #tpu.memory_space<semaphore_mem>>)
      %dma_wait3A_102 = tpu.memref_slice %arg3[%mul3A_13] : memref<320000xi32, #tpu.memory_space<hbm>> -> memref<10000xi32, #tpu.memory_space<hbm>>
      %dma_wait3A_103 = tpu.memref_slice %arg3[%mul3A_13] : memref<320000xi32, #tpu.memory_space<hbm>> -> memref<10000xi32, #tpu.memory_space<hbm>>
      tpu.wait_dma2 semaphore(%run_scoped3A : memref<!tpu.dma_semaphore, #tpu.memory_space<semaphore_mem>>) src(%dma_wait3A_103 : memref<10000xi32, #tpu.memory_space<hbm>>) dst(%arg6 : memref<10000xi32, #tpu.memory_space<vmem>>)
      tpu.yield
    }) : () -> ()
    "tpu.region"() ({
      %run_scoped3A = tpu.sem_alloc : memref<!tpu.dma_semaphore, #tpu.memory_space<semaphore_mem>>
      %dma_start3A_100 = tpu.memref_slice %arg4[%mul3A_13] : memref<320000xi32, #tpu.memory_space<hbm>> -> memref<10000xi32, #tpu.memory_space<hbm>>
      %dma_start3A_101 = tpu.memref_slice %arg4[%mul3A_13] : memref<320000xi32, #tpu.memory_space<hbm>> -> memref<10000xi32, #tpu.memory_space<hbm>>
      tpu.enqueue_dma source(%dma_start3A_101 : memref<10000xi32, #tpu.memory_space<hbm>>) target(%arg7 : memref<10000xi32, #tpu.memory_space<vmem>>) target_semaphore(%run_scoped3A : memref<!tpu.dma_semaphore, #tpu.memory_space<semaphore_mem>>)
      %dma_wait3A_102 = tpu.memref_slice %arg4[%mul3A_13] : memref<320000xi32, #tpu.memory_space<hbm>> -> memref<10000xi32, #tpu.memory_space<hbm>>
      %dma_wait3A_103 = tpu.memref_slice %arg4[%mul3A_13] : memref<320000xi32, #tpu.memory_space<hbm>> -> memref<10000xi32, #tpu.memory_space<hbm>>
      tpu.wait_dma2 semaphore(%run_scoped3A : memref<!tpu.dma_semaphore, #tpu.memory_space<semaphore_mem>>) src(%dma_wait3A_103 : memref<10000xi32, #tpu.memory_space<hbm>>) dst(%arg7 : memref<10000xi32, #tpu.memory_space<vmem>>)
      tpu.yield
    }) : () -> ()
    %scan3A_14 = arith.constant 0 : i32
    %scan3A_15 = arith.constant 0 : i32
    %scan3A_16 = arith.constant 62 : i32
    %scan3A_17 = arith.addi %scan3A_15, %scan3A_16 : i32
    %scan3A_18 = arith.constant 1 : i32
    scf.for %scan3A_100 = %scan3A_15 to %scan3A_17 step %scan3A_18  : i32 {
      %mul3A_101 = arith.constant 2 : i32
      %mul3A_102 = arith.muli %scan3A_100, %mul3A_101 : i32
      %mul3A_103 = arith.constant 80 : i32
      %mul3A_104 = arith.muli %mul3A_102, %mul3A_103 : i32
      %add3A_105 = arith.constant 0 : i32
      %add3A_106 = arith.addi %mul3A_104, %add3A_105 : i32
      %get3A_107 = arith.index_cast %add3A_106 : i32 to index
      %get3A_108 = tpu.vector_load %arg6[%get3A_107] {strides = array<i32>} : memref<10000xi32, #tpu.memory_space<vmem>>, vector<16xi32>,
      %get3A_109 = vector.shape_cast %get3A_108 : vector<16xi32> to vector<16xi32>
      %swap3A_110 = arith.constant 0 : index
      %swap3A_111 = tpu.vector_load %arg8[%swap3A_110] {strides = array<i32>} : memref<80xi32, #tpu.memory_space<vmem>>, vector<16xi32>,
      %swap3A_112 = vector.shape_cast %swap3A_111 : vector<16xi32> to vector<16xi32>
      %swap3A_113 = vector.shape_cast %get3A_109 : vector<16xi32> to vector<16xi32>
      tpu.vector_store %arg8[%swap3A_110], %swap3A_113 {strides = array<i32>} : memref<80xi32, #tpu.memory_space<vmem>>, vector<16xi32>,
      %add3A_114 = arith.constant 0 : i32
      %add3A_115 = arith.addi %mul3A_104, %add3A_114 : i32
      %get3A_116 = arith.index_cast %add3A_115 : i32 to index
      %get3A_117 = tpu.vector_load %arg7[%get3A_116] {strides = array<i32>} : memref<10000xi32, #tpu.memory_space<vmem>>, vector<16xi32>,
      %get3A_118 = vector.shape_cast %get3A_117 : vector<16xi32> to vector<16xi32>
      %swap3A_119 = arith.constant 0 : index
      %swap3A_120 = tpu.vector_load %arg9[%swap3A_119] {strides = array<i32>} : memref<80xi32, #tpu.memory_space<vmem>>, vector<16xi32>,
      %swap3A_121 = vector.shape_cast %swap3A_120 : vector<16xi32> to vector<16xi32>
      %swap3A_122 = vector.shape_cast %get3A_118 : vector<16xi32> to vector<16xi32>
      tpu.vector_store %arg9[%swap3A_119], %swap3A_122 {strides = array<i32>} : memref<80xi32, #tpu.memory_space<vmem>>, vector<16xi32>,
      %add3A_123 = arith.constant 16 : i32
      %add3A_124 = arith.addi %mul3A_104, %add3A_123 : i32
      %get3A_125 = arith.index_cast %add3A_124 : i32 to index
      %get3A_126 = tpu.vector_load %arg6[%get3A_125] {strides = array<i32>} : memref<10000xi32, #tpu.memory_space<vmem>>, vector<16xi32>,
      %get3A_127 = vector.shape_cast %get3A_126 : vector<16xi32> to vector<16xi32>
      %swap3A_128 = arith.constant 16 : index
      %swap3A_129 = tpu.vector_load %arg8[%swap3A_128] {strides = array<i32>} : memref<80xi32, #tpu.memory_space<vmem>>, vector<16xi32>,
      %swap3A_130 = vector.shape_cast %swap3A_129 : vector<16xi32> to vector<16xi32>
      %swap3A_131 = vector.shape_cast %get3A_127 : vector<16xi32> to vector<16xi32>
      tpu.vector_store %arg8[%swap3A_128], %swap3A_131 {strides = array<i32>} : memref<80xi32, #tpu.memory_space<vmem>>, vector<16xi32>,
      %add3A_132 = arith.constant 16 : i32
      %add3A_133 = arith.addi %mul3A_104, %add3A_132 : i32
      %get3A_134 = arith.index_cast %add3A_133 : i32 to index
      %get3A_135 = tpu.vector_load %arg7[%get3A_134] {strides = array<i32>} : memref<10000xi32, #tpu.memory_space<vmem>>, vector<16xi32>,
      %get3A_136 = vector.shape_cast %get3A_135 : vector<16xi32> to vector<16xi32>
      %swap3A_137 = arith.constant 16 : index
      %swap3A_138 = tpu.vector_load %arg9[%swap3A_137] {strides = array<i32>} : memref<80xi32, #tpu.memory_space<vmem>>, vector<16xi32>,
      %swap3A_139 = vector.shape_cast %swap3A_138 : vector<16xi32> to vector<16xi32>
      %swap3A_140 = vector.shape_cast %get3A_136 : vector<16xi32> to vector<16xi32>
      tpu.vector_store %arg9[%swap3A_137], %swap3A_140 {strides = array<i32>} : memref<80xi32, #tpu.memory_space<vmem>>, vector<16xi32>,
      %add3A_141 = arith.constant 32 : i32
      %add3A_142 = arith.addi %mul3A_104, %add3A_141 : i32
      %get3A_143 = arith.index_cast %add3A_142 : i32 to index
      %get3A_144 = tpu.vector_load %arg6[%get3A_143] {strides = array<i32>} : memref<10000xi32, #tpu.memory_space<vmem>>, vector<16xi32>,
      %get3A_145 = vector.shape_cast %get3A_144 : vector<16xi32> to vector<16xi32>
      %swap3A_146 = arith.constant 32 : index
      %swap3A_147 = tpu.vector_load %arg8[%swap3A_146] {strides = array<i32>} : memref<80xi32, #tpu.memory_space<vmem>>, vector<16xi32>,
      %swap3A_148 = vector.shape_cast %swap3A_147 : vector<16xi32> to vector<16xi32>
      %swap3A_149 = vector.shape_cast %get3A_145 : vector<16xi32> to vector<16xi32>
      tpu.vector_store %arg8[%swap3A_146], %swap3A_149 {strides = array<i32>} : memref<80xi32, #tpu.memory_space<vmem>>, vector<16xi32>,
      %add3A_150 = arith.constant 32 : i32
      %add3A_151 = arith.addi %mul3A_104, %add3A_150 : i32
      %get3A_152 = arith.index_cast %add3A_151 : i32 to index
      %get3A_153 = tpu.vector_load %arg7[%get3A_152] {strides = array<i32>} : memref<10000xi32, #tpu.memory_space<vmem>>, vector<16xi32>,
      %get3A_154 = vector.shape_cast %get3A_153 : vector<16xi32> to vector<16xi32>
      %swap3A_155 = arith.constant 32 : index
      %swap3A_156 = tpu.vector_load %arg9[%swap3A_155] {strides = array<i32>} : memref<80xi32, #tpu.memory_space<vmem>>, vector<16xi32>,
      %swap3A_157 = vector.shape_cast %swap3A_156 : vector<16xi32> to vector<16xi32>
      %swap3A_158 = vector.shape_cast %get3A_154 : vector<16xi32> to vector<16xi32>
      tpu.vector_store %arg9[%swap3A_155], %swap3A_158 {strides = array<i32>} : memref<80xi32, #tpu.memory_space<vmem>>, vector<16xi32>,
      %add3A_159 = arith.constant 48 : i32
      %add3A_160 = arith.addi %mul3A_104, %add3A_159 : i32
      %get3A_161 = arith.index_cast %add3A_160 : i32 to index
      %get3A_162 = tpu.vector_load %arg6[%get3A_161] {strides = array<i32>} : memref<10000xi32, #tpu.memory_space<vmem>>, vector<16xi32>,
      %get3A_163 = vector.shape_cast %get3A_162 : vector<16xi32> to vector<16xi32>
      %swap3A_164 = arith.constant 48 : index
      %swap3A_165 = tpu.vector_load %arg8[%swap3A_164] {strides = array<i32>} : memref<80xi32, #tpu.memory_space<vmem>>, vector<16xi32>,
      %swap3A_166 = vector.shape_cast %swap3A_165 : vector<16xi32> to vector<16xi32>
      %swap3A_167 = vector.shape_cast %get3A_163 : vector<16xi32> to vector<16xi32>
      tpu.vector_store %arg8[%swap3A_164], %swap3A_167 {strides = array<i32>} : memref<80xi32, #tpu.memory_space<vmem>>, vector<16xi32>,
      %add3A_168 = arith.constant 48 : i32
      %add3A_169 = arith.addi %mul3A_104, %add3A_168 : i32
      %get3A_170 = arith.index_cast %add3A_169 : i32 to index
      %get3A_171 = tpu.vector_load %arg7[%get3A_170] {strides = array<i32>} : memref<10000xi32, #tpu.memory_space<vmem>>, vector<16xi32>,
      %get3A_172 = vector.shape_cast %get3A_171 : vector<16xi32> to vector<16xi32>
      %swap3A_173 = arith.constant 48 : index
      %swap3A_174 = tpu.vector_load %arg9[%swap3A_173] {strides = array<i32>} : memref<80xi32, #tpu.memory_space<vmem>>, vector<16xi32>,
      %swap3A_175 = vector.shape_cast %swap3A_174 : vector<16xi32> to vector<16xi32>
      %swap3A_176 = vector.shape_cast %get3A_172 : vector<16xi32> to vector<16xi32>
      tpu.vector_store %arg9[%swap3A_173], %swap3A_176 {strides = array<i32>} : memref<80xi32, #tpu.memory_space<vmem>>, vector<16xi32>,
      %add3A_177 = arith.constant 64 : i32
      %add3A_178 = arith.addi %mul3A_104, %add3A_177 : i32
      %get3A_179 = arith.index_cast %add3A_178 : i32 to index
      %get3A_180 = tpu.vector_load %arg6[%get3A_179] {strides = array<i32>} : memref<10000xi32, #tpu.memory_space<vmem>>, vector<16xi32>,
      %get3A_181 = vector.shape_cast %get3A_180 : vector<16xi32> to vector<16xi32>
      %swap3A_182 = arith.constant 64 : index
      %swap3A_183 = tpu.vector_load %arg8[%swap3A_182] {strides = array<i32>} : memref<80xi32, #tpu.memory_space<vmem>>, vector<16xi32>,
      %swap3A_184 = vector.shape_cast %swap3A_183 : vector<16xi32> to vector<16xi32>
      %swap3A_185 = vector.shape_cast %get3A_181 : vector<16xi32> to vector<16xi32>
      tpu.vector_store %arg8[%swap3A_182], %swap3A_185 {strides = array<i32>} : memref<80xi32, #tpu.memory_space<vmem>>, vector<16xi32>,
      %add3A_186 = arith.constant 64 : i32
      %add3A_187 = arith.addi %mul3A_104, %add3A_186 : i32
      %get3A_188 = arith.index_cast %add3A_187 : i32 to index
      %get3A_189 = tpu.vector_load %arg7[%get3A_188] {strides = array<i32>} : memref<10000xi32, #tpu.memory_space<vmem>>, vector<16xi32>,
      %get3A_190 = vector.shape_cast %get3A_189 : vector<16xi32> to vector<16xi32>
      %swap3A_191 = arith.constant 64 : index
      %swap3A_192 = tpu.vector_load %arg9[%swap3A_191] {strides = array<i32>} : memref<80xi32, #tpu.memory_space<vmem>>, vector<16xi32>,
      %swap3A_193 = vector.shape_cast %swap3A_192 : vector<16xi32> to vector<16xi32>
      %swap3A_194 = vector.shape_cast %get3A_190 : vector<16xi32> to vector<16xi32>
      tpu.vector_store %arg9[%swap3A_191], %swap3A_194 {strides = array<i32>} : memref<80xi32, #tpu.memory_space<vmem>>, vector<16xi32>,
      %dma_start3A_195 = arith.constant 0 : i32
      %dma_start3A_196 = arith.constant 0 : i32
      %dma_start3A_197 = tpu.memref_slice %arg2[%dma_start3A_195, %dma_start3A_196] : memref<10000x128xf32, #tpu.memory_space<hbm>> -> memref<10000x128xf32, #tpu.memory_space<hbm>>
      tpu.enqueue_indirect_dma source(%dma_start3A_197 : memref<10000x128xf32, #tpu.memory_space<hbm>>) target(%arg12 : memref<80x128xf32, #tpu.memory_space<vmem>>) offsets(%arg8 : memref<80xi32, #tpu.memory_space<vmem>>) semaphore(%arg16 : memref<!tpu.dma_semaphore, #tpu.memory_space<semaphore_mem>>)
      %add3A_198 = arith.constant 1 : i32
      %add3A_199 = arith.addi %mul3A_102, %add3A_198 : i32
      %mul3A_200 = arith.constant 80 : i32
      %mul3A_201 = arith.muli %add3A_199, %mul3A_200 : i32
      %add3A_202 = arith.constant 0 : i32
      %add3A_203 = arith.addi %mul3A_201, %add3A_202 : i32
      %get3A_204 = arith.index_cast %add3A_203 : i32 to index
      %get3A_205 = tpu.vector_load %arg6[%get3A_204] {strides = array<i32>} : memref<10000xi32, #tpu.memory_space<vmem>>, vector<16xi32>,
      %get3A_206 = vector.shape_cast %get3A_205 : vector<16xi32> to vector<16xi32>
      %swap3A_207 = arith.constant 0 : index
      %swap3A_208 = tpu.vector_load %arg10[%swap3A_207] {strides = array<i32>} : memref<80xi32, #tpu.memory_space<vmem>>, vector<16xi32>,
      %swap3A_209 = vector.shape_cast %swap3A_208 : vector<16xi32> to vector<16xi32>
      %swap3A_210 = vector.shape_cast %get3A_206 : vector<16xi32> to vector<16xi32>
      tpu.vector_store %arg10[%swap3A_207], %swap3A_210 {strides = array<i32>} : memref<80xi32, #tpu.memory_space<vmem>>, vector<16xi32>,
      %add3A_211 = arith.constant 0 : i32
      %add3A_212 = arith.addi %mul3A_201, %add3A_211 : i32
      %get3A_213 = arith.index_cast %add3A_212 : i32 to index
      %get3A_214 = tpu.vector_load %arg7[%get3A_213] {strides = array<i32>} : memref<10000xi32, #tpu.memory_space<vmem>>, vector<16xi32>,
      %get3A_215 = vector.shape_cast %get3A_214 : vector<16xi32> to vector<16xi32>
      %swap3A_216 = arith.constant 0 : index
      %swap3A_217 = tpu.vector_load %arg11[%swap3A_216] {strides = array<i32>} : memref<80xi32, #tpu.memory_space<vmem>>, vector<16xi32>,
      %swap3A_218 = vector.shape_cast %swap3A_217 : vector<16xi32> to vector<16xi32>
      %swap3A_219 = vector.shape_cast %get3A_215 : vector<16xi32> to vector<16xi32>
      tpu.vector_store %arg11[%swap3A_216], %swap3A_219 {strides = array<i32>} : memref<80xi32, #tpu.memory_space<vmem>>, vector<16xi32>,
      %add3A_220 = arith.constant 16 : i32
      %add3A_221 = arith.addi %mul3A_201, %add3A_220 : i32
      %get3A_222 = arith.index_cast %add3A_221 : i32 to index
      %get3A_223 = tpu.vector_load %arg6[%get3A_222] {strides = array<i32>} : memref<10000xi32, #tpu.memory_space<vmem>>, vector<16xi32>,
      %get3A_224 = vector.shape_cast %get3A_223 : vector<16xi32> to vector<16xi32>
      %swap3A_225 = arith.constant 16 : index
      %swap3A_226 = tpu.vector_load %arg10[%swap3A_225] {strides = array<i32>} : memref<80xi32, #tpu.memory_space<vmem>>, vector<16xi32>,
      %swap3A_227 = vector.shape_cast %swap3A_226 : vector<16xi32> to vector<16xi32>
      %swap3A_228 = vector.shape_cast %get3A_224 : vector<16xi32> to vector<16xi32>
      tpu.vector_store %arg10[%swap3A_225], %swap3A_228 {strides = array<i32>} : memref<80xi32, #tpu.memory_space<vmem>>, vector<16xi32>,
      %add3A_229 = arith.constant 16 : i32
      %add3A_230 = arith.addi %mul3A_201, %add3A_229 : i32
      %get3A_231 = arith.index_cast %add3A_230 : i32 to index
      %get3A_232 = tpu.vector_load %arg7[%get3A_231] {strides = array<i32>} : memref<10000xi32, #tpu.memory_space<vmem>>, vector<16xi32>,
      %get3A_233 = vector.shape_cast %get3A_232 : vector<16xi32> to vector<16xi32>
      %swap3A_234 = arith.constant 16 : index
      %swap3A_235 = tpu.vector_load %arg11[%swap3A_234] {strides = array<i32>} : memref<80xi32, #tpu.memory_space<vmem>>, vector<16xi32>,
      %swap3A_236 = vector.shape_cast %swap3A_235 : vector<16xi32> to vector<16xi32>
      %swap3A_237 = vector.shape_cast %get3A_233 : vector<16xi32> to vector<16xi32>
      tpu.vector_store %arg11[%swap3A_234], %swap3A_237 {strides = array<i32>} : memref<80xi32, #tpu.memory_space<vmem>>, vector<16xi32>,
      %add3A_238 = arith.constant 32 : i32
      %add3A_239 = arith.addi %mul3A_201, %add3A_238 : i32
      %get3A_240 = arith.index_cast %add3A_239 : i32 to index
      %get3A_241 = tpu.vector_load %arg6[%get3A_240] {strides = array<i32>} : memref<10000xi32, #tpu.memory_space<vmem>>, vector<16xi32>,
      %get3A_242 = vector.shape_cast %get3A_241 : vector<16xi32> to vector<16xi32>
      %swap3A_243 = arith.constant 32 : index
      %swap3A_244 = tpu.vector_load %arg10[%swap3A_243] {strides = array<i32>} : memref<80xi32, #tpu.memory_space<vmem>>, vector<16xi32>,
      %swap3A_245 = vector.shape_cast %swap3A_244 : vector<16xi32> to vector<16xi32>
      %swap3A_246 = vector.shape_cast %get3A_242 : vector<16xi32> to vector<16xi32>
      tpu.vector_store %arg10[%swap3A_243], %swap3A_246 {strides = array<i32>} : memref<80xi32, #tpu.memory_space<vmem>>, vector<16xi32>,
      %add3A_247 = arith.constant 32 : i32
      %add3A_248 = arith.addi %mul3A_201, %add3A_247 : i32
      %get3A_249 = arith.index_cast %add3A_248 : i32 to index
      %get3A_250 = tpu.vector_load %arg7[%get3A_249] {strides = array<i32>} : memref<10000xi32, #tpu.memory_space<vmem>>, vector<16xi32>,
      %get3A_251 = vector.shape_cast %get3A_250 : vector<16xi32> to vector<16xi32>
      %swap3A_252 = arith.constant 32 : index
      %swap3A_253 = tpu.vector_load %arg11[%swap3A_252] {strides = array<i32>} : memref<80xi32, #tpu.memory_space<vmem>>, vector<16xi32>,
      %swap3A_254 = vector.shape_cast %swap3A_253 : vector<16xi32> to vector<16xi32>
      %swap3A_255 = vector.shape_cast %get3A_251 : vector<16xi32> to vector<16xi32>
      tpu.vector_store %arg11[%swap3A_252], %swap3A_255 {strides = array<i32>} : memref<80xi32, #tpu.memory_space<vmem>>, vector<16xi32>,
      %add3A_256 = arith.constant 48 : i32
      %add3A_257 = arith.addi %mul3A_201, %add3A_256 : i32
      %get3A_258 = arith.index_cast %add3A_257 : i32 to index
      %get3A_259 = tpu.vector_load %arg6[%get3A_258] {strides = array<i32>} : memref<10000xi32, #tpu.memory_space<vmem>>, vector<16xi32>,
      %get3A_260 = vector.shape_cast %get3A_259 : vector<16xi32> to vector<16xi32>
      %swap3A_261 = arith.constant 48 : index
      %swap3A_262 = tpu.vector_load %arg10[%swap3A_261] {strides = array<i32>} : memref<80xi32, #tpu.memory_space<vmem>>, vector<16xi32>,
      %swap3A_263 = vector.shape_cast %swap3A_262 : vector<16xi32> to vector<16xi32>
      %swap3A_264 = vector.shape_cast %get3A_260 : vector<16xi32> to vector<16xi32>
      tpu.vector_store %arg10[%swap3A_261], %swap3A_264 {strides = array<i32>} : memref<80xi32, #tpu.memory_space<vmem>>, vector<16xi32>,
      %add3A_265 = arith.constant 48 : i32
      %add3A_266 = arith.addi %mul3A_201, %add3A_265 : i32
      %get3A_267 = arith.index_cast %add3A_266 : i32 to index
      %get3A_268 = tpu.vector_load %arg7[%get3A_267] {strides = array<i32>} : memref<10000xi32, #tpu.memory_space<vmem>>, vector<16xi32>,
      %get3A_269 = vector.shape_cast %get3A_268 : vector<16xi32> to vector<16xi32>
      %swap3A_270 = arith.constant 48 : index
      %swap3A_271 = tpu.vector_load %arg11[%swap3A_270] {strides = array<i32>} : memref<80xi32, #tpu.memory_space<vmem>>, vector<16xi32>,
      %swap3A_272 = vector.shape_cast %swap3A_271 : vector<16xi32> to vector<16xi32>
      %swap3A_273 = vector.shape_cast %get3A_269 : vector<16xi32> to vector<16xi32>
      tpu.vector_store %arg11[%swap3A_270], %swap3A_273 {strides = array<i32>} : memref<80xi32, #tpu.memory_space<vmem>>, vector<16xi32>,
      %add3A_274 = arith.constant 64 : i32
      %add3A_275 = arith.addi %mul3A_201, %add3A_274 : i32
      %get3A_276 = arith.index_cast %add3A_275 : i32 to index
      %get3A_277 = tpu.vector_load %arg6[%get3A_276] {strides = array<i32>} : memref<10000xi32, #tpu.memory_space<vmem>>, vector<16xi32>,
      %get3A_278 = vector.shape_cast %get3A_277 : vector<16xi32> to vector<16xi32>
      %swap3A_279 = arith.constant 64 : index
      %swap3A_280 = tpu.vector_load %arg10[%swap3A_279] {strides = array<i32>} : memref<80xi32, #tpu.memory_space<vmem>>, vector<16xi32>,
      %swap3A_281 = vector.shape_cast %swap3A_280 : vector<16xi32> to vector<16xi32>
      %swap3A_282 = vector.shape_cast %get3A_278 : vector<16xi32> to vector<16xi32>
      tpu.vector_store %arg10[%swap3A_279], %swap3A_282 {strides = array<i32>} : memref<80xi32, #tpu.memory_space<vmem>>, vector<16xi32>,
      %add3A_283 = arith.constant 64 : i32
      %add3A_284 = arith.addi %mul3A_201, %add3A_283 : i32
      %get3A_285 = arith.index_cast %add3A_284 : i32 to index
      %get3A_286 = tpu.vector_load %arg7[%get3A_285] {strides = array<i32>} : memref<10000xi32, #tpu.memory_space<vmem>>, vector<16xi32>,
      %get3A_287 = vector.shape_cast %get3A_286 : vector<16xi32> to vector<16xi32>
      %swap3A_288 = arith.constant 64 : index
      %swap3A_289 = tpu.vector_load %arg11[%swap3A_288] {strides = array<i32>} : memref<80xi32, #tpu.memory_space<vmem>>, vector<16xi32>,
      %swap3A_290 = vector.shape_cast %swap3A_289 : vector<16xi32> to vector<16xi32>
      %swap3A_291 = vector.shape_cast %get3A_287 : vector<16xi32> to vector<16xi32>
      tpu.vector_store %arg11[%swap3A_288], %swap3A_291 {strides = array<i32>} : memref<80xi32, #tpu.memory_space<vmem>>, vector<16xi32>,
      %dma_start3A_292 = arith.constant 0 : i32
      %dma_start3A_293 = arith.constant 0 : i32
      %dma_start3A_294 = tpu.memref_slice %arg2[%dma_start3A_292, %dma_start3A_293] : memref<10000x128xf32, #tpu.memory_space<hbm>> -> memref<10000x128xf32, #tpu.memory_space<hbm>>
      tpu.enqueue_indirect_dma source(%dma_start3A_294 : memref<10000x128xf32, #tpu.memory_space<hbm>>) target(%arg13 : memref<80x128xf32, #tpu.memory_space<vmem>>) offsets(%arg10 : memref<80xi32, #tpu.memory_space<vmem>>) semaphore(%arg17 : memref<!tpu.dma_semaphore, #tpu.memory_space<semaphore_mem>>)
      %dma_wait3A_295 = arith.constant 0 : i32
      %dma_wait3A_296 = arith.constant 0 : i32
      %dma_wait3A_297 = tpu.memref_slice %arg2[%dma_wait3A_295, %dma_wait3A_296] : memref<10000x128xf32, #tpu.memory_space<hbm>> -> memref<10000x128xf32, #tpu.memory_space<hbm>>
      tpu.wait_indirect_dma semaphore(%arg16 : memref<!tpu.dma_semaphore, #tpu.memory_space<semaphore_mem>>) src(%dma_wait3A_297 : memref<10000x128xf32, #tpu.memory_space<hbm>>) dst(%arg12 : memref<80x128xf32, #tpu.memory_space<vmem>>)
      "tpu.region"() ({
        %run_scoped3A = tpu.sem_alloc : memref<!tpu.dma_semaphore, #tpu.memory_space<semaphore_mem>>
        %dma_start3A_301 = arith.constant 0 : i32
        %dma_start3A_302 = arith.constant 0 : i32
        %dma_start3A_303 = tpu.memref_slice %arg15[%dma_start3A_301, %dma_start3A_302] : memref<10240x128xf32, #tpu.memory_space<vmem_shared>> -> memref<10240x128xf32, #tpu.memory_space<vmem_shared>>
        tpu.enqueue_indirect_dma source(%arg12 : memref<80x128xf32, #tpu.memory_space<vmem>>) target(%dma_start3A_303 : memref<10240x128xf32, #tpu.memory_space<vmem_shared>>) offsets(%arg9 : memref<80xi32, #tpu.memory_space<vmem>>) semaphore(%run_scoped3A : memref<!tpu.dma_semaphore, #tpu.memory_space<semaphore_mem>>) {add = true}
        %dma_wait3A_304 = arith.constant 0 : i32
        %dma_wait3A_305 = arith.constant 0 : i32
        %dma_wait3A_306 = tpu.memref_slice %arg15[%dma_wait3A_304, %dma_wait3A_305] : memref<10240x128xf32, #tpu.memory_space<vmem_shared>> -> memref<10240x128xf32, #tpu.memory_space<vmem_shared>>
        tpu.wait_indirect_dma semaphore(%run_scoped3A : memref<!tpu.dma_semaphore, #tpu.memory_space<semaphore_mem>>) src(%arg12 : memref<80x128xf32, #tpu.memory_space<vmem>>) dst(%dma_wait3A_306 : memref<10240x128xf32, #tpu.memory_space<vmem_shared>>)
        tpu.yield
      }) : () -> ()
      %dma_wait3A_298 = arith.constant 0 : i32
      %dma_wait3A_299 = arith.constant 0 : i32
      %dma_wait3A_300 = tpu.memref_slice %arg2[%dma_wait3A_298, %dma_wait3A_299] : memref<10000x128xf32, #tpu.memory_space<hbm>> -> memref<10000x128xf32, #tpu.memory_space<hbm>>
      tpu.wait_indirect_dma semaphore(%arg17 : memref<!tpu.dma_semaphore, #tpu.memory_space<semaphore_mem>>) src(%dma_wait3A_300 : memref<10000x128xf32, #tpu.memory_space<hbm>>) dst(%arg13 : memref<80x128xf32, #tpu.memory_space<vmem>>)
      "tpu.region"() ({
        %run_scoped3A = tpu.sem_alloc : memref<!tpu.dma_semaphore, #tpu.memory_space<semaphore_mem>>
        %dma_start3A_301 = arith.constant 0 : i32
        %dma_start3A_302 = arith.constant 0 : i32
        %dma_start3A_303 = tpu.memref_slice %arg15[%dma_start3A_301, %dma_start3A_302] : memref<10240x128xf32, #tpu.memory_space<vmem_shared>> -> memref<10240x128xf32, #tpu.memory_space<vmem_shared>>
        tpu.enqueue_indirect_dma source(%arg13 : memref<80x128xf32, #tpu.memory_space<vmem>>) target(%dma_start3A_303 : memref<10240x128xf32, #tpu.memory_space<vmem_shared>>) offsets(%arg11 : memref<80xi32, #tpu.memory_space<vmem>>) semaphore(%run_scoped3A : memref<!tpu.dma_semaphore, #tpu.memory_space<semaphore_mem>>) {add = true}
        %dma_wait3A_304 = arith.constant 0 : i32
        %dma_wait3A_305 = arith.constant 0 : i32
        %dma_wait3A_306 = tpu.memref_slice %arg15[%dma_wait3A_304, %dma_wait3A_305] : memref<10240x128xf32, #tpu.memory_space<vmem_shared>> -> memref<10240x128xf32, #tpu.memory_space<vmem_shared>>
        tpu.wait_indirect_dma semaphore(%run_scoped3A : memref<!tpu.dma_semaphore, #tpu.memory_space<semaphore_mem>>) src(%arg13 : memref<80x128xf32, #tpu.memory_space<vmem>>) dst(%dma_wait3A_306 : memref<10240x128xf32, #tpu.memory_space<vmem_shared>>)
        tpu.yield
      }) : () -> ()
    }
    %scan3A_19 = arith.constant 62 : i32
    %get3A = arith.constant 9920 : index
    %get3A_20 = tpu.vector_load %arg6[%get3A] {strides = array<i32>} : memref<10000xi32, #tpu.memory_space<vmem>>, vector<16xi32>,
    %get3A_21 = vector.shape_cast %get3A_20 : vector<16xi32> to vector<16xi32>
    %swap3A = arith.constant 0 : index
    %swap3A_22 = tpu.vector_load %arg8[%swap3A] {strides = array<i32>} : memref<80xi32, #tpu.memory_space<vmem>>, vector<16xi32>,
    %swap3A_23 = vector.shape_cast %swap3A_22 : vector<16xi32> to vector<16xi32>
    %swap3A_24 = vector.shape_cast %get3A_21 : vector<16xi32> to vector<16xi32>
    tpu.vector_store %arg8[%swap3A], %swap3A_24 {strides = array<i32>} : memref<80xi32, #tpu.memory_space<vmem>>, vector<16xi32>,
    %get3A_25 = arith.constant 9920 : index
    %get3A_26 = tpu.vector_load %arg7[%get3A_25] {strides = array<i32>} : memref<10000xi32, #tpu.memory_space<vmem>>, vector<16xi32>,
    %get3A_27 = vector.shape_cast %get3A_26 : vector<16xi32> to vector<16xi32>
    %swap3A_28 = arith.constant 0 : index
    %swap3A_29 = tpu.vector_load %arg9[%swap3A_28] {strides = array<i32>} : memref<80xi32, #tpu.memory_space<vmem>>, vector<16xi32>,
    %swap3A_30 = vector.shape_cast %swap3A_29 : vector<16xi32> to vector<16xi32>
    %swap3A_31 = vector.shape_cast %get3A_27 : vector<16xi32> to vector<16xi32>
    tpu.vector_store %arg9[%swap3A_28], %swap3A_31 {strides = array<i32>} : memref<80xi32, #tpu.memory_space<vmem>>, vector<16xi32>,
    %get3A_32 = arith.constant 9936 : index
    %get3A_33 = tpu.vector_load %arg6[%get3A_32] {strides = array<i32>} : memref<10000xi32, #tpu.memory_space<vmem>>, vector<16xi32>,
    %get3A_34 = vector.shape_cast %get3A_33 : vector<16xi32> to vector<16xi32>
    %swap3A_35 = arith.constant 16 : index
    %swap3A_36 = tpu.vector_load %arg8[%swap3A_35] {strides = array<i32>} : memref<80xi32, #tpu.memory_space<vmem>>, vector<16xi32>,
    %swap3A_37 = vector.shape_cast %swap3A_36 : vector<16xi32> to vector<16xi32>
    %swap3A_38 = vector.shape_cast %get3A_34 : vector<16xi32> to vector<16xi32>
    tpu.vector_store %arg8[%swap3A_35], %swap3A_38 {strides = array<i32>} : memref<80xi32, #tpu.memory_space<vmem>>, vector<16xi32>,
    %get3A_39 = arith.constant 9936 : index
    %get3A_40 = tpu.vector_load %arg7[%get3A_39] {strides = array<i32>} : memref<10000xi32, #tpu.memory_space<vmem>>, vector<16xi32>,
    %get3A_41 = vector.shape_cast %get3A_40 : vector<16xi32> to vector<16xi32>
    %swap3A_42 = arith.constant 16 : index
    %swap3A_43 = tpu.vector_load %arg9[%swap3A_42] {strides = array<i32>} : memref<80xi32, #tpu.memory_space<vmem>>, vector<16xi32>,
    %swap3A_44 = vector.shape_cast %swap3A_43 : vector<16xi32> to vector<16xi32>
    %swap3A_45 = vector.shape_cast %get3A_41 : vector<16xi32> to vector<16xi32>
    tpu.vector_store %arg9[%swap3A_42], %swap3A_45 {strides = array<i32>} : memref<80xi32, #tpu.memory_space<vmem>>, vector<16xi32>,
    %get3A_46 = arith.constant 9952 : index
    %get3A_47 = tpu.vector_load %arg6[%get3A_46] {strides = array<i32>} : memref<10000xi32, #tpu.memory_space<vmem>>, vector<16xi32>,
    %get3A_48 = vector.shape_cast %get3A_47 : vector<16xi32> to vector<16xi32>
    %swap3A_49 = arith.constant 32 : index
    %swap3A_50 = tpu.vector_load %arg8[%swap3A_49] {strides = array<i32>} : memref<80xi32, #tpu.memory_space<vmem>>, vector<16xi32>,
    %swap3A_51 = vector.shape_cast %swap3A_50 : vector<16xi32> to vector<16xi32>
    %swap3A_52 = vector.shape_cast %get3A_48 : vector<16xi32> to vector<16xi32>
    tpu.vector_store %arg8[%swap3A_49], %swap3A_52 {strides = array<i32>} : memref<80xi32, #tpu.memory_space<vmem>>, vector<16xi32>,
    %get3A_53 = arith.constant 9952 : index
    %get3A_54 = tpu.vector_load %arg7[%get3A_53] {strides = array<i32>} : memref<10000xi32, #tpu.memory_space<vmem>>, vector<16xi32>,
    %get3A_55 = vector.shape_cast %get3A_54 : vector<16xi32> to vector<16xi32>
    %swap3A_56 = arith.constant 32 : index
    %swap3A_57 = tpu.vector_load %arg9[%swap3A_56] {strides = array<i32>} : memref<80xi32, #tpu.memory_space<vmem>>, vector<16xi32>,
    %swap3A_58 = vector.shape_cast %swap3A_57 : vector<16xi32> to vector<16xi32>
    %swap3A_59 = vector.shape_cast %get3A_55 : vector<16xi32> to vector<16xi32>
    tpu.vector_store %arg9[%swap3A_56], %swap3A_59 {strides = array<i32>} : memref<80xi32, #tpu.memory_space<vmem>>, vector<16xi32>,
    %get3A_60 = arith.constant 9968 : index
    %get3A_61 = tpu.vector_load %arg6[%get3A_60] {strides = array<i32>} : memref<10000xi32, #tpu.memory_space<vmem>>, vector<16xi32>,
    %get3A_62 = vector.shape_cast %get3A_61 : vector<16xi32> to vector<16xi32>
    %swap3A_63 = arith.constant 48 : index
    %swap3A_64 = tpu.vector_load %arg8[%swap3A_63] {strides = array<i32>} : memref<80xi32, #tpu.memory_space<vmem>>, vector<16xi32>,
    %swap3A_65 = vector.shape_cast %swap3A_64 : vector<16xi32> to vector<16xi32>
    %swap3A_66 = vector.shape_cast %get3A_62 : vector<16xi32> to vector<16xi32>
    tpu.vector_store %arg8[%swap3A_63], %swap3A_66 {strides = array<i32>} : memref<80xi32, #tpu.memory_space<vmem>>, vector<16xi32>,
    %get3A_67 = arith.constant 9968 : index
    %get3A_68 = tpu.vector_load %arg7[%get3A_67] {strides = array<i32>} : memref<10000xi32, #tpu.memory_space<vmem>>, vector<16xi32>,
    %get3A_69 = vector.shape_cast %get3A_68 : vector<16xi32> to vector<16xi32>
    %swap3A_70 = arith.constant 48 : index
    %swap3A_71 = tpu.vector_load %arg9[%swap3A_70] {strides = array<i32>} : memref<80xi32, #tpu.memory_space<vmem>>, vector<16xi32>,
    %swap3A_72 = vector.shape_cast %swap3A_71 : vector<16xi32> to vector<16xi32>
    %swap3A_73 = vector.shape_cast %get3A_69 : vector<16xi32> to vector<16xi32>
    tpu.vector_store %arg9[%swap3A_70], %swap3A_73 {strides = array<i32>} : memref<80xi32, #tpu.memory_space<vmem>>, vector<16xi32>,
    %get3A_74 = arith.constant 9984 : index
    %get3A_75 = tpu.vector_load %arg6[%get3A_74] {strides = array<i32>} : memref<10000xi32, #tpu.memory_space<vmem>>, vector<16xi32>,
    %get3A_76 = vector.shape_cast %get3A_75 : vector<16xi32> to vector<16xi32>
    %swap3A_77 = arith.constant 64 : index
    %swap3A_78 = tpu.vector_load %arg8[%swap3A_77] {strides = array<i32>} : memref<80xi32, #tpu.memory_space<vmem>>, vector<16xi32>,
    %swap3A_79 = vector.shape_cast %swap3A_78 : vector<16xi32> to vector<16xi32>
    %swap3A_80 = vector.shape_cast %get3A_76 : vector<16xi32> to vector<16xi32>
    tpu.vector_store %arg8[%swap3A_77], %swap3A_80 {strides = array<i32>} : memref<80xi32, #tpu.memory_space<vmem>>, vector<16xi32>,
    %get3A_81 = arith.constant 9984 : index
    %get3A_82 = tpu.vector_load %arg7[%get3A_81] {strides = array<i32>} : memref<10000xi32, #tpu.memory_space<vmem>>, vector<16xi32>,
    %get3A_83 = vector.shape_cast %get3A_82 : vector<16xi32> to vector<16xi32>
    %swap3A_84 = arith.constant 64 : index
    %swap3A_85 = tpu.vector_load %arg9[%swap3A_84] {strides = array<i32>} : memref<80xi32, #tpu.memory_space<vmem>>, vector<16xi32>,
    %swap3A_86 = vector.shape_cast %swap3A_85 : vector<16xi32> to vector<16xi32>
    %swap3A_87 = vector.shape_cast %get3A_83 : vector<16xi32> to vector<16xi32>
    tpu.vector_store %arg9[%swap3A_84], %swap3A_87 {strides = array<i32>} : memref<80xi32, #tpu.memory_space<vmem>>, vector<16xi32>,
    %dma_start3A = arith.constant 0 : i32
    %dma_start3A_88 = arith.constant 0 : i32
    %dma_start3A_89 = tpu.memref_slice %arg2[%dma_start3A, %dma_start3A_88] : memref<10000x128xf32, #tpu.memory_space<hbm>> -> memref<10000x128xf32, #tpu.memory_space<hbm>>
    tpu.enqueue_indirect_dma source(%dma_start3A_89 : memref<10000x128xf32, #tpu.memory_space<hbm>>) target(%arg12 : memref<80x128xf32, #tpu.memory_space<vmem>>) offsets(%arg8 : memref<80xi32, #tpu.memory_space<vmem>>) semaphore(%arg16 : memref<!tpu.dma_semaphore, #tpu.memory_space<semaphore_mem>>)
    %dma_wait3A = arith.constant 0 : i32
    %dma_wait3A_90 = arith.constant 0 : i32
    %dma_wait3A_91 = tpu.memref_slice %arg2[%dma_wait3A, %dma_wait3A_90] : memref<10000x128xf32, #tpu.memory_space<hbm>> -> memref<10000x128xf32, #tpu.memory_space<hbm>>
    tpu.wait_indirect_dma semaphore(%arg16 : memref<!tpu.dma_semaphore, #tpu.memory_space<semaphore_mem>>) src(%dma_wait3A_91 : memref<10000x128xf32, #tpu.memory_space<hbm>>) dst(%arg12 : memref<80x128xf32, #tpu.memory_space<vmem>>)
    "tpu.region"() ({
      %run_scoped3A = tpu.sem_alloc : memref<!tpu.dma_semaphore, #tpu.memory_space<semaphore_mem>>
      %dma_start3A_100 = arith.constant 0 : i32
      %dma_start3A_101 = arith.constant 0 : i32
      %dma_start3A_102 = tpu.memref_slice %arg15[%dma_start3A_100, %dma_start3A_101] : memref<10240x128xf32, #tpu.memory_space<vmem_shared>> -> memref<10240x128xf32, #tpu.memory_space<vmem_shared>>
      tpu.enqueue_indirect_dma source(%arg12 : memref<80x128xf32, #tpu.memory_space<vmem>>) target(%dma_start3A_102 : memref<10240x128xf32, #tpu.memory_space<vmem_shared>>) offsets(%arg9 : memref<80xi32, #tpu.memory_space<vmem>>) semaphore(%run_scoped3A : memref<!tpu.dma_semaphore, #tpu.memory_space<semaphore_mem>>) {add = true}
      %dma_wait3A_103 = arith.constant 0 : i32
      %dma_wait3A_104 = arith.constant 0 : i32
      %dma_wait3A_105 = tpu.memref_slice %arg15[%dma_wait3A_103, %dma_wait3A_104] : memref<10240x128xf32, #tpu.memory_space<vmem_shared>> -> memref<10240x128xf32, #tpu.memory_space<vmem_shared>>
      tpu.wait_indirect_dma semaphore(%run_scoped3A : memref<!tpu.dma_semaphore, #tpu.memory_space<semaphore_mem>>) src(%arg12 : memref<80x128xf32, #tpu.memory_space<vmem>>) dst(%dma_wait3A_105 : memref<10240x128xf32, #tpu.memory_space<vmem_shared>>)
      tpu.yield
    }) : () -> ()
    %barrier3A_92 = arith.constant 0 : index
    tpu.barrier barrier_id(%barrier3A_92)
    %mul3A_93 = arith.constant 640 : i32
    %mul3A_94 = arith.muli %arg1, %mul3A_93 : i32
    %mul3A_95 = arith.constant 10240 : i32
    %mul3A_96 = arith.muli %arg0, %mul3A_95 : i32
    %mul3A_97 = arith.constant 640 : i32
    %mul3A_98 = arith.muli %arg1, %mul3A_97 : i32
    %add3A_99 = arith.addi %mul3A_96, %mul3A_98 : i32
    "tpu.region"() ({
      %run_scoped3A = tpu.sem_alloc : memref<!tpu.dma_semaphore, #tpu.memory_space<semaphore_mem>>
      %dma_start3A_100 = arith.constant 0 : i32
      %dma_start3A_101 = tpu.memref_slice %arg5[%add3A_99, %dma_start3A_100] : memref<20480x128xf32, #tpu.memory_space<hbm>> -> memref<640x128xf32, #tpu.memory_space<hbm>>
      %dma_start3A_102 = arith.constant 0 : i32
      %dma_start3A_103 = tpu.memref_slice %arg15[%mul3A_94, %dma_start3A_102] : memref<10240x128xf32, #tpu.memory_space<vmem_shared>> -> memref<640x128xf32, #tpu.memory_space<vmem_shared>>
      tpu.enqueue_dma source(%dma_start3A_103 : memref<640x128xf32, #tpu.memory_space<vmem_shared>>) target(%dma_start3A_101 : memref<640x128xf32, #tpu.memory_space<hbm>>) target_semaphore(%run_scoped3A : memref<!tpu.dma_semaphore, #tpu.memory_space<semaphore_mem>>)
      %dma_wait3A_104 = arith.constant 0 : i32
      %dma_wait3A_105 = tpu.memref_slice %arg5[%add3A_99, %dma_wait3A_104] : memref<20480x128xf32, #tpu.memory_space<hbm>> -> memref<640x128xf32, #tpu.memory_space<hbm>>
      %dma_wait3A_106 = arith.constant 0 : i32
      %dma_wait3A_107 = tpu.memref_slice %arg15[%mul3A_94, %dma_wait3A_106] : memref<10240x128xf32, #tpu.memory_space<vmem_shared>> -> memref<640x128xf32, #tpu.memory_space<vmem_shared>>
      tpu.wait_dma2 semaphore(%run_scoped3A : memref<!tpu.dma_semaphore, #tpu.memory_space<semaphore_mem>>) src(%dma_wait3A_107 : memref<640x128xf32, #tpu.memory_space<vmem_shared>>) dst(%dma_wait3A_105 : memref<640x128xf32, #tpu.memory_space<hbm>>)
      tpu.yield
    }) : () -> ()
    return
  }
}

#map = affine_map<(d0, d1) -> (0, 0)>
#map1 = affine_map<(d0, d1) -> (0)>
module attributes {stable_mosaic.version = 14 : i64} {
  func.func @_seg_body(%arg0: i32, %arg1: i32, %arg2: memref<10000x128xf32, #tpu.memory_space<hbm>>, %arg3: memref<320000xi32, #tpu.memory_space<hbm>>, %arg4: memref<320000xi32, #tpu.memory_space<hbm>>, %arg5: memref<20480x128xf32, #tpu.memory_space<hbm>>, %arg6: memref<10000xi32, #tpu.memory_space<vmem>>, %arg7: memref<10000xi32, #tpu.memory_space<vmem>>, %arg8: memref<80xi32, #tpu.memory_space<vmem>>, %arg9: memref<80xi32, #tpu.memory_space<vmem>>, %arg10: memref<80xi32, #tpu.memory_space<vmem>>, %arg11: memref<80xi32, #tpu.memory_space<vmem>>, %arg12: memref<80x128xf32, #tpu.memory_space<vmem>>, %arg13: memref<80x128xf32, #tpu.memory_space<vmem>>, %arg14: memref<32x128xf32, #tpu.memory_space<vmem>>, %arg15: memref<10240x128xf32, #tpu.memory_space<vmem_shared>>, %arg16: memref<!tpu.dma_semaphore, #tpu.memory_space<semaphore_mem>>, %arg17: memref<!tpu.dma_semaphore, #tpu.memory_space<semaphore_mem>>) attributes {dimension_semantics = [#tpu.dimension_semantics<core_parallel>, #tpu.dimension_semantics<subcore_parallel>], iteration_bounds = array<i64: 2, 16>, scalar_prefetch = 0 : i64, scratch_operands = 12 : i64, tpu.core_type = #tpu.core_type<sc_vector_subcore>, window_params = [{transform_indices = #map}, {transform_indices = #map1}, {transform_indices = #map1}, {transform_indices = #map}]} {
    %scan3A = arith.constant 0 : i32
    %scan3A_0 = arith.constant 0 : i32
    %scan3A_1 = arith.constant 256 : i32
    %scan3A_2 = arith.addi %scan3A_0, %scan3A_1 : i32
    %scan3A_3 = arith.constant 1 : i32
    scf.for %scan3A_100 = %scan3A_0 to %scan3A_2 step %scan3A_3  : i32 {
      %jit3A = arith.constant 8 : i32
      %div3A = arith.divsi %scan3A_100, %jit3A : i32
      %sign3A = arith.constant 0 : i32
      %sign3A_101 = arith.cmpi sgt, %scan3A_100, %sign3A : i32
      %sign3A_102 = arith.extui %sign3A_101 : i1 to i32
      %sign3A_103 = arith.constant 0 : i32
      %sign3A_104 = arith.cmpi slt, %scan3A_100, %sign3A_103 : i32
      %sign3A_105 = arith.extui %sign3A_104 : i1 to i32
      %sign3A_106 = arith.subi %sign3A_102, %sign3A_105 : i32
      %sign3A_107 = arith.constant 0 : i32
      %sign3A_108 = arith.cmpi sgt, %jit3A, %sign3A_107 : i32
      %sign3A_109 = arith.extui %sign3A_108 : i1 to i32
      %sign3A_110 = arith.constant 0 : i32
      %sign3A_111 = arith.cmpi slt, %jit3A, %sign3A_110 : i32
      %sign3A_112 = arith.extui %sign3A_111 : i1 to i32
      %sign3A_113 = arith.subi %sign3A_109, %sign3A_112 : i32
      %ne3A = arith.cmpi ne, %sign3A_106, %sign3A_113 : i32
      %rem3A = arith.remsi %scan3A_100, %jit3A : i32
      %ne3A_114 = arith.constant 0 : i32
      %ne3A_115 = arith.cmpi ne, %rem3A, %ne3A_114 : i32
      %and3A = arith.andi %ne3A, %ne3A_115 : i1
      %sub3A = arith.constant 1 : i32
      %sub3A_116 = arith.subi %div3A, %sub3A : i32
      %select_n3A = arith.select %and3A, %sub3A_116, %div3A : i32
      %mul3A_117 = arith.constant 8 : i32
      %mul3A_118 = arith.muli %select_n3A, %mul3A_117 : i32
      %sub3A_119 = arith.subi %scan3A_100, %mul3A_118 : i32
      %broadcast_in_dim3A = arith.constant 0.000000e+00 : f32
      %broadcast_in_dim3A_120 = vector.broadcast %broadcast_in_dim3A : f32 to vector<16xf32>
      %mul3A_121 = arith.constant 16 : i32
      %mul3A_122 = arith.muli %sub3A_119, %mul3A_121 : i32
      %swap3A_123 = arith.index_cast %select_n3A : i32 to index
      %swap3A_124 = arith.index_cast %mul3A_122 : i32 to index
      %swap3A_125 = tpu.vector_load %arg14[%swap3A_123, %swap3A_124] {strides = array<i32>} : memref<32x128xf32, #tpu.memory_space<vmem>>, vector<1x16xf32>,
      %swap3A_126 = vector.shape_cast %swap3A_125 : vector<1x16xf32> to vector<16xf32>
      %swap3A_127 = vector.shape_cast %broadcast_in_dim3A_120 : vector<16xf32> to vector<1x16xf32>
      tpu.vector_store %arg14[%swap3A_123, %swap3A_124], %swap3A_127 {strides = array<i32>} : memref<32x128xf32, #tpu.memory_space<vmem>>, vector<1x16xf32>,
    }
    %scan3A_4 = arith.constant 256 : i32
    %scan3A_5 = arith.constant 0 : i32
    %scan3A_6 = arith.constant 0 : i32
    %scan3A_7 = arith.constant 20 : i32
    %scan3A_8 = arith.addi %scan3A_6, %scan3A_7 : i32
    %scan3A_9 = arith.constant 1 : i32
    scf.for %scan3A_100 = %scan3A_6 to %scan3A_8 step %scan3A_9  : i32 {
      %mul3A_101 = arith.constant 640 : i32
      %mul3A_102 = arith.muli %arg1, %mul3A_101 : i32
      %mul3A_103 = arith.constant 32 : i32
      %mul3A_104 = arith.muli %scan3A_100, %mul3A_103 : i32
      %add3A_105 = arith.addi %mul3A_102, %mul3A_104 : i32
      "tpu.region"() ({
        %run_scoped3A = tpu.sem_alloc : memref<!tpu.dma_semaphore, #tpu.memory_space<semaphore_mem>>
        %dma_start3A_106 = arith.constant 0 : i32
        %dma_start3A_107 = tpu.memref_slice %arg15[%add3A_105, %dma_start3A_106] : memref<10240x128xf32, #tpu.memory_space<vmem_shared>> -> memref<32x128xf32, #tpu.memory_space<vmem_shared>>
        %dma_start3A_108 = arith.constant 0 : i32
        %dma_start3A_109 = tpu.memref_slice %arg15[%add3A_105, %dma_start3A_108] : memref<10240x128xf32, #tpu.memory_space<vmem_shared>> -> memref<32x128xf32, #tpu.memory_space<vmem_shared>>
        tpu.enqueue_dma source(%arg14 : memref<32x128xf32, #tpu.memory_space<vmem>>) target(%dma_start3A_109 : memref<32x128xf32, #tpu.memory_space<vmem_shared>>) target_semaphore(%run_scoped3A : memref<!tpu.dma_semaphore, #tpu.memory_space<semaphore_mem>>)
        %dma_wait3A_110 = arith.constant 0 : i32
        %dma_wait3A_111 = tpu.memref_slice %arg15[%add3A_105, %dma_wait3A_110] : memref<10240x128xf32, #tpu.memory_space<vmem_shared>> -> memref<32x128xf32, #tpu.memory_space<vmem_shared>>
        %dma_wait3A_112 = arith.constant 0 : i32
        %dma_wait3A_113 = tpu.memref_slice %arg15[%add3A_105, %dma_wait3A_112] : memref<10240x128xf32, #tpu.memory_space<vmem_shared>> -> memref<32x128xf32, #tpu.memory_space<vmem_shared>>
        tpu.wait_dma2 semaphore(%run_scoped3A : memref<!tpu.dma_semaphore, #tpu.memory_space<semaphore_mem>>) src(%arg14 : memref<32x128xf32, #tpu.memory_space<vmem>>) dst(%dma_wait3A_113 : memref<32x128xf32, #tpu.memory_space<vmem_shared>>)
        tpu.yield
      }) : () -> ()
    }
    %scan3A_10 = arith.constant 20 : i32
    %barrier3A = arith.constant 0 : index
    tpu.barrier barrier_id(%barrier3A)
    %mul3A = arith.constant 16 : i32
    %mul3A_11 = arith.muli %arg0, %mul3A : i32
    %add3A = arith.addi %mul3A_11, %arg1 : i32
    %mul3A_12 = arith.constant 10000 : i32
    %mul3A_13 = arith.muli %add3A, %mul3A_12 : i32
    "tpu.region"() ({
      %run_scoped3A = tpu.sem_alloc : memref<!tpu.dma_semaphore, #tpu.memory_space<semaphore_mem>>
      %dma_start3A_100 = tpu.memref_slice %arg3[%mul3A_13] : memref<320000xi32, #tpu.memory_space<hbm>> -> memref<10000xi32, #tpu.memory_space<hbm>>
      %dma_start3A_101 = tpu.memref_slice %arg3[%mul3A_13] : memref<320000xi32, #tpu.memory_space<hbm>> -> memref<10000xi32, #tpu.memory_space<hbm>>
      tpu.enqueue_dma source(%dma_start3A_101 : memref<10000xi32, #tpu.memory_space<hbm>>) target(%arg6 : memref<10000xi32, #tpu.memory_space<vmem>>) target_semaphore(%run_scoped3A : memref<!tpu.dma_semaphore, #tpu.memory_space<semaphore_mem>>)
      %dma_wait3A_102 = tpu.memref_slice %arg3[%mul3A_13] : memref<320000xi32, #tpu.memory_space<hbm>> -> memref<10000xi32, #tpu.memory_space<hbm>>
      %dma_wait3A_103 = tpu.memref_slice %arg3[%mul3A_13] : memref<320000xi32, #tpu.memory_space<hbm>> -> memref<10000xi32, #tpu.memory_space<hbm>>
      tpu.wait_dma2 semaphore(%run_scoped3A : memref<!tpu.dma_semaphore, #tpu.memory_space<semaphore_mem>>) src(%dma_wait3A_103 : memref<10000xi32, #tpu.memory_space<hbm>>) dst(%arg6 : memref<10000xi32, #tpu.memory_space<vmem>>)
      tpu.yield
    }) : () -> ()
    "tpu.region"() ({
      %run_scoped3A = tpu.sem_alloc : memref<!tpu.dma_semaphore, #tpu.memory_space<semaphore_mem>>
      %dma_start3A_100 = tpu.memref_slice %arg4[%mul3A_13] : memref<320000xi32, #tpu.memory_space<hbm>> -> memref<10000xi32, #tpu.memory_space<hbm>>
      %dma_start3A_101 = tpu.memref_slice %arg4[%mul3A_13] : memref<320000xi32, #tpu.memory_space<hbm>> -> memref<10000xi32, #tpu.memory_space<hbm>>
      tpu.enqueue_dma source(%dma_start3A_101 : memref<10000xi32, #tpu.memory_space<hbm>>) target(%arg7 : memref<10000xi32, #tpu.memory_space<vmem>>) target_semaphore(%run_scoped3A : memref<!tpu.dma_semaphore, #tpu.memory_space<semaphore_mem>>)
      %dma_wait3A_102 = tpu.memref_slice %arg4[%mul3A_13] : memref<320000xi32, #tpu.memory_space<hbm>> -> memref<10000xi32, #tpu.memory_space<hbm>>
      %dma_wait3A_103 = tpu.memref_slice %arg4[%mul3A_13] : memref<320000xi32, #tpu.memory_space<hbm>> -> memref<10000xi32, #tpu.memory_space<hbm>>
      tpu.wait_dma2 semaphore(%run_scoped3A : memref<!tpu.dma_semaphore, #tpu.memory_space<semaphore_mem>>) src(%dma_wait3A_103 : memref<10000xi32, #tpu.memory_space<hbm>>) dst(%arg7 : memref<10000xi32, #tpu.memory_space<vmem>>)
      tpu.yield
    }) : () -> ()
    %scan3A_14 = arith.constant 0 : i32
    %scan3A_15 = arith.constant 0 : i32
    %scan3A_16 = arith.constant 62 : i32
    %scan3A_17 = arith.addi %scan3A_15, %scan3A_16 : i32
    %scan3A_18 = arith.constant 1 : i32
    scf.for %scan3A_100 = %scan3A_15 to %scan3A_17 step %scan3A_18  : i32 {
      %mul3A_101 = arith.constant 2 : i32
      %mul3A_102 = arith.muli %scan3A_100, %mul3A_101 : i32
      %mul3A_103 = arith.constant 80 : i32
      %mul3A_104 = arith.muli %mul3A_102, %mul3A_103 : i32
      %add3A_105 = arith.constant 0 : i32
      %add3A_106 = arith.addi %mul3A_104, %add3A_105 : i32
      %get3A_107 = arith.index_cast %add3A_106 : i32 to index
      %get3A_108 = tpu.vector_load %arg6[%get3A_107] {strides = array<i32>} : memref<10000xi32, #tpu.memory_space<vmem>>, vector<16xi32>,
      %get3A_109 = vector.shape_cast %get3A_108 : vector<16xi32> to vector<16xi32>
      %swap3A_110 = arith.constant 0 : index
      %swap3A_111 = tpu.vector_load %arg8[%swap3A_110] {strides = array<i32>} : memref<80xi32, #tpu.memory_space<vmem>>, vector<16xi32>,
      %swap3A_112 = vector.shape_cast %swap3A_111 : vector<16xi32> to vector<16xi32>
      %swap3A_113 = vector.shape_cast %get3A_109 : vector<16xi32> to vector<16xi32>
      tpu.vector_store %arg8[%swap3A_110], %swap3A_113 {strides = array<i32>} : memref<80xi32, #tpu.memory_space<vmem>>, vector<16xi32>,
      %add3A_114 = arith.constant 0 : i32
      %add3A_115 = arith.addi %mul3A_104, %add3A_114 : i32
      %get3A_116 = arith.index_cast %add3A_115 : i32 to index
      %get3A_117 = tpu.vector_load %arg7[%get3A_116] {strides = array<i32>} : memref<10000xi32, #tpu.memory_space<vmem>>, vector<16xi32>,
      %get3A_118 = vector.shape_cast %get3A_117 : vector<16xi32> to vector<16xi32>
      %swap3A_119 = arith.constant 0 : index
      %swap3A_120 = tpu.vector_load %arg9[%swap3A_119] {strides = array<i32>} : memref<80xi32, #tpu.memory_space<vmem>>, vector<16xi32>,
      %swap3A_121 = vector.shape_cast %swap3A_120 : vector<16xi32> to vector<16xi32>
      %swap3A_122 = vector.shape_cast %get3A_118 : vector<16xi32> to vector<16xi32>
      tpu.vector_store %arg9[%swap3A_119], %swap3A_122 {strides = array<i32>} : memref<80xi32, #tpu.memory_space<vmem>>, vector<16xi32>,
      %add3A_123 = arith.constant 16 : i32
      %add3A_124 = arith.addi %mul3A_104, %add3A_123 : i32
      %get3A_125 = arith.index_cast %add3A_124 : i32 to index
      %get3A_126 = tpu.vector_load %arg6[%get3A_125] {strides = array<i32>} : memref<10000xi32, #tpu.memory_space<vmem>>, vector<16xi32>,
      %get3A_127 = vector.shape_cast %get3A_126 : vector<16xi32> to vector<16xi32>
      %swap3A_128 = arith.constant 16 : index
      %swap3A_129 = tpu.vector_load %arg8[%swap3A_128] {strides = array<i32>} : memref<80xi32, #tpu.memory_space<vmem>>, vector<16xi32>,
      %swap3A_130 = vector.shape_cast %swap3A_129 : vector<16xi32> to vector<16xi32>
      %swap3A_131 = vector.shape_cast %get3A_127 : vector<16xi32> to vector<16xi32>
      tpu.vector_store %arg8[%swap3A_128], %swap3A_131 {strides = array<i32>} : memref<80xi32, #tpu.memory_space<vmem>>, vector<16xi32>,
      %add3A_132 = arith.constant 16 : i32
      %add3A_133 = arith.addi %mul3A_104, %add3A_132 : i32
      %get3A_134 = arith.index_cast %add3A_133 : i32 to index
      %get3A_135 = tpu.vector_load %arg7[%get3A_134] {strides = array<i32>} : memref<10000xi32, #tpu.memory_space<vmem>>, vector<16xi32>,
      %get3A_136 = vector.shape_cast %get3A_135 : vector<16xi32> to vector<16xi32>
      %swap3A_137 = arith.constant 16 : index
      %swap3A_138 = tpu.vector_load %arg9[%swap3A_137] {strides = array<i32>} : memref<80xi32, #tpu.memory_space<vmem>>, vector<16xi32>,
      %swap3A_139 = vector.shape_cast %swap3A_138 : vector<16xi32> to vector<16xi32>
      %swap3A_140 = vector.shape_cast %get3A_136 : vector<16xi32> to vector<16xi32>
      tpu.vector_store %arg9[%swap3A_137], %swap3A_140 {strides = array<i32>} : memref<80xi32, #tpu.memory_space<vmem>>, vector<16xi32>,
      %add3A_141 = arith.constant 32 : i32
      %add3A_142 = arith.addi %mul3A_104, %add3A_141 : i32
      %get3A_143 = arith.index_cast %add3A_142 : i32 to index
      %get3A_144 = tpu.vector_load %arg6[%get3A_143] {strides = array<i32>} : memref<10000xi32, #tpu.memory_space<vmem>>, vector<16xi32>,
      %get3A_145 = vector.shape_cast %get3A_144 : vector<16xi32> to vector<16xi32>
      %swap3A_146 = arith.constant 32 : index
      %swap3A_147 = tpu.vector_load %arg8[%swap3A_146] {strides = array<i32>} : memref<80xi32, #tpu.memory_space<vmem>>, vector<16xi32>,
      %swap3A_148 = vector.shape_cast %swap3A_147 : vector<16xi32> to vector<16xi32>
      %swap3A_149 = vector.shape_cast %get3A_145 : vector<16xi32> to vector<16xi32>
      tpu.vector_store %arg8[%swap3A_146], %swap3A_149 {strides = array<i32>} : memref<80xi32, #tpu.memory_space<vmem>>, vector<16xi32>,
      %add3A_150 = arith.constant 32 : i32
      %add3A_151 = arith.addi %mul3A_104, %add3A_150 : i32
      %get3A_152 = arith.index_cast %add3A_151 : i32 to index
      %get3A_153 = tpu.vector_load %arg7[%get3A_152] {strides = array<i32>} : memref<10000xi32, #tpu.memory_space<vmem>>, vector<16xi32>,
      %get3A_154 = vector.shape_cast %get3A_153 : vector<16xi32> to vector<16xi32>
      %swap3A_155 = arith.constant 32 : index
      %swap3A_156 = tpu.vector_load %arg9[%swap3A_155] {strides = array<i32>} : memref<80xi32, #tpu.memory_space<vmem>>, vector<16xi32>,
      %swap3A_157 = vector.shape_cast %swap3A_156 : vector<16xi32> to vector<16xi32>
      %swap3A_158 = vector.shape_cast %get3A_154 : vector<16xi32> to vector<16xi32>
      tpu.vector_store %arg9[%swap3A_155], %swap3A_158 {strides = array<i32>} : memref<80xi32, #tpu.memory_space<vmem>>, vector<16xi32>,
      %add3A_159 = arith.constant 48 : i32
      %add3A_160 = arith.addi %mul3A_104, %add3A_159 : i32
      %get3A_161 = arith.index_cast %add3A_160 : i32 to index
      %get3A_162 = tpu.vector_load %arg6[%get3A_161] {strides = array<i32>} : memref<10000xi32, #tpu.memory_space<vmem>>, vector<16xi32>,
      %get3A_163 = vector.shape_cast %get3A_162 : vector<16xi32> to vector<16xi32>
      %swap3A_164 = arith.constant 48 : index
      %swap3A_165 = tpu.vector_load %arg8[%swap3A_164] {strides = array<i32>} : memref<80xi32, #tpu.memory_space<vmem>>, vector<16xi32>,
      %swap3A_166 = vector.shape_cast %swap3A_165 : vector<16xi32> to vector<16xi32>
      %swap3A_167 = vector.shape_cast %get3A_163 : vector<16xi32> to vector<16xi32>
      tpu.vector_store %arg8[%swap3A_164], %swap3A_167 {strides = array<i32>} : memref<80xi32, #tpu.memory_space<vmem>>, vector<16xi32>,
      %add3A_168 = arith.constant 48 : i32
      %add3A_169 = arith.addi %mul3A_104, %add3A_168 : i32
      %get3A_170 = arith.index_cast %add3A_169 : i32 to index
      %get3A_171 = tpu.vector_load %arg7[%get3A_170] {strides = array<i32>} : memref<10000xi32, #tpu.memory_space<vmem>>, vector<16xi32>,
      %get3A_172 = vector.shape_cast %get3A_171 : vector<16xi32> to vector<16xi32>
      %swap3A_173 = arith.constant 48 : index
      %swap3A_174 = tpu.vector_load %arg9[%swap3A_173] {strides = array<i32>} : memref<80xi32, #tpu.memory_space<vmem>>, vector<16xi32>,
      %swap3A_175 = vector.shape_cast %swap3A_174 : vector<16xi32> to vector<16xi32>
      %swap3A_176 = vector.shape_cast %get3A_172 : vector<16xi32> to vector<16xi32>
      tpu.vector_store %arg9[%swap3A_173], %swap3A_176 {strides = array<i32>} : memref<80xi32, #tpu.memory_space<vmem>>, vector<16xi32>,
      %add3A_177 = arith.constant 64 : i32
      %add3A_178 = arith.addi %mul3A_104, %add3A_177 : i32
      %get3A_179 = arith.index_cast %add3A_178 : i32 to index
      %get3A_180 = tpu.vector_load %arg6[%get3A_179] {strides = array<i32>} : memref<10000xi32, #tpu.memory_space<vmem>>, vector<16xi32>,
      %get3A_181 = vector.shape_cast %get3A_180 : vector<16xi32> to vector<16xi32>
      %swap3A_182 = arith.constant 64 : index
      %swap3A_183 = tpu.vector_load %arg8[%swap3A_182] {strides = array<i32>} : memref<80xi32, #tpu.memory_space<vmem>>, vector<16xi32>,
      %swap3A_184 = vector.shape_cast %swap3A_183 : vector<16xi32> to vector<16xi32>
      %swap3A_185 = vector.shape_cast %get3A_181 : vector<16xi32> to vector<16xi32>
      tpu.vector_store %arg8[%swap3A_182], %swap3A_185 {strides = array<i32>} : memref<80xi32, #tpu.memory_space<vmem>>, vector<16xi32>,
      %add3A_186 = arith.constant 64 : i32
      %add3A_187 = arith.addi %mul3A_104, %add3A_186 : i32
      %get3A_188 = arith.index_cast %add3A_187 : i32 to index
      %get3A_189 = tpu.vector_load %arg7[%get3A_188] {strides = array<i32>} : memref<10000xi32, #tpu.memory_space<vmem>>, vector<16xi32>,
      %get3A_190 = vector.shape_cast %get3A_189 : vector<16xi32> to vector<16xi32>
      %swap3A_191 = arith.constant 64 : index
      %swap3A_192 = tpu.vector_load %arg9[%swap3A_191] {strides = array<i32>} : memref<80xi32, #tpu.memory_space<vmem>>, vector<16xi32>,
      %swap3A_193 = vector.shape_cast %swap3A_192 : vector<16xi32> to vector<16xi32>
      %swap3A_194 = vector.shape_cast %get3A_190 : vector<16xi32> to vector<16xi32>
      tpu.vector_store %arg9[%swap3A_191], %swap3A_194 {strides = array<i32>} : memref<80xi32, #tpu.memory_space<vmem>>, vector<16xi32>,
      %dma_start3A_195 = arith.constant 0 : i32
      %dma_start3A_196 = arith.constant 0 : i32
      %dma_start3A_197 = tpu.memref_slice %arg2[%dma_start3A_195, %dma_start3A_196] : memref<10000x128xf32, #tpu.memory_space<hbm>> -> memref<10000x128xf32, #tpu.memory_space<hbm>>
      tpu.enqueue_indirect_dma source(%dma_start3A_197 : memref<10000x128xf32, #tpu.memory_space<hbm>>) target(%arg12 : memref<80x128xf32, #tpu.memory_space<vmem>>) offsets(%arg8 : memref<80xi32, #tpu.memory_space<vmem>>) semaphore(%arg16 : memref<!tpu.dma_semaphore, #tpu.memory_space<semaphore_mem>>)
      %add3A_198 = arith.constant 1 : i32
      %add3A_199 = arith.addi %mul3A_102, %add3A_198 : i32
      %mul3A_200 = arith.constant 80 : i32
      %mul3A_201 = arith.muli %add3A_199, %mul3A_200 : i32
      %add3A_202 = arith.constant 0 : i32
      %add3A_203 = arith.addi %mul3A_201, %add3A_202 : i32
      %get3A_204 = arith.index_cast %add3A_203 : i32 to index
      %get3A_205 = tpu.vector_load %arg6[%get3A_204] {strides = array<i32>} : memref<10000xi32, #tpu.memory_space<vmem>>, vector<16xi32>,
      %get3A_206 = vector.shape_cast %get3A_205 : vector<16xi32> to vector<16xi32>
      %swap3A_207 = arith.constant 0 : index
      %swap3A_208 = tpu.vector_load %arg10[%swap3A_207] {strides = array<i32>} : memref<80xi32, #tpu.memory_space<vmem>>, vector<16xi32>,
      %swap3A_209 = vector.shape_cast %swap3A_208 : vector<16xi32> to vector<16xi32>
      %swap3A_210 = vector.shape_cast %get3A_206 : vector<16xi32> to vector<16xi32>
      tpu.vector_store %arg10[%swap3A_207], %swap3A_210 {strides = array<i32>} : memref<80xi32, #tpu.memory_space<vmem>>, vector<16xi32>,
      %add3A_211 = arith.constant 0 : i32
      %add3A_212 = arith.addi %mul3A_201, %add3A_211 : i32
      %get3A_213 = arith.index_cast %add3A_212 : i32 to index
      %get3A_214 = tpu.vector_load %arg7[%get3A_213] {strides = array<i32>} : memref<10000xi32, #tpu.memory_space<vmem>>, vector<16xi32>,
      %get3A_215 = vector.shape_cast %get3A_214 : vector<16xi32> to vector<16xi32>
      %swap3A_216 = arith.constant 0 : index
      %swap3A_217 = tpu.vector_load %arg11[%swap3A_216] {strides = array<i32>} : memref<80xi32, #tpu.memory_space<vmem>>, vector<16xi32>,
      %swap3A_218 = vector.shape_cast %swap3A_217 : vector<16xi32> to vector<16xi32>
      %swap3A_219 = vector.shape_cast %get3A_215 : vector<16xi32> to vector<16xi32>
      tpu.vector_store %arg11[%swap3A_216], %swap3A_219 {strides = array<i32>} : memref<80xi32, #tpu.memory_space<vmem>>, vector<16xi32>,
      %add3A_220 = arith.constant 16 : i32
      %add3A_221 = arith.addi %mul3A_201, %add3A_220 : i32
      %get3A_222 = arith.index_cast %add3A_221 : i32 to index
      %get3A_223 = tpu.vector_load %arg6[%get3A_222] {strides = array<i32>} : memref<10000xi32, #tpu.memory_space<vmem>>, vector<16xi32>,
      %get3A_224 = vector.shape_cast %get3A_223 : vector<16xi32> to vector<16xi32>
      %swap3A_225 = arith.constant 16 : index
      %swap3A_226 = tpu.vector_load %arg10[%swap3A_225] {strides = array<i32>} : memref<80xi32, #tpu.memory_space<vmem>>, vector<16xi32>,
      %swap3A_227 = vector.shape_cast %swap3A_226 : vector<16xi32> to vector<16xi32>
      %swap3A_228 = vector.shape_cast %get3A_224 : vector<16xi32> to vector<16xi32>
      tpu.vector_store %arg10[%swap3A_225], %swap3A_228 {strides = array<i32>} : memref<80xi32, #tpu.memory_space<vmem>>, vector<16xi32>,
      %add3A_229 = arith.constant 16 : i32
      %add3A_230 = arith.addi %mul3A_201, %add3A_229 : i32
      %get3A_231 = arith.index_cast %add3A_230 : i32 to index
      %get3A_232 = tpu.vector_load %arg7[%get3A_231] {strides = array<i32>} : memref<10000xi32, #tpu.memory_space<vmem>>, vector<16xi32>,
      %get3A_233 = vector.shape_cast %get3A_232 : vector<16xi32> to vector<16xi32>
      %swap3A_234 = arith.constant 16 : index
      %swap3A_235 = tpu.vector_load %arg11[%swap3A_234] {strides = array<i32>} : memref<80xi32, #tpu.memory_space<vmem>>, vector<16xi32>,
      %swap3A_236 = vector.shape_cast %swap3A_235 : vector<16xi32> to vector<16xi32>
      %swap3A_237 = vector.shape_cast %get3A_233 : vector<16xi32> to vector<16xi32>
      tpu.vector_store %arg11[%swap3A_234], %swap3A_237 {strides = array<i32>} : memref<80xi32, #tpu.memory_space<vmem>>, vector<16xi32>,
      %add3A_238 = arith.constant 32 : i32
      %add3A_239 = arith.addi %mul3A_201, %add3A_238 : i32
      %get3A_240 = arith.index_cast %add3A_239 : i32 to index
      %get3A_241 = tpu.vector_load %arg6[%get3A_240] {strides = array<i32>} : memref<10000xi32, #tpu.memory_space<vmem>>, vector<16xi32>,
      %get3A_242 = vector.shape_cast %get3A_241 : vector<16xi32> to vector<16xi32>
      %swap3A_243 = arith.constant 32 : index
      %swap3A_244 = tpu.vector_load %arg10[%swap3A_243] {strides = array<i32>} : memref<80xi32, #tpu.memory_space<vmem>>, vector<16xi32>,
      %swap3A_245 = vector.shape_cast %swap3A_244 : vector<16xi32> to vector<16xi32>
      %swap3A_246 = vector.shape_cast %get3A_242 : vector<16xi32> to vector<16xi32>
      tpu.vector_store %arg10[%swap3A_243], %swap3A_246 {strides = array<i32>} : memref<80xi32, #tpu.memory_space<vmem>>, vector<16xi32>,
      %add3A_247 = arith.constant 32 : i32
      %add3A_248 = arith.addi %mul3A_201, %add3A_247 : i32
      %get3A_249 = arith.index_cast %add3A_248 : i32 to index
      %get3A_250 = tpu.vector_load %arg7[%get3A_249] {strides = array<i32>} : memref<10000xi32, #tpu.memory_space<vmem>>, vector<16xi32>,
      %get3A_251 = vector.shape_cast %get3A_250 : vector<16xi32> to vector<16xi32>
      %swap3A_252 = arith.constant 32 : index
      %swap3A_253 = tpu.vector_load %arg11[%swap3A_252] {strides = array<i32>} : memref<80xi32, #tpu.memory_space<vmem>>, vector<16xi32>,
      %swap3A_254 = vector.shape_cast %swap3A_253 : vector<16xi32> to vector<16xi32>
      %swap3A_255 = vector.shape_cast %get3A_251 : vector<16xi32> to vector<16xi32>
      tpu.vector_store %arg11[%swap3A_252], %swap3A_255 {strides = array<i32>} : memref<80xi32, #tpu.memory_space<vmem>>, vector<16xi32>,
      %add3A_256 = arith.constant 48 : i32
      %add3A_257 = arith.addi %mul3A_201, %add3A_256 : i32
      %get3A_258 = arith.index_cast %add3A_257 : i32 to index
      %get3A_259 = tpu.vector_load %arg6[%get3A_258] {strides = array<i32>} : memref<10000xi32, #tpu.memory_space<vmem>>, vector<16xi32>,
      %get3A_260 = vector.shape_cast %get3A_259 : vector<16xi32> to vector<16xi32>
      %swap3A_261 = arith.constant 48 : index
      %swap3A_262 = tpu.vector_load %arg10[%swap3A_261] {strides = array<i32>} : memref<80xi32, #tpu.memory_space<vmem>>, vector<16xi32>,
      %swap3A_263 = vector.shape_cast %swap3A_262 : vector<16xi32> to vector<16xi32>
      %swap3A_264 = vector.shape_cast %get3A_260 : vector<16xi32> to vector<16xi32>
      tpu.vector_store %arg10[%swap3A_261], %swap3A_264 {strides = array<i32>} : memref<80xi32, #tpu.memory_space<vmem>>, vector<16xi32>,
      %add3A_265 = arith.constant 48 : i32
      %add3A_266 = arith.addi %mul3A_201, %add3A_265 : i32
      %get3A_267 = arith.index_cast %add3A_266 : i32 to index
      %get3A_268 = tpu.vector_load %arg7[%get3A_267] {strides = array<i32>} : memref<10000xi32, #tpu.memory_space<vmem>>, vector<16xi32>,
      %get3A_269 = vector.shape_cast %get3A_268 : vector<16xi32> to vector<16xi32>
      %swap3A_270 = arith.constant 48 : index
      %swap3A_271 = tpu.vector_load %arg11[%swap3A_270] {strides = array<i32>} : memref<80xi32, #tpu.memory_space<vmem>>, vector<16xi32>,
      %swap3A_272 = vector.shape_cast %swap3A_271 : vector<16xi32> to vector<16xi32>
      %swap3A_273 = vector.shape_cast %get3A_269 : vector<16xi32> to vector<16xi32>
      tpu.vector_store %arg11[%swap3A_270], %swap3A_273 {strides = array<i32>} : memref<80xi32, #tpu.memory_space<vmem>>, vector<16xi32>,
      %add3A_274 = arith.constant 64 : i32
      %add3A_275 = arith.addi %mul3A_201, %add3A_274 : i32
      %get3A_276 = arith.index_cast %add3A_275 : i32 to index
      %get3A_277 = tpu.vector_load %arg6[%get3A_276] {strides = array<i32>} : memref<10000xi32, #tpu.memory_space<vmem>>, vector<16xi32>,
      %get3A_278 = vector.shape_cast %get3A_277 : vector<16xi32> to vector<16xi32>
      %swap3A_279 = arith.constant 64 : index
      %swap3A_280 = tpu.vector_load %arg10[%swap3A_279] {strides = array<i32>} : memref<80xi32, #tpu.memory_space<vmem>>, vector<16xi32>,
      %swap3A_281 = vector.shape_cast %swap3A_280 : vector<16xi32> to vector<16xi32>
      %swap3A_282 = vector.shape_cast %get3A_278 : vector<16xi32> to vector<16xi32>
      tpu.vector_store %arg10[%swap3A_279], %swap3A_282 {strides = array<i32>} : memref<80xi32, #tpu.memory_space<vmem>>, vector<16xi32>,
      %add3A_283 = arith.constant 64 : i32
      %add3A_284 = arith.addi %mul3A_201, %add3A_283 : i32
      %get3A_285 = arith.index_cast %add3A_284 : i32 to index
      %get3A_286 = tpu.vector_load %arg7[%get3A_285] {strides = array<i32>} : memref<10000xi32, #tpu.memory_space<vmem>>, vector<16xi32>,
      %get3A_287 = vector.shape_cast %get3A_286 : vector<16xi32> to vector<16xi32>
      %swap3A_288 = arith.constant 64 : index
      %swap3A_289 = tpu.vector_load %arg11[%swap3A_288] {strides = array<i32>} : memref<80xi32, #tpu.memory_space<vmem>>, vector<16xi32>,
      %swap3A_290 = vector.shape_cast %swap3A_289 : vector<16xi32> to vector<16xi32>
      %swap3A_291 = vector.shape_cast %get3A_287 : vector<16xi32> to vector<16xi32>
      tpu.vector_store %arg11[%swap3A_288], %swap3A_291 {strides = array<i32>} : memref<80xi32, #tpu.memory_space<vmem>>, vector<16xi32>,
      %dma_start3A_292 = arith.constant 0 : i32
      %dma_start3A_293 = arith.constant 0 : i32
      %dma_start3A_294 = tpu.memref_slice %arg2[%dma_start3A_292, %dma_start3A_293] : memref<10000x128xf32, #tpu.memory_space<hbm>> -> memref<10000x128xf32, #tpu.memory_space<hbm>>
      tpu.enqueue_indirect_dma source(%dma_start3A_294 : memref<10000x128xf32, #tpu.memory_space<hbm>>) target(%arg13 : memref<80x128xf32, #tpu.memory_space<vmem>>) offsets(%arg10 : memref<80xi32, #tpu.memory_space<vmem>>) semaphore(%arg17 : memref<!tpu.dma_semaphore, #tpu.memory_space<semaphore_mem>>)
      %dma_wait3A_295 = arith.constant 0 : i32
      %dma_wait3A_296 = arith.constant 0 : i32
      %dma_wait3A_297 = tpu.memref_slice %arg2[%dma_wait3A_295, %dma_wait3A_296] : memref<10000x128xf32, #tpu.memory_space<hbm>> -> memref<10000x128xf32, #tpu.memory_space<hbm>>
      tpu.wait_indirect_dma semaphore(%arg16 : memref<!tpu.dma_semaphore, #tpu.memory_space<semaphore_mem>>) src(%dma_wait3A_297 : memref<10000x128xf32, #tpu.memory_space<hbm>>) dst(%arg12 : memref<80x128xf32, #tpu.memory_space<vmem>>)
      "tpu.region"() ({
        %run_scoped3A = tpu.sem_alloc : memref<!tpu.dma_semaphore, #tpu.memory_space<semaphore_mem>>
        %dma_start3A_301 = arith.constant 0 : i32
        %dma_start3A_302 = arith.constant 0 : i32
        %dma_start3A_303 = tpu.memref_slice %arg15[%dma_start3A_301, %dma_start3A_302] : memref<10240x128xf32, #tpu.memory_space<vmem_shared>> -> memref<10240x128xf32, #tpu.memory_space<vmem_shared>>
        tpu.enqueue_indirect_dma source(%arg12 : memref<80x128xf32, #tpu.memory_space<vmem>>) target(%dma_start3A_303 : memref<10240x128xf32, #tpu.memory_space<vmem_shared>>) offsets(%arg9 : memref<80xi32, #tpu.memory_space<vmem>>) semaphore(%run_scoped3A : memref<!tpu.dma_semaphore, #tpu.memory_space<semaphore_mem>>) {add = true}
        %dma_wait3A_304 = arith.constant 0 : i32
        %dma_wait3A_305 = arith.constant 0 : i32
        %dma_wait3A_306 = tpu.memref_slice %arg15[%dma_wait3A_304, %dma_wait3A_305] : memref<10240x128xf32, #tpu.memory_space<vmem_shared>> -> memref<10240x128xf32, #tpu.memory_space<vmem_shared>>
        tpu.wait_indirect_dma semaphore(%run_scoped3A : memref<!tpu.dma_semaphore, #tpu.memory_space<semaphore_mem>>) src(%arg12 : memref<80x128xf32, #tpu.memory_space<vmem>>) dst(%dma_wait3A_306 : memref<10240x128xf32, #tpu.memory_space<vmem_shared>>)
        tpu.yield
      }) : () -> ()
      %dma_wait3A_298 = arith.constant 0 : i32
      %dma_wait3A_299 = arith.constant 0 : i32
      %dma_wait3A_300 = tpu.memref_slice %arg2[%dma_wait3A_298, %dma_wait3A_299] : memref<10000x128xf32, #tpu.memory_space<hbm>> -> memref<10000x128xf32, #tpu.memory_space<hbm>>
      tpu.wait_indirect_dma semaphore(%arg17 : memref<!tpu.dma_semaphore, #tpu.memory_space<semaphore_mem>>) src(%dma_wait3A_300 : memref<10000x128xf32, #tpu.memory_space<hbm>>) dst(%arg13 : memref<80x128xf32, #tpu.memory_space<vmem>>)
      "tpu.region"() ({
        %run_scoped3A = tpu.sem_alloc : memref<!tpu.dma_semaphore, #tpu.memory_space<semaphore_mem>>
        %dma_start3A_301 = arith.constant 0 : i32
        %dma_start3A_302 = arith.constant 0 : i32
        %dma_start3A_303 = tpu.memref_slice %arg15[%dma_start3A_301, %dma_start3A_302] : memref<10240x128xf32, #tpu.memory_space<vmem_shared>> -> memref<10240x128xf32, #tpu.memory_space<vmem_shared>>
        tpu.enqueue_indirect_dma source(%arg13 : memref<80x128xf32, #tpu.memory_space<vmem>>) target(%dma_start3A_303 : memref<10240x128xf32, #tpu.memory_space<vmem_shared>>) offsets(%arg11 : memref<80xi32, #tpu.memory_space<vmem>>) semaphore(%run_scoped3A : memref<!tpu.dma_semaphore, #tpu.memory_space<semaphore_mem>>) {add = true}
        %dma_wait3A_304 = arith.constant 0 : i32
        %dma_wait3A_305 = arith.constant 0 : i32
        %dma_wait3A_306 = tpu.memref_slice %arg15[%dma_wait3A_304, %dma_wait3A_305] : memref<10240x128xf32, #tpu.memory_space<vmem_shared>> -> memref<10240x128xf32, #tpu.memory_space<vmem_shared>>
        tpu.wait_indirect_dma semaphore(%run_scoped3A : memref<!tpu.dma_semaphore, #tpu.memory_space<semaphore_mem>>) src(%arg13 : memref<80x128xf32, #tpu.memory_space<vmem>>) dst(%dma_wait3A_306 : memref<10240x128xf32, #tpu.memory_space<vmem_shared>>)
        tpu.yield
      }) : () -> ()
    }
    %scan3A_19 = arith.constant 62 : i32
    %get3A = arith.constant 9920 : index
    %get3A_20 = tpu.vector_load %arg6[%get3A] {strides = array<i32>} : memref<10000xi32, #tpu.memory_space<vmem>>, vector<16xi32>,
    %get3A_21 = vector.shape_cast %get3A_20 : vector<16xi32> to vector<16xi32>
    %swap3A = arith.constant 0 : index
    %swap3A_22 = tpu.vector_load %arg8[%swap3A] {strides = array<i32>} : memref<80xi32, #tpu.memory_space<vmem>>, vector<16xi32>,
    %swap3A_23 = vector.shape_cast %swap3A_22 : vector<16xi32> to vector<16xi32>
    %swap3A_24 = vector.shape_cast %get3A_21 : vector<16xi32> to vector<16xi32>
    tpu.vector_store %arg8[%swap3A], %swap3A_24 {strides = array<i32>} : memref<80xi32, #tpu.memory_space<vmem>>, vector<16xi32>,
    %get3A_25 = arith.constant 9920 : index
    %get3A_26 = tpu.vector_load %arg7[%get3A_25] {strides = array<i32>} : memref<10000xi32, #tpu.memory_space<vmem>>, vector<16xi32>,
    %get3A_27 = vector.shape_cast %get3A_26 : vector<16xi32> to vector<16xi32>
    %swap3A_28 = arith.constant 0 : index
    %swap3A_29 = tpu.vector_load %arg9[%swap3A_28] {strides = array<i32>} : memref<80xi32, #tpu.memory_space<vmem>>, vector<16xi32>,
    %swap3A_30 = vector.shape_cast %swap3A_29 : vector<16xi32> to vector<16xi32>
    %swap3A_31 = vector.shape_cast %get3A_27 : vector<16xi32> to vector<16xi32>
    tpu.vector_store %arg9[%swap3A_28], %swap3A_31 {strides = array<i32>} : memref<80xi32, #tpu.memory_space<vmem>>, vector<16xi32>,
    %get3A_32 = arith.constant 9936 : index
    %get3A_33 = tpu.vector_load %arg6[%get3A_32] {strides = array<i32>} : memref<10000xi32, #tpu.memory_space<vmem>>, vector<16xi32>,
    %get3A_34 = vector.shape_cast %get3A_33 : vector<16xi32> to vector<16xi32>
    %swap3A_35 = arith.constant 16 : index
    %swap3A_36 = tpu.vector_load %arg8[%swap3A_35] {strides = array<i32>} : memref<80xi32, #tpu.memory_space<vmem>>, vector<16xi32>,
    %swap3A_37 = vector.shape_cast %swap3A_36 : vector<16xi32> to vector<16xi32>
    %swap3A_38 = vector.shape_cast %get3A_34 : vector<16xi32> to vector<16xi32>
    tpu.vector_store %arg8[%swap3A_35], %swap3A_38 {strides = array<i32>} : memref<80xi32, #tpu.memory_space<vmem>>, vector<16xi32>,
    %get3A_39 = arith.constant 9936 : index
    %get3A_40 = tpu.vector_load %arg7[%get3A_39] {strides = array<i32>} : memref<10000xi32, #tpu.memory_space<vmem>>, vector<16xi32>,
    %get3A_41 = vector.shape_cast %get3A_40 : vector<16xi32> to vector<16xi32>
    %swap3A_42 = arith.constant 16 : index
    %swap3A_43 = tpu.vector_load %arg9[%swap3A_42] {strides = array<i32>} : memref<80xi32, #tpu.memory_space<vmem>>, vector<16xi32>,
    %swap3A_44 = vector.shape_cast %swap3A_43 : vector<16xi32> to vector<16xi32>
    %swap3A_45 = vector.shape_cast %get3A_41 : vector<16xi32> to vector<16xi32>
    tpu.vector_store %arg9[%swap3A_42], %swap3A_45 {strides = array<i32>} : memref<80xi32, #tpu.memory_space<vmem>>, vector<16xi32>,
    %get3A_46 = arith.constant 9952 : index
    %get3A_47 = tpu.vector_load %arg6[%get3A_46] {strides = array<i32>} : memref<10000xi32, #tpu.memory_space<vmem>>, vector<16xi32>,
    %get3A_48 = vector.shape_cast %get3A_47 : vector<16xi32> to vector<16xi32>
    %swap3A_49 = arith.constant 32 : index
    %swap3A_50 = tpu.vector_load %arg8[%swap3A_49] {strides = array<i32>} : memref<80xi32, #tpu.memory_space<vmem>>, vector<16xi32>,
    %swap3A_51 = vector.shape_cast %swap3A_50 : vector<16xi32> to vector<16xi32>
    %swap3A_52 = vector.shape_cast %get3A_48 : vector<16xi32> to vector<16xi32>
    tpu.vector_store %arg8[%swap3A_49], %swap3A_52 {strides = array<i32>} : memref<80xi32, #tpu.memory_space<vmem>>, vector<16xi32>,
    %get3A_53 = arith.constant 9952 : index
    %get3A_54 = tpu.vector_load %arg7[%get3A_53] {strides = array<i32>} : memref<10000xi32, #tpu.memory_space<vmem>>, vector<16xi32>,
    %get3A_55 = vector.shape_cast %get3A_54 : vector<16xi32> to vector<16xi32>
    %swap3A_56 = arith.constant 32 : index
    %swap3A_57 = tpu.vector_load %arg9[%swap3A_56] {strides = array<i32>} : memref<80xi32, #tpu.memory_space<vmem>>, vector<16xi32>,
    %swap3A_58 = vector.shape_cast %swap3A_57 : vector<16xi32> to vector<16xi32>
    %swap3A_59 = vector.shape_cast %get3A_55 : vector<16xi32> to vector<16xi32>
    tpu.vector_store %arg9[%swap3A_56], %swap3A_59 {strides = array<i32>} : memref<80xi32, #tpu.memory_space<vmem>>, vector<16xi32>,
    %get3A_60 = arith.constant 9968 : index
    %get3A_61 = tpu.vector_load %arg6[%get3A_60] {strides = array<i32>} : memref<10000xi32, #tpu.memory_space<vmem>>, vector<16xi32>,
    %get3A_62 = vector.shape_cast %get3A_61 : vector<16xi32> to vector<16xi32>
    %swap3A_63 = arith.constant 48 : index
    %swap3A_64 = tpu.vector_load %arg8[%swap3A_63] {strides = array<i32>} : memref<80xi32, #tpu.memory_space<vmem>>, vector<16xi32>,
    %swap3A_65 = vector.shape_cast %swap3A_64 : vector<16xi32> to vector<16xi32>
    %swap3A_66 = vector.shape_cast %get3A_62 : vector<16xi32> to vector<16xi32>
    tpu.vector_store %arg8[%swap3A_63], %swap3A_66 {strides = array<i32>} : memref<80xi32, #tpu.memory_space<vmem>>, vector<16xi32>,
    %get3A_67 = arith.constant 9968 : index
    %get3A_68 = tpu.vector_load %arg7[%get3A_67] {strides = array<i32>} : memref<10000xi32, #tpu.memory_space<vmem>>, vector<16xi32>,
    %get3A_69 = vector.shape_cast %get3A_68 : vector<16xi32> to vector<16xi32>
    %swap3A_70 = arith.constant 48 : index
    %swap3A_71 = tpu.vector_load %arg9[%swap3A_70] {strides = array<i32>} : memref<80xi32, #tpu.memory_space<vmem>>, vector<16xi32>,
    %swap3A_72 = vector.shape_cast %swap3A_71 : vector<16xi32> to vector<16xi32>
    %swap3A_73 = vector.shape_cast %get3A_69 : vector<16xi32> to vector<16xi32>
    tpu.vector_store %arg9[%swap3A_70], %swap3A_73 {strides = array<i32>} : memref<80xi32, #tpu.memory_space<vmem>>, vector<16xi32>,
    %get3A_74 = arith.constant 9984 : index
    %get3A_75 = tpu.vector_load %arg6[%get3A_74] {strides = array<i32>} : memref<10000xi32, #tpu.memory_space<vmem>>, vector<16xi32>,
    %get3A_76 = vector.shape_cast %get3A_75 : vector<16xi32> to vector<16xi32>
    %swap3A_77 = arith.constant 64 : index
    %swap3A_78 = tpu.vector_load %arg8[%swap3A_77] {strides = array<i32>} : memref<80xi32, #tpu.memory_space<vmem>>, vector<16xi32>,
    %swap3A_79 = vector.shape_cast %swap3A_78 : vector<16xi32> to vector<16xi32>
    %swap3A_80 = vector.shape_cast %get3A_76 : vector<16xi32> to vector<16xi32>
    tpu.vector_store %arg8[%swap3A_77], %swap3A_80 {strides = array<i32>} : memref<80xi32, #tpu.memory_space<vmem>>, vector<16xi32>,
    %get3A_81 = arith.constant 9984 : index
    %get3A_82 = tpu.vector_load %arg7[%get3A_81] {strides = array<i32>} : memref<10000xi32, #tpu.memory_space<vmem>>, vector<16xi32>,
    %get3A_83 = vector.shape_cast %get3A_82 : vector<16xi32> to vector<16xi32>
    %swap3A_84 = arith.constant 64 : index
    %swap3A_85 = tpu.vector_load %arg9[%swap3A_84] {strides = array<i32>} : memref<80xi32, #tpu.memory_space<vmem>>, vector<16xi32>,
    %swap3A_86 = vector.shape_cast %swap3A_85 : vector<16xi32> to vector<16xi32>
    %swap3A_87 = vector.shape_cast %get3A_83 : vector<16xi32> to vector<16xi32>
    tpu.vector_store %arg9[%swap3A_84], %swap3A_87 {strides = array<i32>} : memref<80xi32, #tpu.memory_space<vmem>>, vector<16xi32>,
    %dma_start3A = arith.constant 0 : i32
    %dma_start3A_88 = arith.constant 0 : i32
    %dma_start3A_89 = tpu.memref_slice %arg2[%dma_start3A, %dma_start3A_88] : memref<10000x128xf32, #tpu.memory_space<hbm>> -> memref<10000x128xf32, #tpu.memory_space<hbm>>
    tpu.enqueue_indirect_dma source(%dma_start3A_89 : memref<10000x128xf32, #tpu.memory_space<hbm>>) target(%arg12 : memref<80x128xf32, #tpu.memory_space<vmem>>) offsets(%arg8 : memref<80xi32, #tpu.memory_space<vmem>>) semaphore(%arg16 : memref<!tpu.dma_semaphore, #tpu.memory_space<semaphore_mem>>)
    %dma_wait3A = arith.constant 0 : i32
    %dma_wait3A_90 = arith.constant 0 : i32
    %dma_wait3A_91 = tpu.memref_slice %arg2[%dma_wait3A, %dma_wait3A_90] : memref<10000x128xf32, #tpu.memory_space<hbm>> -> memref<10000x128xf32, #tpu.memory_space<hbm>>
    tpu.wait_indirect_dma semaphore(%arg16 : memref<!tpu.dma_semaphore, #tpu.memory_space<semaphore_mem>>) src(%dma_wait3A_91 : memref<10000x128xf32, #tpu.memory_space<hbm>>) dst(%arg12 : memref<80x128xf32, #tpu.memory_space<vmem>>)
    "tpu.region"() ({
      %run_scoped3A = tpu.sem_alloc : memref<!tpu.dma_semaphore, #tpu.memory_space<semaphore_mem>>
      %dma_start3A_100 = arith.constant 0 : i32
      %dma_start3A_101 = arith.constant 0 : i32
      %dma_start3A_102 = tpu.memref_slice %arg15[%dma_start3A_100, %dma_start3A_101] : memref<10240x128xf32, #tpu.memory_space<vmem_shared>> -> memref<10240x128xf32, #tpu.memory_space<vmem_shared>>
      tpu.enqueue_indirect_dma source(%arg12 : memref<80x128xf32, #tpu.memory_space<vmem>>) target(%dma_start3A_102 : memref<10240x128xf32, #tpu.memory_space<vmem_shared>>) offsets(%arg9 : memref<80xi32, #tpu.memory_space<vmem>>) semaphore(%run_scoped3A : memref<!tpu.dma_semaphore, #tpu.memory_space<semaphore_mem>>) {add = true}
      %dma_wait3A_103 = arith.constant 0 : i32
      %dma_wait3A_104 = arith.constant 0 : i32
      %dma_wait3A_105 = tpu.memref_slice %arg15[%dma_wait3A_103, %dma_wait3A_104] : memref<10240x128xf32, #tpu.memory_space<vmem_shared>> -> memref<10240x128xf32, #tpu.memory_space<vmem_shared>>
      tpu.wait_indirect_dma semaphore(%run_scoped3A : memref<!tpu.dma_semaphore, #tpu.memory_space<semaphore_mem>>) src(%arg12 : memref<80x128xf32, #tpu.memory_space<vmem>>) dst(%dma_wait3A_105 : memref<10240x128xf32, #tpu.memory_space<vmem_shared>>)
      tpu.yield
    }) : () -> ()
    %barrier3A_92 = arith.constant 0 : index
    tpu.barrier barrier_id(%barrier3A_92)
    %mul3A_93 = arith.constant 640 : i32
    %mul3A_94 = arith.muli %arg1, %mul3A_93 : i32
    %mul3A_95 = arith.constant 10240 : i32
    %mul3A_96 = arith.muli %arg0, %mul3A_95 : i32
    %mul3A_97 = arith.constant 640 : i32
    %mul3A_98 = arith.muli %arg1, %mul3A_97 : i32
    %add3A_99 = arith.addi %mul3A_96, %mul3A_98 : i32
    "tpu.region"() ({
      %run_scoped3A = tpu.sem_alloc : memref<!tpu.dma_semaphore, #tpu.memory_space<semaphore_mem>>
      %dma_start3A_100 = arith.constant 0 : i32
      %dma_start3A_101 = tpu.memref_slice %arg5[%add3A_99, %dma_start3A_100] : memref<20480x128xf32, #tpu.memory_space<hbm>> -> memref<640x128xf32, #tpu.memory_space<hbm>>
      %dma_start3A_102 = arith.constant 0 : i32
      %dma_start3A_103 = tpu.memref_slice %arg15[%mul3A_94, %dma_start3A_102] : memref<10240x128xf32, #tpu.memory_space<vmem_shared>> -> memref<640x128xf32, #tpu.memory_space<vmem_shared>>
      tpu.enqueue_dma source(%dma_start3A_103 : memref<640x128xf32, #tpu.memory_space<vmem_shared>>) target(%dma_start3A_101 : memref<640x128xf32, #tpu.memory_space<hbm>>) target_semaphore(%run_scoped3A : memref<!tpu.dma_semaphore, #tpu.memory_space<semaphore_mem>>)
      %dma_wait3A_104 = arith.constant 0 : i32
      %dma_wait3A_105 = tpu.memref_slice %arg5[%add3A_99, %dma_wait3A_104] : memref<20480x128xf32, #tpu.memory_space<hbm>> -> memref<640x128xf32, #tpu.memory_space<hbm>>
      %dma_wait3A_106 = arith.constant 0 : i32
      %dma_wait3A_107 = tpu.memref_slice %arg15[%mul3A_94, %dma_wait3A_106] : memref<10240x128xf32, #tpu.memory_space<vmem_shared>> -> memref<640x128xf32, #tpu.memory_space<vmem_shared>>
      tpu.wait_dma2 semaphore(%run_scoped3A : memref<!tpu.dma_semaphore, #tpu.memory_space<semaphore_mem>>) src(%dma_wait3A_107 : memref<640x128xf32, #tpu.memory_space<vmem_shared>>) dst(%dma_wait3A_105 : memref<640x128xf32, #tpu.memory_space<hbm>>)
      tpu.yield
    }) : () -> ()
    return
  }
}

#map = affine_map<(d0, d1) -> (0, 0)>
#map1 = affine_map<(d0, d1) -> (0)>
module attributes {stable_mosaic.version = 14 : i64} {
  func.func @_seg_body(%arg0: i32, %arg1: i32, %arg2: memref<10000x128xf32, #tpu.memory_space<hbm>>, %arg3: memref<320000xi32, #tpu.memory_space<hbm>>, %arg4: memref<320000xi32, #tpu.memory_space<hbm>>, %arg5: memref<20480x128xf32, #tpu.memory_space<hbm>>, %arg6: memref<10000xi32, #tpu.memory_space<vmem>>, %arg7: memref<10000xi32, #tpu.memory_space<vmem>>, %arg8: memref<80xi32, #tpu.memory_space<vmem>>, %arg9: memref<80xi32, #tpu.memory_space<vmem>>, %arg10: memref<80xi32, #tpu.memory_space<vmem>>, %arg11: memref<80xi32, #tpu.memory_space<vmem>>, %arg12: memref<80x128xf32, #tpu.memory_space<vmem>>, %arg13: memref<80x128xf32, #tpu.memory_space<vmem>>, %arg14: memref<32x128xf32, #tpu.memory_space<vmem>>, %arg15: memref<10240x128xf32, #tpu.memory_space<vmem_shared>>, %arg16: memref<!tpu.dma_semaphore, #tpu.memory_space<semaphore_mem>>, %arg17: memref<!tpu.dma_semaphore, #tpu.memory_space<semaphore_mem>>) attributes {dimension_semantics = [#tpu.dimension_semantics<core_parallel>, #tpu.dimension_semantics<subcore_parallel>], iteration_bounds = array<i64: 2, 16>, scalar_prefetch = 0 : i64, scratch_operands = 12 : i64, tpu.core_type = #tpu.core_type<sc_vector_subcore>, window_params = [{transform_indices = #map}, {transform_indices = #map1}, {transform_indices = #map1}, {transform_indices = #map}]} {
    %scan3A = arith.constant 0 : i32
    %scan3A_0 = arith.constant 0 : i32
    %scan3A_1 = arith.constant 256 : i32
    %scan3A_2 = arith.addi %scan3A_0, %scan3A_1 : i32
    %scan3A_3 = arith.constant 1 : i32
    scf.for %scan3A_100 = %scan3A_0 to %scan3A_2 step %scan3A_3  : i32 {
      %jit3A = arith.constant 8 : i32
      %div3A = arith.divsi %scan3A_100, %jit3A : i32
      %sign3A = arith.constant 0 : i32
      %sign3A_101 = arith.cmpi sgt, %scan3A_100, %sign3A : i32
      %sign3A_102 = arith.extui %sign3A_101 : i1 to i32
      %sign3A_103 = arith.constant 0 : i32
      %sign3A_104 = arith.cmpi slt, %scan3A_100, %sign3A_103 : i32
      %sign3A_105 = arith.extui %sign3A_104 : i1 to i32
      %sign3A_106 = arith.subi %sign3A_102, %sign3A_105 : i32
      %sign3A_107 = arith.constant 0 : i32
      %sign3A_108 = arith.cmpi sgt, %jit3A, %sign3A_107 : i32
      %sign3A_109 = arith.extui %sign3A_108 : i1 to i32
      %sign3A_110 = arith.constant 0 : i32
      %sign3A_111 = arith.cmpi slt, %jit3A, %sign3A_110 : i32
      %sign3A_112 = arith.extui %sign3A_111 : i1 to i32
      %sign3A_113 = arith.subi %sign3A_109, %sign3A_112 : i32
      %ne3A = arith.cmpi ne, %sign3A_106, %sign3A_113 : i32
      %rem3A = arith.remsi %scan3A_100, %jit3A : i32
      %ne3A_114 = arith.constant 0 : i32
      %ne3A_115 = arith.cmpi ne, %rem3A, %ne3A_114 : i32
      %and3A = arith.andi %ne3A, %ne3A_115 : i1
      %sub3A = arith.constant 1 : i32
      %sub3A_116 = arith.subi %div3A, %sub3A : i32
      %select_n3A = arith.select %and3A, %sub3A_116, %div3A : i32
      %mul3A_117 = arith.constant 8 : i32
      %mul3A_118 = arith.muli %select_n3A, %mul3A_117 : i32
      %sub3A_119 = arith.subi %scan3A_100, %mul3A_118 : i32
      %broadcast_in_dim3A = arith.constant 0.000000e+00 : f32
      %broadcast_in_dim3A_120 = vector.broadcast %broadcast_in_dim3A : f32 to vector<16xf32>
      %mul3A_121 = arith.constant 16 : i32
      %mul3A_122 = arith.muli %sub3A_119, %mul3A_121 : i32
      %swap3A_123 = arith.index_cast %select_n3A : i32 to index
      %swap3A_124 = arith.index_cast %mul3A_122 : i32 to index
      %swap3A_125 = tpu.vector_load %arg14[%swap3A_123, %swap3A_124] {strides = array<i32>} : memref<32x128xf32, #tpu.memory_space<vmem>>, vector<1x16xf32>,
      %swap3A_126 = vector.shape_cast %swap3A_125 : vector<1x16xf32> to vector<16xf32>
      %swap3A_127 = vector.shape_cast %broadcast_in_dim3A_120 : vector<16xf32> to vector<1x16xf32>
      tpu.vector_store %arg14[%swap3A_123, %swap3A_124], %swap3A_127 {strides = array<i32>} : memref<32x128xf32, #tpu.memory_space<vmem>>, vector<1x16xf32>,
    }
    %scan3A_4 = arith.constant 256 : i32
    %scan3A_5 = arith.constant 0 : i32
    %scan3A_6 = arith.constant 0 : i32
    %scan3A_7 = arith.constant 20 : i32
    %scan3A_8 = arith.addi %scan3A_6, %scan3A_7 : i32
    %scan3A_9 = arith.constant 1 : i32
    scf.for %scan3A_100 = %scan3A_6 to %scan3A_8 step %scan3A_9  : i32 {
      %mul3A_101 = arith.constant 640 : i32
      %mul3A_102 = arith.muli %arg1, %mul3A_101 : i32
      %mul3A_103 = arith.constant 32 : i32
      %mul3A_104 = arith.muli %scan3A_100, %mul3A_103 : i32
      %add3A_105 = arith.addi %mul3A_102, %mul3A_104 : i32
      "tpu.region"() ({
        %run_scoped3A = tpu.sem_alloc : memref<!tpu.dma_semaphore, #tpu.memory_space<semaphore_mem>>
        %dma_start3A_106 = arith.constant 0 : i32
        %dma_start3A_107 = tpu.memref_slice %arg15[%add3A_105, %dma_start3A_106] : memref<10240x128xf32, #tpu.memory_space<vmem_shared>> -> memref<32x128xf32, #tpu.memory_space<vmem_shared>>
        %dma_start3A_108 = arith.constant 0 : i32
        %dma_start3A_109 = tpu.memref_slice %arg15[%add3A_105, %dma_start3A_108] : memref<10240x128xf32, #tpu.memory_space<vmem_shared>> -> memref<32x128xf32, #tpu.memory_space<vmem_shared>>
        tpu.enqueue_dma source(%arg14 : memref<32x128xf32, #tpu.memory_space<vmem>>) target(%dma_start3A_109 : memref<32x128xf32, #tpu.memory_space<vmem_shared>>) target_semaphore(%run_scoped3A : memref<!tpu.dma_semaphore, #tpu.memory_space<semaphore_mem>>)
        %dma_wait3A_110 = arith.constant 0 : i32
        %dma_wait3A_111 = tpu.memref_slice %arg15[%add3A_105, %dma_wait3A_110] : memref<10240x128xf32, #tpu.memory_space<vmem_shared>> -> memref<32x128xf32, #tpu.memory_space<vmem_shared>>
        %dma_wait3A_112 = arith.constant 0 : i32
        %dma_wait3A_113 = tpu.memref_slice %arg15[%add3A_105, %dma_wait3A_112] : memref<10240x128xf32, #tpu.memory_space<vmem_shared>> -> memref<32x128xf32, #tpu.memory_space<vmem_shared>>
        tpu.wait_dma2 semaphore(%run_scoped3A : memref<!tpu.dma_semaphore, #tpu.memory_space<semaphore_mem>>) src(%arg14 : memref<32x128xf32, #tpu.memory_space<vmem>>) dst(%dma_wait3A_113 : memref<32x128xf32, #tpu.memory_space<vmem_shared>>)
        tpu.yield
      }) : () -> ()
    }
    %scan3A_10 = arith.constant 20 : i32
    %barrier3A = arith.constant 0 : index
    tpu.barrier barrier_id(%barrier3A)
    %mul3A = arith.constant 16 : i32
    %mul3A_11 = arith.muli %arg0, %mul3A : i32
    %add3A = arith.addi %mul3A_11, %arg1 : i32
    %mul3A_12 = arith.constant 10000 : i32
    %mul3A_13 = arith.muli %add3A, %mul3A_12 : i32
    "tpu.region"() ({
      %run_scoped3A = tpu.sem_alloc : memref<!tpu.dma_semaphore, #tpu.memory_space<semaphore_mem>>
      %dma_start3A_100 = tpu.memref_slice %arg3[%mul3A_13] : memref<320000xi32, #tpu.memory_space<hbm>> -> memref<10000xi32, #tpu.memory_space<hbm>>
      %dma_start3A_101 = tpu.memref_slice %arg3[%mul3A_13] : memref<320000xi32, #tpu.memory_space<hbm>> -> memref<10000xi32, #tpu.memory_space<hbm>>
      tpu.enqueue_dma source(%dma_start3A_101 : memref<10000xi32, #tpu.memory_space<hbm>>) target(%arg6 : memref<10000xi32, #tpu.memory_space<vmem>>) target_semaphore(%run_scoped3A : memref<!tpu.dma_semaphore, #tpu.memory_space<semaphore_mem>>)
      %dma_wait3A_102 = tpu.memref_slice %arg3[%mul3A_13] : memref<320000xi32, #tpu.memory_space<hbm>> -> memref<10000xi32, #tpu.memory_space<hbm>>
      %dma_wait3A_103 = tpu.memref_slice %arg3[%mul3A_13] : memref<320000xi32, #tpu.memory_space<hbm>> -> memref<10000xi32, #tpu.memory_space<hbm>>
      tpu.wait_dma2 semaphore(%run_scoped3A : memref<!tpu.dma_semaphore, #tpu.memory_space<semaphore_mem>>) src(%dma_wait3A_103 : memref<10000xi32, #tpu.memory_space<hbm>>) dst(%arg6 : memref<10000xi32, #tpu.memory_space<vmem>>)
      tpu.yield
    }) : () -> ()
    "tpu.region"() ({
      %run_scoped3A = tpu.sem_alloc : memref<!tpu.dma_semaphore, #tpu.memory_space<semaphore_mem>>
      %dma_start3A_100 = tpu.memref_slice %arg4[%mul3A_13] : memref<320000xi32, #tpu.memory_space<hbm>> -> memref<10000xi32, #tpu.memory_space<hbm>>
      %dma_start3A_101 = tpu.memref_slice %arg4[%mul3A_13] : memref<320000xi32, #tpu.memory_space<hbm>> -> memref<10000xi32, #tpu.memory_space<hbm>>
      tpu.enqueue_dma source(%dma_start3A_101 : memref<10000xi32, #tpu.memory_space<hbm>>) target(%arg7 : memref<10000xi32, #tpu.memory_space<vmem>>) target_semaphore(%run_scoped3A : memref<!tpu.dma_semaphore, #tpu.memory_space<semaphore_mem>>)
      %dma_wait3A_102 = tpu.memref_slice %arg4[%mul3A_13] : memref<320000xi32, #tpu.memory_space<hbm>> -> memref<10000xi32, #tpu.memory_space<hbm>>
      %dma_wait3A_103 = tpu.memref_slice %arg4[%mul3A_13] : memref<320000xi32, #tpu.memory_space<hbm>> -> memref<10000xi32, #tpu.memory_space<hbm>>
      tpu.wait_dma2 semaphore(%run_scoped3A : memref<!tpu.dma_semaphore, #tpu.memory_space<semaphore_mem>>) src(%dma_wait3A_103 : memref<10000xi32, #tpu.memory_space<hbm>>) dst(%arg7 : memref<10000xi32, #tpu.memory_space<vmem>>)
      tpu.yield
    }) : () -> ()
    %scan3A_14 = arith.constant 0 : i32
    %scan3A_15 = arith.constant 0 : i32
    %scan3A_16 = arith.constant 62 : i32
    %scan3A_17 = arith.addi %scan3A_15, %scan3A_16 : i32
    %scan3A_18 = arith.constant 1 : i32
    scf.for %scan3A_100 = %scan3A_15 to %scan3A_17 step %scan3A_18  : i32 {
      %mul3A_101 = arith.constant 2 : i32
      %mul3A_102 = arith.muli %scan3A_100, %mul3A_101 : i32
      %mul3A_103 = arith.constant 80 : i32
      %mul3A_104 = arith.muli %mul3A_102, %mul3A_103 : i32
      %add3A_105 = arith.constant 0 : i32
      %add3A_106 = arith.addi %mul3A_104, %add3A_105 : i32
      %get3A_107 = arith.index_cast %add3A_106 : i32 to index
      %get3A_108 = tpu.vector_load %arg6[%get3A_107] {strides = array<i32>} : memref<10000xi32, #tpu.memory_space<vmem>>, vector<16xi32>,
      %get3A_109 = vector.shape_cast %get3A_108 : vector<16xi32> to vector<16xi32>
      %swap3A_110 = arith.constant 0 : index
      %swap3A_111 = tpu.vector_load %arg8[%swap3A_110] {strides = array<i32>} : memref<80xi32, #tpu.memory_space<vmem>>, vector<16xi32>,
      %swap3A_112 = vector.shape_cast %swap3A_111 : vector<16xi32> to vector<16xi32>
      %swap3A_113 = vector.shape_cast %get3A_109 : vector<16xi32> to vector<16xi32>
      tpu.vector_store %arg8[%swap3A_110], %swap3A_113 {strides = array<i32>} : memref<80xi32, #tpu.memory_space<vmem>>, vector<16xi32>,
      %add3A_114 = arith.constant 0 : i32
      %add3A_115 = arith.addi %mul3A_104, %add3A_114 : i32
      %get3A_116 = arith.index_cast %add3A_115 : i32 to index
      %get3A_117 = tpu.vector_load %arg7[%get3A_116] {strides = array<i32>} : memref<10000xi32, #tpu.memory_space<vmem>>, vector<16xi32>,
      %get3A_118 = vector.shape_cast %get3A_117 : vector<16xi32> to vector<16xi32>
      %swap3A_119 = arith.constant 0 : index
      %swap3A_120 = tpu.vector_load %arg9[%swap3A_119] {strides = array<i32>} : memref<80xi32, #tpu.memory_space<vmem>>, vector<16xi32>,
      %swap3A_121 = vector.shape_cast %swap3A_120 : vector<16xi32> to vector<16xi32>
      %swap3A_122 = vector.shape_cast %get3A_118 : vector<16xi32> to vector<16xi32>
      tpu.vector_store %arg9[%swap3A_119], %swap3A_122 {strides = array<i32>} : memref<80xi32, #tpu.memory_space<vmem>>, vector<16xi32>,
      %add3A_123 = arith.constant 16 : i32
      %add3A_124 = arith.addi %mul3A_104, %add3A_123 : i32
      %get3A_125 = arith.index_cast %add3A_124 : i32 to index
      %get3A_126 = tpu.vector_load %arg6[%get3A_125] {strides = array<i32>} : memref<10000xi32, #tpu.memory_space<vmem>>, vector<16xi32>,
      %get3A_127 = vector.shape_cast %get3A_126 : vector<16xi32> to vector<16xi32>
      %swap3A_128 = arith.constant 16 : index
      %swap3A_129 = tpu.vector_load %arg8[%swap3A_128] {strides = array<i32>} : memref<80xi32, #tpu.memory_space<vmem>>, vector<16xi32>,
      %swap3A_130 = vector.shape_cast %swap3A_129 : vector<16xi32> to vector<16xi32>
      %swap3A_131 = vector.shape_cast %get3A_127 : vector<16xi32> to vector<16xi32>
      tpu.vector_store %arg8[%swap3A_128], %swap3A_131 {strides = array<i32>} : memref<80xi32, #tpu.memory_space<vmem>>, vector<16xi32>,
      %add3A_132 = arith.constant 16 : i32
      %add3A_133 = arith.addi %mul3A_104, %add3A_132 : i32
      %get3A_134 = arith.index_cast %add3A_133 : i32 to index
      %get3A_135 = tpu.vector_load %arg7[%get3A_134] {strides = array<i32>} : memref<10000xi32, #tpu.memory_space<vmem>>, vector<16xi32>,
      %get3A_136 = vector.shape_cast %get3A_135 : vector<16xi32> to vector<16xi32>
      %swap3A_137 = arith.constant 16 : index
      %swap3A_138 = tpu.vector_load %arg9[%swap3A_137] {strides = array<i32>} : memref<80xi32, #tpu.memory_space<vmem>>, vector<16xi32>,
      %swap3A_139 = vector.shape_cast %swap3A_138 : vector<16xi32> to vector<16xi32>
      %swap3A_140 = vector.shape_cast %get3A_136 : vector<16xi32> to vector<16xi32>
      tpu.vector_store %arg9[%swap3A_137], %swap3A_140 {strides = array<i32>} : memref<80xi32, #tpu.memory_space<vmem>>, vector<16xi32>,
      %add3A_141 = arith.constant 32 : i32
      %add3A_142 = arith.addi %mul3A_104, %add3A_141 : i32
      %get3A_143 = arith.index_cast %add3A_142 : i32 to index
      %get3A_144 = tpu.vector_load %arg6[%get3A_143] {strides = array<i32>} : memref<10000xi32, #tpu.memory_space<vmem>>, vector<16xi32>,
      %get3A_145 = vector.shape_cast %get3A_144 : vector<16xi32> to vector<16xi32>
      %swap3A_146 = arith.constant 32 : index
      %swap3A_147 = tpu.vector_load %arg8[%swap3A_146] {strides = array<i32>} : memref<80xi32, #tpu.memory_space<vmem>>, vector<16xi32>,
      %swap3A_148 = vector.shape_cast %swap3A_147 : vector<16xi32> to vector<16xi32>
      %swap3A_149 = vector.shape_cast %get3A_145 : vector<16xi32> to vector<16xi32>
      tpu.vector_store %arg8[%swap3A_146], %swap3A_149 {strides = array<i32>} : memref<80xi32, #tpu.memory_space<vmem>>, vector<16xi32>,
      %add3A_150 = arith.constant 32 : i32
      %add3A_151 = arith.addi %mul3A_104, %add3A_150 : i32
      %get3A_152 = arith.index_cast %add3A_151 : i32 to index
      %get3A_153 = tpu.vector_load %arg7[%get3A_152] {strides = array<i32>} : memref<10000xi32, #tpu.memory_space<vmem>>, vector<16xi32>,
      %get3A_154 = vector.shape_cast %get3A_153 : vector<16xi32> to vector<16xi32>
      %swap3A_155 = arith.constant 32 : index
      %swap3A_156 = tpu.vector_load %arg9[%swap3A_155] {strides = array<i32>} : memref<80xi32, #tpu.memory_space<vmem>>, vector<16xi32>,
      %swap3A_157 = vector.shape_cast %swap3A_156 : vector<16xi32> to vector<16xi32>
      %swap3A_158 = vector.shape_cast %get3A_154 : vector<16xi32> to vector<16xi32>
      tpu.vector_store %arg9[%swap3A_155], %swap3A_158 {strides = array<i32>} : memref<80xi32, #tpu.memory_space<vmem>>, vector<16xi32>,
      %add3A_159 = arith.constant 48 : i32
      %add3A_160 = arith.addi %mul3A_104, %add3A_159 : i32
      %get3A_161 = arith.index_cast %add3A_160 : i32 to index
      %get3A_162 = tpu.vector_load %arg6[%get3A_161] {strides = array<i32>} : memref<10000xi32, #tpu.memory_space<vmem>>, vector<16xi32>,
      %get3A_163 = vector.shape_cast %get3A_162 : vector<16xi32> to vector<16xi32>
      %swap3A_164 = arith.constant 48 : index
      %swap3A_165 = tpu.vector_load %arg8[%swap3A_164] {strides = array<i32>} : memref<80xi32, #tpu.memory_space<vmem>>, vector<16xi32>,
      %swap3A_166 = vector.shape_cast %swap3A_165 : vector<16xi32> to vector<16xi32>
      %swap3A_167 = vector.shape_cast %get3A_163 : vector<16xi32> to vector<16xi32>
      tpu.vector_store %arg8[%swap3A_164], %swap3A_167 {strides = array<i32>} : memref<80xi32, #tpu.memory_space<vmem>>, vector<16xi32>,
      %add3A_168 = arith.constant 48 : i32
      %add3A_169 = arith.addi %mul3A_104, %add3A_168 : i32
      %get3A_170 = arith.index_cast %add3A_169 : i32 to index
      %get3A_171 = tpu.vector_load %arg7[%get3A_170] {strides = array<i32>} : memref<10000xi32, #tpu.memory_space<vmem>>, vector<16xi32>,
      %get3A_172 = vector.shape_cast %get3A_171 : vector<16xi32> to vector<16xi32>
      %swap3A_173 = arith.constant 48 : index
      %swap3A_174 = tpu.vector_load %arg9[%swap3A_173] {strides = array<i32>} : memref<80xi32, #tpu.memory_space<vmem>>, vector<16xi32>,
      %swap3A_175 = vector.shape_cast %swap3A_174 : vector<16xi32> to vector<16xi32>
      %swap3A_176 = vector.shape_cast %get3A_172 : vector<16xi32> to vector<16xi32>
      tpu.vector_store %arg9[%swap3A_173], %swap3A_176 {strides = array<i32>} : memref<80xi32, #tpu.memory_space<vmem>>, vector<16xi32>,
      %add3A_177 = arith.constant 64 : i32
      %add3A_178 = arith.addi %mul3A_104, %add3A_177 : i32
      %get3A_179 = arith.index_cast %add3A_178 : i32 to index
      %get3A_180 = tpu.vector_load %arg6[%get3A_179] {strides = array<i32>} : memref<10000xi32, #tpu.memory_space<vmem>>, vector<16xi32>,
      %get3A_181 = vector.shape_cast %get3A_180 : vector<16xi32> to vector<16xi32>
      %swap3A_182 = arith.constant 64 : index
      %swap3A_183 = tpu.vector_load %arg8[%swap3A_182] {strides = array<i32>} : memref<80xi32, #tpu.memory_space<vmem>>, vector<16xi32>,
      %swap3A_184 = vector.shape_cast %swap3A_183 : vector<16xi32> to vector<16xi32>
      %swap3A_185 = vector.shape_cast %get3A_181 : vector<16xi32> to vector<16xi32>
      tpu.vector_store %arg8[%swap3A_182], %swap3A_185 {strides = array<i32>} : memref<80xi32, #tpu.memory_space<vmem>>, vector<16xi32>,
      %add3A_186 = arith.constant 64 : i32
      %add3A_187 = arith.addi %mul3A_104, %add3A_186 : i32
      %get3A_188 = arith.index_cast %add3A_187 : i32 to index
      %get3A_189 = tpu.vector_load %arg7[%get3A_188] {strides = array<i32>} : memref<10000xi32, #tpu.memory_space<vmem>>, vector<16xi32>,
      %get3A_190 = vector.shape_cast %get3A_189 : vector<16xi32> to vector<16xi32>
      %swap3A_191 = arith.constant 64 : index
      %swap3A_192 = tpu.vector_load %arg9[%swap3A_191] {strides = array<i32>} : memref<80xi32, #tpu.memory_space<vmem>>, vector<16xi32>,
      %swap3A_193 = vector.shape_cast %swap3A_192 : vector<16xi32> to vector<16xi32>
      %swap3A_194 = vector.shape_cast %get3A_190 : vector<16xi32> to vector<16xi32>
      tpu.vector_store %arg9[%swap3A_191], %swap3A_194 {strides = array<i32>} : memref<80xi32, #tpu.memory_space<vmem>>, vector<16xi32>,
      %dma_start3A_195 = arith.constant 0 : i32
      %dma_start3A_196 = arith.constant 0 : i32
      %dma_start3A_197 = tpu.memref_slice %arg2[%dma_start3A_195, %dma_start3A_196] : memref<10000x128xf32, #tpu.memory_space<hbm>> -> memref<10000x128xf32, #tpu.memory_space<hbm>>
      tpu.enqueue_indirect_dma source(%dma_start3A_197 : memref<10000x128xf32, #tpu.memory_space<hbm>>) target(%arg12 : memref<80x128xf32, #tpu.memory_space<vmem>>) offsets(%arg8 : memref<80xi32, #tpu.memory_space<vmem>>) semaphore(%arg16 : memref<!tpu.dma_semaphore, #tpu.memory_space<semaphore_mem>>)
      %add3A_198 = arith.constant 1 : i32
      %add3A_199 = arith.addi %mul3A_102, %add3A_198 : i32
      %mul3A_200 = arith.constant 80 : i32
      %mul3A_201 = arith.muli %add3A_199, %mul3A_200 : i32
      %add3A_202 = arith.constant 0 : i32
      %add3A_203 = arith.addi %mul3A_201, %add3A_202 : i32
      %get3A_204 = arith.index_cast %add3A_203 : i32 to index
      %get3A_205 = tpu.vector_load %arg6[%get3A_204] {strides = array<i32>} : memref<10000xi32, #tpu.memory_space<vmem>>, vector<16xi32>,
      %get3A_206 = vector.shape_cast %get3A_205 : vector<16xi32> to vector<16xi32>
      %swap3A_207 = arith.constant 0 : index
      %swap3A_208 = tpu.vector_load %arg10[%swap3A_207] {strides = array<i32>} : memref<80xi32, #tpu.memory_space<vmem>>, vector<16xi32>,
      %swap3A_209 = vector.shape_cast %swap3A_208 : vector<16xi32> to vector<16xi32>
      %swap3A_210 = vector.shape_cast %get3A_206 : vector<16xi32> to vector<16xi32>
      tpu.vector_store %arg10[%swap3A_207], %swap3A_210 {strides = array<i32>} : memref<80xi32, #tpu.memory_space<vmem>>, vector<16xi32>,
      %add3A_211 = arith.constant 0 : i32
      %add3A_212 = arith.addi %mul3A_201, %add3A_211 : i32
      %get3A_213 = arith.index_cast %add3A_212 : i32 to index
      %get3A_214 = tpu.vector_load %arg7[%get3A_213] {strides = array<i32>} : memref<10000xi32, #tpu.memory_space<vmem>>, vector<16xi32>,
      %get3A_215 = vector.shape_cast %get3A_214 : vector<16xi32> to vector<16xi32>
      %swap3A_216 = arith.constant 0 : index
      %swap3A_217 = tpu.vector_load %arg11[%swap3A_216] {strides = array<i32>} : memref<80xi32, #tpu.memory_space<vmem>>, vector<16xi32>,
      %swap3A_218 = vector.shape_cast %swap3A_217 : vector<16xi32> to vector<16xi32>
      %swap3A_219 = vector.shape_cast %get3A_215 : vector<16xi32> to vector<16xi32>
      tpu.vector_store %arg11[%swap3A_216], %swap3A_219 {strides = array<i32>} : memref<80xi32, #tpu.memory_space<vmem>>, vector<16xi32>,
      %add3A_220 = arith.constant 16 : i32
      %add3A_221 = arith.addi %mul3A_201, %add3A_220 : i32
      %get3A_222 = arith.index_cast %add3A_221 : i32 to index
      %get3A_223 = tpu.vector_load %arg6[%get3A_222] {strides = array<i32>} : memref<10000xi32, #tpu.memory_space<vmem>>, vector<16xi32>,
      %get3A_224 = vector.shape_cast %get3A_223 : vector<16xi32> to vector<16xi32>
      %swap3A_225 = arith.constant 16 : index
      %swap3A_226 = tpu.vector_load %arg10[%swap3A_225] {strides = array<i32>} : memref<80xi32, #tpu.memory_space<vmem>>, vector<16xi32>,
      %swap3A_227 = vector.shape_cast %swap3A_226 : vector<16xi32> to vector<16xi32>
      %swap3A_228 = vector.shape_cast %get3A_224 : vector<16xi32> to vector<16xi32>
      tpu.vector_store %arg10[%swap3A_225], %swap3A_228 {strides = array<i32>} : memref<80xi32, #tpu.memory_space<vmem>>, vector<16xi32>,
      %add3A_229 = arith.constant 16 : i32
      %add3A_230 = arith.addi %mul3A_201, %add3A_229 : i32
      %get3A_231 = arith.index_cast %add3A_230 : i32 to index
      %get3A_232 = tpu.vector_load %arg7[%get3A_231] {strides = array<i32>} : memref<10000xi32, #tpu.memory_space<vmem>>, vector<16xi32>,
      %get3A_233 = vector.shape_cast %get3A_232 : vector<16xi32> to vector<16xi32>
      %swap3A_234 = arith.constant 16 : index
      %swap3A_235 = tpu.vector_load %arg11[%swap3A_234] {strides = array<i32>} : memref<80xi32, #tpu.memory_space<vmem>>, vector<16xi32>,
      %swap3A_236 = vector.shape_cast %swap3A_235 : vector<16xi32> to vector<16xi32>
      %swap3A_237 = vector.shape_cast %get3A_233 : vector<16xi32> to vector<16xi32>
      tpu.vector_store %arg11[%swap3A_234], %swap3A_237 {strides = array<i32>} : memref<80xi32, #tpu.memory_space<vmem>>, vector<16xi32>,
      %add3A_238 = arith.constant 32 : i32
      %add3A_239 = arith.addi %mul3A_201, %add3A_238 : i32
      %get3A_240 = arith.index_cast %add3A_239 : i32 to index
      %get3A_241 = tpu.vector_load %arg6[%get3A_240] {strides = array<i32>} : memref<10000xi32, #tpu.memory_space<vmem>>, vector<16xi32>,
      %get3A_242 = vector.shape_cast %get3A_241 : vector<16xi32> to vector<16xi32>
      %swap3A_243 = arith.constant 32 : index
      %swap3A_244 = tpu.vector_load %arg10[%swap3A_243] {strides = array<i32>} : memref<80xi32, #tpu.memory_space<vmem>>, vector<16xi32>,
      %swap3A_245 = vector.shape_cast %swap3A_244 : vector<16xi32> to vector<16xi32>
      %swap3A_246 = vector.shape_cast %get3A_242 : vector<16xi32> to vector<16xi32>
      tpu.vector_store %arg10[%swap3A_243], %swap3A_246 {strides = array<i32>} : memref<80xi32, #tpu.memory_space<vmem>>, vector<16xi32>,
      %add3A_247 = arith.constant 32 : i32
      %add3A_248 = arith.addi %mul3A_201, %add3A_247 : i32
      %get3A_249 = arith.index_cast %add3A_248 : i32 to index
      %get3A_250 = tpu.vector_load %arg7[%get3A_249] {strides = array<i32>} : memref<10000xi32, #tpu.memory_space<vmem>>, vector<16xi32>,
      %get3A_251 = vector.shape_cast %get3A_250 : vector<16xi32> to vector<16xi32>
      %swap3A_252 = arith.constant 32 : index
      %swap3A_253 = tpu.vector_load %arg11[%swap3A_252] {strides = array<i32>} : memref<80xi32, #tpu.memory_space<vmem>>, vector<16xi32>,
      %swap3A_254 = vector.shape_cast %swap3A_253 : vector<16xi32> to vector<16xi32>
      %swap3A_255 = vector.shape_cast %get3A_251 : vector<16xi32> to vector<16xi32>
      tpu.vector_store %arg11[%swap3A_252], %swap3A_255 {strides = array<i32>} : memref<80xi32, #tpu.memory_space<vmem>>, vector<16xi32>,
      %add3A_256 = arith.constant 48 : i32
      %add3A_257 = arith.addi %mul3A_201, %add3A_256 : i32
      %get3A_258 = arith.index_cast %add3A_257 : i32 to index
      %get3A_259 = tpu.vector_load %arg6[%get3A_258] {strides = array<i32>} : memref<10000xi32, #tpu.memory_space<vmem>>, vector<16xi32>,
      %get3A_260 = vector.shape_cast %get3A_259 : vector<16xi32> to vector<16xi32>
      %swap3A_261 = arith.constant 48 : index
      %swap3A_262 = tpu.vector_load %arg10[%swap3A_261] {strides = array<i32>} : memref<80xi32, #tpu.memory_space<vmem>>, vector<16xi32>,
      %swap3A_263 = vector.shape_cast %swap3A_262 : vector<16xi32> to vector<16xi32>
      %swap3A_264 = vector.shape_cast %get3A_260 : vector<16xi32> to vector<16xi32>
      tpu.vector_store %arg10[%swap3A_261], %swap3A_264 {strides = array<i32>} : memref<80xi32, #tpu.memory_space<vmem>>, vector<16xi32>,
      %add3A_265 = arith.constant 48 : i32
      %add3A_266 = arith.addi %mul3A_201, %add3A_265 : i32
      %get3A_267 = arith.index_cast %add3A_266 : i32 to index
      %get3A_268 = tpu.vector_load %arg7[%get3A_267] {strides = array<i32>} : memref<10000xi32, #tpu.memory_space<vmem>>, vector<16xi32>,
      %get3A_269 = vector.shape_cast %get3A_268 : vector<16xi32> to vector<16xi32>
      %swap3A_270 = arith.constant 48 : index
      %swap3A_271 = tpu.vector_load %arg11[%swap3A_270] {strides = array<i32>} : memref<80xi32, #tpu.memory_space<vmem>>, vector<16xi32>,
      %swap3A_272 = vector.shape_cast %swap3A_271 : vector<16xi32> to vector<16xi32>
      %swap3A_273 = vector.shape_cast %get3A_269 : vector<16xi32> to vector<16xi32>
      tpu.vector_store %arg11[%swap3A_270], %swap3A_273 {strides = array<i32>} : memref<80xi32, #tpu.memory_space<vmem>>, vector<16xi32>,
      %add3A_274 = arith.constant 64 : i32
      %add3A_275 = arith.addi %mul3A_201, %add3A_274 : i32
      %get3A_276 = arith.index_cast %add3A_275 : i32 to index
      %get3A_277 = tpu.vector_load %arg6[%get3A_276] {strides = array<i32>} : memref<10000xi32, #tpu.memory_space<vmem>>, vector<16xi32>,
      %get3A_278 = vector.shape_cast %get3A_277 : vector<16xi32> to vector<16xi32>
      %swap3A_279 = arith.constant 64 : index
      %swap3A_280 = tpu.vector_load %arg10[%swap3A_279] {strides = array<i32>} : memref<80xi32, #tpu.memory_space<vmem>>, vector<16xi32>,
      %swap3A_281 = vector.shape_cast %swap3A_280 : vector<16xi32> to vector<16xi32>
      %swap3A_282 = vector.shape_cast %get3A_278 : vector<16xi32> to vector<16xi32>
      tpu.vector_store %arg10[%swap3A_279], %swap3A_282 {strides = array<i32>} : memref<80xi32, #tpu.memory_space<vmem>>, vector<16xi32>,
      %add3A_283 = arith.constant 64 : i32
      %add3A_284 = arith.addi %mul3A_201, %add3A_283 : i32
      %get3A_285 = arith.index_cast %add3A_284 : i32 to index
      %get3A_286 = tpu.vector_load %arg7[%get3A_285] {strides = array<i32>} : memref<10000xi32, #tpu.memory_space<vmem>>, vector<16xi32>,
      %get3A_287 = vector.shape_cast %get3A_286 : vector<16xi32> to vector<16xi32>
      %swap3A_288 = arith.constant 64 : index
      %swap3A_289 = tpu.vector_load %arg11[%swap3A_288] {strides = array<i32>} : memref<80xi32, #tpu.memory_space<vmem>>, vector<16xi32>,
      %swap3A_290 = vector.shape_cast %swap3A_289 : vector<16xi32> to vector<16xi32>
      %swap3A_291 = vector.shape_cast %get3A_287 : vector<16xi32> to vector<16xi32>
      tpu.vector_store %arg11[%swap3A_288], %swap3A_291 {strides = array<i32>} : memref<80xi32, #tpu.memory_space<vmem>>, vector<16xi32>,
      %dma_start3A_292 = arith.constant 0 : i32
      %dma_start3A_293 = arith.constant 0 : i32
      %dma_start3A_294 = tpu.memref_slice %arg2[%dma_start3A_292, %dma_start3A_293] : memref<10000x128xf32, #tpu.memory_space<hbm>> -> memref<10000x128xf32, #tpu.memory_space<hbm>>
      tpu.enqueue_indirect_dma source(%dma_start3A_294 : memref<10000x128xf32, #tpu.memory_space<hbm>>) target(%arg13 : memref<80x128xf32, #tpu.memory_space<vmem>>) offsets(%arg10 : memref<80xi32, #tpu.memory_space<vmem>>) semaphore(%arg17 : memref<!tpu.dma_semaphore, #tpu.memory_space<semaphore_mem>>)
      %dma_wait3A_295 = arith.constant 0 : i32
      %dma_wait3A_296 = arith.constant 0 : i32
      %dma_wait3A_297 = tpu.memref_slice %arg2[%dma_wait3A_295, %dma_wait3A_296] : memref<10000x128xf32, #tpu.memory_space<hbm>> -> memref<10000x128xf32, #tpu.memory_space<hbm>>
      tpu.wait_indirect_dma semaphore(%arg16 : memref<!tpu.dma_semaphore, #tpu.memory_space<semaphore_mem>>) src(%dma_wait3A_297 : memref<10000x128xf32, #tpu.memory_space<hbm>>) dst(%arg12 : memref<80x128xf32, #tpu.memory_space<vmem>>)
      "tpu.region"() ({
        %run_scoped3A = tpu.sem_alloc : memref<!tpu.dma_semaphore, #tpu.memory_space<semaphore_mem>>
        %dma_start3A_301 = arith.constant 0 : i32
        %dma_start3A_302 = arith.constant 0 : i32
        %dma_start3A_303 = tpu.memref_slice %arg15[%dma_start3A_301, %dma_start3A_302] : memref<10240x128xf32, #tpu.memory_space<vmem_shared>> -> memref<10240x128xf32, #tpu.memory_space<vmem_shared>>
        tpu.enqueue_indirect_dma source(%arg12 : memref<80x128xf32, #tpu.memory_space<vmem>>) target(%dma_start3A_303 : memref<10240x128xf32, #tpu.memory_space<vmem_shared>>) offsets(%arg9 : memref<80xi32, #tpu.memory_space<vmem>>) semaphore(%run_scoped3A : memref<!tpu.dma_semaphore, #tpu.memory_space<semaphore_mem>>) {add = true}
        %dma_wait3A_304 = arith.constant 0 : i32
        %dma_wait3A_305 = arith.constant 0 : i32
        %dma_wait3A_306 = tpu.memref_slice %arg15[%dma_wait3A_304, %dma_wait3A_305] : memref<10240x128xf32, #tpu.memory_space<vmem_shared>> -> memref<10240x128xf32, #tpu.memory_space<vmem_shared>>
        tpu.wait_indirect_dma semaphore(%run_scoped3A : memref<!tpu.dma_semaphore, #tpu.memory_space<semaphore_mem>>) src(%arg12 : memref<80x128xf32, #tpu.memory_space<vmem>>) dst(%dma_wait3A_306 : memref<10240x128xf32, #tpu.memory_space<vmem_shared>>)
        tpu.yield
      }) : () -> ()
      %dma_wait3A_298 = arith.constant 0 : i32
      %dma_wait3A_299 = arith.constant 0 : i32
      %dma_wait3A_300 = tpu.memref_slice %arg2[%dma_wait3A_298, %dma_wait3A_299] : memref<10000x128xf32, #tpu.memory_space<hbm>> -> memref<10000x128xf32, #tpu.memory_space<hbm>>
      tpu.wait_indirect_dma semaphore(%arg17 : memref<!tpu.dma_semaphore, #tpu.memory_space<semaphore_mem>>) src(%dma_wait3A_300 : memref<10000x128xf32, #tpu.memory_space<hbm>>) dst(%arg13 : memref<80x128xf32, #tpu.memory_space<vmem>>)
      "tpu.region"() ({
        %run_scoped3A = tpu.sem_alloc : memref<!tpu.dma_semaphore, #tpu.memory_space<semaphore_mem>>
        %dma_start3A_301 = arith.constant 0 : i32
        %dma_start3A_302 = arith.constant 0 : i32
        %dma_start3A_303 = tpu.memref_slice %arg15[%dma_start3A_301, %dma_start3A_302] : memref<10240x128xf32, #tpu.memory_space<vmem_shared>> -> memref<10240x128xf32, #tpu.memory_space<vmem_shared>>
        tpu.enqueue_indirect_dma source(%arg13 : memref<80x128xf32, #tpu.memory_space<vmem>>) target(%dma_start3A_303 : memref<10240x128xf32, #tpu.memory_space<vmem_shared>>) offsets(%arg11 : memref<80xi32, #tpu.memory_space<vmem>>) semaphore(%run_scoped3A : memref<!tpu.dma_semaphore, #tpu.memory_space<semaphore_mem>>) {add = true}
        %dma_wait3A_304 = arith.constant 0 : i32
        %dma_wait3A_305 = arith.constant 0 : i32
        %dma_wait3A_306 = tpu.memref_slice %arg15[%dma_wait3A_304, %dma_wait3A_305] : memref<10240x128xf32, #tpu.memory_space<vmem_shared>> -> memref<10240x128xf32, #tpu.memory_space<vmem_shared>>
        tpu.wait_indirect_dma semaphore(%run_scoped3A : memref<!tpu.dma_semaphore, #tpu.memory_space<semaphore_mem>>) src(%arg13 : memref<80x128xf32, #tpu.memory_space<vmem>>) dst(%dma_wait3A_306 : memref<10240x128xf32, #tpu.memory_space<vmem_shared>>)
        tpu.yield
      }) : () -> ()
    }
    %scan3A_19 = arith.constant 62 : i32
    %get3A = arith.constant 9920 : index
    %get3A_20 = tpu.vector_load %arg6[%get3A] {strides = array<i32>} : memref<10000xi32, #tpu.memory_space<vmem>>, vector<16xi32>,
    %get3A_21 = vector.shape_cast %get3A_20 : vector<16xi32> to vector<16xi32>
    %swap3A = arith.constant 0 : index
    %swap3A_22 = tpu.vector_load %arg8[%swap3A] {strides = array<i32>} : memref<80xi32, #tpu.memory_space<vmem>>, vector<16xi32>,
    %swap3A_23 = vector.shape_cast %swap3A_22 : vector<16xi32> to vector<16xi32>
    %swap3A_24 = vector.shape_cast %get3A_21 : vector<16xi32> to vector<16xi32>
    tpu.vector_store %arg8[%swap3A], %swap3A_24 {strides = array<i32>} : memref<80xi32, #tpu.memory_space<vmem>>, vector<16xi32>,
    %get3A_25 = arith.constant 9920 : index
    %get3A_26 = tpu.vector_load %arg7[%get3A_25] {strides = array<i32>} : memref<10000xi32, #tpu.memory_space<vmem>>, vector<16xi32>,
    %get3A_27 = vector.shape_cast %get3A_26 : vector<16xi32> to vector<16xi32>
    %swap3A_28 = arith.constant 0 : index
    %swap3A_29 = tpu.vector_load %arg9[%swap3A_28] {strides = array<i32>} : memref<80xi32, #tpu.memory_space<vmem>>, vector<16xi32>,
    %swap3A_30 = vector.shape_cast %swap3A_29 : vector<16xi32> to vector<16xi32>
    %swap3A_31 = vector.shape_cast %get3A_27 : vector<16xi32> to vector<16xi32>
    tpu.vector_store %arg9[%swap3A_28], %swap3A_31 {strides = array<i32>} : memref<80xi32, #tpu.memory_space<vmem>>, vector<16xi32>,
    %get3A_32 = arith.constant 9936 : index
    %get3A_33 = tpu.vector_load %arg6[%get3A_32] {strides = array<i32>} : memref<10000xi32, #tpu.memory_space<vmem>>, vector<16xi32>,
    %get3A_34 = vector.shape_cast %get3A_33 : vector<16xi32> to vector<16xi32>
    %swap3A_35 = arith.constant 16 : index
    %swap3A_36 = tpu.vector_load %arg8[%swap3A_35] {strides = array<i32>} : memref<80xi32, #tpu.memory_space<vmem>>, vector<16xi32>,
    %swap3A_37 = vector.shape_cast %swap3A_36 : vector<16xi32> to vector<16xi32>
    %swap3A_38 = vector.shape_cast %get3A_34 : vector<16xi32> to vector<16xi32>
    tpu.vector_store %arg8[%swap3A_35], %swap3A_38 {strides = array<i32>} : memref<80xi32, #tpu.memory_space<vmem>>, vector<16xi32>,
    %get3A_39 = arith.constant 9936 : index
    %get3A_40 = tpu.vector_load %arg7[%get3A_39] {strides = array<i32>} : memref<10000xi32, #tpu.memory_space<vmem>>, vector<16xi32>,
    %get3A_41 = vector.shape_cast %get3A_40 : vector<16xi32> to vector<16xi32>
    %swap3A_42 = arith.constant 16 : index
    %swap3A_43 = tpu.vector_load %arg9[%swap3A_42] {strides = array<i32>} : memref<80xi32, #tpu.memory_space<vmem>>, vector<16xi32>,
    %swap3A_44 = vector.shape_cast %swap3A_43 : vector<16xi32> to vector<16xi32>
    %swap3A_45 = vector.shape_cast %get3A_41 : vector<16xi32> to vector<16xi32>
    tpu.vector_store %arg9[%swap3A_42], %swap3A_45 {strides = array<i32>} : memref<80xi32, #tpu.memory_space<vmem>>, vector<16xi32>,
    %get3A_46 = arith.constant 9952 : index
    %get3A_47 = tpu.vector_load %arg6[%get3A_46] {strides = array<i32>} : memref<10000xi32, #tpu.memory_space<vmem>>, vector<16xi32>,
    %get3A_48 = vector.shape_cast %get3A_47 : vector<16xi32> to vector<16xi32>
    %swap3A_49 = arith.constant 32 : index
    %swap3A_50 = tpu.vector_load %arg8[%swap3A_49] {strides = array<i32>} : memref<80xi32, #tpu.memory_space<vmem>>, vector<16xi32>,
    %swap3A_51 = vector.shape_cast %swap3A_50 : vector<16xi32> to vector<16xi32>
    %swap3A_52 = vector.shape_cast %get3A_48 : vector<16xi32> to vector<16xi32>
    tpu.vector_store %arg8[%swap3A_49], %swap3A_52 {strides = array<i32>} : memref<80xi32, #tpu.memory_space<vmem>>, vector<16xi32>,
    %get3A_53 = arith.constant 9952 : index
    %get3A_54 = tpu.vector_load %arg7[%get3A_53] {strides = array<i32>} : memref<10000xi32, #tpu.memory_space<vmem>>, vector<16xi32>,
    %get3A_55 = vector.shape_cast %get3A_54 : vector<16xi32> to vector<16xi32>
    %swap3A_56 = arith.constant 32 : index
    %swap3A_57 = tpu.vector_load %arg9[%swap3A_56] {strides = array<i32>} : memref<80xi32, #tpu.memory_space<vmem>>, vector<16xi32>,
    %swap3A_58 = vector.shape_cast %swap3A_57 : vector<16xi32> to vector<16xi32>
    %swap3A_59 = vector.shape_cast %get3A_55 : vector<16xi32> to vector<16xi32>
    tpu.vector_store %arg9[%swap3A_56], %swap3A_59 {strides = array<i32>} : memref<80xi32, #tpu.memory_space<vmem>>, vector<16xi32>,
    %get3A_60 = arith.constant 9968 : index
    %get3A_61 = tpu.vector_load %arg6[%get3A_60] {strides = array<i32>} : memref<10000xi32, #tpu.memory_space<vmem>>, vector<16xi32>,
    %get3A_62 = vector.shape_cast %get3A_61 : vector<16xi32> to vector<16xi32>
    %swap3A_63 = arith.constant 48 : index
    %swap3A_64 = tpu.vector_load %arg8[%swap3A_63] {strides = array<i32>} : memref<80xi32, #tpu.memory_space<vmem>>, vector<16xi32>,
    %swap3A_65 = vector.shape_cast %swap3A_64 : vector<16xi32> to vector<16xi32>
    %swap3A_66 = vector.shape_cast %get3A_62 : vector<16xi32> to vector<16xi32>
    tpu.vector_store %arg8[%swap3A_63], %swap3A_66 {strides = array<i32>} : memref<80xi32, #tpu.memory_space<vmem>>, vector<16xi32>,
    %get3A_67 = arith.constant 9968 : index
    %get3A_68 = tpu.vector_load %arg7[%get3A_67] {strides = array<i32>} : memref<10000xi32, #tpu.memory_space<vmem>>, vector<16xi32>,
    %get3A_69 = vector.shape_cast %get3A_68 : vector<16xi32> to vector<16xi32>
    %swap3A_70 = arith.constant 48 : index
    %swap3A_71 = tpu.vector_load %arg9[%swap3A_70] {strides = array<i32>} : memref<80xi32, #tpu.memory_space<vmem>>, vector<16xi32>,
    %swap3A_72 = vector.shape_cast %swap3A_71 : vector<16xi32> to vector<16xi32>
    %swap3A_73 = vector.shape_cast %get3A_69 : vector<16xi32> to vector<16xi32>
    tpu.vector_store %arg9[%swap3A_70], %swap3A_73 {strides = array<i32>} : memref<80xi32, #tpu.memory_space<vmem>>, vector<16xi32>,
    %get3A_74 = arith.constant 9984 : index
    %get3A_75 = tpu.vector_load %arg6[%get3A_74] {strides = array<i32>} : memref<10000xi32, #tpu.memory_space<vmem>>, vector<16xi32>,
    %get3A_76 = vector.shape_cast %get3A_75 : vector<16xi32> to vector<16xi32>
    %swap3A_77 = arith.constant 64 : index
    %swap3A_78 = tpu.vector_load %arg8[%swap3A_77] {strides = array<i32>} : memref<80xi32, #tpu.memory_space<vmem>>, vector<16xi32>,
    %swap3A_79 = vector.shape_cast %swap3A_78 : vector<16xi32> to vector<16xi32>
    %swap3A_80 = vector.shape_cast %get3A_76 : vector<16xi32> to vector<16xi32>
    tpu.vector_store %arg8[%swap3A_77], %swap3A_80 {strides = array<i32>} : memref<80xi32, #tpu.memory_space<vmem>>, vector<16xi32>,
    %get3A_81 = arith.constant 9984 : index
    %get3A_82 = tpu.vector_load %arg7[%get3A_81] {strides = array<i32>} : memref<10000xi32, #tpu.memory_space<vmem>>, vector<16xi32>,
    %get3A_83 = vector.shape_cast %get3A_82 : vector<16xi32> to vector<16xi32>
    %swap3A_84 = arith.constant 64 : index
    %swap3A_85 = tpu.vector_load %arg9[%swap3A_84] {strides = array<i32>} : memref<80xi32, #tpu.memory_space<vmem>>, vector<16xi32>,
    %swap3A_86 = vector.shape_cast %swap3A_85 : vector<16xi32> to vector<16xi32>
    %swap3A_87 = vector.shape_cast %get3A_83 : vector<16xi32> to vector<16xi32>
    tpu.vector_store %arg9[%swap3A_84], %swap3A_87 {strides = array<i32>} : memref<80xi32, #tpu.memory_space<vmem>>, vector<16xi32>,
    %dma_start3A = arith.constant 0 : i32
    %dma_start3A_88 = arith.constant 0 : i32
    %dma_start3A_89 = tpu.memref_slice %arg2[%dma_start3A, %dma_start3A_88] : memref<10000x128xf32, #tpu.memory_space<hbm>> -> memref<10000x128xf32, #tpu.memory_space<hbm>>
    tpu.enqueue_indirect_dma source(%dma_start3A_89 : memref<10000x128xf32, #tpu.memory_space<hbm>>) target(%arg12 : memref<80x128xf32, #tpu.memory_space<vmem>>) offsets(%arg8 : memref<80xi32, #tpu.memory_space<vmem>>) semaphore(%arg16 : memref<!tpu.dma_semaphore, #tpu.memory_space<semaphore_mem>>)
    %dma_wait3A = arith.constant 0 : i32
    %dma_wait3A_90 = arith.constant 0 : i32
    %dma_wait3A_91 = tpu.memref_slice %arg2[%dma_wait3A, %dma_wait3A_90] : memref<10000x128xf32, #tpu.memory_space<hbm>> -> memref<10000x128xf32, #tpu.memory_space<hbm>>
    tpu.wait_indirect_dma semaphore(%arg16 : memref<!tpu.dma_semaphore, #tpu.memory_space<semaphore_mem>>) src(%dma_wait3A_91 : memref<10000x128xf32, #tpu.memory_space<hbm>>) dst(%arg12 : memref<80x128xf32, #tpu.memory_space<vmem>>)
    "tpu.region"() ({
      %run_scoped3A = tpu.sem_alloc : memref<!tpu.dma_semaphore, #tpu.memory_space<semaphore_mem>>
      %dma_start3A_100 = arith.constant 0 : i32
      %dma_start3A_101 = arith.constant 0 : i32
      %dma_start3A_102 = tpu.memref_slice %arg15[%dma_start3A_100, %dma_start3A_101] : memref<10240x128xf32, #tpu.memory_space<vmem_shared>> -> memref<10240x128xf32, #tpu.memory_space<vmem_shared>>
      tpu.enqueue_indirect_dma source(%arg12 : memref<80x128xf32, #tpu.memory_space<vmem>>) target(%dma_start3A_102 : memref<10240x128xf32, #tpu.memory_space<vmem_shared>>) offsets(%arg9 : memref<80xi32, #tpu.memory_space<vmem>>) semaphore(%run_scoped3A : memref<!tpu.dma_semaphore, #tpu.memory_space<semaphore_mem>>) {add = true}
      %dma_wait3A_103 = arith.constant 0 : i32
      %dma_wait3A_104 = arith.constant 0 : i32
      %dma_wait3A_105 = tpu.memref_slice %arg15[%dma_wait3A_103, %dma_wait3A_104] : memref<10240x128xf32, #tpu.memory_space<vmem_shared>> -> memref<10240x128xf32, #tpu.memory_space<vmem_shared>>
      tpu.wait_indirect_dma semaphore(%run_scoped3A : memref<!tpu.dma_semaphore, #tpu.memory_space<semaphore_mem>>) src(%arg12 : memref<80x128xf32, #tpu.memory_space<vmem>>) dst(%dma_wait3A_105 : memref<10240x128xf32, #tpu.memory_space<vmem_shared>>)
      tpu.yield
    }) : () -> ()
    %barrier3A_92 = arith.constant 0 : index
    tpu.barrier barrier_id(%barrier3A_92)
    %mul3A_93 = arith.constant 640 : i32
    %mul3A_94 = arith.muli %arg1, %mul3A_93 : i32
    %mul3A_95 = arith.constant 10240 : i32
    %mul3A_96 = arith.muli %arg0, %mul3A_95 : i32
    %mul3A_97 = arith.constant 640 : i32
    %mul3A_98 = arith.muli %arg1, %mul3A_97 : i32
    %add3A_99 = arith.addi %mul3A_96, %mul3A_98 : i32
    "tpu.region"() ({
      %run_scoped3A = tpu.sem_alloc : memref<!tpu.dma_semaphore, #tpu.memory_space<semaphore_mem>>
      %dma_start3A_100 = arith.constant 0 : i32
      %dma_start3A_101 = tpu.memref_slice %arg5[%add3A_99, %dma_start3A_100] : memref<20480x128xf32, #tpu.memory_space<hbm>> -> memref<640x128xf32, #tpu.memory_space<hbm>>
      %dma_start3A_102 = arith.constant 0 : i32
      %dma_start3A_103 = tpu.memref_slice %arg15[%mul3A_94, %dma_start3A_102] : memref<10240x128xf32, #tpu.memory_space<vmem_shared>> -> memref<640x128xf32, #tpu.memory_space<vmem_shared>>
      tpu.enqueue_dma source(%dma_start3A_103 : memref<640x128xf32, #tpu.memory_space<vmem_shared>>) target(%dma_start3A_101 : memref<640x128xf32, #tpu.memory_space<hbm>>) target_semaphore(%run_scoped3A : memref<!tpu.dma_semaphore, #tpu.memory_space<semaphore_mem>>)
      %dma_wait3A_104 = arith.constant 0 : i32
      %dma_wait3A_105 = tpu.memref_slice %arg5[%add3A_99, %dma_wait3A_104] : memref<20480x128xf32, #tpu.memory_space<hbm>> -> memref<640x128xf32, #tpu.memory_space<hbm>>
      %dma_wait3A_106 = arith.constant 0 : i32
      %dma_wait3A_107 = tpu.memref_slice %arg15[%mul3A_94, %dma_wait3A_106] : memref<10240x128xf32, #tpu.memory_space<vmem_shared>> -> memref<640x128xf32, #tpu.memory_space<vmem_shared>>
      tpu.wait_dma2 semaphore(%run_scoped3A : memref<!tpu.dma_semaphore, #tpu.memory_space<semaphore_mem>>) src(%dma_wait3A_107 : memref<640x128xf32, #tpu.memory_space<vmem_shared>>) dst(%dma_wait3A_105 : memref<640x128xf32, #tpu.memory_space<hbm>>)
      tpu.yield
    }) : () -> ()
    return
  }
}

#map = affine_map<(d0, d1) -> (0, 0)>
#map1 = affine_map<(d0, d1) -> (0)>
module attributes {stable_mosaic.version = 14 : i64} {
  func.func @_seg_body(%arg0: i32, %arg1: i32, %arg2: memref<10000x128xf32, #tpu.memory_space<hbm>>, %arg3: memref<320000xi32, #tpu.memory_space<hbm>>, %arg4: memref<320000xi32, #tpu.memory_space<hbm>>, %arg5: memref<20480x128xf32, #tpu.memory_space<hbm>>, %arg6: memref<10000xi32, #tpu.memory_space<vmem>>, %arg7: memref<10000xi32, #tpu.memory_space<vmem>>, %arg8: memref<80xi32, #tpu.memory_space<vmem>>, %arg9: memref<80xi32, #tpu.memory_space<vmem>>, %arg10: memref<80xi32, #tpu.memory_space<vmem>>, %arg11: memref<80xi32, #tpu.memory_space<vmem>>, %arg12: memref<80x128xf32, #tpu.memory_space<vmem>>, %arg13: memref<80x128xf32, #tpu.memory_space<vmem>>, %arg14: memref<32x128xf32, #tpu.memory_space<vmem>>, %arg15: memref<10240x128xf32, #tpu.memory_space<vmem_shared>>, %arg16: memref<!tpu.dma_semaphore, #tpu.memory_space<semaphore_mem>>, %arg17: memref<!tpu.dma_semaphore, #tpu.memory_space<semaphore_mem>>) attributes {dimension_semantics = [#tpu.dimension_semantics<core_parallel>, #tpu.dimension_semantics<subcore_parallel>], iteration_bounds = array<i64: 2, 16>, scalar_prefetch = 0 : i64, scratch_operands = 12 : i64, tpu.core_type = #tpu.core_type<sc_vector_subcore>, window_params = [{transform_indices = #map}, {transform_indices = #map1}, {transform_indices = #map1}, {transform_indices = #map}]} {
    %scan3A = arith.constant 0 : i32
    %scan3A_0 = arith.constant 0 : i32
    %scan3A_1 = arith.constant 256 : i32
    %scan3A_2 = arith.addi %scan3A_0, %scan3A_1 : i32
    %scan3A_3 = arith.constant 1 : i32
    scf.for %scan3A_100 = %scan3A_0 to %scan3A_2 step %scan3A_3  : i32 {
      %jit3A = arith.constant 8 : i32
      %div3A = arith.divsi %scan3A_100, %jit3A : i32
      %sign3A = arith.constant 0 : i32
      %sign3A_101 = arith.cmpi sgt, %scan3A_100, %sign3A : i32
      %sign3A_102 = arith.extui %sign3A_101 : i1 to i32
      %sign3A_103 = arith.constant 0 : i32
      %sign3A_104 = arith.cmpi slt, %scan3A_100, %sign3A_103 : i32
      %sign3A_105 = arith.extui %sign3A_104 : i1 to i32
      %sign3A_106 = arith.subi %sign3A_102, %sign3A_105 : i32
      %sign3A_107 = arith.constant 0 : i32
      %sign3A_108 = arith.cmpi sgt, %jit3A, %sign3A_107 : i32
      %sign3A_109 = arith.extui %sign3A_108 : i1 to i32
      %sign3A_110 = arith.constant 0 : i32
      %sign3A_111 = arith.cmpi slt, %jit3A, %sign3A_110 : i32
      %sign3A_112 = arith.extui %sign3A_111 : i1 to i32
      %sign3A_113 = arith.subi %sign3A_109, %sign3A_112 : i32
      %ne3A = arith.cmpi ne, %sign3A_106, %sign3A_113 : i32
      %rem3A = arith.remsi %scan3A_100, %jit3A : i32
      %ne3A_114 = arith.constant 0 : i32
      %ne3A_115 = arith.cmpi ne, %rem3A, %ne3A_114 : i32
      %and3A = arith.andi %ne3A, %ne3A_115 : i1
      %sub3A = arith.constant 1 : i32
      %sub3A_116 = arith.subi %div3A, %sub3A : i32
      %select_n3A = arith.select %and3A, %sub3A_116, %div3A : i32
      %mul3A_117 = arith.constant 8 : i32
      %mul3A_118 = arith.muli %select_n3A, %mul3A_117 : i32
      %sub3A_119 = arith.subi %scan3A_100, %mul3A_118 : i32
      %broadcast_in_dim3A = arith.constant 0.000000e+00 : f32
      %broadcast_in_dim3A_120 = vector.broadcast %broadcast_in_dim3A : f32 to vector<16xf32>
      %mul3A_121 = arith.constant 16 : i32
      %mul3A_122 = arith.muli %sub3A_119, %mul3A_121 : i32
      %swap3A_123 = arith.index_cast %select_n3A : i32 to index
      %swap3A_124 = arith.index_cast %mul3A_122 : i32 to index
      %swap3A_125 = tpu.vector_load %arg14[%swap3A_123, %swap3A_124] {strides = array<i32>} : memref<32x128xf32, #tpu.memory_space<vmem>>, vector<1x16xf32>,
      %swap3A_126 = vector.shape_cast %swap3A_125 : vector<1x16xf32> to vector<16xf32>
      %swap3A_127 = vector.shape_cast %broadcast_in_dim3A_120 : vector<16xf32> to vector<1x16xf32>
      tpu.vector_store %arg14[%swap3A_123, %swap3A_124], %swap3A_127 {strides = array<i32>} : memref<32x128xf32, #tpu.memory_space<vmem>>, vector<1x16xf32>,
    }
    %scan3A_4 = arith.constant 256 : i32
    %scan3A_5 = arith.constant 0 : i32
    %scan3A_6 = arith.constant 0 : i32
    %scan3A_7 = arith.constant 20 : i32
    %scan3A_8 = arith.addi %scan3A_6, %scan3A_7 : i32
    %scan3A_9 = arith.constant 1 : i32
    scf.for %scan3A_100 = %scan3A_6 to %scan3A_8 step %scan3A_9  : i32 {
      %mul3A_101 = arith.constant 640 : i32
      %mul3A_102 = arith.muli %arg1, %mul3A_101 : i32
      %mul3A_103 = arith.constant 32 : i32
      %mul3A_104 = arith.muli %scan3A_100, %mul3A_103 : i32
      %add3A_105 = arith.addi %mul3A_102, %mul3A_104 : i32
      "tpu.region"() ({
        %run_scoped3A = tpu.sem_alloc : memref<!tpu.dma_semaphore, #tpu.memory_space<semaphore_mem>>
        %dma_start3A_106 = arith.constant 0 : i32
        %dma_start3A_107 = tpu.memref_slice %arg15[%add3A_105, %dma_start3A_106] : memref<10240x128xf32, #tpu.memory_space<vmem_shared>> -> memref<32x128xf32, #tpu.memory_space<vmem_shared>>
        %dma_start3A_108 = arith.constant 0 : i32
        %dma_start3A_109 = tpu.memref_slice %arg15[%add3A_105, %dma_start3A_108] : memref<10240x128xf32, #tpu.memory_space<vmem_shared>> -> memref<32x128xf32, #tpu.memory_space<vmem_shared>>
        tpu.enqueue_dma source(%arg14 : memref<32x128xf32, #tpu.memory_space<vmem>>) target(%dma_start3A_109 : memref<32x128xf32, #tpu.memory_space<vmem_shared>>) target_semaphore(%run_scoped3A : memref<!tpu.dma_semaphore, #tpu.memory_space<semaphore_mem>>)
        %dma_wait3A_110 = arith.constant 0 : i32
        %dma_wait3A_111 = tpu.memref_slice %arg15[%add3A_105, %dma_wait3A_110] : memref<10240x128xf32, #tpu.memory_space<vmem_shared>> -> memref<32x128xf32, #tpu.memory_space<vmem_shared>>
        %dma_wait3A_112 = arith.constant 0 : i32
        %dma_wait3A_113 = tpu.memref_slice %arg15[%add3A_105, %dma_wait3A_112] : memref<10240x128xf32, #tpu.memory_space<vmem_shared>> -> memref<32x128xf32, #tpu.memory_space<vmem_shared>>
        tpu.wait_dma2 semaphore(%run_scoped3A : memref<!tpu.dma_semaphore, #tpu.memory_space<semaphore_mem>>) src(%arg14 : memref<32x128xf32, #tpu.memory_space<vmem>>) dst(%dma_wait3A_113 : memref<32x128xf32, #tpu.memory_space<vmem_shared>>)
        tpu.yield
      }) : () -> ()
    }
    %scan3A_10 = arith.constant 20 : i32
    %barrier3A = arith.constant 0 : index
    tpu.barrier barrier_id(%barrier3A)
    %mul3A = arith.constant 16 : i32
    %mul3A_11 = arith.muli %arg0, %mul3A : i32
    %add3A = arith.addi %mul3A_11, %arg1 : i32
    %mul3A_12 = arith.constant 10000 : i32
    %mul3A_13 = arith.muli %add3A, %mul3A_12 : i32
    "tpu.region"() ({
      %run_scoped3A = tpu.sem_alloc : memref<!tpu.dma_semaphore, #tpu.memory_space<semaphore_mem>>
      %dma_start3A_100 = tpu.memref_slice %arg3[%mul3A_13] : memref<320000xi32, #tpu.memory_space<hbm>> -> memref<10000xi32, #tpu.memory_space<hbm>>
      %dma_start3A_101 = tpu.memref_slice %arg3[%mul3A_13] : memref<320000xi32, #tpu.memory_space<hbm>> -> memref<10000xi32, #tpu.memory_space<hbm>>
      tpu.enqueue_dma source(%dma_start3A_101 : memref<10000xi32, #tpu.memory_space<hbm>>) target(%arg6 : memref<10000xi32, #tpu.memory_space<vmem>>) target_semaphore(%run_scoped3A : memref<!tpu.dma_semaphore, #tpu.memory_space<semaphore_mem>>)
      %dma_wait3A_102 = tpu.memref_slice %arg3[%mul3A_13] : memref<320000xi32, #tpu.memory_space<hbm>> -> memref<10000xi32, #tpu.memory_space<hbm>>
      %dma_wait3A_103 = tpu.memref_slice %arg3[%mul3A_13] : memref<320000xi32, #tpu.memory_space<hbm>> -> memref<10000xi32, #tpu.memory_space<hbm>>
      tpu.wait_dma2 semaphore(%run_scoped3A : memref<!tpu.dma_semaphore, #tpu.memory_space<semaphore_mem>>) src(%dma_wait3A_103 : memref<10000xi32, #tpu.memory_space<hbm>>) dst(%arg6 : memref<10000xi32, #tpu.memory_space<vmem>>)
      tpu.yield
    }) : () -> ()
    "tpu.region"() ({
      %run_scoped3A = tpu.sem_alloc : memref<!tpu.dma_semaphore, #tpu.memory_space<semaphore_mem>>
      %dma_start3A_100 = tpu.memref_slice %arg4[%mul3A_13] : memref<320000xi32, #tpu.memory_space<hbm>> -> memref<10000xi32, #tpu.memory_space<hbm>>
      %dma_start3A_101 = tpu.memref_slice %arg4[%mul3A_13] : memref<320000xi32, #tpu.memory_space<hbm>> -> memref<10000xi32, #tpu.memory_space<hbm>>
      tpu.enqueue_dma source(%dma_start3A_101 : memref<10000xi32, #tpu.memory_space<hbm>>) target(%arg7 : memref<10000xi32, #tpu.memory_space<vmem>>) target_semaphore(%run_scoped3A : memref<!tpu.dma_semaphore, #tpu.memory_space<semaphore_mem>>)
      %dma_wait3A_102 = tpu.memref_slice %arg4[%mul3A_13] : memref<320000xi32, #tpu.memory_space<hbm>> -> memref<10000xi32, #tpu.memory_space<hbm>>
      %dma_wait3A_103 = tpu.memref_slice %arg4[%mul3A_13] : memref<320000xi32, #tpu.memory_space<hbm>> -> memref<10000xi32, #tpu.memory_space<hbm>>
      tpu.wait_dma2 semaphore(%run_scoped3A : memref<!tpu.dma_semaphore, #tpu.memory_space<semaphore_mem>>) src(%dma_wait3A_103 : memref<10000xi32, #tpu.memory_space<hbm>>) dst(%arg7 : memref<10000xi32, #tpu.memory_space<vmem>>)
      tpu.yield
    }) : () -> ()
    %scan3A_14 = arith.constant 0 : i32
    %scan3A_15 = arith.constant 0 : i32
    %scan3A_16 = arith.constant 62 : i32
    %scan3A_17 = arith.addi %scan3A_15, %scan3A_16 : i32
    %scan3A_18 = arith.constant 1 : i32
    scf.for %scan3A_100 = %scan3A_15 to %scan3A_17 step %scan3A_18  : i32 {
      %mul3A_101 = arith.constant 2 : i32
      %mul3A_102 = arith.muli %scan3A_100, %mul3A_101 : i32
      %mul3A_103 = arith.constant 80 : i32
      %mul3A_104 = arith.muli %mul3A_102, %mul3A_103 : i32
      %add3A_105 = arith.constant 0 : i32
      %add3A_106 = arith.addi %mul3A_104, %add3A_105 : i32
      %get3A_107 = arith.index_cast %add3A_106 : i32 to index
      %get3A_108 = tpu.vector_load %arg6[%get3A_107] {strides = array<i32>} : memref<10000xi32, #tpu.memory_space<vmem>>, vector<16xi32>,
      %get3A_109 = vector.shape_cast %get3A_108 : vector<16xi32> to vector<16xi32>
      %swap3A_110 = arith.constant 0 : index
      %swap3A_111 = tpu.vector_load %arg8[%swap3A_110] {strides = array<i32>} : memref<80xi32, #tpu.memory_space<vmem>>, vector<16xi32>,
      %swap3A_112 = vector.shape_cast %swap3A_111 : vector<16xi32> to vector<16xi32>
      %swap3A_113 = vector.shape_cast %get3A_109 : vector<16xi32> to vector<16xi32>
      tpu.vector_store %arg8[%swap3A_110], %swap3A_113 {strides = array<i32>} : memref<80xi32, #tpu.memory_space<vmem>>, vector<16xi32>,
      %add3A_114 = arith.constant 0 : i32
      %add3A_115 = arith.addi %mul3A_104, %add3A_114 : i32
      %get3A_116 = arith.index_cast %add3A_115 : i32 to index
      %get3A_117 = tpu.vector_load %arg7[%get3A_116] {strides = array<i32>} : memref<10000xi32, #tpu.memory_space<vmem>>, vector<16xi32>,
      %get3A_118 = vector.shape_cast %get3A_117 : vector<16xi32> to vector<16xi32>
      %swap3A_119 = arith.constant 0 : index
      %swap3A_120 = tpu.vector_load %arg9[%swap3A_119] {strides = array<i32>} : memref<80xi32, #tpu.memory_space<vmem>>, vector<16xi32>,
      %swap3A_121 = vector.shape_cast %swap3A_120 : vector<16xi32> to vector<16xi32>
      %swap3A_122 = vector.shape_cast %get3A_118 : vector<16xi32> to vector<16xi32>
      tpu.vector_store %arg9[%swap3A_119], %swap3A_122 {strides = array<i32>} : memref<80xi32, #tpu.memory_space<vmem>>, vector<16xi32>,
      %add3A_123 = arith.constant 16 : i32
      %add3A_124 = arith.addi %mul3A_104, %add3A_123 : i32
      %get3A_125 = arith.index_cast %add3A_124 : i32 to index
      %get3A_126 = tpu.vector_load %arg6[%get3A_125] {strides = array<i32>} : memref<10000xi32, #tpu.memory_space<vmem>>, vector<16xi32>,
      %get3A_127 = vector.shape_cast %get3A_126 : vector<16xi32> to vector<16xi32>
      %swap3A_128 = arith.constant 16 : index
      %swap3A_129 = tpu.vector_load %arg8[%swap3A_128] {strides = array<i32>} : memref<80xi32, #tpu.memory_space<vmem>>, vector<16xi32>,
      %swap3A_130 = vector.shape_cast %swap3A_129 : vector<16xi32> to vector<16xi32>
      %swap3A_131 = vector.shape_cast %get3A_127 : vector<16xi32> to vector<16xi32>
      tpu.vector_store %arg8[%swap3A_128], %swap3A_131 {strides = array<i32>} : memref<80xi32, #tpu.memory_space<vmem>>, vector<16xi32>,
      %add3A_132 = arith.constant 16 : i32
      %add3A_133 = arith.addi %mul3A_104, %add3A_132 : i32
      %get3A_134 = arith.index_cast %add3A_133 : i32 to index
      %get3A_135 = tpu.vector_load %arg7[%get3A_134] {strides = array<i32>} : memref<10000xi32, #tpu.memory_space<vmem>>, vector<16xi32>,
      %get3A_136 = vector.shape_cast %get3A_135 : vector<16xi32> to vector<16xi32>
      %swap3A_137 = arith.constant 16 : index
      %swap3A_138 = tpu.vector_load %arg9[%swap3A_137] {strides = array<i32>} : memref<80xi32, #tpu.memory_space<vmem>>, vector<16xi32>,
      %swap3A_139 = vector.shape_cast %swap3A_138 : vector<16xi32> to vector<16xi32>
      %swap3A_140 = vector.shape_cast %get3A_136 : vector<16xi32> to vector<16xi32>
      tpu.vector_store %arg9[%swap3A_137], %swap3A_140 {strides = array<i32>} : memref<80xi32, #tpu.memory_space<vmem>>, vector<16xi32>,
      %add3A_141 = arith.constant 32 : i32
      %add3A_142 = arith.addi %mul3A_104, %add3A_141 : i32
      %get3A_143 = arith.index_cast %add3A_142 : i32 to index
      %get3A_144 = tpu.vector_load %arg6[%get3A_143] {strides = array<i32>} : memref<10000xi32, #tpu.memory_space<vmem>>, vector<16xi32>,
      %get3A_145 = vector.shape_cast %get3A_144 : vector<16xi32> to vector<16xi32>
      %swap3A_146 = arith.constant 32 : index
      %swap3A_147 = tpu.vector_load %arg8[%swap3A_146] {strides = array<i32>} : memref<80xi32, #tpu.memory_space<vmem>>, vector<16xi32>,
      %swap3A_148 = vector.shape_cast %swap3A_147 : vector<16xi32> to vector<16xi32>
      %swap3A_149 = vector.shape_cast %get3A_145 : vector<16xi32> to vector<16xi32>
      tpu.vector_store %arg8[%swap3A_146], %swap3A_149 {strides = array<i32>} : memref<80xi32, #tpu.memory_space<vmem>>, vector<16xi32>,
      %add3A_150 = arith.constant 32 : i32
      %add3A_151 = arith.addi %mul3A_104, %add3A_150 : i32
      %get3A_152 = arith.index_cast %add3A_151 : i32 to index
      %get3A_153 = tpu.vector_load %arg7[%get3A_152] {strides = array<i32>} : memref<10000xi32, #tpu.memory_space<vmem>>, vector<16xi32>,
      %get3A_154 = vector.shape_cast %get3A_153 : vector<16xi32> to vector<16xi32>
      %swap3A_155 = arith.constant 32 : index
      %swap3A_156 = tpu.vector_load %arg9[%swap3A_155] {strides = array<i32>} : memref<80xi32, #tpu.memory_space<vmem>>, vector<16xi32>,
      %swap3A_157 = vector.shape_cast %swap3A_156 : vector<16xi32> to vector<16xi32>
      %swap3A_158 = vector.shape_cast %get3A_154 : vector<16xi32> to vector<16xi32>
      tpu.vector_store %arg9[%swap3A_155], %swap3A_158 {strides = array<i32>} : memref<80xi32, #tpu.memory_space<vmem>>, vector<16xi32>,
      %add3A_159 = arith.constant 48 : i32
      %add3A_160 = arith.addi %mul3A_104, %add3A_159 : i32
      %get3A_161 = arith.index_cast %add3A_160 : i32 to index
      %get3A_162 = tpu.vector_load %arg6[%get3A_161] {strides = array<i32>} : memref<10000xi32, #tpu.memory_space<vmem>>, vector<16xi32>,
      %get3A_163 = vector.shape_cast %get3A_162 : vector<16xi32> to vector<16xi32>
      %swap3A_164 = arith.constant 48 : index
      %swap3A_165 = tpu.vector_load %arg8[%swap3A_164] {strides = array<i32>} : memref<80xi32, #tpu.memory_space<vmem>>, vector<16xi32>,
      %swap3A_166 = vector.shape_cast %swap3A_165 : vector<16xi32> to vector<16xi32>
      %swap3A_167 = vector.shape_cast %get3A_163 : vector<16xi32> to vector<16xi32>
      tpu.vector_store %arg8[%swap3A_164], %swap3A_167 {strides = array<i32>} : memref<80xi32, #tpu.memory_space<vmem>>, vector<16xi32>,
      %add3A_168 = arith.constant 48 : i32
      %add3A_169 = arith.addi %mul3A_104, %add3A_168 : i32
      %get3A_170 = arith.index_cast %add3A_169 : i32 to index
      %get3A_171 = tpu.vector_load %arg7[%get3A_170] {strides = array<i32>} : memref<10000xi32, #tpu.memory_space<vmem>>, vector<16xi32>,
      %get3A_172 = vector.shape_cast %get3A_171 : vector<16xi32> to vector<16xi32>
      %swap3A_173 = arith.constant 48 : index
      %swap3A_174 = tpu.vector_load %arg9[%swap3A_173] {strides = array<i32>} : memref<80xi32, #tpu.memory_space<vmem>>, vector<16xi32>,
      %swap3A_175 = vector.shape_cast %swap3A_174 : vector<16xi32> to vector<16xi32>
      %swap3A_176 = vector.shape_cast %get3A_172 : vector<16xi32> to vector<16xi32>
      tpu.vector_store %arg9[%swap3A_173], %swap3A_176 {strides = array<i32>} : memref<80xi32, #tpu.memory_space<vmem>>, vector<16xi32>,
      %add3A_177 = arith.constant 64 : i32
      %add3A_178 = arith.addi %mul3A_104, %add3A_177 : i32
      %get3A_179 = arith.index_cast %add3A_178 : i32 to index
      %get3A_180 = tpu.vector_load %arg6[%get3A_179] {strides = array<i32>} : memref<10000xi32, #tpu.memory_space<vmem>>, vector<16xi32>,
      %get3A_181 = vector.shape_cast %get3A_180 : vector<16xi32> to vector<16xi32>
      %swap3A_182 = arith.constant 64 : index
      %swap3A_183 = tpu.vector_load %arg8[%swap3A_182] {strides = array<i32>} : memref<80xi32, #tpu.memory_space<vmem>>, vector<16xi32>,
      %swap3A_184 = vector.shape_cast %swap3A_183 : vector<16xi32> to vector<16xi32>
      %swap3A_185 = vector.shape_cast %get3A_181 : vector<16xi32> to vector<16xi32>
      tpu.vector_store %arg8[%swap3A_182], %swap3A_185 {strides = array<i32>} : memref<80xi32, #tpu.memory_space<vmem>>, vector<16xi32>,
      %add3A_186 = arith.constant 64 : i32
      %add3A_187 = arith.addi %mul3A_104, %add3A_186 : i32
      %get3A_188 = arith.index_cast %add3A_187 : i32 to index
      %get3A_189 = tpu.vector_load %arg7[%get3A_188] {strides = array<i32>} : memref<10000xi32, #tpu.memory_space<vmem>>, vector<16xi32>,
      %get3A_190 = vector.shape_cast %get3A_189 : vector<16xi32> to vector<16xi32>
      %swap3A_191 = arith.constant 64 : index
      %swap3A_192 = tpu.vector_load %arg9[%swap3A_191] {strides = array<i32>} : memref<80xi32, #tpu.memory_space<vmem>>, vector<16xi32>,
      %swap3A_193 = vector.shape_cast %swap3A_192 : vector<16xi32> to vector<16xi32>
      %swap3A_194 = vector.shape_cast %get3A_190 : vector<16xi32> to vector<16xi32>
      tpu.vector_store %arg9[%swap3A_191], %swap3A_194 {strides = array<i32>} : memref<80xi32, #tpu.memory_space<vmem>>, vector<16xi32>,
      %dma_start3A_195 = arith.constant 0 : i32
      %dma_start3A_196 = arith.constant 0 : i32
      %dma_start3A_197 = tpu.memref_slice %arg2[%dma_start3A_195, %dma_start3A_196] : memref<10000x128xf32, #tpu.memory_space<hbm>> -> memref<10000x128xf32, #tpu.memory_space<hbm>>
      tpu.enqueue_indirect_dma source(%dma_start3A_197 : memref<10000x128xf32, #tpu.memory_space<hbm>>) target(%arg12 : memref<80x128xf32, #tpu.memory_space<vmem>>) offsets(%arg8 : memref<80xi32, #tpu.memory_space<vmem>>) semaphore(%arg16 : memref<!tpu.dma_semaphore, #tpu.memory_space<semaphore_mem>>)
      %add3A_198 = arith.constant 1 : i32
      %add3A_199 = arith.addi %mul3A_102, %add3A_198 : i32
      %mul3A_200 = arith.constant 80 : i32
      %mul3A_201 = arith.muli %add3A_199, %mul3A_200 : i32
      %add3A_202 = arith.constant 0 : i32
      %add3A_203 = arith.addi %mul3A_201, %add3A_202 : i32
      %get3A_204 = arith.index_cast %add3A_203 : i32 to index
      %get3A_205 = tpu.vector_load %arg6[%get3A_204] {strides = array<i32>} : memref<10000xi32, #tpu.memory_space<vmem>>, vector<16xi32>,
      %get3A_206 = vector.shape_cast %get3A_205 : vector<16xi32> to vector<16xi32>
      %swap3A_207 = arith.constant 0 : index
      %swap3A_208 = tpu.vector_load %arg10[%swap3A_207] {strides = array<i32>} : memref<80xi32, #tpu.memory_space<vmem>>, vector<16xi32>,
      %swap3A_209 = vector.shape_cast %swap3A_208 : vector<16xi32> to vector<16xi32>
      %swap3A_210 = vector.shape_cast %get3A_206 : vector<16xi32> to vector<16xi32>
      tpu.vector_store %arg10[%swap3A_207], %swap3A_210 {strides = array<i32>} : memref<80xi32, #tpu.memory_space<vmem>>, vector<16xi32>,
      %add3A_211 = arith.constant 0 : i32
      %add3A_212 = arith.addi %mul3A_201, %add3A_211 : i32
      %get3A_213 = arith.index_cast %add3A_212 : i32 to index
      %get3A_214 = tpu.vector_load %arg7[%get3A_213] {strides = array<i32>} : memref<10000xi32, #tpu.memory_space<vmem>>, vector<16xi32>,
      %get3A_215 = vector.shape_cast %get3A_214 : vector<16xi32> to vector<16xi32>
      %swap3A_216 = arith.constant 0 : index
      %swap3A_217 = tpu.vector_load %arg11[%swap3A_216] {strides = array<i32>} : memref<80xi32, #tpu.memory_space<vmem>>, vector<16xi32>,
      %swap3A_218 = vector.shape_cast %swap3A_217 : vector<16xi32> to vector<16xi32>
      %swap3A_219 = vector.shape_cast %get3A_215 : vector<16xi32> to vector<16xi32>
      tpu.vector_store %arg11[%swap3A_216], %swap3A_219 {strides = array<i32>} : memref<80xi32, #tpu.memory_space<vmem>>, vector<16xi32>,
      %add3A_220 = arith.constant 16 : i32
      %add3A_221 = arith.addi %mul3A_201, %add3A_220 : i32
      %get3A_222 = arith.index_cast %add3A_221 : i32 to index
      %get3A_223 = tpu.vector_load %arg6[%get3A_222] {strides = array<i32>} : memref<10000xi32, #tpu.memory_space<vmem>>, vector<16xi32>,
      %get3A_224 = vector.shape_cast %get3A_223 : vector<16xi32> to vector<16xi32>
      %swap3A_225 = arith.constant 16 : index
      %swap3A_226 = tpu.vector_load %arg10[%swap3A_225] {strides = array<i32>} : memref<80xi32, #tpu.memory_space<vmem>>, vector<16xi32>,
      %swap3A_227 = vector.shape_cast %swap3A_226 : vector<16xi32> to vector<16xi32>
      %swap3A_228 = vector.shape_cast %get3A_224 : vector<16xi32> to vector<16xi32>
      tpu.vector_store %arg10[%swap3A_225], %swap3A_228 {strides = array<i32>} : memref<80xi32, #tpu.memory_space<vmem>>, vector<16xi32>,
      %add3A_229 = arith.constant 16 : i32
      %add3A_230 = arith.addi %mul3A_201, %add3A_229 : i32
      %get3A_231 = arith.index_cast %add3A_230 : i32 to index
      %get3A_232 = tpu.vector_load %arg7[%get3A_231] {strides = array<i32>} : memref<10000xi32, #tpu.memory_space<vmem>>, vector<16xi32>,
      %get3A_233 = vector.shape_cast %get3A_232 : vector<16xi32> to vector<16xi32>
      %swap3A_234 = arith.constant 16 : index
      %swap3A_235 = tpu.vector_load %arg11[%swap3A_234] {strides = array<i32>} : memref<80xi32, #tpu.memory_space<vmem>>, vector<16xi32>,
      %swap3A_236 = vector.shape_cast %swap3A_235 : vector<16xi32> to vector<16xi32>
      %swap3A_237 = vector.shape_cast %get3A_233 : vector<16xi32> to vector<16xi32>
      tpu.vector_store %arg11[%swap3A_234], %swap3A_237 {strides = array<i32>} : memref<80xi32, #tpu.memory_space<vmem>>, vector<16xi32>,
      %add3A_238 = arith.constant 32 : i32
      %add3A_239 = arith.addi %mul3A_201, %add3A_238 : i32
      %get3A_240 = arith.index_cast %add3A_239 : i32 to index
      %get3A_241 = tpu.vector_load %arg6[%get3A_240] {strides = array<i32>} : memref<10000xi32, #tpu.memory_space<vmem>>, vector<16xi32>,
      %get3A_242 = vector.shape_cast %get3A_241 : vector<16xi32> to vector<16xi32>
      %swap3A_243 = arith.constant 32 : index
      %swap3A_244 = tpu.vector_load %arg10[%swap3A_243] {strides = array<i32>} : memref<80xi32, #tpu.memory_space<vmem>>, vector<16xi32>,
      %swap3A_245 = vector.shape_cast %swap3A_244 : vector<16xi32> to vector<16xi32>
      %swap3A_246 = vector.shape_cast %get3A_242 : vector<16xi32> to vector<16xi32>
      tpu.vector_store %arg10[%swap3A_243], %swap3A_246 {strides = array<i32>} : memref<80xi32, #tpu.memory_space<vmem>>, vector<16xi32>,
      %add3A_247 = arith.constant 32 : i32
      %add3A_248 = arith.addi %mul3A_201, %add3A_247 : i32
      %get3A_249 = arith.index_cast %add3A_248 : i32 to index
      %get3A_250 = tpu.vector_load %arg7[%get3A_249] {strides = array<i32>} : memref<10000xi32, #tpu.memory_space<vmem>>, vector<16xi32>,
      %get3A_251 = vector.shape_cast %get3A_250 : vector<16xi32> to vector<16xi32>
      %swap3A_252 = arith.constant 32 : index
      %swap3A_253 = tpu.vector_load %arg11[%swap3A_252] {strides = array<i32>} : memref<80xi32, #tpu.memory_space<vmem>>, vector<16xi32>,
      %swap3A_254 = vector.shape_cast %swap3A_253 : vector<16xi32> to vector<16xi32>
      %swap3A_255 = vector.shape_cast %get3A_251 : vector<16xi32> to vector<16xi32>
      tpu.vector_store %arg11[%swap3A_252], %swap3A_255 {strides = array<i32>} : memref<80xi32, #tpu.memory_space<vmem>>, vector<16xi32>,
      %add3A_256 = arith.constant 48 : i32
      %add3A_257 = arith.addi %mul3A_201, %add3A_256 : i32
      %get3A_258 = arith.index_cast %add3A_257 : i32 to index
      %get3A_259 = tpu.vector_load %arg6[%get3A_258] {strides = array<i32>} : memref<10000xi32, #tpu.memory_space<vmem>>, vector<16xi32>,
      %get3A_260 = vector.shape_cast %get3A_259 : vector<16xi32> to vector<16xi32>
      %swap3A_261 = arith.constant 48 : index
      %swap3A_262 = tpu.vector_load %arg10[%swap3A_261] {strides = array<i32>} : memref<80xi32, #tpu.memory_space<vmem>>, vector<16xi32>,
      %swap3A_263 = vector.shape_cast %swap3A_262 : vector<16xi32> to vector<16xi32>
      %swap3A_264 = vector.shape_cast %get3A_260 : vector<16xi32> to vector<16xi32>
      tpu.vector_store %arg10[%swap3A_261], %swap3A_264 {strides = array<i32>} : memref<80xi32, #tpu.memory_space<vmem>>, vector<16xi32>,
      %add3A_265 = arith.constant 48 : i32
      %add3A_266 = arith.addi %mul3A_201, %add3A_265 : i32
      %get3A_267 = arith.index_cast %add3A_266 : i32 to index
      %get3A_268 = tpu.vector_load %arg7[%get3A_267] {strides = array<i32>} : memref<10000xi32, #tpu.memory_space<vmem>>, vector<16xi32>,
      %get3A_269 = vector.shape_cast %get3A_268 : vector<16xi32> to vector<16xi32>
      %swap3A_270 = arith.constant 48 : index
      %swap3A_271 = tpu.vector_load %arg11[%swap3A_270] {strides = array<i32>} : memref<80xi32, #tpu.memory_space<vmem>>, vector<16xi32>,
      %swap3A_272 = vector.shape_cast %swap3A_271 : vector<16xi32> to vector<16xi32>
      %swap3A_273 = vector.shape_cast %get3A_269 : vector<16xi32> to vector<16xi32>
      tpu.vector_store %arg11[%swap3A_270], %swap3A_273 {strides = array<i32>} : memref<80xi32, #tpu.memory_space<vmem>>, vector<16xi32>,
      %add3A_274 = arith.constant 64 : i32
      %add3A_275 = arith.addi %mul3A_201, %add3A_274 : i32
      %get3A_276 = arith.index_cast %add3A_275 : i32 to index
      %get3A_277 = tpu.vector_load %arg6[%get3A_276] {strides = array<i32>} : memref<10000xi32, #tpu.memory_space<vmem>>, vector<16xi32>,
      %get3A_278 = vector.shape_cast %get3A_277 : vector<16xi32> to vector<16xi32>
      %swap3A_279 = arith.constant 64 : index
      %swap3A_280 = tpu.vector_load %arg10[%swap3A_279] {strides = array<i32>} : memref<80xi32, #tpu.memory_space<vmem>>, vector<16xi32>,
      %swap3A_281 = vector.shape_cast %swap3A_280 : vector<16xi32> to vector<16xi32>
      %swap3A_282 = vector.shape_cast %get3A_278 : vector<16xi32> to vector<16xi32>
      tpu.vector_store %arg10[%swap3A_279], %swap3A_282 {strides = array<i32>} : memref<80xi32, #tpu.memory_space<vmem>>, vector<16xi32>,
      %add3A_283 = arith.constant 64 : i32
      %add3A_284 = arith.addi %mul3A_201, %add3A_283 : i32
      %get3A_285 = arith.index_cast %add3A_284 : i32 to index
      %get3A_286 = tpu.vector_load %arg7[%get3A_285] {strides = array<i32>} : memref<10000xi32, #tpu.memory_space<vmem>>, vector<16xi32>,
      %get3A_287 = vector.shape_cast %get3A_286 : vector<16xi32> to vector<16xi32>
      %swap3A_288 = arith.constant 64 : index
      %swap3A_289 = tpu.vector_load %arg11[%swap3A_288] {strides = array<i32>} : memref<80xi32, #tpu.memory_space<vmem>>, vector<16xi32>,
      %swap3A_290 = vector.shape_cast %swap3A_289 : vector<16xi32> to vector<16xi32>
      %swap3A_291 = vector.shape_cast %get3A_287 : vector<16xi32> to vector<16xi32>
      tpu.vector_store %arg11[%swap3A_288], %swap3A_291 {strides = array<i32>} : memref<80xi32, #tpu.memory_space<vmem>>, vector<16xi32>,
      %dma_start3A_292 = arith.constant 0 : i32
      %dma_start3A_293 = arith.constant 0 : i32
      %dma_start3A_294 = tpu.memref_slice %arg2[%dma_start3A_292, %dma_start3A_293] : memref<10000x128xf32, #tpu.memory_space<hbm>> -> memref<10000x128xf32, #tpu.memory_space<hbm>>
      tpu.enqueue_indirect_dma source(%dma_start3A_294 : memref<10000x128xf32, #tpu.memory_space<hbm>>) target(%arg13 : memref<80x128xf32, #tpu.memory_space<vmem>>) offsets(%arg10 : memref<80xi32, #tpu.memory_space<vmem>>) semaphore(%arg17 : memref<!tpu.dma_semaphore, #tpu.memory_space<semaphore_mem>>)
      %dma_wait3A_295 = arith.constant 0 : i32
      %dma_wait3A_296 = arith.constant 0 : i32
      %dma_wait3A_297 = tpu.memref_slice %arg2[%dma_wait3A_295, %dma_wait3A_296] : memref<10000x128xf32, #tpu.memory_space<hbm>> -> memref<10000x128xf32, #tpu.memory_space<hbm>>
      tpu.wait_indirect_dma semaphore(%arg16 : memref<!tpu.dma_semaphore, #tpu.memory_space<semaphore_mem>>) src(%dma_wait3A_297 : memref<10000x128xf32, #tpu.memory_space<hbm>>) dst(%arg12 : memref<80x128xf32, #tpu.memory_space<vmem>>)
      "tpu.region"() ({
        %run_scoped3A = tpu.sem_alloc : memref<!tpu.dma_semaphore, #tpu.memory_space<semaphore_mem>>
        %dma_start3A_301 = arith.constant 0 : i32
        %dma_start3A_302 = arith.constant 0 : i32
        %dma_start3A_303 = tpu.memref_slice %arg15[%dma_start3A_301, %dma_start3A_302] : memref<10240x128xf32, #tpu.memory_space<vmem_shared>> -> memref<10240x128xf32, #tpu.memory_space<vmem_shared>>
        tpu.enqueue_indirect_dma source(%arg12 : memref<80x128xf32, #tpu.memory_space<vmem>>) target(%dma_start3A_303 : memref<10240x128xf32, #tpu.memory_space<vmem_shared>>) offsets(%arg9 : memref<80xi32, #tpu.memory_space<vmem>>) semaphore(%run_scoped3A : memref<!tpu.dma_semaphore, #tpu.memory_space<semaphore_mem>>) {add = true}
        %dma_wait3A_304 = arith.constant 0 : i32
        %dma_wait3A_305 = arith.constant 0 : i32
        %dma_wait3A_306 = tpu.memref_slice %arg15[%dma_wait3A_304, %dma_wait3A_305] : memref<10240x128xf32, #tpu.memory_space<vmem_shared>> -> memref<10240x128xf32, #tpu.memory_space<vmem_shared>>
        tpu.wait_indirect_dma semaphore(%run_scoped3A : memref<!tpu.dma_semaphore, #tpu.memory_space<semaphore_mem>>) src(%arg12 : memref<80x128xf32, #tpu.memory_space<vmem>>) dst(%dma_wait3A_306 : memref<10240x128xf32, #tpu.memory_space<vmem_shared>>)
        tpu.yield
      }) : () -> ()
      %dma_wait3A_298 = arith.constant 0 : i32
      %dma_wait3A_299 = arith.constant 0 : i32
      %dma_wait3A_300 = tpu.memref_slice %arg2[%dma_wait3A_298, %dma_wait3A_299] : memref<10000x128xf32, #tpu.memory_space<hbm>> -> memref<10000x128xf32, #tpu.memory_space<hbm>>
      tpu.wait_indirect_dma semaphore(%arg17 : memref<!tpu.dma_semaphore, #tpu.memory_space<semaphore_mem>>) src(%dma_wait3A_300 : memref<10000x128xf32, #tpu.memory_space<hbm>>) dst(%arg13 : memref<80x128xf32, #tpu.memory_space<vmem>>)
      "tpu.region"() ({
        %run_scoped3A = tpu.sem_alloc : memref<!tpu.dma_semaphore, #tpu.memory_space<semaphore_mem>>
        %dma_start3A_301 = arith.constant 0 : i32
        %dma_start3A_302 = arith.constant 0 : i32
        %dma_start3A_303 = tpu.memref_slice %arg15[%dma_start3A_301, %dma_start3A_302] : memref<10240x128xf32, #tpu.memory_space<vmem_shared>> -> memref<10240x128xf32, #tpu.memory_space<vmem_shared>>
        tpu.enqueue_indirect_dma source(%arg13 : memref<80x128xf32, #tpu.memory_space<vmem>>) target(%dma_start3A_303 : memref<10240x128xf32, #tpu.memory_space<vmem_shared>>) offsets(%arg11 : memref<80xi32, #tpu.memory_space<vmem>>) semaphore(%run_scoped3A : memref<!tpu.dma_semaphore, #tpu.memory_space<semaphore_mem>>) {add = true}
        %dma_wait3A_304 = arith.constant 0 : i32
        %dma_wait3A_305 = arith.constant 0 : i32
        %dma_wait3A_306 = tpu.memref_slice %arg15[%dma_wait3A_304, %dma_wait3A_305] : memref<10240x128xf32, #tpu.memory_space<vmem_shared>> -> memref<10240x128xf32, #tpu.memory_space<vmem_shared>>
        tpu.wait_indirect_dma semaphore(%run_scoped3A : memref<!tpu.dma_semaphore, #tpu.memory_space<semaphore_mem>>) src(%arg13 : memref<80x128xf32, #tpu.memory_space<vmem>>) dst(%dma_wait3A_306 : memref<10240x128xf32, #tpu.memory_space<vmem_shared>>)
        tpu.yield
      }) : () -> ()
    }
    %scan3A_19 = arith.constant 62 : i32
    %get3A = arith.constant 9920 : index
    %get3A_20 = tpu.vector_load %arg6[%get3A] {strides = array<i32>} : memref<10000xi32, #tpu.memory_space<vmem>>, vector<16xi32>,
    %get3A_21 = vector.shape_cast %get3A_20 : vector<16xi32> to vector<16xi32>
    %swap3A = arith.constant 0 : index
    %swap3A_22 = tpu.vector_load %arg8[%swap3A] {strides = array<i32>} : memref<80xi32, #tpu.memory_space<vmem>>, vector<16xi32>,
    %swap3A_23 = vector.shape_cast %swap3A_22 : vector<16xi32> to vector<16xi32>
    %swap3A_24 = vector.shape_cast %get3A_21 : vector<16xi32> to vector<16xi32>
    tpu.vector_store %arg8[%swap3A], %swap3A_24 {strides = array<i32>} : memref<80xi32, #tpu.memory_space<vmem>>, vector<16xi32>,
    %get3A_25 = arith.constant 9920 : index
    %get3A_26 = tpu.vector_load %arg7[%get3A_25] {strides = array<i32>} : memref<10000xi32, #tpu.memory_space<vmem>>, vector<16xi32>,
    %get3A_27 = vector.shape_cast %get3A_26 : vector<16xi32> to vector<16xi32>
    %swap3A_28 = arith.constant 0 : index
    %swap3A_29 = tpu.vector_load %arg9[%swap3A_28] {strides = array<i32>} : memref<80xi32, #tpu.memory_space<vmem>>, vector<16xi32>,
    %swap3A_30 = vector.shape_cast %swap3A_29 : vector<16xi32> to vector<16xi32>
    %swap3A_31 = vector.shape_cast %get3A_27 : vector<16xi32> to vector<16xi32>
    tpu.vector_store %arg9[%swap3A_28], %swap3A_31 {strides = array<i32>} : memref<80xi32, #tpu.memory_space<vmem>>, vector<16xi32>,
    %get3A_32 = arith.constant 9936 : index
    %get3A_33 = tpu.vector_load %arg6[%get3A_32] {strides = array<i32>} : memref<10000xi32, #tpu.memory_space<vmem>>, vector<16xi32>,
    %get3A_34 = vector.shape_cast %get3A_33 : vector<16xi32> to vector<16xi32>
    %swap3A_35 = arith.constant 16 : index
    %swap3A_36 = tpu.vector_load %arg8[%swap3A_35] {strides = array<i32>} : memref<80xi32, #tpu.memory_space<vmem>>, vector<16xi32>,
    %swap3A_37 = vector.shape_cast %swap3A_36 : vector<16xi32> to vector<16xi32>
    %swap3A_38 = vector.shape_cast %get3A_34 : vector<16xi32> to vector<16xi32>
    tpu.vector_store %arg8[%swap3A_35], %swap3A_38 {strides = array<i32>} : memref<80xi32, #tpu.memory_space<vmem>>, vector<16xi32>,
    %get3A_39 = arith.constant 9936 : index
    %get3A_40 = tpu.vector_load %arg7[%get3A_39] {strides = array<i32>} : memref<10000xi32, #tpu.memory_space<vmem>>, vector<16xi32>,
    %get3A_41 = vector.shape_cast %get3A_40 : vector<16xi32> to vector<16xi32>
    %swap3A_42 = arith.constant 16 : index
    %swap3A_43 = tpu.vector_load %arg9[%swap3A_42] {strides = array<i32>} : memref<80xi32, #tpu.memory_space<vmem>>, vector<16xi32>,
    %swap3A_44 = vector.shape_cast %swap3A_43 : vector<16xi32> to vector<16xi32>
    %swap3A_45 = vector.shape_cast %get3A_41 : vector<16xi32> to vector<16xi32>
    tpu.vector_store %arg9[%swap3A_42], %swap3A_45 {strides = array<i32>} : memref<80xi32, #tpu.memory_space<vmem>>, vector<16xi32>,
    %get3A_46 = arith.constant 9952 : index
    %get3A_47 = tpu.vector_load %arg6[%get3A_46] {strides = array<i32>} : memref<10000xi32, #tpu.memory_space<vmem>>, vector<16xi32>,
    %get3A_48 = vector.shape_cast %get3A_47 : vector<16xi32> to vector<16xi32>
    %swap3A_49 = arith.constant 32 : index
    %swap3A_50 = tpu.vector_load %arg8[%swap3A_49] {strides = array<i32>} : memref<80xi32, #tpu.memory_space<vmem>>, vector<16xi32>,
    %swap3A_51 = vector.shape_cast %swap3A_50 : vector<16xi32> to vector<16xi32>
    %swap3A_52 = vector.shape_cast %get3A_48 : vector<16xi32> to vector<16xi32>
    tpu.vector_store %arg8[%swap3A_49], %swap3A_52 {strides = array<i32>} : memref<80xi32, #tpu.memory_space<vmem>>, vector<16xi32>,
    %get3A_53 = arith.constant 9952 : index
    %get3A_54 = tpu.vector_load %arg7[%get3A_53] {strides = array<i32>} : memref<10000xi32, #tpu.memory_space<vmem>>, vector<16xi32>,
    %get3A_55 = vector.shape_cast %get3A_54 : vector<16xi32> to vector<16xi32>
    %swap3A_56 = arith.constant 32 : index
    %swap3A_57 = tpu.vector_load %arg9[%swap3A_56] {strides = array<i32>} : memref<80xi32, #tpu.memory_space<vmem>>, vector<16xi32>,
    %swap3A_58 = vector.shape_cast %swap3A_57 : vector<16xi32> to vector<16xi32>
    %swap3A_59 = vector.shape_cast %get3A_55 : vector<16xi32> to vector<16xi32>
    tpu.vector_store %arg9[%swap3A_56], %swap3A_59 {strides = array<i32>} : memref<80xi32, #tpu.memory_space<vmem>>, vector<16xi32>,
    %get3A_60 = arith.constant 9968 : index
    %get3A_61 = tpu.vector_load %arg6[%get3A_60] {strides = array<i32>} : memref<10000xi32, #tpu.memory_space<vmem>>, vector<16xi32>,
    %get3A_62 = vector.shape_cast %get3A_61 : vector<16xi32> to vector<16xi32>
    %swap3A_63 = arith.constant 48 : index
    %swap3A_64 = tpu.vector_load %arg8[%swap3A_63] {strides = array<i32>} : memref<80xi32, #tpu.memory_space<vmem>>, vector<16xi32>,
    %swap3A_65 = vector.shape_cast %swap3A_64 : vector<16xi32> to vector<16xi32>
    %swap3A_66 = vector.shape_cast %get3A_62 : vector<16xi32> to vector<16xi32>
    tpu.vector_store %arg8[%swap3A_63], %swap3A_66 {strides = array<i32>} : memref<80xi32, #tpu.memory_space<vmem>>, vector<16xi32>,
    %get3A_67 = arith.constant 9968 : index
    %get3A_68 = tpu.vector_load %arg7[%get3A_67] {strides = array<i32>} : memref<10000xi32, #tpu.memory_space<vmem>>, vector<16xi32>,
    %get3A_69 = vector.shape_cast %get3A_68 : vector<16xi32> to vector<16xi32>
    %swap3A_70 = arith.constant 48 : index
    %swap3A_71 = tpu.vector_load %arg9[%swap3A_70] {strides = array<i32>} : memref<80xi32, #tpu.memory_space<vmem>>, vector<16xi32>,
    %swap3A_72 = vector.shape_cast %swap3A_71 : vector<16xi32> to vector<16xi32>
    %swap3A_73 = vector.shape_cast %get3A_69 : vector<16xi32> to vector<16xi32>
    tpu.vector_store %arg9[%swap3A_70], %swap3A_73 {strides = array<i32>} : memref<80xi32, #tpu.memory_space<vmem>>, vector<16xi32>,
    %get3A_74 = arith.constant 9984 : index
    %get3A_75 = tpu.vector_load %arg6[%get3A_74] {strides = array<i32>} : memref<10000xi32, #tpu.memory_space<vmem>>, vector<16xi32>,
    %get3A_76 = vector.shape_cast %get3A_75 : vector<16xi32> to vector<16xi32>
    %swap3A_77 = arith.constant 64 : index
    %swap3A_78 = tpu.vector_load %arg8[%swap3A_77] {strides = array<i32>} : memref<80xi32, #tpu.memory_space<vmem>>, vector<16xi32>,
    %swap3A_79 = vector.shape_cast %swap3A_78 : vector<16xi32> to vector<16xi32>
    %swap3A_80 = vector.shape_cast %get3A_76 : vector<16xi32> to vector<16xi32>
    tpu.vector_store %arg8[%swap3A_77], %swap3A_80 {strides = array<i32>} : memref<80xi32, #tpu.memory_space<vmem>>, vector<16xi32>,
    %get3A_81 = arith.constant 9984 : index
    %get3A_82 = tpu.vector_load %arg7[%get3A_81] {strides = array<i32>} : memref<10000xi32, #tpu.memory_space<vmem>>, vector<16xi32>,
    %get3A_83 = vector.shape_cast %get3A_82 : vector<16xi32> to vector<16xi32>
    %swap3A_84 = arith.constant 64 : index
    %swap3A_85 = tpu.vector_load %arg9[%swap3A_84] {strides = array<i32>} : memref<80xi32, #tpu.memory_space<vmem>>, vector<16xi32>,
    %swap3A_86 = vector.shape_cast %swap3A_85 : vector<16xi32> to vector<16xi32>
    %swap3A_87 = vector.shape_cast %get3A_83 : vector<16xi32> to vector<16xi32>
    tpu.vector_store %arg9[%swap3A_84], %swap3A_87 {strides = array<i32>} : memref<80xi32, #tpu.memory_space<vmem>>, vector<16xi32>,
    %dma_start3A = arith.constant 0 : i32
    %dma_start3A_88 = arith.constant 0 : i32
    %dma_start3A_89 = tpu.memref_slice %arg2[%dma_start3A, %dma_start3A_88] : memref<10000x128xf32, #tpu.memory_space<hbm>> -> memref<10000x128xf32, #tpu.memory_space<hbm>>
    tpu.enqueue_indirect_dma source(%dma_start3A_89 : memref<10000x128xf32, #tpu.memory_space<hbm>>) target(%arg12 : memref<80x128xf32, #tpu.memory_space<vmem>>) offsets(%arg8 : memref<80xi32, #tpu.memory_space<vmem>>) semaphore(%arg16 : memref<!tpu.dma_semaphore, #tpu.memory_space<semaphore_mem>>)
    %dma_wait3A = arith.constant 0 : i32
    %dma_wait3A_90 = arith.constant 0 : i32
    %dma_wait3A_91 = tpu.memref_slice %arg2[%dma_wait3A, %dma_wait3A_90] : memref<10000x128xf32, #tpu.memory_space<hbm>> -> memref<10000x128xf32, #tpu.memory_space<hbm>>
    tpu.wait_indirect_dma semaphore(%arg16 : memref<!tpu.dma_semaphore, #tpu.memory_space<semaphore_mem>>) src(%dma_wait3A_91 : memref<10000x128xf32, #tpu.memory_space<hbm>>) dst(%arg12 : memref<80x128xf32, #tpu.memory_space<vmem>>)
    "tpu.region"() ({
      %run_scoped3A = tpu.sem_alloc : memref<!tpu.dma_semaphore, #tpu.memory_space<semaphore_mem>>
      %dma_start3A_100 = arith.constant 0 : i32
      %dma_start3A_101 = arith.constant 0 : i32
      %dma_start3A_102 = tpu.memref_slice %arg15[%dma_start3A_100, %dma_start3A_101] : memref<10240x128xf32, #tpu.memory_space<vmem_shared>> -> memref<10240x128xf32, #tpu.memory_space<vmem_shared>>
      tpu.enqueue_indirect_dma source(%arg12 : memref<80x128xf32, #tpu.memory_space<vmem>>) target(%dma_start3A_102 : memref<10240x128xf32, #tpu.memory_space<vmem_shared>>) offsets(%arg9 : memref<80xi32, #tpu.memory_space<vmem>>) semaphore(%run_scoped3A : memref<!tpu.dma_semaphore, #tpu.memory_space<semaphore_mem>>) {add = true}
      %dma_wait3A_103 = arith.constant 0 : i32
      %dma_wait3A_104 = arith.constant 0 : i32
      %dma_wait3A_105 = tpu.memref_slice %arg15[%dma_wait3A_103, %dma_wait3A_104] : memref<10240x128xf32, #tpu.memory_space<vmem_shared>> -> memref<10240x128xf32, #tpu.memory_space<vmem_shared>>
      tpu.wait_indirect_dma semaphore(%run_scoped3A : memref<!tpu.dma_semaphore, #tpu.memory_space<semaphore_mem>>) src(%arg12 : memref<80x128xf32, #tpu.memory_space<vmem>>) dst(%dma_wait3A_105 : memref<10240x128xf32, #tpu.memory_space<vmem_shared>>)
      tpu.yield
    }) : () -> ()
    %barrier3A_92 = arith.constant 0 : index
    tpu.barrier barrier_id(%barrier3A_92)
    %mul3A_93 = arith.constant 640 : i32
    %mul3A_94 = arith.muli %arg1, %mul3A_93 : i32
    %mul3A_95 = arith.constant 10240 : i32
    %mul3A_96 = arith.muli %arg0, %mul3A_95 : i32
    %mul3A_97 = arith.constant 640 : i32
    %mul3A_98 = arith.muli %arg1, %mul3A_97 : i32
    %add3A_99 = arith.addi %mul3A_96, %mul3A_98 : i32
    "tpu.region"() ({
      %run_scoped3A = tpu.sem_alloc : memref<!tpu.dma_semaphore, #tpu.memory_space<semaphore_mem>>
      %dma_start3A_100 = arith.constant 0 : i32
      %dma_start3A_101 = tpu.memref_slice %arg5[%add3A_99, %dma_start3A_100] : memref<20480x128xf32, #tpu.memory_space<hbm>> -> memref<640x128xf32, #tpu.memory_space<hbm>>
      %dma_start3A_102 = arith.constant 0 : i32
      %dma_start3A_103 = tpu.memref_slice %arg15[%mul3A_94, %dma_start3A_102] : memref<10240x128xf32, #tpu.memory_space<vmem_shared>> -> memref<640x128xf32, #tpu.memory_space<vmem_shared>>
      tpu.enqueue_dma source(%dma_start3A_103 : memref<640x128xf32, #tpu.memory_space<vmem_shared>>) target(%dma_start3A_101 : memref<640x128xf32, #tpu.memory_space<hbm>>) target_semaphore(%run_scoped3A : memref<!tpu.dma_semaphore, #tpu.memory_space<semaphore_mem>>)
      %dma_wait3A_104 = arith.constant 0 : i32
      %dma_wait3A_105 = tpu.memref_slice %arg5[%add3A_99, %dma_wait3A_104] : memref<20480x128xf32, #tpu.memory_space<hbm>> -> memref<640x128xf32, #tpu.memory_space<hbm>>
      %dma_wait3A_106 = arith.constant 0 : i32
      %dma_wait3A_107 = tpu.memref_slice %arg15[%mul3A_94, %dma_wait3A_106] : memref<10240x128xf32, #tpu.memory_space<vmem_shared>> -> memref<640x128xf32, #tpu.memory_space<vmem_shared>>
      tpu.wait_dma2 semaphore(%run_scoped3A : memref<!tpu.dma_semaphore, #tpu.memory_space<semaphore_mem>>) src(%dma_wait3A_107 : memref<640x128xf32, #tpu.memory_space<vmem_shared>>) dst(%dma_wait3A_105 : memref<640x128xf32, #tpu.memory_space<hbm>>)
      tpu.yield
    }) : () -> ()
    return
  }
}

#map = affine_map<(d0, d1) -> (0, 0)>
#map1 = affine_map<(d0, d1) -> (0)>
module attributes {stable_mosaic.version = 14 : i64} {
  func.func @_seg_body(%arg0: i32, %arg1: i32, %arg2: memref<10000x128xf32, #tpu.memory_space<hbm>>, %arg3: memref<320000xi32, #tpu.memory_space<hbm>>, %arg4: memref<320000xi32, #tpu.memory_space<hbm>>, %arg5: memref<20480x128xf32, #tpu.memory_space<hbm>>, %arg6: memref<10000xi32, #tpu.memory_space<vmem>>, %arg7: memref<10000xi32, #tpu.memory_space<vmem>>, %arg8: memref<80xi32, #tpu.memory_space<vmem>>, %arg9: memref<80xi32, #tpu.memory_space<vmem>>, %arg10: memref<80xi32, #tpu.memory_space<vmem>>, %arg11: memref<80xi32, #tpu.memory_space<vmem>>, %arg12: memref<80x128xf32, #tpu.memory_space<vmem>>, %arg13: memref<80x128xf32, #tpu.memory_space<vmem>>, %arg14: memref<32x128xf32, #tpu.memory_space<vmem>>, %arg15: memref<10240x128xf32, #tpu.memory_space<vmem_shared>>, %arg16: memref<!tpu.dma_semaphore, #tpu.memory_space<semaphore_mem>>, %arg17: memref<!tpu.dma_semaphore, #tpu.memory_space<semaphore_mem>>) attributes {dimension_semantics = [#tpu.dimension_semantics<core_parallel>, #tpu.dimension_semantics<subcore_parallel>], iteration_bounds = array<i64: 2, 16>, scalar_prefetch = 0 : i64, scratch_operands = 12 : i64, tpu.core_type = #tpu.core_type<sc_vector_subcore>, window_params = [{transform_indices = #map}, {transform_indices = #map1}, {transform_indices = #map1}, {transform_indices = #map}]} {
    %scan3A = arith.constant 0 : i32
    %scan3A_0 = arith.constant 0 : i32
    %scan3A_1 = arith.constant 256 : i32
    %scan3A_2 = arith.addi %scan3A_0, %scan3A_1 : i32
    %scan3A_3 = arith.constant 1 : i32
    scf.for %scan3A_100 = %scan3A_0 to %scan3A_2 step %scan3A_3  : i32 {
      %jit3A = arith.constant 8 : i32
      %div3A = arith.divsi %scan3A_100, %jit3A : i32
      %sign3A = arith.constant 0 : i32
      %sign3A_101 = arith.cmpi sgt, %scan3A_100, %sign3A : i32
      %sign3A_102 = arith.extui %sign3A_101 : i1 to i32
      %sign3A_103 = arith.constant 0 : i32
      %sign3A_104 = arith.cmpi slt, %scan3A_100, %sign3A_103 : i32
      %sign3A_105 = arith.extui %sign3A_104 : i1 to i32
      %sign3A_106 = arith.subi %sign3A_102, %sign3A_105 : i32
      %sign3A_107 = arith.constant 0 : i32
      %sign3A_108 = arith.cmpi sgt, %jit3A, %sign3A_107 : i32
      %sign3A_109 = arith.extui %sign3A_108 : i1 to i32
      %sign3A_110 = arith.constant 0 : i32
      %sign3A_111 = arith.cmpi slt, %jit3A, %sign3A_110 : i32
      %sign3A_112 = arith.extui %sign3A_111 : i1 to i32
      %sign3A_113 = arith.subi %sign3A_109, %sign3A_112 : i32
      %ne3A = arith.cmpi ne, %sign3A_106, %sign3A_113 : i32
      %rem3A = arith.remsi %scan3A_100, %jit3A : i32
      %ne3A_114 = arith.constant 0 : i32
      %ne3A_115 = arith.cmpi ne, %rem3A, %ne3A_114 : i32
      %and3A = arith.andi %ne3A, %ne3A_115 : i1
      %sub3A = arith.constant 1 : i32
      %sub3A_116 = arith.subi %div3A, %sub3A : i32
      %select_n3A = arith.select %and3A, %sub3A_116, %div3A : i32
      %mul3A_117 = arith.constant 8 : i32
      %mul3A_118 = arith.muli %select_n3A, %mul3A_117 : i32
      %sub3A_119 = arith.subi %scan3A_100, %mul3A_118 : i32
      %broadcast_in_dim3A = arith.constant 0.000000e+00 : f32
      %broadcast_in_dim3A_120 = vector.broadcast %broadcast_in_dim3A : f32 to vector<16xf32>
      %mul3A_121 = arith.constant 16 : i32
      %mul3A_122 = arith.muli %sub3A_119, %mul3A_121 : i32
      %swap3A_123 = arith.index_cast %select_n3A : i32 to index
      %swap3A_124 = arith.index_cast %mul3A_122 : i32 to index
      %swap3A_125 = tpu.vector_load %arg14[%swap3A_123, %swap3A_124] {strides = array<i32>} : memref<32x128xf32, #tpu.memory_space<vmem>>, vector<1x16xf32>,
      %swap3A_126 = vector.shape_cast %swap3A_125 : vector<1x16xf32> to vector<16xf32>
      %swap3A_127 = vector.shape_cast %broadcast_in_dim3A_120 : vector<16xf32> to vector<1x16xf32>
      tpu.vector_store %arg14[%swap3A_123, %swap3A_124], %swap3A_127 {strides = array<i32>} : memref<32x128xf32, #tpu.memory_space<vmem>>, vector<1x16xf32>,
    }
    %scan3A_4 = arith.constant 256 : i32
    %scan3A_5 = arith.constant 0 : i32
    %scan3A_6 = arith.constant 0 : i32
    %scan3A_7 = arith.constant 20 : i32
    %scan3A_8 = arith.addi %scan3A_6, %scan3A_7 : i32
    %scan3A_9 = arith.constant 1 : i32
    scf.for %scan3A_100 = %scan3A_6 to %scan3A_8 step %scan3A_9  : i32 {
      %mul3A_101 = arith.constant 640 : i32
      %mul3A_102 = arith.muli %arg1, %mul3A_101 : i32
      %mul3A_103 = arith.constant 32 : i32
      %mul3A_104 = arith.muli %scan3A_100, %mul3A_103 : i32
      %add3A_105 = arith.addi %mul3A_102, %mul3A_104 : i32
      "tpu.region"() ({
        %run_scoped3A = tpu.sem_alloc : memref<!tpu.dma_semaphore, #tpu.memory_space<semaphore_mem>>
        %dma_start3A_106 = arith.constant 0 : i32
        %dma_start3A_107 = tpu.memref_slice %arg15[%add3A_105, %dma_start3A_106] : memref<10240x128xf32, #tpu.memory_space<vmem_shared>> -> memref<32x128xf32, #tpu.memory_space<vmem_shared>>
        %dma_start3A_108 = arith.constant 0 : i32
        %dma_start3A_109 = tpu.memref_slice %arg15[%add3A_105, %dma_start3A_108] : memref<10240x128xf32, #tpu.memory_space<vmem_shared>> -> memref<32x128xf32, #tpu.memory_space<vmem_shared>>
        tpu.enqueue_dma source(%arg14 : memref<32x128xf32, #tpu.memory_space<vmem>>) target(%dma_start3A_109 : memref<32x128xf32, #tpu.memory_space<vmem_shared>>) target_semaphore(%run_scoped3A : memref<!tpu.dma_semaphore, #tpu.memory_space<semaphore_mem>>)
        %dma_wait3A_110 = arith.constant 0 : i32
        %dma_wait3A_111 = tpu.memref_slice %arg15[%add3A_105, %dma_wait3A_110] : memref<10240x128xf32, #tpu.memory_space<vmem_shared>> -> memref<32x128xf32, #tpu.memory_space<vmem_shared>>
        %dma_wait3A_112 = arith.constant 0 : i32
        %dma_wait3A_113 = tpu.memref_slice %arg15[%add3A_105, %dma_wait3A_112] : memref<10240x128xf32, #tpu.memory_space<vmem_shared>> -> memref<32x128xf32, #tpu.memory_space<vmem_shared>>
        tpu.wait_dma2 semaphore(%run_scoped3A : memref<!tpu.dma_semaphore, #tpu.memory_space<semaphore_mem>>) src(%arg14 : memref<32x128xf32, #tpu.memory_space<vmem>>) dst(%dma_wait3A_113 : memref<32x128xf32, #tpu.memory_space<vmem_shared>>)
        tpu.yield
      }) : () -> ()
    }
    %scan3A_10 = arith.constant 20 : i32
    %barrier3A = arith.constant 0 : index
    tpu.barrier barrier_id(%barrier3A)
    %mul3A = arith.constant 16 : i32
    %mul3A_11 = arith.muli %arg0, %mul3A : i32
    %add3A = arith.addi %mul3A_11, %arg1 : i32
    %mul3A_12 = arith.constant 10000 : i32
    %mul3A_13 = arith.muli %add3A, %mul3A_12 : i32
    "tpu.region"() ({
      %run_scoped3A = tpu.sem_alloc : memref<!tpu.dma_semaphore, #tpu.memory_space<semaphore_mem>>
      %dma_start3A_100 = tpu.memref_slice %arg3[%mul3A_13] : memref<320000xi32, #tpu.memory_space<hbm>> -> memref<10000xi32, #tpu.memory_space<hbm>>
      %dma_start3A_101 = tpu.memref_slice %arg3[%mul3A_13] : memref<320000xi32, #tpu.memory_space<hbm>> -> memref<10000xi32, #tpu.memory_space<hbm>>
      tpu.enqueue_dma source(%dma_start3A_101 : memref<10000xi32, #tpu.memory_space<hbm>>) target(%arg6 : memref<10000xi32, #tpu.memory_space<vmem>>) target_semaphore(%run_scoped3A : memref<!tpu.dma_semaphore, #tpu.memory_space<semaphore_mem>>)
      %dma_wait3A_102 = tpu.memref_slice %arg3[%mul3A_13] : memref<320000xi32, #tpu.memory_space<hbm>> -> memref<10000xi32, #tpu.memory_space<hbm>>
      %dma_wait3A_103 = tpu.memref_slice %arg3[%mul3A_13] : memref<320000xi32, #tpu.memory_space<hbm>> -> memref<10000xi32, #tpu.memory_space<hbm>>
      tpu.wait_dma2 semaphore(%run_scoped3A : memref<!tpu.dma_semaphore, #tpu.memory_space<semaphore_mem>>) src(%dma_wait3A_103 : memref<10000xi32, #tpu.memory_space<hbm>>) dst(%arg6 : memref<10000xi32, #tpu.memory_space<vmem>>)
      tpu.yield
    }) : () -> ()
    "tpu.region"() ({
      %run_scoped3A = tpu.sem_alloc : memref<!tpu.dma_semaphore, #tpu.memory_space<semaphore_mem>>
      %dma_start3A_100 = tpu.memref_slice %arg4[%mul3A_13] : memref<320000xi32, #tpu.memory_space<hbm>> -> memref<10000xi32, #tpu.memory_space<hbm>>
      %dma_start3A_101 = tpu.memref_slice %arg4[%mul3A_13] : memref<320000xi32, #tpu.memory_space<hbm>> -> memref<10000xi32, #tpu.memory_space<hbm>>
      tpu.enqueue_dma source(%dma_start3A_101 : memref<10000xi32, #tpu.memory_space<hbm>>) target(%arg7 : memref<10000xi32, #tpu.memory_space<vmem>>) target_semaphore(%run_scoped3A : memref<!tpu.dma_semaphore, #tpu.memory_space<semaphore_mem>>)
      %dma_wait3A_102 = tpu.memref_slice %arg4[%mul3A_13] : memref<320000xi32, #tpu.memory_space<hbm>> -> memref<10000xi32, #tpu.memory_space<hbm>>
      %dma_wait3A_103 = tpu.memref_slice %arg4[%mul3A_13] : memref<320000xi32, #tpu.memory_space<hbm>> -> memref<10000xi32, #tpu.memory_space<hbm>>
      tpu.wait_dma2 semaphore(%run_scoped3A : memref<!tpu.dma_semaphore, #tpu.memory_space<semaphore_mem>>) src(%dma_wait3A_103 : memref<10000xi32, #tpu.memory_space<hbm>>) dst(%arg7 : memref<10000xi32, #tpu.memory_space<vmem>>)
      tpu.yield
    }) : () -> ()
    %scan3A_14 = arith.constant 0 : i32
    %scan3A_15 = arith.constant 0 : i32
    %scan3A_16 = arith.constant 62 : i32
    %scan3A_17 = arith.addi %scan3A_15, %scan3A_16 : i32
    %scan3A_18 = arith.constant 1 : i32
    scf.for %scan3A_100 = %scan3A_15 to %scan3A_17 step %scan3A_18  : i32 {
      %mul3A_101 = arith.constant 2 : i32
      %mul3A_102 = arith.muli %scan3A_100, %mul3A_101 : i32
      %mul3A_103 = arith.constant 80 : i32
      %mul3A_104 = arith.muli %mul3A_102, %mul3A_103 : i32
      %add3A_105 = arith.constant 0 : i32
      %add3A_106 = arith.addi %mul3A_104, %add3A_105 : i32
      %get3A_107 = arith.index_cast %add3A_106 : i32 to index
      %get3A_108 = tpu.vector_load %arg6[%get3A_107] {strides = array<i32>} : memref<10000xi32, #tpu.memory_space<vmem>>, vector<16xi32>,
      %get3A_109 = vector.shape_cast %get3A_108 : vector<16xi32> to vector<16xi32>
      %swap3A_110 = arith.constant 0 : index
      %swap3A_111 = tpu.vector_load %arg8[%swap3A_110] {strides = array<i32>} : memref<80xi32, #tpu.memory_space<vmem>>, vector<16xi32>,
      %swap3A_112 = vector.shape_cast %swap3A_111 : vector<16xi32> to vector<16xi32>
      %swap3A_113 = vector.shape_cast %get3A_109 : vector<16xi32> to vector<16xi32>
      tpu.vector_store %arg8[%swap3A_110], %swap3A_113 {strides = array<i32>} : memref<80xi32, #tpu.memory_space<vmem>>, vector<16xi32>,
      %add3A_114 = arith.constant 0 : i32
      %add3A_115 = arith.addi %mul3A_104, %add3A_114 : i32
      %get3A_116 = arith.index_cast %add3A_115 : i32 to index
      %get3A_117 = tpu.vector_load %arg7[%get3A_116] {strides = array<i32>} : memref<10000xi32, #tpu.memory_space<vmem>>, vector<16xi32>,
      %get3A_118 = vector.shape_cast %get3A_117 : vector<16xi32> to vector<16xi32>
      %swap3A_119 = arith.constant 0 : index
      %swap3A_120 = tpu.vector_load %arg9[%swap3A_119] {strides = array<i32>} : memref<80xi32, #tpu.memory_space<vmem>>, vector<16xi32>,
      %swap3A_121 = vector.shape_cast %swap3A_120 : vector<16xi32> to vector<16xi32>
      %swap3A_122 = vector.shape_cast %get3A_118 : vector<16xi32> to vector<16xi32>
      tpu.vector_store %arg9[%swap3A_119], %swap3A_122 {strides = array<i32>} : memref<80xi32, #tpu.memory_space<vmem>>, vector<16xi32>,
      %add3A_123 = arith.constant 16 : i32
      %add3A_124 = arith.addi %mul3A_104, %add3A_123 : i32
      %get3A_125 = arith.index_cast %add3A_124 : i32 to index
      %get3A_126 = tpu.vector_load %arg6[%get3A_125] {strides = array<i32>} : memref<10000xi32, #tpu.memory_space<vmem>>, vector<16xi32>,
      %get3A_127 = vector.shape_cast %get3A_126 : vector<16xi32> to vector<16xi32>
      %swap3A_128 = arith.constant 16 : index
      %swap3A_129 = tpu.vector_load %arg8[%swap3A_128] {strides = array<i32>} : memref<80xi32, #tpu.memory_space<vmem>>, vector<16xi32>,
      %swap3A_130 = vector.shape_cast %swap3A_129 : vector<16xi32> to vector<16xi32>
      %swap3A_131 = vector.shape_cast %get3A_127 : vector<16xi32> to vector<16xi32>
      tpu.vector_store %arg8[%swap3A_128], %swap3A_131 {strides = array<i32>} : memref<80xi32, #tpu.memory_space<vmem>>, vector<16xi32>,
      %add3A_132 = arith.constant 16 : i32
      %add3A_133 = arith.addi %mul3A_104, %add3A_132 : i32
      %get3A_134 = arith.index_cast %add3A_133 : i32 to index
      %get3A_135 = tpu.vector_load %arg7[%get3A_134] {strides = array<i32>} : memref<10000xi32, #tpu.memory_space<vmem>>, vector<16xi32>,
      %get3A_136 = vector.shape_cast %get3A_135 : vector<16xi32> to vector<16xi32>
      %swap3A_137 = arith.constant 16 : index
      %swap3A_138 = tpu.vector_load %arg9[%swap3A_137] {strides = array<i32>} : memref<80xi32, #tpu.memory_space<vmem>>, vector<16xi32>,
      %swap3A_139 = vector.shape_cast %swap3A_138 : vector<16xi32> to vector<16xi32>
      %swap3A_140 = vector.shape_cast %get3A_136 : vector<16xi32> to vector<16xi32>
      tpu.vector_store %arg9[%swap3A_137], %swap3A_140 {strides = array<i32>} : memref<80xi32, #tpu.memory_space<vmem>>, vector<16xi32>,
      %add3A_141 = arith.constant 32 : i32
      %add3A_142 = arith.addi %mul3A_104, %add3A_141 : i32
      %get3A_143 = arith.index_cast %add3A_142 : i32 to index
      %get3A_144 = tpu.vector_load %arg6[%get3A_143] {strides = array<i32>} : memref<10000xi32, #tpu.memory_space<vmem>>, vector<16xi32>,
      %get3A_145 = vector.shape_cast %get3A_144 : vector<16xi32> to vector<16xi32>
      %swap3A_146 = arith.constant 32 : index
      %swap3A_147 = tpu.vector_load %arg8[%swap3A_146] {strides = array<i32>} : memref<80xi32, #tpu.memory_space<vmem>>, vector<16xi32>,
      %swap3A_148 = vector.shape_cast %swap3A_147 : vector<16xi32> to vector<16xi32>
      %swap3A_149 = vector.shape_cast %get3A_145 : vector<16xi32> to vector<16xi32>
      tpu.vector_store %arg8[%swap3A_146], %swap3A_149 {strides = array<i32>} : memref<80xi32, #tpu.memory_space<vmem>>, vector<16xi32>,
      %add3A_150 = arith.constant 32 : i32
      %add3A_151 = arith.addi %mul3A_104, %add3A_150 : i32
      %get3A_152 = arith.index_cast %add3A_151 : i32 to index
      %get3A_153 = tpu.vector_load %arg7[%get3A_152] {strides = array<i32>} : memref<10000xi32, #tpu.memory_space<vmem>>, vector<16xi32>,
      %get3A_154 = vector.shape_cast %get3A_153 : vector<16xi32> to vector<16xi32>
      %swap3A_155 = arith.constant 32 : index
      %swap3A_156 = tpu.vector_load %arg9[%swap3A_155] {strides = array<i32>} : memref<80xi32, #tpu.memory_space<vmem>>, vector<16xi32>,
      %swap3A_157 = vector.shape_cast %swap3A_156 : vector<16xi32> to vector<16xi32>
      %swap3A_158 = vector.shape_cast %get3A_154 : vector<16xi32> to vector<16xi32>
      tpu.vector_store %arg9[%swap3A_155], %swap3A_158 {strides = array<i32>} : memref<80xi32, #tpu.memory_space<vmem>>, vector<16xi32>,
      %add3A_159 = arith.constant 48 : i32
      %add3A_160 = arith.addi %mul3A_104, %add3A_159 : i32
      %get3A_161 = arith.index_cast %add3A_160 : i32 to index
      %get3A_162 = tpu.vector_load %arg6[%get3A_161] {strides = array<i32>} : memref<10000xi32, #tpu.memory_space<vmem>>, vector<16xi32>,
      %get3A_163 = vector.shape_cast %get3A_162 : vector<16xi32> to vector<16xi32>
      %swap3A_164 = arith.constant 48 : index
      %swap3A_165 = tpu.vector_load %arg8[%swap3A_164] {strides = array<i32>} : memref<80xi32, #tpu.memory_space<vmem>>, vector<16xi32>,
      %swap3A_166 = vector.shape_cast %swap3A_165 : vector<16xi32> to vector<16xi32>
      %swap3A_167 = vector.shape_cast %get3A_163 : vector<16xi32> to vector<16xi32>
      tpu.vector_store %arg8[%swap3A_164], %swap3A_167 {strides = array<i32>} : memref<80xi32, #tpu.memory_space<vmem>>, vector<16xi32>,
      %add3A_168 = arith.constant 48 : i32
      %add3A_169 = arith.addi %mul3A_104, %add3A_168 : i32
      %get3A_170 = arith.index_cast %add3A_169 : i32 to index
      %get3A_171 = tpu.vector_load %arg7[%get3A_170] {strides = array<i32>} : memref<10000xi32, #tpu.memory_space<vmem>>, vector<16xi32>,
      %get3A_172 = vector.shape_cast %get3A_171 : vector<16xi32> to vector<16xi32>
      %swap3A_173 = arith.constant 48 : index
      %swap3A_174 = tpu.vector_load %arg9[%swap3A_173] {strides = array<i32>} : memref<80xi32, #tpu.memory_space<vmem>>, vector<16xi32>,
      %swap3A_175 = vector.shape_cast %swap3A_174 : vector<16xi32> to vector<16xi32>
      %swap3A_176 = vector.shape_cast %get3A_172 : vector<16xi32> to vector<16xi32>
      tpu.vector_store %arg9[%swap3A_173], %swap3A_176 {strides = array<i32>} : memref<80xi32, #tpu.memory_space<vmem>>, vector<16xi32>,
      %add3A_177 = arith.constant 64 : i32
      %add3A_178 = arith.addi %mul3A_104, %add3A_177 : i32
      %get3A_179 = arith.index_cast %add3A_178 : i32 to index
      %get3A_180 = tpu.vector_load %arg6[%get3A_179] {strides = array<i32>} : memref<10000xi32, #tpu.memory_space<vmem>>, vector<16xi32>,
      %get3A_181 = vector.shape_cast %get3A_180 : vector<16xi32> to vector<16xi32>
      %swap3A_182 = arith.constant 64 : index
      %swap3A_183 = tpu.vector_load %arg8[%swap3A_182] {strides = array<i32>} : memref<80xi32, #tpu.memory_space<vmem>>, vector<16xi32>,
      %swap3A_184 = vector.shape_cast %swap3A_183 : vector<16xi32> to vector<16xi32>
      %swap3A_185 = vector.shape_cast %get3A_181 : vector<16xi32> to vector<16xi32>
      tpu.vector_store %arg8[%swap3A_182], %swap3A_185 {strides = array<i32>} : memref<80xi32, #tpu.memory_space<vmem>>, vector<16xi32>,
      %add3A_186 = arith.constant 64 : i32
      %add3A_187 = arith.addi %mul3A_104, %add3A_186 : i32
      %get3A_188 = arith.index_cast %add3A_187 : i32 to index
      %get3A_189 = tpu.vector_load %arg7[%get3A_188] {strides = array<i32>} : memref<10000xi32, #tpu.memory_space<vmem>>, vector<16xi32>,
      %get3A_190 = vector.shape_cast %get3A_189 : vector<16xi32> to vector<16xi32>
      %swap3A_191 = arith.constant 64 : index
      %swap3A_192 = tpu.vector_load %arg9[%swap3A_191] {strides = array<i32>} : memref<80xi32, #tpu.memory_space<vmem>>, vector<16xi32>,
      %swap3A_193 = vector.shape_cast %swap3A_192 : vector<16xi32> to vector<16xi32>
      %swap3A_194 = vector.shape_cast %get3A_190 : vector<16xi32> to vector<16xi32>
      tpu.vector_store %arg9[%swap3A_191], %swap3A_194 {strides = array<i32>} : memref<80xi32, #tpu.memory_space<vmem>>, vector<16xi32>,
      %dma_start3A_195 = arith.constant 0 : i32
      %dma_start3A_196 = arith.constant 0 : i32
      %dma_start3A_197 = tpu.memref_slice %arg2[%dma_start3A_195, %dma_start3A_196] : memref<10000x128xf32, #tpu.memory_space<hbm>> -> memref<10000x128xf32, #tpu.memory_space<hbm>>
      tpu.enqueue_indirect_dma source(%dma_start3A_197 : memref<10000x128xf32, #tpu.memory_space<hbm>>) target(%arg12 : memref<80x128xf32, #tpu.memory_space<vmem>>) offsets(%arg8 : memref<80xi32, #tpu.memory_space<vmem>>) semaphore(%arg16 : memref<!tpu.dma_semaphore, #tpu.memory_space<semaphore_mem>>)
      %add3A_198 = arith.constant 1 : i32
      %add3A_199 = arith.addi %mul3A_102, %add3A_198 : i32
      %mul3A_200 = arith.constant 80 : i32
      %mul3A_201 = arith.muli %add3A_199, %mul3A_200 : i32
      %add3A_202 = arith.constant 0 : i32
      %add3A_203 = arith.addi %mul3A_201, %add3A_202 : i32
      %get3A_204 = arith.index_cast %add3A_203 : i32 to index
      %get3A_205 = tpu.vector_load %arg6[%get3A_204] {strides = array<i32>} : memref<10000xi32, #tpu.memory_space<vmem>>, vector<16xi32>,
      %get3A_206 = vector.shape_cast %get3A_205 : vector<16xi32> to vector<16xi32>
      %swap3A_207 = arith.constant 0 : index
      %swap3A_208 = tpu.vector_load %arg10[%swap3A_207] {strides = array<i32>} : memref<80xi32, #tpu.memory_space<vmem>>, vector<16xi32>,
      %swap3A_209 = vector.shape_cast %swap3A_208 : vector<16xi32> to vector<16xi32>
      %swap3A_210 = vector.shape_cast %get3A_206 : vector<16xi32> to vector<16xi32>
      tpu.vector_store %arg10[%swap3A_207], %swap3A_210 {strides = array<i32>} : memref<80xi32, #tpu.memory_space<vmem>>, vector<16xi32>,
      %add3A_211 = arith.constant 0 : i32
      %add3A_212 = arith.addi %mul3A_201, %add3A_211 : i32
      %get3A_213 = arith.index_cast %add3A_212 : i32 to index
      %get3A_214 = tpu.vector_load %arg7[%get3A_213] {strides = array<i32>} : memref<10000xi32, #tpu.memory_space<vmem>>, vector<16xi32>,
      %get3A_215 = vector.shape_cast %get3A_214 : vector<16xi32> to vector<16xi32>
      %swap3A_216 = arith.constant 0 : index
      %swap3A_217 = tpu.vector_load %arg11[%swap3A_216] {strides = array<i32>} : memref<80xi32, #tpu.memory_space<vmem>>, vector<16xi32>,
      %swap3A_218 = vector.shape_cast %swap3A_217 : vector<16xi32> to vector<16xi32>
      %swap3A_219 = vector.shape_cast %get3A_215 : vector<16xi32> to vector<16xi32>
      tpu.vector_store %arg11[%swap3A_216], %swap3A_219 {strides = array<i32>} : memref<80xi32, #tpu.memory_space<vmem>>, vector<16xi32>,
      %add3A_220 = arith.constant 16 : i32
      %add3A_221 = arith.addi %mul3A_201, %add3A_220 : i32
      %get3A_222 = arith.index_cast %add3A_221 : i32 to index
      %get3A_223 = tpu.vector_load %arg6[%get3A_222] {strides = array<i32>} : memref<10000xi32, #tpu.memory_space<vmem>>, vector<16xi32>,
      %get3A_224 = vector.shape_cast %get3A_223 : vector<16xi32> to vector<16xi32>
      %swap3A_225 = arith.constant 16 : index
      %swap3A_226 = tpu.vector_load %arg10[%swap3A_225] {strides = array<i32>} : memref<80xi32, #tpu.memory_space<vmem>>, vector<16xi32>,
      %swap3A_227 = vector.shape_cast %swap3A_226 : vector<16xi32> to vector<16xi32>
      %swap3A_228 = vector.shape_cast %get3A_224 : vector<16xi32> to vector<16xi32>
      tpu.vector_store %arg10[%swap3A_225], %swap3A_228 {strides = array<i32>} : memref<80xi32, #tpu.memory_space<vmem>>, vector<16xi32>,
      %add3A_229 = arith.constant 16 : i32
      %add3A_230 = arith.addi %mul3A_201, %add3A_229 : i32
      %get3A_231 = arith.index_cast %add3A_230 : i32 to index
      %get3A_232 = tpu.vector_load %arg7[%get3A_231] {strides = array<i32>} : memref<10000xi32, #tpu.memory_space<vmem>>, vector<16xi32>,
      %get3A_233 = vector.shape_cast %get3A_232 : vector<16xi32> to vector<16xi32>
      %swap3A_234 = arith.constant 16 : index
      %swap3A_235 = tpu.vector_load %arg11[%swap3A_234] {strides = array<i32>} : memref<80xi32, #tpu.memory_space<vmem>>, vector<16xi32>,
      %swap3A_236 = vector.shape_cast %swap3A_235 : vector<16xi32> to vector<16xi32>
      %swap3A_237 = vector.shape_cast %get3A_233 : vector<16xi32> to vector<16xi32>
      tpu.vector_store %arg11[%swap3A_234], %swap3A_237 {strides = array<i32>} : memref<80xi32, #tpu.memory_space<vmem>>, vector<16xi32>,
      %add3A_238 = arith.constant 32 : i32
      %add3A_239 = arith.addi %mul3A_201, %add3A_238 : i32
      %get3A_240 = arith.index_cast %add3A_239 : i32 to index
      %get3A_241 = tpu.vector_load %arg6[%get3A_240] {strides = array<i32>} : memref<10000xi32, #tpu.memory_space<vmem>>, vector<16xi32>,
      %get3A_242 = vector.shape_cast %get3A_241 : vector<16xi32> to vector<16xi32>
      %swap3A_243 = arith.constant 32 : index
      %swap3A_244 = tpu.vector_load %arg10[%swap3A_243] {strides = array<i32>} : memref<80xi32, #tpu.memory_space<vmem>>, vector<16xi32>,
      %swap3A_245 = vector.shape_cast %swap3A_244 : vector<16xi32> to vector<16xi32>
      %swap3A_246 = vector.shape_cast %get3A_242 : vector<16xi32> to vector<16xi32>
      tpu.vector_store %arg10[%swap3A_243], %swap3A_246 {strides = array<i32>} : memref<80xi32, #tpu.memory_space<vmem>>, vector<16xi32>,
      %add3A_247 = arith.constant 32 : i32
      %add3A_248 = arith.addi %mul3A_201, %add3A_247 : i32
      %get3A_249 = arith.index_cast %add3A_248 : i32 to index
      %get3A_250 = tpu.vector_load %arg7[%get3A_249] {strides = array<i32>} : memref<10000xi32, #tpu.memory_space<vmem>>, vector<16xi32>,
      %get3A_251 = vector.shape_cast %get3A_250 : vector<16xi32> to vector<16xi32>
      %swap3A_252 = arith.constant 32 : index
      %swap3A_253 = tpu.vector_load %arg11[%swap3A_252] {strides = array<i32>} : memref<80xi32, #tpu.memory_space<vmem>>, vector<16xi32>,
      %swap3A_254 = vector.shape_cast %swap3A_253 : vector<16xi32> to vector<16xi32>
      %swap3A_255 = vector.shape_cast %get3A_251 : vector<16xi32> to vector<16xi32>
      tpu.vector_store %arg11[%swap3A_252], %swap3A_255 {strides = array<i32>} : memref<80xi32, #tpu.memory_space<vmem>>, vector<16xi32>,
      %add3A_256 = arith.constant 48 : i32
      %add3A_257 = arith.addi %mul3A_201, %add3A_256 : i32
      %get3A_258 = arith.index_cast %add3A_257 : i32 to index
      %get3A_259 = tpu.vector_load %arg6[%get3A_258] {strides = array<i32>} : memref<10000xi32, #tpu.memory_space<vmem>>, vector<16xi32>,
      %get3A_260 = vector.shape_cast %get3A_259 : vector<16xi32> to vector<16xi32>
      %swap3A_261 = arith.constant 48 : index
      %swap3A_262 = tpu.vector_load %arg10[%swap3A_261] {strides = array<i32>} : memref<80xi32, #tpu.memory_space<vmem>>, vector<16xi32>,
      %swap3A_263 = vector.shape_cast %swap3A_262 : vector<16xi32> to vector<16xi32>
      %swap3A_264 = vector.shape_cast %get3A_260 : vector<16xi32> to vector<16xi32>
      tpu.vector_store %arg10[%swap3A_261], %swap3A_264 {strides = array<i32>} : memref<80xi32, #tpu.memory_space<vmem>>, vector<16xi32>,
      %add3A_265 = arith.constant 48 : i32
      %add3A_266 = arith.addi %mul3A_201, %add3A_265 : i32
      %get3A_267 = arith.index_cast %add3A_266 : i32 to index
      %get3A_268 = tpu.vector_load %arg7[%get3A_267] {strides = array<i32>} : memref<10000xi32, #tpu.memory_space<vmem>>, vector<16xi32>,
      %get3A_269 = vector.shape_cast %get3A_268 : vector<16xi32> to vector<16xi32>
      %swap3A_270 = arith.constant 48 : index
      %swap3A_271 = tpu.vector_load %arg11[%swap3A_270] {strides = array<i32>} : memref<80xi32, #tpu.memory_space<vmem>>, vector<16xi32>,
      %swap3A_272 = vector.shape_cast %swap3A_271 : vector<16xi32> to vector<16xi32>
      %swap3A_273 = vector.shape_cast %get3A_269 : vector<16xi32> to vector<16xi32>
      tpu.vector_store %arg11[%swap3A_270], %swap3A_273 {strides = array<i32>} : memref<80xi32, #tpu.memory_space<vmem>>, vector<16xi32>,
      %add3A_274 = arith.constant 64 : i32
      %add3A_275 = arith.addi %mul3A_201, %add3A_274 : i32
      %get3A_276 = arith.index_cast %add3A_275 : i32 to index
      %get3A_277 = tpu.vector_load %arg6[%get3A_276] {strides = array<i32>} : memref<10000xi32, #tpu.memory_space<vmem>>, vector<16xi32>,
      %get3A_278 = vector.shape_cast %get3A_277 : vector<16xi32> to vector<16xi32>
      %swap3A_279 = arith.constant 64 : index
      %swap3A_280 = tpu.vector_load %arg10[%swap3A_279] {strides = array<i32>} : memref<80xi32, #tpu.memory_space<vmem>>, vector<16xi32>,
      %swap3A_281 = vector.shape_cast %swap3A_280 : vector<16xi32> to vector<16xi32>
      %swap3A_282 = vector.shape_cast %get3A_278 : vector<16xi32> to vector<16xi32>
      tpu.vector_store %arg10[%swap3A_279], %swap3A_282 {strides = array<i32>} : memref<80xi32, #tpu.memory_space<vmem>>, vector<16xi32>,
      %add3A_283 = arith.constant 64 : i32
      %add3A_284 = arith.addi %mul3A_201, %add3A_283 : i32
      %get3A_285 = arith.index_cast %add3A_284 : i32 to index
      %get3A_286 = tpu.vector_load %arg7[%get3A_285] {strides = array<i32>} : memref<10000xi32, #tpu.memory_space<vmem>>, vector<16xi32>,
      %get3A_287 = vector.shape_cast %get3A_286 : vector<16xi32> to vector<16xi32>
      %swap3A_288 = arith.constant 64 : index
      %swap3A_289 = tpu.vector_load %arg11[%swap3A_288] {strides = array<i32>} : memref<80xi32, #tpu.memory_space<vmem>>, vector<16xi32>,
      %swap3A_290 = vector.shape_cast %swap3A_289 : vector<16xi32> to vector<16xi32>
      %swap3A_291 = vector.shape_cast %get3A_287 : vector<16xi32> to vector<16xi32>
      tpu.vector_store %arg11[%swap3A_288], %swap3A_291 {strides = array<i32>} : memref<80xi32, #tpu.memory_space<vmem>>, vector<16xi32>,
      %dma_start3A_292 = arith.constant 0 : i32
      %dma_start3A_293 = arith.constant 0 : i32
      %dma_start3A_294 = tpu.memref_slice %arg2[%dma_start3A_292, %dma_start3A_293] : memref<10000x128xf32, #tpu.memory_space<hbm>> -> memref<10000x128xf32, #tpu.memory_space<hbm>>
      tpu.enqueue_indirect_dma source(%dma_start3A_294 : memref<10000x128xf32, #tpu.memory_space<hbm>>) target(%arg13 : memref<80x128xf32, #tpu.memory_space<vmem>>) offsets(%arg10 : memref<80xi32, #tpu.memory_space<vmem>>) semaphore(%arg17 : memref<!tpu.dma_semaphore, #tpu.memory_space<semaphore_mem>>)
      %dma_wait3A_295 = arith.constant 0 : i32
      %dma_wait3A_296 = arith.constant 0 : i32
      %dma_wait3A_297 = tpu.memref_slice %arg2[%dma_wait3A_295, %dma_wait3A_296] : memref<10000x128xf32, #tpu.memory_space<hbm>> -> memref<10000x128xf32, #tpu.memory_space<hbm>>
      tpu.wait_indirect_dma semaphore(%arg16 : memref<!tpu.dma_semaphore, #tpu.memory_space<semaphore_mem>>) src(%dma_wait3A_297 : memref<10000x128xf32, #tpu.memory_space<hbm>>) dst(%arg12 : memref<80x128xf32, #tpu.memory_space<vmem>>)
      "tpu.region"() ({
        %run_scoped3A = tpu.sem_alloc : memref<!tpu.dma_semaphore, #tpu.memory_space<semaphore_mem>>
        %dma_start3A_301 = arith.constant 0 : i32
        %dma_start3A_302 = arith.constant 0 : i32
        %dma_start3A_303 = tpu.memref_slice %arg15[%dma_start3A_301, %dma_start3A_302] : memref<10240x128xf32, #tpu.memory_space<vmem_shared>> -> memref<10240x128xf32, #tpu.memory_space<vmem_shared>>
        tpu.enqueue_indirect_dma source(%arg12 : memref<80x128xf32, #tpu.memory_space<vmem>>) target(%dma_start3A_303 : memref<10240x128xf32, #tpu.memory_space<vmem_shared>>) offsets(%arg9 : memref<80xi32, #tpu.memory_space<vmem>>) semaphore(%run_scoped3A : memref<!tpu.dma_semaphore, #tpu.memory_space<semaphore_mem>>) {add = true}
        %dma_wait3A_304 = arith.constant 0 : i32
        %dma_wait3A_305 = arith.constant 0 : i32
        %dma_wait3A_306 = tpu.memref_slice %arg15[%dma_wait3A_304, %dma_wait3A_305] : memref<10240x128xf32, #tpu.memory_space<vmem_shared>> -> memref<10240x128xf32, #tpu.memory_space<vmem_shared>>
        tpu.wait_indirect_dma semaphore(%run_scoped3A : memref<!tpu.dma_semaphore, #tpu.memory_space<semaphore_mem>>) src(%arg12 : memref<80x128xf32, #tpu.memory_space<vmem>>) dst(%dma_wait3A_306 : memref<10240x128xf32, #tpu.memory_space<vmem_shared>>)
        tpu.yield
      }) : () -> ()
      %dma_wait3A_298 = arith.constant 0 : i32
      %dma_wait3A_299 = arith.constant 0 : i32
      %dma_wait3A_300 = tpu.memref_slice %arg2[%dma_wait3A_298, %dma_wait3A_299] : memref<10000x128xf32, #tpu.memory_space<hbm>> -> memref<10000x128xf32, #tpu.memory_space<hbm>>
      tpu.wait_indirect_dma semaphore(%arg17 : memref<!tpu.dma_semaphore, #tpu.memory_space<semaphore_mem>>) src(%dma_wait3A_300 : memref<10000x128xf32, #tpu.memory_space<hbm>>) dst(%arg13 : memref<80x128xf32, #tpu.memory_space<vmem>>)
      "tpu.region"() ({
        %run_scoped3A = tpu.sem_alloc : memref<!tpu.dma_semaphore, #tpu.memory_space<semaphore_mem>>
        %dma_start3A_301 = arith.constant 0 : i32
        %dma_start3A_302 = arith.constant 0 : i32
        %dma_start3A_303 = tpu.memref_slice %arg15[%dma_start3A_301, %dma_start3A_302] : memref<10240x128xf32, #tpu.memory_space<vmem_shared>> -> memref<10240x128xf32, #tpu.memory_space<vmem_shared>>
        tpu.enqueue_indirect_dma source(%arg13 : memref<80x128xf32, #tpu.memory_space<vmem>>) target(%dma_start3A_303 : memref<10240x128xf32, #tpu.memory_space<vmem_shared>>) offsets(%arg11 : memref<80xi32, #tpu.memory_space<vmem>>) semaphore(%run_scoped3A : memref<!tpu.dma_semaphore, #tpu.memory_space<semaphore_mem>>) {add = true}
        %dma_wait3A_304 = arith.constant 0 : i32
        %dma_wait3A_305 = arith.constant 0 : i32
        %dma_wait3A_306 = tpu.memref_slice %arg15[%dma_wait3A_304, %dma_wait3A_305] : memref<10240x128xf32, #tpu.memory_space<vmem_shared>> -> memref<10240x128xf32, #tpu.memory_space<vmem_shared>>
        tpu.wait_indirect_dma semaphore(%run_scoped3A : memref<!tpu.dma_semaphore, #tpu.memory_space<semaphore_mem>>) src(%arg13 : memref<80x128xf32, #tpu.memory_space<vmem>>) dst(%dma_wait3A_306 : memref<10240x128xf32, #tpu.memory_space<vmem_shared>>)
        tpu.yield
      }) : () -> ()
    }
    %scan3A_19 = arith.constant 62 : i32
    %get3A = arith.constant 9920 : index
    %get3A_20 = tpu.vector_load %arg6[%get3A] {strides = array<i32>} : memref<10000xi32, #tpu.memory_space<vmem>>, vector<16xi32>,
    %get3A_21 = vector.shape_cast %get3A_20 : vector<16xi32> to vector<16xi32>
    %swap3A = arith.constant 0 : index
    %swap3A_22 = tpu.vector_load %arg8[%swap3A] {strides = array<i32>} : memref<80xi32, #tpu.memory_space<vmem>>, vector<16xi32>,
    %swap3A_23 = vector.shape_cast %swap3A_22 : vector<16xi32> to vector<16xi32>
    %swap3A_24 = vector.shape_cast %get3A_21 : vector<16xi32> to vector<16xi32>
    tpu.vector_store %arg8[%swap3A], %swap3A_24 {strides = array<i32>} : memref<80xi32, #tpu.memory_space<vmem>>, vector<16xi32>,
    %get3A_25 = arith.constant 9920 : index
    %get3A_26 = tpu.vector_load %arg7[%get3A_25] {strides = array<i32>} : memref<10000xi32, #tpu.memory_space<vmem>>, vector<16xi32>,
    %get3A_27 = vector.shape_cast %get3A_26 : vector<16xi32> to vector<16xi32>
    %swap3A_28 = arith.constant 0 : index
    %swap3A_29 = tpu.vector_load %arg9[%swap3A_28] {strides = array<i32>} : memref<80xi32, #tpu.memory_space<vmem>>, vector<16xi32>,
    %swap3A_30 = vector.shape_cast %swap3A_29 : vector<16xi32> to vector<16xi32>
    %swap3A_31 = vector.shape_cast %get3A_27 : vector<16xi32> to vector<16xi32>
    tpu.vector_store %arg9[%swap3A_28], %swap3A_31 {strides = array<i32>} : memref<80xi32, #tpu.memory_space<vmem>>, vector<16xi32>,
    %get3A_32 = arith.constant 9936 : index
    %get3A_33 = tpu.vector_load %arg6[%get3A_32] {strides = array<i32>} : memref<10000xi32, #tpu.memory_space<vmem>>, vector<16xi32>,
    %get3A_34 = vector.shape_cast %get3A_33 : vector<16xi32> to vector<16xi32>
    %swap3A_35 = arith.constant 16 : index
    %swap3A_36 = tpu.vector_load %arg8[%swap3A_35] {strides = array<i32>} : memref<80xi32, #tpu.memory_space<vmem>>, vector<16xi32>,
    %swap3A_37 = vector.shape_cast %swap3A_36 : vector<16xi32> to vector<16xi32>
    %swap3A_38 = vector.shape_cast %get3A_34 : vector<16xi32> to vector<16xi32>
    tpu.vector_store %arg8[%swap3A_35], %swap3A_38 {strides = array<i32>} : memref<80xi32, #tpu.memory_space<vmem>>, vector<16xi32>,
    %get3A_39 = arith.constant 9936 : index
    %get3A_40 = tpu.vector_load %arg7[%get3A_39] {strides = array<i32>} : memref<10000xi32, #tpu.memory_space<vmem>>, vector<16xi32>,
    %get3A_41 = vector.shape_cast %get3A_40 : vector<16xi32> to vector<16xi32>
    %swap3A_42 = arith.constant 16 : index
    %swap3A_43 = tpu.vector_load %arg9[%swap3A_42] {strides = array<i32>} : memref<80xi32, #tpu.memory_space<vmem>>, vector<16xi32>,
    %swap3A_44 = vector.shape_cast %swap3A_43 : vector<16xi32> to vector<16xi32>
    %swap3A_45 = vector.shape_cast %get3A_41 : vector<16xi32> to vector<16xi32>
    tpu.vector_store %arg9[%swap3A_42], %swap3A_45 {strides = array<i32>} : memref<80xi32, #tpu.memory_space<vmem>>, vector<16xi32>,
    %get3A_46 = arith.constant 9952 : index
    %get3A_47 = tpu.vector_load %arg6[%get3A_46] {strides = array<i32>} : memref<10000xi32, #tpu.memory_space<vmem>>, vector<16xi32>,
    %get3A_48 = vector.shape_cast %get3A_47 : vector<16xi32> to vector<16xi32>
    %swap3A_49 = arith.constant 32 : index
    %swap3A_50 = tpu.vector_load %arg8[%swap3A_49] {strides = array<i32>} : memref<80xi32, #tpu.memory_space<vmem>>, vector<16xi32>,
    %swap3A_51 = vector.shape_cast %swap3A_50 : vector<16xi32> to vector<16xi32>
    %swap3A_52 = vector.shape_cast %get3A_48 : vector<16xi32> to vector<16xi32>
    tpu.vector_store %arg8[%swap3A_49], %swap3A_52 {strides = array<i32>} : memref<80xi32, #tpu.memory_space<vmem>>, vector<16xi32>,
    %get3A_53 = arith.constant 9952 : index
    %get3A_54 = tpu.vector_load %arg7[%get3A_53] {strides = array<i32>} : memref<10000xi32, #tpu.memory_space<vmem>>, vector<16xi32>,
    %get3A_55 = vector.shape_cast %get3A_54 : vector<16xi32> to vector<16xi32>
    %swap3A_56 = arith.constant 32 : index
    %swap3A_57 = tpu.vector_load %arg9[%swap3A_56] {strides = array<i32>} : memref<80xi32, #tpu.memory_space<vmem>>, vector<16xi32>,
    %swap3A_58 = vector.shape_cast %swap3A_57 : vector<16xi32> to vector<16xi32>
    %swap3A_59 = vector.shape_cast %get3A_55 : vector<16xi32> to vector<16xi32>
    tpu.vector_store %arg9[%swap3A_56], %swap3A_59 {strides = array<i32>} : memref<80xi32, #tpu.memory_space<vmem>>, vector<16xi32>,
    %get3A_60 = arith.constant 9968 : index
    %get3A_61 = tpu.vector_load %arg6[%get3A_60] {strides = array<i32>} : memref<10000xi32, #tpu.memory_space<vmem>>, vector<16xi32>,
    %get3A_62 = vector.shape_cast %get3A_61 : vector<16xi32> to vector<16xi32>
    %swap3A_63 = arith.constant 48 : index
    %swap3A_64 = tpu.vector_load %arg8[%swap3A_63] {strides = array<i32>} : memref<80xi32, #tpu.memory_space<vmem>>, vector<16xi32>,
    %swap3A_65 = vector.shape_cast %swap3A_64 : vector<16xi32> to vector<16xi32>
    %swap3A_66 = vector.shape_cast %get3A_62 : vector<16xi32> to vector<16xi32>
    tpu.vector_store %arg8[%swap3A_63], %swap3A_66 {strides = array<i32>} : memref<80xi32, #tpu.memory_space<vmem>>, vector<16xi32>,
    %get3A_67 = arith.constant 9968 : index
    %get3A_68 = tpu.vector_load %arg7[%get3A_67] {strides = array<i32>} : memref<10000xi32, #tpu.memory_space<vmem>>, vector<16xi32>,
    %get3A_69 = vector.shape_cast %get3A_68 : vector<16xi32> to vector<16xi32>
    %swap3A_70 = arith.constant 48 : index
    %swap3A_71 = tpu.vector_load %arg9[%swap3A_70] {strides = array<i32>} : memref<80xi32, #tpu.memory_space<vmem>>, vector<16xi32>,
    %swap3A_72 = vector.shape_cast %swap3A_71 : vector<16xi32> to vector<16xi32>
    %swap3A_73 = vector.shape_cast %get3A_69 : vector<16xi32> to vector<16xi32>
    tpu.vector_store %arg9[%swap3A_70], %swap3A_73 {strides = array<i32>} : memref<80xi32, #tpu.memory_space<vmem>>, vector<16xi32>,
    %get3A_74 = arith.constant 9984 : index
    %get3A_75 = tpu.vector_load %arg6[%get3A_74] {strides = array<i32>} : memref<10000xi32, #tpu.memory_space<vmem>>, vector<16xi32>,
    %get3A_76 = vector.shape_cast %get3A_75 : vector<16xi32> to vector<16xi32>
    %swap3A_77 = arith.constant 64 : index
    %swap3A_78 = tpu.vector_load %arg8[%swap3A_77] {strides = array<i32>} : memref<80xi32, #tpu.memory_space<vmem>>, vector<16xi32>,
    %swap3A_79 = vector.shape_cast %swap3A_78 : vector<16xi32> to vector<16xi32>
    %swap3A_80 = vector.shape_cast %get3A_76 : vector<16xi32> to vector<16xi32>
    tpu.vector_store %arg8[%swap3A_77], %swap3A_80 {strides = array<i32>} : memref<80xi32, #tpu.memory_space<vmem>>, vector<16xi32>,
    %get3A_81 = arith.constant 9984 : index
    %get3A_82 = tpu.vector_load %arg7[%get3A_81] {strides = array<i32>} : memref<10000xi32, #tpu.memory_space<vmem>>, vector<16xi32>,
    %get3A_83 = vector.shape_cast %get3A_82 : vector<16xi32> to vector<16xi32>
    %swap3A_84 = arith.constant 64 : index
    %swap3A_85 = tpu.vector_load %arg9[%swap3A_84] {strides = array<i32>} : memref<80xi32, #tpu.memory_space<vmem>>, vector<16xi32>,
    %swap3A_86 = vector.shape_cast %swap3A_85 : vector<16xi32> to vector<16xi32>
    %swap3A_87 = vector.shape_cast %get3A_83 : vector<16xi32> to vector<16xi32>
    tpu.vector_store %arg9[%swap3A_84], %swap3A_87 {strides = array<i32>} : memref<80xi32, #tpu.memory_space<vmem>>, vector<16xi32>,
    %dma_start3A = arith.constant 0 : i32
    %dma_start3A_88 = arith.constant 0 : i32
    %dma_start3A_89 = tpu.memref_slice %arg2[%dma_start3A, %dma_start3A_88] : memref<10000x128xf32, #tpu.memory_space<hbm>> -> memref<10000x128xf32, #tpu.memory_space<hbm>>
    tpu.enqueue_indirect_dma source(%dma_start3A_89 : memref<10000x128xf32, #tpu.memory_space<hbm>>) target(%arg12 : memref<80x128xf32, #tpu.memory_space<vmem>>) offsets(%arg8 : memref<80xi32, #tpu.memory_space<vmem>>) semaphore(%arg16 : memref<!tpu.dma_semaphore, #tpu.memory_space<semaphore_mem>>)
    %dma_wait3A = arith.constant 0 : i32
    %dma_wait3A_90 = arith.constant 0 : i32
    %dma_wait3A_91 = tpu.memref_slice %arg2[%dma_wait3A, %dma_wait3A_90] : memref<10000x128xf32, #tpu.memory_space<hbm>> -> memref<10000x128xf32, #tpu.memory_space<hbm>>
    tpu.wait_indirect_dma semaphore(%arg16 : memref<!tpu.dma_semaphore, #tpu.memory_space<semaphore_mem>>) src(%dma_wait3A_91 : memref<10000x128xf32, #tpu.memory_space<hbm>>) dst(%arg12 : memref<80x128xf32, #tpu.memory_space<vmem>>)
    "tpu.region"() ({
      %run_scoped3A = tpu.sem_alloc : memref<!tpu.dma_semaphore, #tpu.memory_space<semaphore_mem>>
      %dma_start3A_100 = arith.constant 0 : i32
      %dma_start3A_101 = arith.constant 0 : i32
      %dma_start3A_102 = tpu.memref_slice %arg15[%dma_start3A_100, %dma_start3A_101] : memref<10240x128xf32, #tpu.memory_space<vmem_shared>> -> memref<10240x128xf32, #tpu.memory_space<vmem_shared>>
      tpu.enqueue_indirect_dma source(%arg12 : memref<80x128xf32, #tpu.memory_space<vmem>>) target(%dma_start3A_102 : memref<10240x128xf32, #tpu.memory_space<vmem_shared>>) offsets(%arg9 : memref<80xi32, #tpu.memory_space<vmem>>) semaphore(%run_scoped3A : memref<!tpu.dma_semaphore, #tpu.memory_space<semaphore_mem>>) {add = true}
      %dma_wait3A_103 = arith.constant 0 : i32
      %dma_wait3A_104 = arith.constant 0 : i32
      %dma_wait3A_105 = tpu.memref_slice %arg15[%dma_wait3A_103, %dma_wait3A_104] : memref<10240x128xf32, #tpu.memory_space<vmem_shared>> -> memref<10240x128xf32, #tpu.memory_space<vmem_shared>>
      tpu.wait_indirect_dma semaphore(%run_scoped3A : memref<!tpu.dma_semaphore, #tpu.memory_space<semaphore_mem>>) src(%arg12 : memref<80x128xf32, #tpu.memory_space<vmem>>) dst(%dma_wait3A_105 : memref<10240x128xf32, #tpu.memory_space<vmem_shared>>)
      tpu.yield
    }) : () -> ()
    %barrier3A_92 = arith.constant 0 : index
    tpu.barrier barrier_id(%barrier3A_92)
    %mul3A_93 = arith.constant 640 : i32
    %mul3A_94 = arith.muli %arg1, %mul3A_93 : i32
    %mul3A_95 = arith.constant 10240 : i32
    %mul3A_96 = arith.muli %arg0, %mul3A_95 : i32
    %mul3A_97 = arith.constant 640 : i32
    %mul3A_98 = arith.muli %arg1, %mul3A_97 : i32
    %add3A_99 = arith.addi %mul3A_96, %mul3A_98 : i32
    "tpu.region"() ({
      %run_scoped3A = tpu.sem_alloc : memref<!tpu.dma_semaphore, #tpu.memory_space<semaphore_mem>>
      %dma_start3A_100 = arith.constant 0 : i32
      %dma_start3A_101 = tpu.memref_slice %arg5[%add3A_99, %dma_start3A_100] : memref<20480x128xf32, #tpu.memory_space<hbm>> -> memref<640x128xf32, #tpu.memory_space<hbm>>
      %dma_start3A_102 = arith.constant 0 : i32
      %dma_start3A_103 = tpu.memref_slice %arg15[%mul3A_94, %dma_start3A_102] : memref<10240x128xf32, #tpu.memory_space<vmem_shared>> -> memref<640x128xf32, #tpu.memory_space<vmem_shared>>
      tpu.enqueue_dma source(%dma_start3A_103 : memref<640x128xf32, #tpu.memory_space<vmem_shared>>) target(%dma_start3A_101 : memref<640x128xf32, #tpu.memory_space<hbm>>) target_semaphore(%run_scoped3A : memref<!tpu.dma_semaphore, #tpu.memory_space<semaphore_mem>>)
      %dma_wait3A_104 = arith.constant 0 : i32
      %dma_wait3A_105 = tpu.memref_slice %arg5[%add3A_99, %dma_wait3A_104] : memref<20480x128xf32, #tpu.memory_space<hbm>> -> memref<640x128xf32, #tpu.memory_space<hbm>>
      %dma_wait3A_106 = arith.constant 0 : i32
      %dma_wait3A_107 = tpu.memref_slice %arg15[%mul3A_94, %dma_wait3A_106] : memref<10240x128xf32, #tpu.memory_space<vmem_shared>> -> memref<640x128xf32, #tpu.memory_space<vmem_shared>>
      tpu.wait_dma2 semaphore(%run_scoped3A : memref<!tpu.dma_semaphore, #tpu.memory_space<semaphore_mem>>) src(%dma_wait3A_107 : memref<640x128xf32, #tpu.memory_space<vmem_shared>>) dst(%dma_wait3A_105 : memref<640x128xf32, #tpu.memory_space<hbm>>)
      tpu.yield
    }) : () -> ()
    return
  }
}

module attributes {stable_mosaic.version = 14 : i64} {
  func.func @_emb_body(%arg0: i32, %arg1: memref<1000x128xf32, #tpu.memory_space<vmem>>, %arg2: memref<128x128xf32, #tpu.memory_space<vmem>>, %arg3: memref<1x128xf32, #tpu.memory_space<vmem>>, %arg4: memref<1000x128xf32, #tpu.memory_space<vmem>>) attributes {dimension_semantics = [#tpu.dimension_semantics<arbitrary>], iteration_bounds = array<i64: 10>, scalar_prefetch = 0 : i64, scratch_operands = 0 : i64, tpu.core_type = #tpu.core_type<tc>, window_params = [{transform_indices = @transform_0, window_bounds = array<i64: 1000, 128>}, {pipeline_mode = #tpu.pipeline_mode<synchronous>, transform_indices = @transform_1, window_bounds = array<i64: 128, 128>}, {pipeline_mode = #tpu.pipeline_mode<synchronous>, transform_indices = @transform_2, window_bounds = array<i64: 1, 128>}, {transform_indices = @transform_3, window_bounds = array<i64: 1000, 128>}]} {
    %get3A = arith.constant 0 : index
    %get3A_0 = arith.constant 0 : index
    %get3A_1 = vector.load %arg1[%get3A, %get3A_0] : memref<1000x128xf32, #tpu.memory_space<vmem>>, vector<1000x128xf32>
    %get3A_2 = arith.constant 0 : index
    %get3A_3 = arith.constant 0 : index
    %get3A_4 = vector.load %arg2[%get3A_2, %get3A_3] : memref<128x128xf32, #tpu.memory_space<vmem>>, vector<128x128xf32>
    %dot_general3A = arith.constant dense<0.000000e+00> : vector<1000x128xf32>
    %dot_general3A_5 = tpu.matmul %get3A_1, %get3A_4, %dot_general3A {dimension_numbers = #tpu.dot_dimension_numbers<[1], [0], [0], [1], [0, 0, 1, 1], [], []>, transpose_lhs_hint = false} : vector<1000x128xf32>, vector<128x128xf32>, vector<1000x128xf32> -> vector<1000x128xf32>
    %get3A_6 = arith.constant 0 : index
    %get3A_7 = arith.constant 0 : index
    %get3A_8 = vector.load %arg3[%get3A_6, %get3A_7] : memref<1x128xf32, #tpu.memory_space<vmem>>, vector<1x128xf32>
    %add3A = vector.broadcast %get3A_8 : vector<1x128xf32> to vector<1000x128xf32>
    %add3A_9 = arith.addf %dot_general3A_5, %add3A : vector<1000x128xf32>
    %swap3A = arith.constant 0 : index
    %swap3A_10 = arith.constant 0 : index
    %swap3A_11 = vector.load %arg4[%swap3A, %swap3A_10] : memref<1000x128xf32, #tpu.memory_space<vmem>>, vector<1000x128xf32>
    tpu.vector_store %arg4[%swap3A, %swap3A_10], %add3A_9 {strides = array<i32>} : memref<1000x128xf32, #tpu.memory_space<vmem>>, vector<1000x128xf32>,
    return
  }
  func.func @transform_0(%arg0: i32) -> (i32, i32) {
    %c0_i32 = arith.constant 0 : i32
    %c0_i32_0 = arith.constant 0 : i32
    return %arg0, %c0_i32 : i32, i32
  }
  func.func @transform_1(%arg0: i32) -> (i32, i32) {
    %c0_i32 = arith.constant 0 : i32
    %c0_i32_0 = arith.constant 0 : i32
    %c0_i32_1 = arith.constant 0 : i32
    return %c0_i32, %c0_i32_0 : i32, i32
  }
  func.func @transform_2(%arg0: i32) -> (i32, i32) {
    %c0_i32 = arith.constant 0 : i32
    %c0_i32_0 = arith.constant 0 : i32
    %c0_i32_1 = arith.constant 0 : i32
    return %c0_i32, %c0_i32_0 : i32, i32
  }
  func.func @transform_3(%arg0: i32) -> (i32, i32) {
    %c0_i32 = arith.constant 0 : i32
    %c0_i32_0 = arith.constant 0 : i32
    return %arg0, %c0_i32 : i32, i32
  }
}

module attributes {stable_mosaic.version = 14 : i64} {
  func.func @_p1_body(%arg0: i32, %arg1: memref<1000x128xf32, #tpu.memory_space<vmem>>, %arg2: memref<1000x128xf32, #tpu.memory_space<vmem>>, %arg3: memref<1000x128xf32, #tpu.memory_space<vmem>>, %arg4: memref<128x256xf32, #tpu.memory_space<vmem>>, %arg5: memref<1x256xf32, #tpu.memory_space<vmem>>, %arg6: memref<256x128xf32, #tpu.memory_space<vmem>>, %arg7: memref<1x128xf32, #tpu.memory_space<vmem>>, %arg8: memref<1000x128xf32, #tpu.memory_space<vmem>>, %arg9: memref<1x128xf32, #tpu.memory_space<vmem>>, %arg10: memref<1x128xf32, #tpu.memory_space<vmem>>) attributes {dimension_semantics = [#tpu.dimension_semantics<arbitrary>], iteration_bounds = array<i64: 10>, scalar_prefetch = 0 : i64, scratch_operands = 1 : i64, tpu.core_type = #tpu.core_type<tc>, window_params = [{transform_indices = @transform_0, window_bounds = array<i64: 1000, 128>}, {transform_indices = @transform_1, window_bounds = array<i64: 1000, 128>}, {transform_indices = @transform_2, window_bounds = array<i64: 1000, 128>}, {pipeline_mode = #tpu.pipeline_mode<synchronous>, transform_indices = @transform_3, window_bounds = array<i64: 128, 256>}, {pipeline_mode = #tpu.pipeline_mode<synchronous>, transform_indices = @transform_4, window_bounds = array<i64: 1, 256>}, {pipeline_mode = #tpu.pipeline_mode<synchronous>, transform_indices = @transform_5, window_bounds = array<i64: 256, 128>}, {pipeline_mode = #tpu.pipeline_mode<synchronous>, transform_indices = @transform_6, window_bounds = array<i64: 1, 128>}, {transform_indices = @transform_7, window_bounds = array<i64: 1000, 128>}, {pipeline_mode = #tpu.pipeline_mode<synchronous>, transform_indices = @transform_8, window_bounds = array<i64: 1, 128>}]} {
    %get3A = arith.constant 0 : index
    %get3A_0 = arith.constant 0 : index
    %get3A_1 = vector.load %arg1[%get3A, %get3A_0] : memref<1000x128xf32, #tpu.memory_space<vmem>>, vector<1000x128xf32>
    %get3A_2 = arith.constant 0 : index
    %get3A_3 = arith.constant 0 : index
    %get3A_4 = vector.load %arg2[%get3A_2, %get3A_3] : memref<1000x128xf32, #tpu.memory_space<vmem>>, vector<1000x128xf32>
    %add3A = arith.addf %get3A_1, %get3A_4 : vector<1000x128xf32>
    %get3A_5 = arith.constant 0 : index
    %get3A_6 = arith.constant 0 : index
    %get3A_7 = vector.load %arg3[%get3A_5, %get3A_6] : memref<1000x128xf32, #tpu.memory_space<vmem>>, vector<1000x128xf32>
    %add3A_8 = arith.addf %add3A, %get3A_7 : vector<1000x128xf32>
    %get3A_9 = arith.constant 0 : index
    %get3A_10 = arith.constant 0 : index
    %get3A_11 = vector.load %arg4[%get3A_9, %get3A_10] : memref<128x256xf32, #tpu.memory_space<vmem>>, vector<128x256xf32>
    %dot_general3A = arith.constant dense<0.000000e+00> : vector<1000x256xf32>
    %dot_general3A_12 = tpu.matmul %add3A_8, %get3A_11, %dot_general3A {dimension_numbers = #tpu.dot_dimension_numbers<[1], [0], [0], [1], [0, 0, 1, 1], [], []>, transpose_lhs_hint = false} : vector<1000x128xf32>, vector<128x256xf32>, vector<1000x256xf32> -> vector<1000x256xf32>
    %get3A_13 = arith.constant 0 : index
    %get3A_14 = arith.constant 0 : index
    %get3A_15 = vector.load %arg5[%get3A_13, %get3A_14] : memref<1x256xf32, #tpu.memory_space<vmem>>, vector<1x256xf32>
    %add3A_16 = vector.broadcast %get3A_15 : vector<1x256xf32> to vector<1000x256xf32>
    %add3A_17 = arith.addf %dot_general3A_12, %add3A_16 : vector<1000x256xf32>
    %max3A = arith.constant 0.000000e+00 : f32
    %max3A_18 = vector.broadcast %max3A : f32 to vector<1000x256xf32>
    %max3A_19 = arith.maximumf %add3A_17, %max3A_18 : vector<1000x256xf32>
    %get3A_20 = arith.constant 0 : index
    %get3A_21 = arith.constant 0 : index
    %get3A_22 = vector.load %arg6[%get3A_20, %get3A_21] : memref<256x128xf32, #tpu.memory_space<vmem>>, vector<256x128xf32>
    %dot_general3A_23 = arith.constant dense<0.000000e+00> : vector<1000x128xf32>
    %dot_general3A_24 = tpu.matmul %max3A_19, %get3A_22, %dot_general3A_23 {dimension_numbers = #tpu.dot_dimension_numbers<[1], [0], [0], [1], [0, 0, 1, 1], [], []>, transpose_lhs_hint = false} : vector<1000x256xf32>, vector<256x128xf32>, vector<1000x128xf32> -> vector<1000x128xf32>
    %get3A_25 = arith.constant 0 : index
    %get3A_26 = arith.constant 0 : index
    %get3A_27 = vector.load %arg7[%get3A_25, %get3A_26] : memref<1x128xf32, #tpu.memory_space<vmem>>, vector<1x128xf32>
    %add3A_28 = vector.broadcast %get3A_27 : vector<1x128xf32> to vector<1000x128xf32>
    %add3A_29 = arith.addf %dot_general3A_24, %add3A_28 : vector<1000x128xf32>
    %swap3A = arith.constant 0 : index
    %swap3A_30 = arith.constant 0 : index
    %swap3A_31 = vector.load %arg8[%swap3A, %swap3A_30] : memref<1000x128xf32, #tpu.memory_space<vmem>>, vector<1000x128xf32>
    tpu.vector_store %arg8[%swap3A, %swap3A_30], %add3A_29 {strides = array<i32>} : memref<1000x128xf32, #tpu.memory_space<vmem>>, vector<1000x128xf32>,
    %eq3A = arith.constant 0 : i32
    %eq3A_32 = arith.cmpi eq, %arg0, %eq3A : i32
    %convert_element_type3A = arith.extui %eq3A_32 : i1 to i32
    %cond3A = arith.constant 0 : i32
    %cond3A_33 = arith.cmpi ne, %convert_element_type3A, %cond3A : i32
    scf.if %cond3A_33 {
      %broadcast_in_dim3A_47 = arith.constant 0.000000e+00 : f32
      %broadcast_in_dim3A_48 = vector.broadcast %broadcast_in_dim3A_47 : f32 to vector<1x128xf32>
      %swap3A_49 = arith.constant 0 : index
      %swap3A_50 = arith.constant 0 : index
      %swap3A_51 = vector.load %arg10[%swap3A_49, %swap3A_50] : memref<1x128xf32, #tpu.memory_space<vmem>>, vector<1x128xf32>
      tpu.vector_store %arg10[%swap3A_49, %swap3A_50], %broadcast_in_dim3A_48 {strides = array<i32>} : memref<1x128xf32, #tpu.memory_space<vmem>>, vector<1x128xf32>,
    } else {
    }
    %get3A_34 = arith.constant 0 : index
    %get3A_35 = arith.constant 0 : index
    %get3A_36 = vector.load %arg10[%get3A_34, %get3A_35] : memref<1x128xf32, #tpu.memory_space<vmem>>, vector<1x128xf32>
    %reduce_sum3A = arith.constant dense<0.000000e+00> : vector<128xf32>
    %reduce_sum3A_37 = vector.multi_reduction <add>, %add3A_29, %reduce_sum3A [0] : vector<1000x128xf32> to vector<128xf32>
    %broadcast_in_dim3A = vector.shape_cast %reduce_sum3A_37 : vector<128xf32> to vector<1x128xf32>
    %add3A_38 = arith.addf %get3A_36, %broadcast_in_dim3A : vector<1x128xf32>
    %swap3A_39 = arith.constant 0 : index
    %swap3A_40 = arith.constant 0 : index
    %swap3A_41 = vector.load %arg10[%swap3A_39, %swap3A_40] : memref<1x128xf32, #tpu.memory_space<vmem>>, vector<1x128xf32>
    tpu.vector_store %arg10[%swap3A_39, %swap3A_40], %add3A_38 {strides = array<i32>} : memref<1x128xf32, #tpu.memory_space<vmem>>, vector<1x128xf32>,
    %eq3A_42 = arith.constant 9 : i32
    %eq3A_43 = arith.cmpi eq, %arg0, %eq3A_42 : i32
    %convert_element_type3A_44 = arith.extui %eq3A_43 : i1 to i32
    %cond3A_45 = arith.constant 0 : i32
    %cond3A_46 = arith.cmpi ne, %convert_element_type3A_44, %cond3A_45 : i32
    scf.if %cond3A_46 {
      %get3A_47 = arith.constant 0 : index
      %get3A_48 = arith.constant 0 : index
      %get3A_49 = vector.load %arg10[%get3A_47, %get3A_48] : memref<1x128xf32, #tpu.memory_space<vmem>>, vector<1x128xf32>
      %swap3A_50 = arith.constant 0 : index
      %swap3A_51 = arith.constant 0 : index
      %swap3A_52 = vector.load %arg9[%swap3A_50, %swap3A_51] : memref<1x128xf32, #tpu.memory_space<vmem>>, vector<1x128xf32>
      tpu.vector_store %arg9[%swap3A_50, %swap3A_51], %get3A_49 {strides = array<i32>} : memref<1x128xf32, #tpu.memory_space<vmem>>, vector<1x128xf32>,
    } else {
    }
    return
  }
  func.func @transform_0(%arg0: i32) -> (i32, i32) {
    %c0_i32 = arith.constant 0 : i32
    %c0_i32_0 = arith.constant 0 : i32
    return %arg0, %c0_i32 : i32, i32
  }
  func.func @transform_1(%arg0: i32) -> (i32, i32) {
    %c0_i32 = arith.constant 0 : i32
    %c0_i32_0 = arith.constant 0 : i32
    return %arg0, %c0_i32 : i32, i32
  }
  func.func @transform_2(%arg0: i32) -> (i32, i32) {
    %c0_i32 = arith.constant 0 : i32
    %c0_i32_0 = arith.constant 0 : i32
    return %arg0, %c0_i32 : i32, i32
  }
  func.func @transform_3(%arg0: i32) -> (i32, i32) {
    %c0_i32 = arith.constant 0 : i32
    %c0_i32_0 = arith.constant 0 : i32
    %c0_i32_1 = arith.constant 0 : i32
    return %c0_i32, %c0_i32_0 : i32, i32
  }
  func.func @transform_4(%arg0: i32) -> (i32, i32) {
    %c0_i32 = arith.constant 0 : i32
    %c0_i32_0 = arith.constant 0 : i32
    %c0_i32_1 = arith.constant 0 : i32
    return %c0_i32, %c0_i32_0 : i32, i32
  }
  func.func @transform_5(%arg0: i32) -> (i32, i32) {
    %c0_i32 = arith.constant 0 : i32
    %c0_i32_0 = arith.constant 0 : i32
    %c0_i32_1 = arith.constant 0 : i32
    return %c0_i32, %c0_i32_0 : i32, i32
  }
  func.func @transform_6(%arg0: i32) -> (i32, i32) {
    %c0_i32 = arith.constant 0 : i32
    %c0_i32_0 = arith.constant 0 : i32
    %c0_i32_1 = arith.constant 0 : i32
    return %c0_i32, %c0_i32_0 : i32, i32
  }
  func.func @transform_7(%arg0: i32) -> (i32, i32) {
    %c0_i32 = arith.constant 0 : i32
    %c0_i32_0 = arith.constant 0 : i32
    return %arg0, %c0_i32 : i32, i32
  }
  func.func @transform_8(%arg0: i32) -> (i32, i32) {
    %c0_i32 = arith.constant 0 : i32
    %c0_i32_0 = arith.constant 0 : i32
    %c0_i32_1 = arith.constant 0 : i32
    return %c0_i32, %c0_i32_0 : i32, i32
  }
}

module attributes {stable_mosaic.version = 14 : i64} {
  func.func @_pv_body(%arg0: i32, %arg1: memref<1000x128xf32, #tpu.memory_space<vmem>>, %arg2: memref<1x128xf32, #tpu.memory_space<vmem>>, %arg3: memref<1x128xf32, #tpu.memory_space<vmem>>, %arg4: memref<1x128xf32, #tpu.memory_space<vmem>>) attributes {dimension_semantics = [#tpu.dimension_semantics<arbitrary>], iteration_bounds = array<i64: 10>, scalar_prefetch = 0 : i64, scratch_operands = 1 : i64, tpu.core_type = #tpu.core_type<tc>, window_params = [{transform_indices = @transform_0, window_bounds = array<i64: 1000, 128>}, {pipeline_mode = #tpu.pipeline_mode<synchronous>, transform_indices = @transform_1, window_bounds = array<i64: 1, 128>}, {pipeline_mode = #tpu.pipeline_mode<synchronous>, transform_indices = @transform_2, window_bounds = array<i64: 1, 128>}]} {
    %eq3A = arith.constant 0 : i32
    %eq3A_0 = arith.cmpi eq, %arg0, %eq3A : i32
    %convert_element_type3A = arith.extui %eq3A_0 : i1 to i32
    %cond3A = arith.constant 0 : i32
    %cond3A_1 = arith.cmpi ne, %convert_element_type3A, %cond3A : i32
    scf.if %cond3A_1 {
      %broadcast_in_dim3A_21 = arith.constant 0.000000e+00 : f32
      %broadcast_in_dim3A_22 = vector.broadcast %broadcast_in_dim3A_21 : f32 to vector<1x128xf32>
      %swap3A_23 = arith.constant 0 : index
      %swap3A_24 = arith.constant 0 : index
      %swap3A_25 = vector.load %arg4[%swap3A_23, %swap3A_24] : memref<1x128xf32, #tpu.memory_space<vmem>>, vector<1x128xf32>
      tpu.vector_store %arg4[%swap3A_23, %swap3A_24], %broadcast_in_dim3A_22 {strides = array<i32>} : memref<1x128xf32, #tpu.memory_space<vmem>>, vector<1x128xf32>,
    } else {
    }
    %get3A = arith.constant 0 : index
    %get3A_2 = arith.constant 0 : index
    %get3A_3 = vector.load %arg1[%get3A, %get3A_2] : memref<1000x128xf32, #tpu.memory_space<vmem>>, vector<1000x128xf32>
    %get3A_4 = arith.constant 0 : index
    %get3A_5 = arith.constant 0 : index
    %get3A_6 = vector.load %arg2[%get3A_4, %get3A_5] : memref<1x128xf32, #tpu.memory_space<vmem>>, vector<1x128xf32>
    %div3A = arith.constant 1.000000e+04 : f32
    %div3A_7 = vector.broadcast %div3A : f32 to vector<1x128xf32>
    %div3A_8 = arith.divf %get3A_6, %div3A_7 : vector<1x128xf32>
    %sub3A = vector.broadcast %div3A_8 : vector<1x128xf32> to vector<1000x128xf32>
    %sub3A_9 = arith.subf %get3A_3, %sub3A : vector<1000x128xf32>
    %get3A_10 = arith.constant 0 : index
    %get3A_11 = arith.constant 0 : index
    %get3A_12 = vector.load %arg4[%get3A_10, %get3A_11] : memref<1x128xf32, #tpu.memory_space<vmem>>, vector<1x128xf32>
    %mul3A = arith.mulf %sub3A_9, %sub3A_9 : vector<1000x128xf32>
    %reduce_sum3A = arith.constant dense<0.000000e+00> : vector<128xf32>
    %reduce_sum3A_13 = vector.multi_reduction <add>, %mul3A, %reduce_sum3A [0] : vector<1000x128xf32> to vector<128xf32>
    %broadcast_in_dim3A = vector.shape_cast %reduce_sum3A_13 : vector<128xf32> to vector<1x128xf32>
    %add3A = arith.addf %get3A_12, %broadcast_in_dim3A : vector<1x128xf32>
    %swap3A = arith.constant 0 : index
    %swap3A_14 = arith.constant 0 : index
    %swap3A_15 = vector.load %arg4[%swap3A, %swap3A_14] : memref<1x128xf32, #tpu.memory_space<vmem>>, vector<1x128xf32>
    tpu.vector_store %arg4[%swap3A, %swap3A_14], %add3A {strides = array<i32>} : memref<1x128xf32, #tpu.memory_space<vmem>>, vector<1x128xf32>,
    %eq3A_16 = arith.constant 9 : i32
    %eq3A_17 = arith.cmpi eq, %arg0, %eq3A_16 : i32
    %convert_element_type3A_18 = arith.extui %eq3A_17 : i1 to i32
    %cond3A_19 = arith.constant 0 : i32
    %cond3A_20 = arith.cmpi ne, %convert_element_type3A_18, %cond3A_19 : i32
    scf.if %cond3A_20 {
      %get3A_21 = arith.constant 0 : index
      %get3A_22 = arith.constant 0 : index
      %get3A_23 = vector.load %arg4[%get3A_21, %get3A_22] : memref<1x128xf32, #tpu.memory_space<vmem>>, vector<1x128xf32>
      %swap3A_24 = arith.constant 0 : index
      %swap3A_25 = arith.constant 0 : index
      %swap3A_26 = vector.load %arg3[%swap3A_24, %swap3A_25] : memref<1x128xf32, #tpu.memory_space<vmem>>, vector<1x128xf32>
      tpu.vector_store %arg3[%swap3A_24, %swap3A_25], %get3A_23 {strides = array<i32>} : memref<1x128xf32, #tpu.memory_space<vmem>>, vector<1x128xf32>,
    } else {
    }
    return
  }
  func.func @transform_0(%arg0: i32) -> (i32, i32) {
    %c0_i32 = arith.constant 0 : i32
    %c0_i32_0 = arith.constant 0 : i32
    return %arg0, %c0_i32 : i32, i32
  }
  func.func @transform_1(%arg0: i32) -> (i32, i32) {
    %c0_i32 = arith.constant 0 : i32
    %c0_i32_0 = arith.constant 0 : i32
    %c0_i32_1 = arith.constant 0 : i32
    return %c0_i32, %c0_i32_0 : i32, i32
  }
  func.func @transform_2(%arg0: i32) -> (i32, i32) {
    %c0_i32 = arith.constant 0 : i32
    %c0_i32_0 = arith.constant 0 : i32
    %c0_i32_1 = arith.constant 0 : i32
    return %c0_i32, %c0_i32_0 : i32, i32
  }
}

module attributes {stable_mosaic.version = 14 : i64} {
  func.func @_p2_body(%arg0: i32, %arg1: memref<1000x128xf32, #tpu.memory_space<vmem>>, %arg2: memref<1x128xf32, #tpu.memory_space<vmem>>, %arg3: memref<1x128xf32, #tpu.memory_space<vmem>>, %arg4: memref<1000x128xf32, #tpu.memory_space<vmem>>, %arg5: memref<1x128xf32, #tpu.memory_space<vmem>>, %arg6: memref<1x128xf32, #tpu.memory_space<vmem>>, %arg7: memref<1000x128xf32, #tpu.memory_space<vmem>>) attributes {dimension_semantics = [#tpu.dimension_semantics<arbitrary>], iteration_bounds = array<i64: 10>, scalar_prefetch = 0 : i64, scratch_operands = 0 : i64, tpu.core_type = #tpu.core_type<tc>, window_params = [{transform_indices = @transform_0, window_bounds = array<i64: 1000, 128>}, {pipeline_mode = #tpu.pipeline_mode<synchronous>, transform_indices = @transform_1, window_bounds = array<i64: 1, 128>}, {pipeline_mode = #tpu.pipeline_mode<synchronous>, transform_indices = @transform_2, window_bounds = array<i64: 1, 128>}, {transform_indices = @transform_3, window_bounds = array<i64: 1000, 128>}, {pipeline_mode = #tpu.pipeline_mode<synchronous>, transform_indices = @transform_4, window_bounds = array<i64: 1, 128>}, {pipeline_mode = #tpu.pipeline_mode<synchronous>, transform_indices = @transform_5, window_bounds = array<i64: 1, 128>}, {transform_indices = @transform_6, window_bounds = array<i64: 1000, 128>}]} {
    %get3A = arith.constant 0 : index
    %get3A_0 = arith.constant 0 : index
    %get3A_1 = vector.load %arg2[%get3A, %get3A_0] : memref<1x128xf32, #tpu.memory_space<vmem>>, vector<1x128xf32>
    %div3A = arith.constant 1.000000e+04 : f32
    %div3A_2 = vector.broadcast %div3A : f32 to vector<1x128xf32>
    %div3A_3 = arith.divf %get3A_1, %div3A_2 : vector<1x128xf32>
    %get3A_4 = arith.constant 0 : index
    %get3A_5 = arith.constant 0 : index
    %get3A_6 = vector.load %arg3[%get3A_4, %get3A_5] : memref<1x128xf32, #tpu.memory_space<vmem>>, vector<1x128xf32>
    %div3A_7 = arith.constant 1.000000e+04 : f32
    %div3A_8 = vector.broadcast %div3A_7 : f32 to vector<1x128xf32>
    %div3A_9 = arith.divf %get3A_6, %div3A_8 : vector<1x128xf32>
    %get3A_10 = arith.constant 0 : index
    %get3A_11 = arith.constant 0 : index
    %get3A_12 = vector.load %arg1[%get3A_10, %get3A_11] : memref<1000x128xf32, #tpu.memory_space<vmem>>, vector<1000x128xf32>
    %sub3A = vector.broadcast %div3A_3 : vector<1x128xf32> to vector<1000x128xf32>
    %sub3A_13 = arith.subf %get3A_12, %sub3A : vector<1000x128xf32>
    %add3A = arith.constant 9.99999974E-6 : f32
    %add3A_14 = vector.broadcast %add3A : f32 to vector<1x128xf32>
    %add3A_15 = arith.addf %div3A_9, %add3A_14 : vector<1x128xf32>
    %sqrt3A = math.sqrt %add3A_15 : vector<1x128xf32>
    %div3A_16 = vector.broadcast %sqrt3A : vector<1x128xf32> to vector<1000x128xf32>
    %div3A_17 = arith.divf %sub3A_13, %div3A_16 : vector<1000x128xf32>
    %get3A_18 = arith.constant 0 : index
    %get3A_19 = arith.constant 0 : index
    %get3A_20 = vector.load %arg5[%get3A_18, %get3A_19] : memref<1x128xf32, #tpu.memory_space<vmem>>, vector<1x128xf32>
    %mul3A = vector.broadcast %get3A_20 : vector<1x128xf32> to vector<1000x128xf32>
    %mul3A_21 = arith.mulf %div3A_17, %mul3A : vector<1000x128xf32>
    %get3A_22 = arith.constant 0 : index
    %get3A_23 = arith.constant 0 : index
    %get3A_24 = vector.load %arg6[%get3A_22, %get3A_23] : memref<1x128xf32, #tpu.memory_space<vmem>>, vector<1x128xf32>
    %add3A_25 = vector.broadcast %get3A_24 : vector<1x128xf32> to vector<1000x128xf32>
    %add3A_26 = arith.addf %mul3A_21, %add3A_25 : vector<1000x128xf32>
    %max3A = arith.constant 0.000000e+00 : f32
    %max3A_27 = vector.broadcast %max3A : f32 to vector<1000x128xf32>
    %max3A_28 = arith.maximumf %add3A_26, %max3A_27 : vector<1000x128xf32>
    %swap3A = arith.constant 0 : index
    %swap3A_29 = arith.constant 0 : index
    %swap3A_30 = vector.load %arg7[%swap3A, %swap3A_29] : memref<1000x128xf32, #tpu.memory_space<vmem>>, vector<1000x128xf32>
    tpu.vector_store %arg7[%swap3A, %swap3A_29], %max3A_28 {strides = array<i32>} : memref<1000x128xf32, #tpu.memory_space<vmem>>, vector<1000x128xf32>,
    return
  }
  func.func @transform_0(%arg0: i32) -> (i32, i32) {
    %c0_i32 = arith.constant 0 : i32
    %c0_i32_0 = arith.constant 0 : i32
    return %arg0, %c0_i32 : i32, i32
  }
  func.func @transform_1(%arg0: i32) -> (i32, i32) {
    %c0_i32 = arith.constant 0 : i32
    %c0_i32_0 = arith.constant 0 : i32
    %c0_i32_1 = arith.constant 0 : i32
    return %c0_i32, %c0_i32_0 : i32, i32
  }
  func.func @transform_2(%arg0: i32) -> (i32, i32) {
    %c0_i32 = arith.constant 0 : i32
    %c0_i32_0 = arith.constant 0 : i32
    %c0_i32_1 = arith.constant 0 : i32
    return %c0_i32, %c0_i32_0 : i32, i32
  }
  func.func @transform_3(%arg0: i32) -> (i32, i32) {
    %c0_i32 = arith.constant 0 : i32
    %c0_i32_0 = arith.constant 0 : i32
    return %arg0, %c0_i32 : i32, i32
  }
  func.func @transform_4(%arg0: i32) -> (i32, i32) {
    %c0_i32 = arith.constant 0 : i32
    %c0_i32_0 = arith.constant 0 : i32
    %c0_i32_1 = arith.constant 0 : i32
    return %c0_i32, %c0_i32_0 : i32, i32
  }
  func.func @transform_5(%arg0: i32) -> (i32, i32) {
    %c0_i32 = arith.constant 0 : i32
    %c0_i32_0 = arith.constant 0 : i32
    %c0_i32_1 = arith.constant 0 : i32
    return %c0_i32, %c0_i32_0 : i32, i32
  }
  func.func @transform_6(%arg0: i32) -> (i32, i32) {
    %c0_i32 = arith.constant 0 : i32
    %c0_i32_0 = arith.constant 0 : i32
    return %arg0, %c0_i32 : i32, i32
  }
}

module attributes {stable_mosaic.version = 14 : i64} {
  func.func @_p2_body(%arg0: i32, %arg1: memref<1000x128xf32, #tpu.memory_space<vmem>>, %arg2: memref<1x128xf32, #tpu.memory_space<vmem>>, %arg3: memref<1x128xf32, #tpu.memory_space<vmem>>, %arg4: memref<1000x128xf32, #tpu.memory_space<vmem>>, %arg5: memref<1x128xf32, #tpu.memory_space<vmem>>, %arg6: memref<1x128xf32, #tpu.memory_space<vmem>>, %arg7: memref<1000x128xf32, #tpu.memory_space<vmem>>) attributes {dimension_semantics = [#tpu.dimension_semantics<arbitrary>], iteration_bounds = array<i64: 10>, scalar_prefetch = 0 : i64, scratch_operands = 0 : i64, tpu.core_type = #tpu.core_type<tc>, window_params = [{transform_indices = @transform_0, window_bounds = array<i64: 1000, 128>}, {pipeline_mode = #tpu.pipeline_mode<synchronous>, transform_indices = @transform_1, window_bounds = array<i64: 1, 128>}, {pipeline_mode = #tpu.pipeline_mode<synchronous>, transform_indices = @transform_2, window_bounds = array<i64: 1, 128>}, {transform_indices = @transform_3, window_bounds = array<i64: 1000, 128>}, {pipeline_mode = #tpu.pipeline_mode<synchronous>, transform_indices = @transform_4, window_bounds = array<i64: 1, 128>}, {pipeline_mode = #tpu.pipeline_mode<synchronous>, transform_indices = @transform_5, window_bounds = array<i64: 1, 128>}, {transform_indices = @transform_6, window_bounds = array<i64: 1000, 128>}]} {
    %get3A = arith.constant 0 : index
    %get3A_0 = arith.constant 0 : index
    %get3A_1 = vector.load %arg2[%get3A, %get3A_0] : memref<1x128xf32, #tpu.memory_space<vmem>>, vector<1x128xf32>
    %div3A = arith.constant 1.000000e+04 : f32
    %div3A_2 = vector.broadcast %div3A : f32 to vector<1x128xf32>
    %div3A_3 = arith.divf %get3A_1, %div3A_2 : vector<1x128xf32>
    %get3A_4 = arith.constant 0 : index
    %get3A_5 = arith.constant 0 : index
    %get3A_6 = vector.load %arg3[%get3A_4, %get3A_5] : memref<1x128xf32, #tpu.memory_space<vmem>>, vector<1x128xf32>
    %div3A_7 = arith.constant 1.000000e+04 : f32
    %div3A_8 = vector.broadcast %div3A_7 : f32 to vector<1x128xf32>
    %div3A_9 = arith.divf %get3A_6, %div3A_8 : vector<1x128xf32>
    %get3A_10 = arith.constant 0 : index
    %get3A_11 = arith.constant 0 : index
    %get3A_12 = vector.load %arg1[%get3A_10, %get3A_11] : memref<1000x128xf32, #tpu.memory_space<vmem>>, vector<1000x128xf32>
    %sub3A = vector.broadcast %div3A_3 : vector<1x128xf32> to vector<1000x128xf32>
    %sub3A_13 = arith.subf %get3A_12, %sub3A : vector<1000x128xf32>
    %add3A = arith.constant 9.99999974E-6 : f32
    %add3A_14 = vector.broadcast %add3A : f32 to vector<1x128xf32>
    %add3A_15 = arith.addf %div3A_9, %add3A_14 : vector<1x128xf32>
    %sqrt3A = math.sqrt %add3A_15 : vector<1x128xf32>
    %div3A_16 = vector.broadcast %sqrt3A : vector<1x128xf32> to vector<1000x128xf32>
    %div3A_17 = arith.divf %sub3A_13, %div3A_16 : vector<1000x128xf32>
    %get3A_18 = arith.constant 0 : index
    %get3A_19 = arith.constant 0 : index
    %get3A_20 = vector.load %arg5[%get3A_18, %get3A_19] : memref<1x128xf32, #tpu.memory_space<vmem>>, vector<1x128xf32>
    %mul3A = vector.broadcast %get3A_20 : vector<1x128xf32> to vector<1000x128xf32>
    %mul3A_21 = arith.mulf %div3A_17, %mul3A : vector<1000x128xf32>
    %get3A_22 = arith.constant 0 : index
    %get3A_23 = arith.constant 0 : index
    %get3A_24 = vector.load %arg6[%get3A_22, %get3A_23] : memref<1x128xf32, #tpu.memory_space<vmem>>, vector<1x128xf32>
    %add3A_25 = vector.broadcast %get3A_24 : vector<1x128xf32> to vector<1000x128xf32>
    %add3A_26 = arith.addf %mul3A_21, %add3A_25 : vector<1000x128xf32>
    %max3A = arith.constant 0.000000e+00 : f32
    %max3A_27 = vector.broadcast %max3A : f32 to vector<1000x128xf32>
    %max3A_28 = arith.maximumf %add3A_26, %max3A_27 : vector<1000x128xf32>
    %get3A_29 = arith.constant 0 : index
    %get3A_30 = arith.constant 0 : index
    %get3A_31 = vector.load %arg4[%get3A_29, %get3A_30] : memref<1000x128xf32, #tpu.memory_space<vmem>>, vector<1000x128xf32>
    %add3A_32 = arith.addf %max3A_28, %get3A_31 : vector<1000x128xf32>
    %swap3A = arith.constant 0 : index
    %swap3A_33 = arith.constant 0 : index
    %swap3A_34 = vector.load %arg7[%swap3A, %swap3A_33] : memref<1000x128xf32, #tpu.memory_space<vmem>>, vector<1000x128xf32>
    tpu.vector_store %arg7[%swap3A, %swap3A_33], %add3A_32 {strides = array<i32>} : memref<1000x128xf32, #tpu.memory_space<vmem>>, vector<1000x128xf32>,
    return
  }
  func.func @transform_0(%arg0: i32) -> (i32, i32) {
    %c0_i32 = arith.constant 0 : i32
    %c0_i32_0 = arith.constant 0 : i32
    return %arg0, %c0_i32 : i32, i32
  }
  func.func @transform_1(%arg0: i32) -> (i32, i32) {
    %c0_i32 = arith.constant 0 : i32
    %c0_i32_0 = arith.constant 0 : i32
    %c0_i32_1 = arith.constant 0 : i32
    return %c0_i32, %c0_i32_0 : i32, i32
  }
  func.func @transform_2(%arg0: i32) -> (i32, i32) {
    %c0_i32 = arith.constant 0 : i32
    %c0_i32_0 = arith.constant 0 : i32
    %c0_i32_1 = arith.constant 0 : i32
    return %c0_i32, %c0_i32_0 : i32, i32
  }
  func.func @transform_3(%arg0: i32) -> (i32, i32) {
    %c0_i32 = arith.constant 0 : i32
    %c0_i32_0 = arith.constant 0 : i32
    return %arg0, %c0_i32 : i32, i32
  }
  func.func @transform_4(%arg0: i32) -> (i32, i32) {
    %c0_i32 = arith.constant 0 : i32
    %c0_i32_0 = arith.constant 0 : i32
    %c0_i32_1 = arith.constant 0 : i32
    return %c0_i32, %c0_i32_0 : i32, i32
  }
  func.func @transform_5(%arg0: i32) -> (i32, i32) {
    %c0_i32 = arith.constant 0 : i32
    %c0_i32_0 = arith.constant 0 : i32
    %c0_i32_1 = arith.constant 0 : i32
    return %c0_i32, %c0_i32_0 : i32, i32
  }
  func.func @transform_6(%arg0: i32) -> (i32, i32) {
    %c0_i32 = arith.constant 0 : i32
    %c0_i32_0 = arith.constant 0 : i32
    return %arg0, %c0_i32 : i32, i32
  }
}

module attributes {stable_mosaic.version = 14 : i64} {
  func.func @_p2_body(%arg0: i32, %arg1: memref<1000x128xf32, #tpu.memory_space<vmem>>, %arg2: memref<1x128xf32, #tpu.memory_space<vmem>>, %arg3: memref<1x128xf32, #tpu.memory_space<vmem>>, %arg4: memref<1000x128xf32, #tpu.memory_space<vmem>>, %arg5: memref<1x128xf32, #tpu.memory_space<vmem>>, %arg6: memref<1x128xf32, #tpu.memory_space<vmem>>, %arg7: memref<1000x128xf32, #tpu.memory_space<vmem>>) attributes {dimension_semantics = [#tpu.dimension_semantics<arbitrary>], iteration_bounds = array<i64: 10>, scalar_prefetch = 0 : i64, scratch_operands = 0 : i64, tpu.core_type = #tpu.core_type<tc>, window_params = [{transform_indices = @transform_0, window_bounds = array<i64: 1000, 128>}, {pipeline_mode = #tpu.pipeline_mode<synchronous>, transform_indices = @transform_1, window_bounds = array<i64: 1, 128>}, {pipeline_mode = #tpu.pipeline_mode<synchronous>, transform_indices = @transform_2, window_bounds = array<i64: 1, 128>}, {transform_indices = @transform_3, window_bounds = array<i64: 1000, 128>}, {pipeline_mode = #tpu.pipeline_mode<synchronous>, transform_indices = @transform_4, window_bounds = array<i64: 1, 128>}, {pipeline_mode = #tpu.pipeline_mode<synchronous>, transform_indices = @transform_5, window_bounds = array<i64: 1, 128>}, {transform_indices = @transform_6, window_bounds = array<i64: 1000, 128>}]} {
    %get3A = arith.constant 0 : index
    %get3A_0 = arith.constant 0 : index
    %get3A_1 = vector.load %arg2[%get3A, %get3A_0] : memref<1x128xf32, #tpu.memory_space<vmem>>, vector<1x128xf32>
    %div3A = arith.constant 1.000000e+04 : f32
    %div3A_2 = vector.broadcast %div3A : f32 to vector<1x128xf32>
    %div3A_3 = arith.divf %get3A_1, %div3A_2 : vector<1x128xf32>
    %get3A_4 = arith.constant 0 : index
    %get3A_5 = arith.constant 0 : index
    %get3A_6 = vector.load %arg3[%get3A_4, %get3A_5] : memref<1x128xf32, #tpu.memory_space<vmem>>, vector<1x128xf32>
    %div3A_7 = arith.constant 1.000000e+04 : f32
    %div3A_8 = vector.broadcast %div3A_7 : f32 to vector<1x128xf32>
    %div3A_9 = arith.divf %get3A_6, %div3A_8 : vector<1x128xf32>
    %get3A_10 = arith.constant 0 : index
    %get3A_11 = arith.constant 0 : index
    %get3A_12 = vector.load %arg1[%get3A_10, %get3A_11] : memref<1000x128xf32, #tpu.memory_space<vmem>>, vector<1000x128xf32>
    %sub3A = vector.broadcast %div3A_3 : vector<1x128xf32> to vector<1000x128xf32>
    %sub3A_13 = arith.subf %get3A_12, %sub3A : vector<1000x128xf32>
    %add3A = arith.constant 9.99999974E-6 : f32
    %add3A_14 = vector.broadcast %add3A : f32 to vector<1x128xf32>
    %add3A_15 = arith.addf %div3A_9, %add3A_14 : vector<1x128xf32>
    %sqrt3A = math.sqrt %add3A_15 : vector<1x128xf32>
    %div3A_16 = vector.broadcast %sqrt3A : vector<1x128xf32> to vector<1000x128xf32>
    %div3A_17 = arith.divf %sub3A_13, %div3A_16 : vector<1000x128xf32>
    %get3A_18 = arith.constant 0 : index
    %get3A_19 = arith.constant 0 : index
    %get3A_20 = vector.load %arg5[%get3A_18, %get3A_19] : memref<1x128xf32, #tpu.memory_space<vmem>>, vector<1x128xf32>
    %mul3A = vector.broadcast %get3A_20 : vector<1x128xf32> to vector<1000x128xf32>
    %mul3A_21 = arith.mulf %div3A_17, %mul3A : vector<1000x128xf32>
    %get3A_22 = arith.constant 0 : index
    %get3A_23 = arith.constant 0 : index
    %get3A_24 = vector.load %arg6[%get3A_22, %get3A_23] : memref<1x128xf32, #tpu.memory_space<vmem>>, vector<1x128xf32>
    %add3A_25 = vector.broadcast %get3A_24 : vector<1x128xf32> to vector<1000x128xf32>
    %add3A_26 = arith.addf %mul3A_21, %add3A_25 : vector<1000x128xf32>
    %max3A = arith.constant 0.000000e+00 : f32
    %max3A_27 = vector.broadcast %max3A : f32 to vector<1000x128xf32>
    %max3A_28 = arith.maximumf %add3A_26, %max3A_27 : vector<1000x128xf32>
    %get3A_29 = arith.constant 0 : index
    %get3A_30 = arith.constant 0 : index
    %get3A_31 = vector.load %arg4[%get3A_29, %get3A_30] : memref<1000x128xf32, #tpu.memory_space<vmem>>, vector<1000x128xf32>
    %add3A_32 = arith.addf %max3A_28, %get3A_31 : vector<1000x128xf32>
    %swap3A = arith.constant 0 : index
    %swap3A_33 = arith.constant 0 : index
    %swap3A_34 = vector.load %arg7[%swap3A, %swap3A_33] : memref<1000x128xf32, #tpu.memory_space<vmem>>, vector<1000x128xf32>
    tpu.vector_store %arg7[%swap3A, %swap3A_33], %add3A_32 {strides = array<i32>} : memref<1000x128xf32, #tpu.memory_space<vmem>>, vector<1000x128xf32>,
    return
  }
  func.func @transform_0(%arg0: i32) -> (i32, i32) {
    %c0_i32 = arith.constant 0 : i32
    %c0_i32_0 = arith.constant 0 : i32
    return %arg0, %c0_i32 : i32, i32
  }
  func.func @transform_1(%arg0: i32) -> (i32, i32) {
    %c0_i32 = arith.constant 0 : i32
    %c0_i32_0 = arith.constant 0 : i32
    %c0_i32_1 = arith.constant 0 : i32
    return %c0_i32, %c0_i32_0 : i32, i32
  }
  func.func @transform_2(%arg0: i32) -> (i32, i32) {
    %c0_i32 = arith.constant 0 : i32
    %c0_i32_0 = arith.constant 0 : i32
    %c0_i32_1 = arith.constant 0 : i32
    return %c0_i32, %c0_i32_0 : i32, i32
  }
  func.func @transform_3(%arg0: i32) -> (i32, i32) {
    %c0_i32 = arith.constant 0 : i32
    %c0_i32_0 = arith.constant 0 : i32
    return %arg0, %c0_i32 : i32, i32
  }
  func.func @transform_4(%arg0: i32) -> (i32, i32) {
    %c0_i32 = arith.constant 0 : i32
    %c0_i32_0 = arith.constant 0 : i32
    %c0_i32_1 = arith.constant 0 : i32
    return %c0_i32, %c0_i32_0 : i32, i32
  }
  func.func @transform_5(%arg0: i32) -> (i32, i32) {
    %c0_i32 = arith.constant 0 : i32
    %c0_i32_0 = arith.constant 0 : i32
    %c0_i32_1 = arith.constant 0 : i32
    return %c0_i32, %c0_i32_0 : i32, i32
  }
  func.func @transform_6(%arg0: i32) -> (i32, i32) {
    %c0_i32 = arith.constant 0 : i32
    %c0_i32_0 = arith.constant 0 : i32
    return %arg0, %c0_i32 : i32, i32
  }
}

module attributes {stable_mosaic.version = 14 : i64} {
  func.func @_pool_body(%arg0: i32, %arg1: memref<1x1x1000xi32, #tpu.memory_space<vmem>>, %arg2: memref<1000x128xf32, #tpu.memory_space<vmem>>, %arg3: memref<128x128xf32, #tpu.memory_space<vmem>>, %arg4: memref<1x128xf32, #tpu.memory_space<vmem>>, %arg5: memref<1x128xf32, #tpu.memory_space<vmem>>, %arg6: memref<1x128xf32, #tpu.memory_space<vmem>>, %arg7: memref<128x128xf32, #tpu.memory_space<vmem>>, %arg8: memref<1x128xf32, #tpu.memory_space<vmem>>, %arg9: memref<16x128xf32, #tpu.memory_space<vmem>>, %arg10: memref<16x128xf32, #tpu.memory_space<vmem>>, %arg11: memref<16x1xf32, #tpu.memory_space<vmem>>) attributes {dimension_semantics = [#tpu.dimension_semantics<arbitrary>], iteration_bounds = array<i64: 10>, scalar_prefetch = 0 : i64, scratch_operands = 2 : i64, tpu.core_type = #tpu.core_type<tc>, window_params = [{transform_indices = @transform_0, window_bounds = array<i64: 1, 1, 1000>}, {transform_indices = @transform_1, window_bounds = array<i64: 1000, 128>}, {pipeline_mode = #tpu.pipeline_mode<synchronous>, transform_indices = @transform_2, window_bounds = array<i64: 128, 128>}, {pipeline_mode = #tpu.pipeline_mode<synchronous>, transform_indices = @transform_3, window_bounds = array<i64: 1, 128>}, {pipeline_mode = #tpu.pipeline_mode<synchronous>, transform_indices = @transform_4, window_bounds = array<i64: 1, 128>}, {pipeline_mode = #tpu.pipeline_mode<synchronous>, transform_indices = @transform_5, window_bounds = array<i64: 1, 128>}, {pipeline_mode = #tpu.pipeline_mode<synchronous>, transform_indices = @transform_6, window_bounds = array<i64: 128, 128>}, {pipeline_mode = #tpu.pipeline_mode<synchronous>, transform_indices = @transform_7, window_bounds = array<i64: 1, 128>}, {pipeline_mode = #tpu.pipeline_mode<synchronous>, transform_indices = @transform_8, window_bounds = array<i64: 16, 128>}]} {
    %eq3A = arith.constant 0 : i32
    %eq3A_0 = arith.cmpi eq, %arg0, %eq3A : i32
    %convert_element_type3A = arith.extui %eq3A_0 : i1 to i32
    %cond3A = arith.constant 0 : i32
    %cond3A_1 = arith.cmpi ne, %convert_element_type3A, %cond3A : i32
    scf.if %cond3A_1 {
      %broadcast_in_dim3A_33 = arith.constant 0.000000e+00 : f32
      %broadcast_in_dim3A_34 = vector.broadcast %broadcast_in_dim3A_33 : f32 to vector<16x128xf32>
      %swap3A_35 = arith.constant 0 : index
      %swap3A_36 = arith.constant 0 : index
      %swap3A_37 = vector.load %arg10[%swap3A_35, %swap3A_36] : memref<16x128xf32, #tpu.memory_space<vmem>>, vector<16x128xf32>
      tpu.vector_store %arg10[%swap3A_35, %swap3A_36], %broadcast_in_dim3A_34 {strides = array<i32>} : memref<16x128xf32, #tpu.memory_space<vmem>>, vector<16x128xf32>,
      %broadcast_in_dim3A_38 = arith.constant 0.000000e+00 : f32
      %broadcast_in_dim3A_39 = vector.broadcast %broadcast_in_dim3A_38 : f32 to vector<16x1xf32>
      %swap3A_40 = arith.constant 0 : index
      %swap3A_41 = arith.constant 0 : index
      %swap3A_42 = vector.load %arg11[%swap3A_40, %swap3A_41] : memref<16x1xf32, #tpu.memory_space<vmem>>, vector<16x1xf32>
      tpu.vector_store %arg11[%swap3A_40, %swap3A_41], %broadcast_in_dim3A_39 {strides = array<i32>} : memref<16x1xf32, #tpu.memory_space<vmem>>, vector<16x1xf32>,
    } else {
    }
    %get3A = arith.constant 0 : index
    %get3A_2 = arith.constant 0 : index
    %get3A_3 = arith.constant 0 : index
    %get3A_4 = vector.load %arg1[%get3A, %get3A_2, %get3A_3] : memref<1x1x1000xi32, #tpu.memory_space<vmem>>, vector<1x1x1000xi32>
    %get3A_5 = vector.shape_cast %get3A_4 : vector<1x1x1000xi32> to vector<1000xi32>
    %broadcast_in_dim3A = vector.shape_cast %get3A_5 : vector<1000xi32> to vector<1000x1xi32>
    %iota3A = tpu.iota {dimensions = array<i32: 1>} : vector<1000x16xi32>
    %eq3A_6 = vector.broadcast %broadcast_in_dim3A : vector<1000x1xi32> to vector<1000x16xi32>
    %eq3A_7 = arith.cmpi eq, %eq3A_6, %iota3A : vector<1000x16xi32>
    %convert_element_type3A_8 = arith.extui %eq3A_7 : vector<1000x16xi1> to vector<1000x16xi32>
    %convert_element_type3A_9 = arith.sitofp %convert_element_type3A_8 : vector<1000x16xi32> to vector<1000x16xf32>
    %get3A_10 = arith.constant 0 : index
    %get3A_11 = arith.constant 0 : index
    %get3A_12 = vector.load %arg10[%get3A_10, %get3A_11] : memref<16x128xf32, #tpu.memory_space<vmem>>, vector<16x128xf32>
    %get3A_13 = arith.constant 0 : index
    %get3A_14 = arith.constant 0 : index
    %get3A_15 = vector.load %arg2[%get3A_13, %get3A_14] : memref<1000x128xf32, #tpu.memory_space<vmem>>, vector<1000x128xf32>
    %dot_general3A = arith.constant dense<0.000000e+00> : vector<16x128xf32>
    %dot_general3A_16 = tpu.matmul %convert_element_type3A_9, %get3A_15, %dot_general3A {dimension_numbers = #tpu.dot_dimension_numbers<[0], [0], [1], [1], [0, 1, 1, 1], [], []>, transpose_lhs_hint = false} : vector<1000x16xf32>, vector<1000x128xf32>, vector<16x128xf32> -> vector<16x128xf32>
    %add3A = arith.addf %get3A_12, %dot_general3A_16 : vector<16x128xf32>
    %swap3A = arith.constant 0 : index
    %swap3A_17 = arith.constant 0 : index
    %swap3A_18 = vector.load %arg10[%swap3A, %swap3A_17] : memref<16x128xf32, #tpu.memory_space<vmem>>, vector<16x128xf32>
    tpu.vector_store %arg10[%swap3A, %swap3A_17], %add3A {strides = array<i32>} : memref<16x128xf32, #tpu.memory_space<vmem>>, vector<16x128xf32>,
    %get3A_19 = arith.constant 0 : index
    %get3A_20 = arith.constant 0 : index
    %get3A_21 = vector.load %arg11[%get3A_19, %get3A_20] : memref<16x1xf32, #tpu.memory_space<vmem>>, vector<16x1xf32>
    %reduce_sum3A = arith.constant dense<0.000000e+00> : vector<16xf32>
    %reduce_sum3A_22 = vector.multi_reduction <add>, %convert_element_type3A_9, %reduce_sum3A [0] : vector<1000x16xf32> to vector<16xf32>
    %broadcast_in_dim3A_23 = vector.shape_cast %reduce_sum3A_22 : vector<16xf32> to vector<16x1xf32>
    %add3A_24 = arith.addf %get3A_21, %broadcast_in_dim3A_23 : vector<16x1xf32>
    %swap3A_25 = arith.constant 0 : index
    %swap3A_26 = arith.constant 0 : index
    %swap3A_27 = vector.load %arg11[%swap3A_25, %swap3A_26] : memref<16x1xf32, #tpu.memory_space<vmem>>, vector<16x1xf32>
    tpu.vector_store %arg11[%swap3A_25, %swap3A_26], %add3A_24 {strides = array<i32>} : memref<16x1xf32, #tpu.memory_space<vmem>>, vector<16x1xf32>,
    %eq3A_28 = arith.constant 9 : i32
    %eq3A_29 = arith.cmpi eq, %arg0, %eq3A_28 : i32
    %convert_element_type3A_30 = arith.extui %eq3A_29 : i1 to i32
    %cond3A_31 = arith.constant 0 : i32
    %cond3A_32 = arith.cmpi ne, %convert_element_type3A_30, %cond3A_31 : i32
    scf.if %cond3A_32 {
      %get3A_33 = arith.constant 0 : index
      %get3A_34 = arith.constant 0 : index
      %get3A_35 = vector.load %arg10[%get3A_33, %get3A_34] : memref<16x128xf32, #tpu.memory_space<vmem>>, vector<16x128xf32>
      %get3A_36 = arith.constant 0 : index
      %get3A_37 = arith.constant 0 : index
      %get3A_38 = vector.load %arg11[%get3A_36, %get3A_37] : memref<16x1xf32, #tpu.memory_space<vmem>>, vector<16x1xf32>
      %max3A = arith.constant 1.000000e+00 : f32
      %max3A_39 = vector.broadcast %max3A : f32 to vector<16x1xf32>
      %max3A_40 = arith.maximumf %get3A_38, %max3A_39 : vector<16x1xf32>
      %div3A = vector.broadcast %max3A_40 : vector<16x1xf32> to vector<16x128xf32>
      %div3A_41 = arith.divf %get3A_35, %div3A : vector<16x128xf32>
      %get3A_42 = arith.constant 0 : index
      %get3A_43 = arith.constant 0 : index
      %get3A_44 = vector.load %arg3[%get3A_42, %get3A_43] : memref<128x128xf32, #tpu.memory_space<vmem>>, vector<128x128xf32>
      %dot_general3A_45 = arith.constant dense<0.000000e+00> : vector<16x128xf32>
      %dot_general3A_46 = tpu.matmul %div3A_41, %get3A_44, %dot_general3A_45 {dimension_numbers = #tpu.dot_dimension_numbers<[1], [0], [0], [1], [0, 0, 1, 1], [], []>, transpose_lhs_hint = false} : vector<16x128xf32>, vector<128x128xf32>, vector<16x128xf32> -> vector<16x128xf32>
      %get3A_47 = arith.constant 0 : index
      %get3A_48 = arith.constant 0 : index
      %get3A_49 = vector.load %arg4[%get3A_47, %get3A_48] : memref<1x128xf32, #tpu.memory_space<vmem>>, vector<1x128xf32>
      %add3A_50 = vector.broadcast %get3A_49 : vector<1x128xf32> to vector<16x128xf32>
      %add3A_51 = arith.addf %dot_general3A_46, %add3A_50 : vector<16x128xf32>
      %reduce_sum3A_52 = arith.constant dense<0.000000e+00> : vector<16xf32>
      %reduce_sum3A_53 = vector.multi_reduction <add>, %add3A_51, %reduce_sum3A_52 [1] : vector<16x128xf32> to vector<16xf32>
      %broadcast_in_dim3A_54 = vector.shape_cast %reduce_sum3A_53 : vector<16xf32> to vector<16x1xf32>
      %div3A_55 = arith.constant 1.280000e+02 : f32
      %div3A_56 = vector.broadcast %div3A_55 : f32 to vector<16x1xf32>
      %div3A_57 = arith.divf %broadcast_in_dim3A_54, %div3A_56 : vector<16x1xf32>
      %sub3A = vector.broadcast %div3A_57 : vector<16x1xf32> to vector<16x128xf32>
      %sub3A_58 = arith.subf %add3A_51, %sub3A : vector<16x128xf32>
      %sub3A_59 = vector.broadcast %div3A_57 : vector<16x1xf32> to vector<16x128xf32>
      %sub3A_60 = arith.subf %add3A_51, %sub3A_59 : vector<16x128xf32>
      %mul3A = arith.mulf %sub3A_58, %sub3A_60 : vector<16x128xf32>
      %reduce_sum3A_61 = arith.constant dense<0.000000e+00> : vector<16xf32>
      %reduce_sum3A_62 = vector.multi_reduction <add>, %mul3A, %reduce_sum3A_61 [1] : vector<16x128xf32> to vector<16xf32>
      %broadcast_in_dim3A_63 = vector.shape_cast %reduce_sum3A_62 : vector<16xf32> to vector<16x1xf32>
      %div3A_64 = arith.constant 1.280000e+02 : f32
      %div3A_65 = vector.broadcast %div3A_64 : f32 to vector<16x1xf32>
      %div3A_66 = arith.divf %broadcast_in_dim3A_63, %div3A_65 : vector<16x1xf32>
      %sub3A_67 = vector.broadcast %div3A_57 : vector<16x1xf32> to vector<16x128xf32>
      %sub3A_68 = arith.subf %add3A_51, %sub3A_67 : vector<16x128xf32>
      %add3A_69 = arith.constant 9.99999974E-6 : f32
      %add3A_70 = vector.broadcast %add3A_69 : f32 to vector<16x1xf32>
      %add3A_71 = arith.addf %div3A_66, %add3A_70 : vector<16x1xf32>
      %sqrt3A = math.sqrt %add3A_71 : vector<16x1xf32>
      %div3A_72 = vector.broadcast %sqrt3A : vector<16x1xf32> to vector<16x128xf32>
      %div3A_73 = arith.divf %sub3A_68, %div3A_72 : vector<16x128xf32>
      %get3A_74 = arith.constant 0 : index
      %get3A_75 = arith.constant 0 : index
      %get3A_76 = vector.load %arg5[%get3A_74, %get3A_75] : memref<1x128xf32, #tpu.memory_space<vmem>>, vector<1x128xf32>
      %mul3A_77 = vector.broadcast %get3A_76 : vector<1x128xf32> to vector<16x128xf32>
      %mul3A_78 = arith.mulf %div3A_73, %mul3A_77 : vector<16x128xf32>
      %get3A_79 = arith.constant 0 : index
      %get3A_80 = arith.constant 0 : index
      %get3A_81 = vector.load %arg6[%get3A_79, %get3A_80] : memref<1x128xf32, #tpu.memory_space<vmem>>, vector<1x128xf32>
      %add3A_82 = vector.broadcast %get3A_81 : vector<1x128xf32> to vector<16x128xf32>
      %add3A_83 = arith.addf %mul3A_78, %add3A_82 : vector<16x128xf32>
      %max3A_84 = arith.constant 0.000000e+00 : f32
      %max3A_85 = vector.broadcast %max3A_84 : f32 to vector<16x128xf32>
      %max3A_86 = arith.maximumf %add3A_83, %max3A_85 : vector<16x128xf32>
      %get3A_87 = arith.constant 0 : index
      %get3A_88 = arith.constant 0 : index
      %get3A_89 = vector.load %arg7[%get3A_87, %get3A_88] : memref<128x128xf32, #tpu.memory_space<vmem>>, vector<128x128xf32>
      %dot_general3A_90 = arith.constant dense<0.000000e+00> : vector<16x128xf32>
      %dot_general3A_91 = tpu.matmul %max3A_86, %get3A_89, %dot_general3A_90 {dimension_numbers = #tpu.dot_dimension_numbers<[1], [0], [0], [1], [0, 0, 1, 1], [], []>, transpose_lhs_hint = false} : vector<16x128xf32>, vector<128x128xf32>, vector<16x128xf32> -> vector<16x128xf32>
      %get3A_92 = arith.constant 0 : index
      %get3A_93 = arith.constant 0 : index
      %get3A_94 = vector.load %arg8[%get3A_92, %get3A_93] : memref<1x128xf32, #tpu.memory_space<vmem>>, vector<1x128xf32>
      %add3A_95 = vector.broadcast %get3A_94 : vector<1x128xf32> to vector<16x128xf32>
      %add3A_96 = arith.addf %dot_general3A_91, %add3A_95 : vector<16x128xf32>
      %swap3A_97 = arith.constant 0 : index
      %swap3A_98 = arith.constant 0 : index
      %swap3A_99 = vector.load %arg9[%swap3A_97, %swap3A_98] : memref<16x128xf32, #tpu.memory_space<vmem>>, vector<16x128xf32>
      tpu.vector_store %arg9[%swap3A_97, %swap3A_98], %add3A_96 {strides = array<i32>} : memref<16x128xf32, #tpu.memory_space<vmem>>, vector<16x128xf32>,
    } else {
    }
    return
  }
  func.func @transform_0(%arg0: i32) -> (i32, i32, i32) {
    %c0_i32 = arith.constant 0 : i32
    %c0_i32_0 = arith.constant 0 : i32
    %c0_i32_1 = arith.constant 0 : i32
    return %arg0, %c0_i32, %c0_i32_0 : i32, i32, i32
  }
  func.func @transform_1(%arg0: i32) -> (i32, i32) {
    %c0_i32 = arith.constant 0 : i32
    %c0_i32_0 = arith.constant 0 : i32
    return %arg0, %c0_i32 : i32, i32
  }
  func.func @transform_2(%arg0: i32) -> (i32, i32) {
    %c0_i32 = arith.constant 0 : i32
    %c0_i32_0 = arith.constant 0 : i32
    %c0_i32_1 = arith.constant 0 : i32
    return %c0_i32, %c0_i32_0 : i32, i32
  }
  func.func @transform_3(%arg0: i32) -> (i32, i32) {
    %c0_i32 = arith.constant 0 : i32
    %c0_i32_0 = arith.constant 0 : i32
    %c0_i32_1 = arith.constant 0 : i32
    return %c0_i32, %c0_i32_0 : i32, i32
  }
  func.func @transform_4(%arg0: i32) -> (i32, i32) {
    %c0_i32 = arith.constant 0 : i32
    %c0_i32_0 = arith.constant 0 : i32
    %c0_i32_1 = arith.constant 0 : i32
    return %c0_i32, %c0_i32_0 : i32, i32
  }
  func.func @transform_5(%arg0: i32) -> (i32, i32) {
    %c0_i32 = arith.constant 0 : i32
    %c0_i32_0 = arith.constant 0 : i32
    %c0_i32_1 = arith.constant 0 : i32
    return %c0_i32, %c0_i32_0 : i32, i32
  }
  func.func @transform_6(%arg0: i32) -> (i32, i32) {
    %c0_i32 = arith.constant 0 : i32
    %c0_i32_0 = arith.constant 0 : i32
    %c0_i32_1 = arith.constant 0 : i32
    return %c0_i32, %c0_i32_0 : i32, i32
  }
  func.func @transform_7(%arg0: i32) -> (i32, i32) {
    %c0_i32 = arith.constant 0 : i32
    %c0_i32_0 = arith.constant 0 : i32
    %c0_i32_1 = arith.constant 0 : i32
    return %c0_i32, %c0_i32_0 : i32, i32
  }
  func.func @transform_8(%arg0: i32) -> (i32, i32) {
    %c0_i32 = arith.constant 0 : i32
    %c0_i32_0 = arith.constant 0 : i32
    %c0_i32_1 = arith.constant 0 : i32
    return %c0_i32, %c0_i32_0 : i32, i32
  }
}

</mosaic_0001>

<sc_bundles>
// kernel: kernel.24.cloned.1.call-start
scs
__scs_entry_jumppad:
0x0: {  	(pc) =	sbr.rel $0x88, $3  }
0x1: {  	(tag) =	ssettag $0x0;
	lr =	simm.s32 $0x1  }
0x2: {  	[smem:$0x3F90] =	sst lr;
	_ =	strace $0xD0000000  }
0x3: {  	_ = 	snop  }
0x4: {  	_ = 	snop  }
0x5: {  	_ = 	snop  }
0x6: {  	_ = 	snop  }
0x7: {  	_ = 	snop  }
__scs_overlays_trampoline_lowered:
0x8: {  	[smem:$0x3F9F] =	sst s0  }
0x9: {  	[smem:$0x3FA0] =	sst s1  }
0xa: {  	[smem:$0x3FA1] =	sst s2  }
0xb: {  	[smem:$0x3FA2] =	sst s3  }
0xc: {  	[smem:$0x3FA3] =	sst s4  }
0xd: {  	[smem:$0x3FA4] =	sst s5  }
0xe: {  	[smem:$0x3FA5] =	sst s6  }
0xf: {  	[smem:$0x3FA6] =	sst s7  }
0x10: {  	[smem:$0x3FA7] =	sst s8  }
0x11: {  	[smem:$0x3FA8] =	sst s9;
	s0 =	simm.s32 @!p0 $0x0  }
0x12: {  	s1 =	sld [smem:$0x3F8E];
	s0 =	simm.s32 @p0 $0x1  }
0x13: {  	[smem:$0x3FA9] =	sst s0;
	s0 =	simm.s32 @!p1 $0x0  }
0x14: {  	s2 =	sld [smem:$0x3F8D];
	s0 =	simm.s32 @p1 $0x1  }
0x15: {  	[smem:$0x3FAA] =	sst s0;
	s0 =	simm.s32 @!p2 $0x0  }
0x16: {  	s3 =	sld [smem:$0x3FDB];
	s0 =	simm.s32 @p2 $0x1  }
0x17: {  	s4 =	simm.s32 $0x1BF5;
	[smem:$0x3FAC] =	sst s0  }
0x18: {  	s0 =	sld [smem:$0x3F8F];
	_ =	swait.ge [sflag:s4], $0x0  }
0x19: {  	s7 =	sld [smem:$0x3F90]  }
0x1a: {  	s8 =	sadd.s32 $0xFFFFE003, lr  }
0x1b: {  	s9 =	sadd.s32 $0xFFFFFEF7, lr;
	s5 =	simm.s32 $0xFFFFFFFF;
	p2 =	slt.u32 s8, $0xFFFFF086  }
0x1c: {  	p1 =	slt.u32 s9, $0xF7A;
	s5 =	simm.s32 @!p2 $0x0  }
0x1d: {  	s5 =	simm.s32 @p1 $0x1;
	p0 =	seq.s32 s7, s2  }
0x1e: {  	s7 =	smul.u32 @!p0 $0xF7A, s2;
	p2 =	seq.s32 @!p0 s5, $0x0  }
0x1f: {  	s9 =	smul.u32 $0xF7A, s1;
	s8 =	simm.s32 @!p0 $0x1BF5;
	p2 =	por !p2, p0  }
0x20: {  	[sflag:s8] =	ssyncset.s32 @!p0 $0xFFFFF086;
	s6 =	sadd.s32 @!p0 s3, s7;
	s7 =	simm.s32 @!p0 $0x108  }
0x21: {  	s3 =	sadd.s32 s3, s9;
	s6 =	sadd.s32 @!p0 $0x88, s6;
	s7 =	simm.s32 @p2 $0x1082  }
0x22: {  	[simem:s7], [sflag:s8] =	dma.local @!p0 [hbm:s6], $0xF7A  }
0x23: {  	s9 =	sor.u32 $0xD0000000, s2;
	s6 =	simm.s32 $0x108;
	_ =	swait.ge @!p0 [sflag:s8], $0x0  }
0x24: {  	s3 =	sadd.s32 $0x88, s3;
	s6 =	simm.s32 @!p1 $0x1082;
	[sflag:s4] =	ssyncset.s32 $0xFFFFF086  }
0x25: {  	[simem:s6], [sflag:s4] =	dma.local [hbm:s3], $0xF7A  }
0x26: {  	[smem:$0x3F90] =	sst s1;
	(tag) =	ssettag s2;
	_ =	strace s9  }
0x27: {  	s1 =	sld [smem:$0x3FA0]  }
0x28: {  	s2 =	sld [smem:$0x3FA1]  }
0x29: {  	s4 =	sld [smem:$0x3FA3]  }
0x2a: {  	p0 =	seq.s32 s5, $0x0;
	s5 =	sld [smem:$0x3FA4]  }
0x2b: {  	s6 =	sld [smem:$0x3FA5]  }
0x2c: {  	s7 =	sld [smem:$0x3FA6]  }
0x2d: {  	s3 =	simm.s32 $0x108;
	s8 =	sld [smem:$0x3FA7]  }
0x2e: {  	s3 =	simm.s32 @!p0 $0x1082;
	s9 =	sld [smem:$0x3FA8]  }
0x2f: {  	lr =	sadd.s32 s0, s3;
	s0 =	sld [smem:$0x3F9F]  }
0x30: {  	s3 =	sld [smem:$0x3FA2]  }
0x31: {  	[smem:$0x3FAB] =	sst s10  }
0x32: {  	s10 =	sld [smem:$0x3FA9];
	_ =	sdelay $0x3  }
0x33: {  	p0 =	seq.s32 s10, $0x1;
	s10 =	sld [smem:$0x3FAB];
	_ =	sdelay $0x3  }
0x34: {  	[smem:$0x3FAB] =	sst s10  }
0x35: {  	s10 =	sld [smem:$0x3FAA];
	_ =	sdelay $0x3  }
0x36: {  	p1 =	seq.s32 s10, $0x1;
	s10 =	sld [smem:$0x3FAB];
	_ =	sdelay $0x3  }
0x37: {  	[smem:$0x3FAB] =	sst s10  }
0x38: {  	s10 =	sld [smem:$0x3FAC]  }
0x39: {  	_ = 	snop;
	(pc) =	sbr.ind lr, $3  }
0x3a: {  	_ = 	snop  }
0x3b: {  	_ = 	snop  }
0x3c: {  	p2 =	seq.s32 s10, $0x1;
	s10 =	sld [smem:$0x3FAB]  }
0x3d: {  	_ =	shalt  }
0x3e: {  	_ =	shalt  }
0x3f: {  	_ =	shalt  }
0x40: {  	_ =	shalt  }
0x41: {  	_ =	shalt  }
0x42: {  	_ =	shalt  }
0x43: {  	_ =	shalt  }
0x44: {  	_ =	shalt  }
0x45: {  	_ =	shalt  }
0x46: {  	_ =	shalt  }
0x47: {  	_ =	shalt  }
0x48: {  	_ =	shalt  }
0x49: {  	_ =	shalt  }
0x4a: {  	_ =	shalt  }
0x4b: {  	_ =	shalt  }
0x4c: {  	_ =	shalt  }
0x4d: {  	_ =	shalt  }
0x4e: {  	_ =	shalt  }
0x4f: {  	_ =	shalt  }
0x50: {  	_ =	shalt  }
0x51: {  	_ =	shalt  }
0x52: {  	_ =	shalt  }
0x53: {  	_ =	shalt  }
0x54: {  	_ =	shalt  }
0x55: {  	_ =	shalt  }
0x56: {  	_ =	shalt  }
0x57: {  	_ =	shalt  }
0x58: {  	_ =	shalt  }
0x59: {  	_ =	shalt  }
0x5a: {  	_ =	shalt  }
0x5b: {  	_ =	shalt  }
0x5c: {  	_ =	shalt  }
0x5d: {  	_ =	shalt  }
0x5e: {  	_ =	shalt  }
0x5f: {  	_ =	shalt  }
0x60: {  	_ =	shalt  }
0x61: {  	_ =	shalt  }
0x62: {  	_ =	shalt  }
0x63: {  	_ =	shalt  }
0x64: {  	_ =	shalt  }
0x65: {  	_ =	shalt  }
0x66: {  	_ =	shalt  }
0x67: {  	_ =	shalt  }
0x68: {  	_ =	shalt  }
0x69: {  	_ =	shalt  }
0x6a: {  	_ =	shalt  }
0x6b: {  	_ =	shalt  }
0x6c: {  	_ =	shalt  }
0x6d: {  	_ =	shalt  }
0x6e: {  	_ =	shalt  }
0x6f: {  	_ =	shalt  }
0x70: {  	_ =	shalt  }
0x71: {  	_ =	shalt  }
0x72: {  	_ =	shalt  }
0x73: {  	_ =	shalt  }
0x74: {  	_ =	shalt  }
0x75: {  	_ =	shalt  }
0x76: {  	_ =	shalt  }
0x77: {  	_ =	shalt  }
0x78: {  	_ =	shalt  }
0x79: {  	_ =	shalt  }
0x7a: {  	_ =	shalt  }
0x7b: {  	_ =	shalt  }
0x7c: {  	_ =	shalt  }
0x7d: {  	_ =	shalt  }
0x7e: {  	_ =	shalt  }
0x7f: {  	_ =	shalt  }
0x80: {  	_ =	shalt  }
0x81: {  	_ =	shalt  }
0x82: {  	_ =	shalt  }
0x83: {  	_ =	shalt  }
0x84: {  	_ =	shalt  }
0x85: {  	_ =	shalt  }
0x86: {  	_ =	shalt  }
0x87: {  	_ =	shalt  }
.Lfunc_end0:
.L_simem_size_0:
called_computation_lowered:
.L_overlay_start_0:
0x88: {  	s2 =	sld [smem:$0x3FD9]  }
0x89: {  	s3 =	sld [smem:$0x3FFE];
	_ =	sdelay $0x1  }
0x8a: {  	s1 =	srdreg.scid  }
0x8b: {  	s0 =	sand.u32 $0x1, s1  }
0x8c: {  	s14 =	sshll.u32 s0, $0xA;
	s2 =	sadd.s32 s3, s2  }
0x8d: {  	s2 =	sadd.s32 s2, s14  }
0x8e: {  	[smem:$0x3FB7] =	sst s2  }
0x8f: {  	_ = 	snop  }
0x90: {  	s2 =	sld [smem:$0x3FD0];
	_ =	sdelay $0x2  }
0x91: {  	s15 =	simm.s32 $0xA;
	s4 =	simm.s32 $0x10  }
0x92: {  	[smem:s4], [sflag:s15] =	dma.local [hbm:s2], $0x1  }
0x93: {  	_ =	swait.eq [sflag:s15], $0x1  }
0x94: {  	[sflag:s15] =	ssyncset.done $0x0  }
0x95: {  	[sflag:s15] =	ssyncadd.s32 $0xFFFFFFFF  }
0x96: {  	s16 =	sld [smem:$0x10];
	(tm) =	ssettm $0x1  }
0x97: {  	s17 =	sld [smem:$0x3FFB];
	_ =	sdelay $0x3  }
0x98: {  	_ =	strace s17  }
0x99: {  	s3 =	sld [smem:$0x3FFC];
	_ =	sdelay $0x3  }
0x9a: {  	_ =	strace s3  }
0x9b: {  	s3 =	sld [smem:$0x3FFD];
	_ =	sdelay $0x3  }
0x9c: {  	_ =	strace s3  }
0x9d: {  	_ =	strace $0x8FFFFFFF  }
0x9e: {  	s18 =	sld [smem:$0x3FDB];
	_ =	sdelay $0x1  }
0x9f: {  	s19 =	simm.s32 $_scs_section_size  }
0xa0: {  	s5 =	simm.s32 $_size__tile_overlayer_lowered;
	s6 =	simm.s32 $_tile_overlayer_lowered  }
0xa1: {  	s22 =	simm.s32 $0x1BFF;
	s21 =	sshll.u32 s6, $0x1;
	s3 =	sadd.s32 s19, s18  }
0xa2: {  	s7 =	simm.s32 $0x0;
	s20 =	sshll.u32 s5, $0x1;
	s5 =	sadd.s32 s21, s3  }
0xa3: {  	[timem:s7], [sflag:s22] =	dma.local [hbm:s5], s20  }
0xa4: {  	_ =	swait.ge [sflag:s22], s20  }
0xa5: {  	s4 =	ssub.s32 $0x0, s20;
	[sflag:s22] =	ssyncset.done $0x0  }
0xa6: {  	[sflag:s22] =	ssyncadd.s32 s4;
	_ =	sdelay $0x1  }
0xa7: {  	s23 =	simm.s32 $0x1B8B  }
0xa8: {  	_ =	swait.ge [sflag:s23], $0x1  }
0xa9: {  	[sflag:s23] =	ssyncset.done $0x0  }
0xaa: {  	s25 =	simm.s32 $0x1B8E;
	s24 =	sld [smem:$0x3FFE];
	[sflag:s23] =	ssyncadd.s32 $0xFFFFFFFF  }
0xab: {  	s26 =	simm.s32 $execute0_lowered;
	[smem:$0x3FD2] =	sst s25  }
0xac: {  	s5 =	sshll.u32 s26, $0x1;
	_ =	strace $0x80000046;
	[dreg:$0x1] =	wrdreg $0xFFFFFFFF  }
0xad: {  	s28 =	simm.s32 $_size_execute0_lowered;
	s3 =	sadd.s32 s3, s5;
	[dreg:$0x0] =	wrdreg $0x0  }
0xae: {  	s5 =	sshll.u32 s28, $0x1;
	[dreg:$0x2] =	wrdreg s3  }
0xaf: {  	[dreg:$0x3] =	wrdreg s5  }
0xb0: {  	[dreg:$0x4] =	wrdreg $0xC0  }
0xb1: {  	_ =	task [dreg:s7], $0x5FFFF  }
0xb2: {  	[dreg:$0x1] =	wrdreg $0xFFFFFFFF  }
0xb3: {  	[dreg:$0x0] =	wrdreg $0x60  }
0xb4: {  	[dreg:$0x2] =	wrdreg s16  }
0xb5: {  	[dreg:$0x3] =	wrdreg s24  }
0xb6: {  	[dreg:$0x4] =	wrdreg $0xB1000  }
0xb7: {  	[dreg:$0x5] =	wrdreg $0x9  }
0xb8: {  	_ =	task.clear_ibuf [dreg:s7], $0x6FFFF;
	_ =	strace $0x90000046  }
0xb9: {  	s29 =	simm.s32 $0x9;
	_ =	strace $0x80000048  }
0xba: {  	_ =	swait.ge [sflag:s29], $0x1  }
0xbb: {  	[sflag:s29] =	ssyncadd.s32 $0xFFFFFFFF  }
0xbc: {  	_ =	strace $0x90000048  }
0xbd: {  	_ =	sfence  }
0xbe: {  	s30 =	sld [smem:$0x0];
	_ =	sdelay $0x2  }
0xbf: {  	s31 =	sshll.u32 s1, $0xD;
	s1 =	sshrl.u32 s1, $0x2  }
0xc0: {  	s3 =	sand.u32 $0x4000, s31;
	s1 =	sadd.s32 s1, s30  }
0xc1: {  	s0 =	sor.u32 s3, s0;
	s1 =	sshll.u32 s1, $0x11  }
0xc2: {  	s0 =	sor.u32 s1, s0  }
0xc3: {  	s0 =	sadd.s32 $0x8F2B, s0  }
0xc4: {  	[sflag:s0] =	ssyncadd.remote.s32 $0x1  }
0xc5: {  	_ =	sfence.sel $0xFFFF  }
0xc6: {  	[dreg:$0x0] =	wrdreg $0xFFFFFFFF;
	(pc) =	sbr.abs _section_cstart, $3  }
0xc7: {  	[dreg:$0x1] =	wrdreg $0xFFFFFFFF  }
0xc8: {  	_ =	task.clear_ibuf [dreg:s7], $0x2FFFF;
	_ =	strace $0x9FFFFFFF  }
0xc9: {  	(tm) =	ssettm $0x7FFFFFFF  }
tec
execute0_lowered:
.L_overlay_start_1:
0x0: {  	(tag) =	ssettag $0x1  }
0x1: {  	s0 =	srdreg.scid;
	s2 =	rddreg [dreg:$0x0]  }
0x2: {  	s7 =	stileid.u32;
	s4 =	rddreg [dreg:$0x1]  }
0x3: {  	s3 =	rddreg [dreg:$0x2];
	s8 =	simm.s32 $0x0;
	s30 =	simm.s32 $0xA100  }
0x4: {  	s31 =	simm.s32 $0x3;
	s9 =	simm.s32 $0x4F80;
	s0 =	sand.u32 $0x1, s0  }
0x5: {  	s10 =	simm.s32 $0x2;
	s6 =	smul.u32 $0x2800, s7;
	s1 =	sshll.u32 s0, $0x4  }
0x6: {  	s5 =	smul.u32 $0x28000, s0;
	s0 =	ssub.s32 $0x2, s0;
	s1 =	sor.u32 s7, s1  }
0x7: {  	[smem:$0x7FF] =	sst s8;
	s16 =	sshrl.u32 s0, $0x1;
	s1 =	smul.u32 $0x4E2, s1  }
0x8: {  	_ =	strace $0x80000047;
	s7 =	smul.u32 $0x50000, s7;
	s0 =	ssub.s32 s0, s16  }
0x9: {  	s5 =	sadd.s32 s6, s5;
	s0 =	smax.u32 s0, $0x1;
	s1 =	sadd.s32 s1, s4  }
0xa: {  	s7 =	sshrl.u32 s7, $0x2;
	[dreg:$0x7] =	wrdreg s0;
	s17 =	sadd.s32 $0x11C00, s1  }
0xb: {  	s4 =	sadd.s32 s5, s4;
	s1 =	sadd.s32 $0x7E00, s1;
	[dreg:$0x4] =	wrdreg s17  }
0xc: {  	s5 =	sadd.s32 s7, s3;
	s18 =	sadd.s32 $0x1BA00, s4;
	[dreg:$0x5] =	wrdreg s1  }
0xd: {  	s11 =	simm.s32 $0x5080;
	s19 =	sadd.s32 $0x1000, s5;
	[dreg:$0x6] =	wrdreg s18  }
0xe: {  	s12 =	simm.s32 $0x0;
	s20 =	sadd.s32 $0x2000, s5;
	[dreg:$0x8] =	wrdreg s19  }
0xf: {  	s8 =	simm.s32 $0x1;
	s21 =	sadd.s32 $0x3000, s5;
	[dreg:$0x9] =	wrdreg s20  }
0x10: {  	s6 =	simm.s32 $0x5000;
	s22 =	sadd.s32 $0x4000, s5;
	[dreg:$0xa] =	wrdreg s21  }
0x11: {  	s0 =	simm.s32 $0x5100;
	s23 =	sadd.s32 $0x5000, s5;
	[dreg:$0xb] =	wrdreg s22  }
0x12: {  	s7 =	simm.s32 $0x7900;
	s24 =	sadd.s32 $0x6000, s5;
	[dreg:$0xc] =	wrdreg s23  }
0x13: {  	s25 =	sadd.s32 $0x7000, s5;
	s26 =	sadd.s32 $0x8000, s5;
	[dreg:$0xd] =	wrdreg s24  }
0x14: {  	s28 =	sadd.s32 $0x12000, s5;
	s29 =	sadd.s32 $0x13000, s5;
	[dreg:$0xe] =	wrdreg s25  }
0x15: {  	s4 =	simm.s32 $0x50;
	[dreg:$0xf] =	wrdreg s26;
	s18 =	sadd.s32 $0x9000, s5  }
0x16: {  	s19 =	sadd.s32 $0xA000, s5;
	s20 =	sadd.s32 $0xB000, s5;
	s21 =	sadd.s32 $0xC000, s5  }
0x17: {  	s22 =	sadd.s32 $0xD000, s5;
	s23 =	sadd.s32 $0xE000, s5;
	s24 =	sadd.s32 $0xF000, s5  }
0x18: {  	v0 =	vimm.f32 $0.0e+00;
	s25 =	sadd.s32 $0x10000, s5;
	s26 =	sadd.s32 $0x11000, s5;
	s1 =	simm.s32 $0x4F00  }
.LBB2_1:
0x19: {  	s13 =	simm.s32 $0x0  }
0x1a: {  	s14 =	sand.u32 $0xFFFFFF80, s13  }
0x1b: {  	s14 =	ssub.s32 $0x0, s14  }
0x1c: {  	s15 =	simm.s32 $0x0;
	s13 =	sand.u32 $0x3FFFFF80, s13;
	s14 =	sand.u32 $0xFFFFFF80, s14  }
0x1d: {  	s15 =	sand.u32 $0x70, s15;
	s14 =	sadd.s32 s14, s13  }
0x1e: {  	s13 =	simm.s32 $0x1;
	s15 =	sor.u32 s15, s14;
	s14 =	simm.s32 $0x0  }
.LBB2_2:
0x1f: {  	s16 =	sshll.u32 s13, $0x4;
	p0 =	sne.s32 s13, $0xFF;
	s13 =	sadd.s32 $0x1, s13;
	[tilespmem:s15+$0xA100] =	vst v0  }
.Ltmp0:
0x20: {  	s14 =	sadd.s32 $0x10, s14;
	s15 =	sand.u32 $0xFFFFFF80, s16;
	(pc) =	sbr.rel @p0 .LBB2_2-.Ltmp0, $4  }
0x21: {  	s15 =	ssub.s32 s14, s15  }
0x22: {  	s16 =	sand.u32 $0x3FFFFF80, s16;
	s15 =	sand.u32 $0xFFFFFF80, s15  }
0x23: {  	s17 =	sand.u32 $0x70, s14;
	s15 =	sadd.s32 s15, s16  }
0x24: {  	s15 =	sor.u32 s17, s15  }
0x25: {  	[tilespmem:s15+$0xA100] =	vst v0  }
0x26: {  	[spmem:s5] =	stream.linear.scatter [tilespmem:s30], [sflag:$0x3], $0x1000, $0x38;
	[tilespmem:$0x1F100] =	vst v63  }
0x27: {  	_ =	swait.ge [sflag:s31], $0x1000  }
0x28: {  	[sflag:s31] =	ssyncset.done $0x0  }
0x29: {  	s13 =	rddreg [dreg:$0x8];
	[sflag:s31] =	ssyncadd.s32 $0xFFFFF000  }
0x2a: {  	[spmem:s13] =	stream.linear.scatter [tilespmem:s30], [sflag:$0x3], $0x1000, $0x38;
	[tilespmem:$0x1F100] =	vst v63  }
0x2b: {  	_ =	swait.ge [sflag:s31], $0x1000  }
0x2c: {  	[sflag:s31] =	ssyncset.done $0x0  }
0x2d: {  	s17 =	rddreg [dreg:$0x9];
	[sflag:s31] =	ssyncadd.s32 $0xFFFFF000  }
0x2e: {  	[spmem:s17] =	stream.linear.scatter [tilespmem:s30], [sflag:$0x3], $0x1000, $0x38;
	[tilespmem:$0x1F100] =	vst v63  }
0x2f: {  	_ =	swait.ge [sflag:s31], $0x1000  }
0x30: {  	[sflag:s31] =	ssyncset.done $0x0  }
0x31: {  	s14 =	rddreg [dreg:$0xa];
	[sflag:s31] =	ssyncadd.s32 $0xFFFFF000  }
0x32: {  	[spmem:s14] =	stream.linear.scatter [tilespmem:s30], [sflag:$0x3], $0x1000, $0x38;
	[tilespmem:$0x1F100] =	vst v63  }
0x33: {  	_ =	swait.ge [sflag:s31], $0x1000  }
0x34: {  	[sflag:s31] =	ssyncset.done $0x0  }
0x35: {  	s15 =	rddreg [dreg:$0xb];
	[sflag:s31] =	ssyncadd.s32 $0xFFFFF000  }
0x36: {  	[spmem:s15] =	stream.linear.scatter [tilespmem:s30], [sflag:$0x3], $0x1000, $0x38;
	[tilespmem:$0x1F100] =	vst v63  }
0x37: {  	_ =	swait.ge [sflag:s31], $0x1000  }
0x38: {  	[sflag:s31] =	ssyncset.done $0x0  }
0x39: {  	s16 =	rddreg [dreg:$0xc];
	[sflag:s31] =	ssyncadd.s32 $0xFFFFF000  }
0x3a: {  	[spmem:s16] =	stream.linear.scatter [tilespmem:s30], [sflag:$0x3], $0x1000, $0x38;
	[tilespmem:$0x1F100] =	vst v63  }
0x3b: {  	_ =	swait.ge [sflag:s31], $0x1000  }
0x3c: {  	[sflag:s31] =	ssyncset.done $0x0  }
0x3d: {  	s17 =	rddreg [dreg:$0xd];
	[sflag:s31] =	ssyncadd.s32 $0xFFFFF000  }
0x3e: {  	[spmem:s17] =	stream.linear.scatter [tilespmem:s30], [sflag:$0x3], $0x1000, $0x38;
	[tilespmem:$0x1F100] =	vst v63  }
0x3f: {  	_ =	swait.ge [sflag:s31], $0x1000  }
0x40: {  	[sflag:s31] =	ssyncset.done $0x0  }
0x41: {  	s14 =	rddreg [dreg:$0xe];
	[sflag:s31] =	ssyncadd.s32 $0xFFFFF000  }
0x42: {  	[spmem:s14] =	stream.linear.scatter [tilespmem:s30], [sflag:$0x3], $0x1000, $0x38;
	[tilespmem:$0x1F100] =	vst v63  }
0x43: {  	_ =	swait.ge [sflag:s31], $0x1000  }
0x44: {  	[sflag:s31] =	ssyncset.done $0x0  }
0x45: {  	s15 =	rddreg [dreg:$0xf];
	[sflag:s31] =	ssyncadd.s32 $0xFFFFF000  }
0x46: {  	[spmem:s15] =	stream.linear.scatter [tilespmem:s30], [sflag:$0x3], $0x1000, $0x38;
	[tilespmem:$0x1F100] =	vst v63  }
0x47: {  	_ =	swait.ge [sflag:s31], $0x1000  }
0x48: {  	[sflag:s31] =	ssyncset.done $0x0  }
0x49: {  	[sflag:s31] =	ssyncadd.s32 $0xFFFFF000  }
0x4a: {  	[spmem:s18] =	stream.linear.scatter [tilespmem:s30], [sflag:$0x3], $0x1000, $0x38;
	[tilespmem:$0x1F100] =	vst v63  }
0x4b: {  	_ =	swait.ge [sflag:s31], $0x1000  }
0x4c: {  	[sflag:s31] =	ssyncset.done $0x0  }
0x4d: {  	[sflag:s31] =	ssyncadd.s32 $0xFFFFF000  }
0x4e: {  	[spmem:s19] =	stream.linear.scatter [tilespmem:s30], [sflag:$0x3], $0x1000, $0x38;
	[tilespmem:$0x1F100] =	vst v63  }
0x4f: {  	_ =	swait.ge [sflag:s31], $0x1000  }
0x50: {  	[sflag:s31] =	ssyncset.done $0x0  }
0x51: {  	[sflag:s31] =	ssyncadd.s32 $0xFFFFF000  }
0x52: {  	[spmem:s20] =	stream.linear.scatter [tilespmem:s30], [sflag:$0x3], $0x1000, $0x38;
	[tilespmem:$0x1F100] =	vst v63  }
0x53: {  	_ =	swait.ge [sflag:s31], $0x1000  }
0x54: {  	[sflag:s31] =	ssyncset.done $0x0  }
0x55: {  	[sflag:s31] =	ssyncadd.s32 $0xFFFFF000  }
0x56: {  	[spmem:s21] =	stream.linear.scatter [tilespmem:s30], [sflag:$0x3], $0x1000, $0x38;
	[tilespmem:$0x1F100] =	vst v63  }
0x57: {  	_ =	swait.ge [sflag:s31], $0x1000  }
0x58: {  	[sflag:s31] =	ssyncset.done $0x0  }
0x59: {  	[sflag:s31] =	ssyncadd.s32 $0xFFFFF000  }
0x5a: {  	[spmem:s22] =	stream.linear.scatter [tilespmem:s30], [sflag:$0x3], $0x1000, $0x38;
	[tilespmem:$0x1F100] =	vst v63  }
0x5b: {  	_ =	swait.ge [sflag:s31], $0x1000  }
0x5c: {  	[sflag:s31] =	ssyncset.done $0x0  }
0x5d: {  	[sflag:s31] =	ssyncadd.s32 $0xFFFFF000  }
0x5e: {  	[spmem:s23] =	stream.linear.scatter [tilespmem:s30], [sflag:$0x3], $0x1000, $0x38;
	[tilespmem:$0x1F100] =	vst v63  }
0x5f: {  	_ =	swait.ge [sflag:s31], $0x1000  }
0x60: {  	[sflag:s31] =	ssyncset.done $0x0  }
0x61: {  	[sflag:s31] =	ssyncadd.s32 $0xFFFFF000  }
0x62: {  	[spmem:s24] =	stream.linear.scatter [tilespmem:s30], [sflag:$0x3], $0x1000, $0x38;
	[tilespmem:$0x1F100] =	vst v63  }
0x63: {  	_ =	swait.ge [sflag:s31], $0x1000  }
0x64: {  	[sflag:s31] =	ssyncset.done $0x0  }
0x65: {  	[sflag:s31] =	ssyncadd.s32 $0xFFFFF000  }
0x66: {  	[spmem:s25] =	stream.linear.scatter [tilespmem:s30], [sflag:$0x3], $0x1000, $0x38;
	[tilespmem:$0x1F100] =	vst v63  }
0x67: {  	_ =	swait.ge [sflag:s31], $0x1000  }
0x68: {  	[sflag:s31] =	ssyncset.done $0x0  }
0x69: {  	[sflag:s31] =	ssyncadd.s32 $0xFFFFF000  }
0x6a: {  	[spmem:s26] =	stream.linear.scatter [tilespmem:s30], [sflag:$0x3], $0x1000, $0x38;
	[tilespmem:$0x1F100] =	vst v63  }
0x6b: {  	_ =	swait.ge [sflag:s31], $0x1000  }
0x6c: {  	[sflag:s31] =	ssyncset.done $0x0  }
0x6d: {  	[sflag:s31] =	ssyncadd.s32 $0xFFFFF000  }
0x6e: {  	[spmem:s28] =	stream.linear.scatter [tilespmem:s30], [sflag:$0x3], $0x1000, $0x38;
	[tilespmem:$0x1F100] =	vst v63  }
0x6f: {  	_ =	swait.ge [sflag:s31], $0x1000  }
0x70: {  	[sflag:s31] =	ssyncset.done $0x0  }
0x71: {  	[sflag:s31] =	ssyncadd.s32 $0xFFFFF000  }
0x72: {  	[spmem:s29] =	stream.linear.scatter [tilespmem:s30], [sflag:$0x3], $0x1000, $0x38;
	[tilespmem:$0x1F100] =	vst v63  }
0x73: {  	_ =	swait.ge [sflag:s31], $0x1000  }
0x74: {  	[sflag:s31] =	ssyncset.done $0x0  }
0x75: {  	[sflag:s31] =	ssyncadd.s32 $0xFFFFF000  }
0x76: {  	[bflag:$0x0] =	sbarrier.arrive $0xFFFF  }
0x77: {  	s15 =	simm.s32 $0x0;
	s16 =	rddreg [dreg:$0x4]  }
0x78: {  	[tilespmem:s15], [sflag:$0x3] =	stream.linear.gather [hbm4b:s16+s15], $0x2710, $0x38;
	[tilespmem:$0x1F100] =	vst v63  }
0x79: {  	_ =	swait.ge [sflag:s31], $0x2710  }
0x7a: {  	[sflag:s31] =	ssyncset.done $0x0  }
0x7b: {  	s14 =	simm.s32 $0x2780;
	s17 =	rddreg [dreg:$0x5];
	[sflag:s31] =	ssyncadd.s32 $0xFFFFD8F0  }
0x7c: {  	[tilespmem:s14], [sflag:$0x3] =	stream.linear.gather [hbm4b:s17+s15], $0x2710, $0x38;
	[tilespmem:$0x1F100] =	vst v63  }
0x7d: {  	_ =	swait.ge [sflag:s31], $0x2710  }
0x7e: {  	[sflag:s31] =	ssyncset.done $0x0  }
0x7f: {  	s13 =	simm.s32 $0x50;
	[sflag:s31] =	ssyncadd.s32 $0xFFFFD8F0  }
0x80: {  	v1 =	vld [tilespmem:s13+$0xFFFFFFB0];
	_ =	sdelay $0x4  }
0x81: {  	s14 =	simm.s32 $0x27D0;
	[tilespmem:$0x4F00] =	vst v1  }
0x82: {  	v1 =	vld [tilespmem:s14+$0xFFFFFFB0];
	_ =	sdelay $0x4  }
0x83: {  	[tilespmem:$0x4F80] =	vst v1  }
0x84: {  	v1 =	vld [tilespmem:s13+$0xFFFFFFC0];
	_ =	sdelay $0x4  }
0x85: {  	[tilespmem:$0x4F10] =	vst v1  }
0x86: {  	v1 =	vld [tilespmem:s14+$0xFFFFFFC0];
	_ =	sdelay $0x4  }
0x87: {  	[tilespmem:$0x4F90] =	vst v1  }
0x88: {  	v1 =	vld [tilespmem:s13+$0xFFFFFFD0];
	_ =	sdelay $0x4  }
0x89: {  	[tilespmem:$0x4F20] =	vst v1  }
0x8a: {  	v1 =	vld [tilespmem:s14+$0xFFFFFFD0];
	_ =	sdelay $0x4  }
0x8b: {  	[tilespmem:$0x4FA0] =	vst v1  }
0x8c: {  	v1 =	vld [tilespmem:s13+$0xFFFFFFE0];
	_ =	sdelay $0x4  }
0x8d: {  	[tilespmem:$0x4F30] =	vst v1  }
0x8e: {  	v1 =	vld [tilespmem:s14+$0xFFFFFFE0];
	_ =	sdelay $0x4  }
0x8f: {  	[tilespmem:$0x4FB0] =	vst v1  }
0x90: {  	v1 =	vld [tilespmem:s13+$0xFFFFFFF0];
	_ =	sdelay $0x4  }
0x91: {  	[tilespmem:$0x4F40] =	vst v1  }
0x92: {  	v1 =	vld [tilespmem:s14+$0xFFFFFFF0];
	_ =	sdelay $0x4  }
0x93: {  	[tilespmem:$0x4FC0] =	vst v1  }
0x94: {  	[tilespmem:s0], [sflag:$0x1] =	stream.indirect.gather [hbm4b:s2+s4], $0x80, s1, s4, $0xb8;
	[tilespmem:$0x1F100] =	vst v63  }
0x95: {  	v1 =	vld [tilespmem:s13+$0x0];
	_ =	sdelay $0x4  }
0x96: {  	[tilespmem:$0x5000] =	vst v1  }
0x97: {  	v1 =	vld [tilespmem:s14+$0x0];
	_ =	sdelay $0x4  }
0x98: {  	[tilespmem:$0x5080] =	vst v1  }
0x99: {  	v1 =	vld [tilespmem:s13+$0x10];
	_ =	sdelay $0x4  }
0x9a: {  	[tilespmem:$0x5010] =	vst v1  }
0x9b: {  	v1 =	vld [tilespmem:s14+$0x10];
	_ =	sdelay $0x4  }
0x9c: {  	[tilespmem:$0x5090] =	vst v1  }
0x9d: {  	v1 =	vld [tilespmem:s13+$0x20];
	_ =	sdelay $0x4  }
0x9e: {  	[tilespmem:$0x5020] =	vst v1  }
0x9f: {  	v1 =	vld [tilespmem:s14+$0x20];
	_ =	sdelay $0x4  }
0xa0: {  	s15 =	sand.u32 $0x3FE0, s15;
	[tilespmem:$0x50A0] =	vst v1  }
0xa1: {  	v1 =	vld [tilespmem:s15+$0x80];
	_ =	sdelay $0x4  }
0xa2: {  	[tilespmem:$0x5030] =	vst v1  }
0xa3: {  	v1 =	vld [tilespmem:s15+$0x2800];
	_ =	sdelay $0x4  }
0xa4: {  	[tilespmem:$0x50B0] =	vst v1  }
0xa5: {  	v1 =	vld [tilespmem:s13+$0x40];
	_ =	sdelay $0x4  }
0xa6: {  	[tilespmem:$0x5040] =	vst v1  }
0xa7: {  	v1 =	vld [tilespmem:s14+$0x40];
	_ =	sdelay $0x4  }
0xa8: {  	[tilespmem:$0x50C0] =	vst v1  }
0xa9: {  	[tilespmem:s7], [sflag:$0x2] =	stream.indirect.gather [hbm4b:s2+s4], $0x80, s6, s4, $0xb8;
	[tilespmem:$0x1F100] =	vst v63  }
0xaa: {  	_ =	swait.ge [sflag:s8], $0x2800  }
0xab: {  	[sflag:s8] =	ssyncset.done $0x0  }
0xac: {  	[sflag:s8] =	ssyncadd.s32 $0xFFFFD800  }
0xad: {  	[spmem:s3] =	stream.indirect.scatter.add.f32 [tilespmem:s0], [sflag:$0x3], $0x80, s9, s4, $0xb8;
	[tilespmem:$0x1F100] =	vst v63  }
0xae: {  	_ =	swait.ge [sflag:s31], $0x2800  }
0xaf: {  	[sflag:s31] =	ssyncset.done $0x0  }
0xb0: {  	[sflag:s31] =	ssyncadd.s32 $0xFFFFD800  }
0xb1: {  	_ =	swait.ge [sflag:s10], $0x2800  }
0xb2: {  	[sflag:s10] =	ssyncset.done $0x0  }
0xb3: {  	[sflag:s10] =	ssyncadd.s32 $0xFFFFD800  }
0xb4: {  	[spmem:s3] =	stream.indirect.scatter.add.f32 [tilespmem:s7], [sflag:$0x3], $0x80, s11, s4, $0xb8;
	[tilespmem:$0x1F100] =	vst v63  }
0xb5: {  	_ =	swait.ge [sflag:s31], $0x2800  }
0xb6: {  	s15 =	simm.s32 $0xA0;
	[sflag:s31] =	ssyncset.done $0x0  }
.LBB2_4:
0xb7: {  	[sflag:s31] =	ssyncadd.s32 $0xFFFFD800;
	s13 =	sadd.s32 $0xA0, s13;
	s14 =	sadd.s32 $0xA0, s14  }
0xb8: {  	p0 =	sne.s32 s15, $0x2620;
	s16 =	smov.u32 s15;
	s15 =	sadd.s32 $0xA0, s15;
	v1 =	vld [tilespmem:s13+$0xFFFFFFB0]  }
0xb9: {  	_ =	sdelay $0x3  }
0xba: {  	[tilespmem:$0x4F00] =	vst v1  }
0xbb: {  	v1 =	vld [tilespmem:s14+$0xFFFFFFB0];
	_ =	sdelay $0x4  }
0xbc: {  	[tilespmem:$0x4F80] =	vst v1  }
0xbd: {  	v1 =	vld [tilespmem:s13+$0xFFFFFFC0];
	_ =	sdelay $0x4  }
0xbe: {  	[tilespmem:$0x4F10] =	vst v1  }
0xbf: {  	v1 =	vld [tilespmem:s14+$0xFFFFFFC0];
	_ =	sdelay $0x4  }
0xc0: {  	[tilespmem:$0x4F90] =	vst v1  }
0xc1: {  	v1 =	vld [tilespmem:s13+$0xFFFFFFD0];
	_ =	sdelay $0x4  }
0xc2: {  	[tilespmem:$0x4F20] =	vst v1  }
0xc3: {  	v1 =	vld [tilespmem:s14+$0xFFFFFFD0];
	_ =	sdelay $0x4  }
0xc4: {  	[tilespmem:$0x4FA0] =	vst v1  }
0xc5: {  	v1 =	vld [tilespmem:s13+$0xFFFFFFE0];
	_ =	sdelay $0x4  }
0xc6: {  	[tilespmem:$0x4F30] =	vst v1  }
0xc7: {  	v1 =	vld [tilespmem:s14+$0xFFFFFFE0];
	_ =	sdelay $0x4  }
0xc8: {  	[tilespmem:$0x4FB0] =	vst v1  }
0xc9: {  	v1 =	vld [tilespmem:s13+$0xFFFFFFF0];
	_ =	sdelay $0x4  }
0xca: {  	[tilespmem:$0x4F40] =	vst v1  }
0xcb: {  	v1 =	vld [tilespmem:s14+$0xFFFFFFF0];
	_ =	sdelay $0x4  }
0xcc: {  	[tilespmem:$0x4FC0] =	vst v1  }
0xcd: {  	[tilespmem:s0], [sflag:$0x1] =	stream.indirect.gather [hbm4b:s2+s4], $0x80, s1, s4, $0xb8;
	[tilespmem:$0x1F100] =	vst v63  }
0xce: {  	v1 =	vld [tilespmem:s13+$0x0];
	_ =	sdelay $0x4  }
0xcf: {  	[tilespmem:$0x5000] =	vst v1  }
0xd0: {  	v1 =	vld [tilespmem:s14+$0x0];
	_ =	sdelay $0x4  }
0xd1: {  	[tilespmem:$0x5080] =	vst v1  }
0xd2: {  	v1 =	vld [tilespmem:s13+$0x10];
	_ =	sdelay $0x4  }
0xd3: {  	[tilespmem:$0x5010] =	vst v1  }
0xd4: {  	v1 =	vld [tilespmem:s14+$0x10];
	_ =	sdelay $0x4  }
0xd5: {  	[tilespmem:$0x5090] =	vst v1  }
0xd6: {  	v1 =	vld [tilespmem:s13+$0x20];
	_ =	sdelay $0x4  }
0xd7: {  	[tilespmem:$0x5020] =	vst v1  }
0xd8: {  	v1 =	vld [tilespmem:s14+$0x20];
	_ =	sdelay $0x4  }
0xd9: {  	s16 =	sand.u32 $0x3FE0, s16;
	[tilespmem:$0x50A0] =	vst v1  }
0xda: {  	v1 =	vld [tilespmem:s16+$0x80];
	_ =	sdelay $0x4  }
0xdb: {  	[tilespmem:$0x5030] =	vst v1  }
0xdc: {  	v1 =	vld [tilespmem:s16+$0x2800];
	_ =	sdelay $0x4  }
0xdd: {  	[tilespmem:$0x50B0] =	vst v1  }
0xde: {  	v1 =	vld [tilespmem:s13+$0x40];
	_ =	sdelay $0x4  }
0xdf: {  	[tilespmem:$0x5040] =	vst v1  }
0xe0: {  	v1 =	vld [tilespmem:s14+$0x40];
	_ =	sdelay $0x4  }
0xe1: {  	[tilespmem:$0x50C0] =	vst v1  }
0xe2: {  	[tilespmem:s7], [sflag:$0x2] =	stream.indirect.gather [hbm4b:s2+s4], $0x80, s6, s4, $0xb8;
	[tilespmem:$0x1F100] =	vst v63  }
0xe3: {  	_ =	swait.ge [sflag:s8], $0x2800  }
0xe4: {  	[sflag:s8] =	ssyncset.done $0x0  }
0xe5: {  	[sflag:s8] =	ssyncadd.s32 $0xFFFFD800  }
0xe6: {  	[spmem:s3] =	stream.indirect.scatter.add.f32 [tilespmem:s0], [sflag:$0x3], $0x80, s9, s4, $0xb8;
	[tilespmem:$0x1F100] =	vst v63  }
0xe7: {  	_ =	swait.ge [sflag:s31], $0x2800  }
0xe8: {  	[sflag:s31] =	ssyncset.done $0x0  }
0xe9: {  	[sflag:s31] =	ssyncadd.s32 $0xFFFFD800  }
0xea: {  	_ =	swait.ge [sflag:s10], $0x2800  }
.Ltmp1:
0xeb: {  	[sflag:s10] =	ssyncset.done $0x0;
	(pc) =	sbr.rel @p0 .LBB2_4-.Ltmp1, $4  }
0xec: {  	[sflag:s10] =	ssyncadd.s32 $0xFFFFD800  }
0xed: {  	[spmem:s3] =	stream.indirect.scatter.add.f32 [tilespmem:s7], [sflag:$0x3], $0x80, s11, s4, $0xb8;
	[tilespmem:$0x1F100] =	vst v63  }
0xee: {  	_ =	swait.ge [sflag:s31], $0x2800  }
0xef: {  	[sflag:s31] =	ssyncset.done $0x0  }
0xf0: {  	[sflag:s31] =	ssyncadd.s32 $0xFFFFD800  }
0xf1: {  	v1 =	vld [tilespmem:$0x26C0]  }
0xf2: {  	v2 =	vld [tilespmem:$0x4E40]  }
0xf3: {  	v3 =	vld [tilespmem:$0x26D0]  }
0xf4: {  	v4 =	vld [tilespmem:$0x4E50]  }
0xf5: {  	v5 =	vld [tilespmem:$0x26E0]  }
0xf6: {  	v62 =	vld [tilespmem:$0x2700];
	[tilespmem:$0x4F00] =	vst v1  }
0xf7: {  	v63 =	vld [tilespmem:$0x4E80];
	[tilespmem:$0x4F80] =	vst v2  }
0xf8: {  	v1 =	vld [tilespmem:$0x4E60];
	[tilespmem:$0x4F10] =	vst v3  }
0xf9: {  	v2 =	vld [tilespmem:$0x26F0];
	[tilespmem:$0x4F90] =	vst v4  }
0xfa: {  	v3 =	vld [tilespmem:$0x4E70];
	[tilespmem:$0x4F20] =	vst v5  }
0xfb: {  	[tilespmem:$0x4F40] =	vst v62  }
0xfc: {  	[tilespmem:$0x4FC0] =	vst v63  }
0xfd: {  	[tilespmem:$0x4FA0] =	vst v1  }
0xfe: {  	[tilespmem:$0x4F30] =	vst v2  }
0xff: {  	[tilespmem:$0x4FB0] =	vst v3  }
0x100: {  	[tilespmem:s0], [sflag:$0x1] =	stream.indirect.gather [hbm4b:s2+s4], $0x80, s1, s4, $0xb8;
	[tilespmem:$0x1F100] =	vst v63  }
0x101: {  	_ =	swait.ge [sflag:s8], $0x2800  }
0x102: {  	[sflag:s8] =	ssyncset.done $0x0  }
0x103: {  	[sflag:s8] =	ssyncadd.s32 $0xFFFFD800  }
0x104: {  	[spmem:s3] =	stream.indirect.scatter.add.f32 [tilespmem:s0], [sflag:$0x3], $0x80, s9, s4, $0xb8;
	[tilespmem:$0x1F100] =	vst v63  }
0x105: {  	_ =	swait.ge [sflag:s31], $0x2800  }
0x106: {  	[sflag:s31] =	ssyncset.done $0x0  }
0x107: {  	s13 =	stileid.u32;
	[sflag:s31] =	ssyncadd.s32 $0xFFFFD800  }
0x108: {  	s13 =	sshll.u32 s13, $0x6;
	[bflag:$0x0] =	sbarrier.arrive $0xFFFF  }
0x109: {  	s14 =	sshrl.u32 s5, $0x3;
	s13 =	sor.u32 $0x1C03, s13;
	s15 =	rddreg [dreg:$0x6]  }
0x10a: {  	[hbm:s15], [sflag:s13] =	dma.local [spmem:s14], $0x2800  }
0x10b: {  	_ =	swait.ge [sflag:s31], $0x2800  }
0x10c: {  	s12 =	sadd.s32 $0x1, s12;
	s17 =	rddreg [dreg:$0x7]  }
0x10d: {  	p0 =	sne.s32 s12, s17  }
.Ltmp2:
0x10e: {  	_ = 	snop;
	(pc) =	sbr.rel @p0 .LBB2_1-.Ltmp2, $3  }
0x10f: {  	_ =	sdelay $0x1  }
0x110: {  	[sflag:s31] =	ssyncset.done $0x0  }
0x111: {  	[sflag:s31] =	ssyncadd.s32 $0xFFFFD800  }
0x112: {  	_ =	sfence.sel $0x180000  }
0x113: {  	[bflag:$0x0] =	sbarrier.arrive $0xFFFF  }
0x114: {  	_ =	strace $0x90000047  }
0x115: {  	s0 =	stileid.u32;
	[bflag:$0x2] =	sbarrier.arrive $0xFFFF  }
0x116: {  	p0 =	sne.s32 s0, $0x0;
	s0 =	rddreg [dreg:$0x3]  }
0x117: {  	s0 =	sadd.s32 @!p0 $0x100000, s0  }
0x118: {  	[sflag:s0] =	ssyncadd.tile.s32 @!p0 $0x1;
	_ =	shalt  }
.Lfunc_end2:
_tile_overlayer_lowered:
.L_overlay_start_2:
0x119: {  	(tag) =	ssettag $0x2  }
0x11a: {  	s0 =	rddreg [dreg:$0x0];
	s2 =	stileid.u32  }
0x11b: {  	s1 =	rddreg [dreg:$0x1];
	p0 =	sne.s32 s2, $0x0  }
0x11c: {  	s3 =	rddreg [dreg:$0x2];
	[bflag:$0x3] =	sbarrier.arrive $0xFFFF;
	s2 =	simm.s32 @!p0 $0x1C03  }
0x11d: {  	[timem:s3], [sflag:s2] =	dma.local @!p0 [hbm:s0], s1  }
0x11e: {  	s0 =	simm.s32 @!p0 $0x3  }
0x11f: {  	_ =	swait.ge @!p0 [sflag:s0], s1  }
0x120: {  	s1 =	ssub.s32 @!p0 $0x0, s1;
	[sflag:s0] =	ssyncset.done @!p0 $0x0  }
0x121: {  	[sflag:s0] =	ssyncadd.s32 @!p0 s1  }
0x122: {  	[bflag:$0x3] =	sbarrier.arrive $0xFFFF  }
0x123: {  	_ =	shalt  }

// kernel: kernel.27.cloned.1.call-start
scs
__scs_entry_jumppad:
0x0: {  	(pc) =	sbr.rel $0x88, $3  }
0x1: {  	(tag) =	ssettag $0x0;
	lr =	simm.s32 $0x1  }
0x2: {  	[smem:$0x3F90] =	sst lr;
	_ =	strace $0xD0000000  }
0x3: {  	_ = 	snop  }
0x4: {  	_ = 	snop  }
0x5: {  	_ = 	snop  }
0x6: {  	_ = 	snop  }
0x7: {  	_ = 	snop  }
__scs_overlays_trampoline_lowered:
0x8: {  	[smem:$0x3F9F] =	sst s0  }
0x9: {  	[smem:$0x3FA0] =	sst s1  }
0xa: {  	[smem:$0x3FA1] =	sst s2  }
0xb: {  	[smem:$0x3FA2] =	sst s3  }
0xc: {  	[smem:$0x3FA3] =	sst s4  }
0xd: {  	[smem:$0x3FA4] =	sst s5  }
0xe: {  	[smem:$0x3FA5] =	sst s6  }
0xf: {  	[smem:$0x3FA6] =	sst s7  }
0x10: {  	[smem:$0x3FA7] =	sst s8  }
0x11: {  	[smem:$0x3FA8] =	sst s9;
	s0 =	simm.s32 @!p0 $0x0  }
0x12: {  	s1 =	sld [smem:$0x3F8E];
	s0 =	simm.s32 @p0 $0x1  }
0x13: {  	[smem:$0x3FA9] =	sst s0;
	s0 =	simm.s32 @!p1 $0x0  }
0x14: {  	s2 =	sld [smem:$0x3F8D];
	s0 =	simm.s32 @p1 $0x1  }
0x15: {  	[smem:$0x3FAA] =	sst s0;
	s0 =	simm.s32 @!p2 $0x0  }
0x16: {  	s3 =	sld [smem:$0x3FDB];
	s0 =	simm.s32 @p2 $0x1  }
0x17: {  	s4 =	simm.s32 $0x1BF5;
	[smem:$0x3FAC] =	sst s0  }
0x18: {  	s0 =	sld [smem:$0x3F8F];
	_ =	swait.ge [sflag:s4], $0x0  }
0x19: {  	s7 =	sld [smem:$0x3F90]  }
0x1a: {  	s8 =	sadd.s32 $0xFFFFE003, lr  }
0x1b: {  	s9 =	sadd.s32 $0xFFFFFEF7, lr;
	s5 =	simm.s32 $0xFFFFFFFF;
	p2 =	slt.u32 s8, $0xFFFFF086  }
0x1c: {  	p1 =	slt.u32 s9, $0xF7A;
	s5 =	simm.s32 @!p2 $0x0  }
0x1d: {  	s5 =	simm.s32 @p1 $0x1;
	p0 =	seq.s32 s7, s2  }
0x1e: {  	s7 =	smul.u32 @!p0 $0xF7A, s2;
	p2 =	seq.s32 @!p0 s5, $0x0  }
0x1f: {  	s9 =	smul.u32 $0xF7A, s1;
	s8 =	simm.s32 @!p0 $0x1BF5;
	p2 =	por !p2, p0  }
0x20: {  	[sflag:s8] =	ssyncset.s32 @!p0 $0xFFFFF086;
	s6 =	sadd.s32 @!p0 s3, s7;
	s7 =	simm.s32 @!p0 $0x108  }
0x21: {  	s3 =	sadd.s32 s3, s9;
	s6 =	sadd.s32 @!p0 $0x88, s6;
	s7 =	simm.s32 @p2 $0x1082  }
0x22: {  	[simem:s7], [sflag:s8] =	dma.local @!p0 [hbm:s6], $0xF7A  }
0x23: {  	s9 =	sor.u32 $0xD0000000, s2;
	s6 =	simm.s32 $0x108;
	_ =	swait.ge @!p0 [sflag:s8], $0x0  }
0x24: {  	s3 =	sadd.s32 $0x88, s3;
	s6 =	simm.s32 @!p1 $0x1082;
	[sflag:s4] =	ssyncset.s32 $0xFFFFF086  }
0x25: {  	[simem:s6], [sflag:s4] =	dma.local [hbm:s3], $0xF7A  }
0x26: {  	[smem:$0x3F90] =	sst s1;
	(tag) =	ssettag s2;
	_ =	strace s9  }
0x27: {  	s1 =	sld [smem:$0x3FA0]  }
0x28: {  	s2 =	sld [smem:$0x3FA1]  }
0x29: {  	s4 =	sld [smem:$0x3FA3]  }
0x2a: {  	p0 =	seq.s32 s5, $0x0;
	s5 =	sld [smem:$0x3FA4]  }
0x2b: {  	s6 =	sld [smem:$0x3FA5]  }
0x2c: {  	s7 =	sld [smem:$0x3FA6]  }
0x2d: {  	s3 =	simm.s32 $0x108;
	s8 =	sld [smem:$0x3FA7]  }
0x2e: {  	s3 =	simm.s32 @!p0 $0x1082;
	s9 =	sld [smem:$0x3FA8]  }
0x2f: {  	lr =	sadd.s32 s0, s3;
	s0 =	sld [smem:$0x3F9F]  }
0x30: {  	s3 =	sld [smem:$0x3FA2]  }
0x31: {  	[smem:$0x3FAB] =	sst s10  }
0x32: {  	s10 =	sld [smem:$0x3FA9];
	_ =	sdelay $0x3  }
0x33: {  	p0 =	seq.s32 s10, $0x1;
	s10 =	sld [smem:$0x3FAB];
	_ =	sdelay $0x3  }
0x34: {  	[smem:$0x3FAB] =	sst s10  }
0x35: {  	s10 =	sld [smem:$0x3FAA];
	_ =	sdelay $0x3  }
0x36: {  	p1 =	seq.s32 s10, $0x1;
	s10 =	sld [smem:$0x3FAB];
	_ =	sdelay $0x3  }
0x37: {  	[smem:$0x3FAB] =	sst s10  }
0x38: {  	s10 =	sld [smem:$0x3FAC]  }
0x39: {  	_ = 	snop;
	(pc) =	sbr.ind lr, $3  }
0x3a: {  	_ = 	snop  }
0x3b: {  	_ = 	snop  }
0x3c: {  	p2 =	seq.s32 s10, $0x1;
	s10 =	sld [smem:$0x3FAB]  }
0x3d: {  	_ =	shalt  }
0x3e: {  	_ =	shalt  }
0x3f: {  	_ =	shalt  }
0x40: {  	_ =	shalt  }
0x41: {  	_ =	shalt  }
0x42: {  	_ =	shalt  }
0x43: {  	_ =	shalt  }
0x44: {  	_ =	shalt  }
0x45: {  	_ =	shalt  }
0x46: {  	_ =	shalt  }
0x47: {  	_ =	shalt  }
0x48: {  	_ =	shalt  }
0x49: {  	_ =	shalt  }
0x4a: {  	_ =	shalt  }
0x4b: {  	_ =	shalt  }
0x4c: {  	_ =	shalt  }
0x4d: {  	_ =	shalt  }
0x4e: {  	_ =	shalt  }
0x4f: {  	_ =	shalt  }
0x50: {  	_ =	shalt  }
0x51: {  	_ =	shalt  }
0x52: {  	_ =	shalt  }
0x53: {  	_ =	shalt  }
0x54: {  	_ =	shalt  }
0x55: {  	_ =	shalt  }
0x56: {  	_ =	shalt  }
0x57: {  	_ =	shalt  }
0x58: {  	_ =	shalt  }
0x59: {  	_ =	shalt  }
0x5a: {  	_ =	shalt  }
0x5b: {  	_ =	shalt  }
0x5c: {  	_ =	shalt  }
0x5d: {  	_ =	shalt  }
0x5e: {  	_ =	shalt  }
0x5f: {  	_ =	shalt  }
0x60: {  	_ =	shalt  }
0x61: {  	_ =	shalt  }
0x62: {  	_ =	shalt  }
0x63: {  	_ =	shalt  }
0x64: {  	_ =	shalt  }
0x65: {  	_ =	shalt  }
0x66: {  	_ =	shalt  }
0x67: {  	_ =	shalt  }
0x68: {  	_ =	shalt  }
0x69: {  	_ =	shalt  }
0x6a: {  	_ =	shalt  }
0x6b: {  	_ =	shalt  }
0x6c: {  	_ =	shalt  }
0x6d: {  	_ =	shalt  }
0x6e: {  	_ =	shalt  }
0x6f: {  	_ =	shalt  }
0x70: {  	_ =	shalt  }
0x71: {  	_ =	shalt  }
0x72: {  	_ =	shalt  }
0x73: {  	_ =	shalt  }
0x74: {  	_ =	shalt  }
0x75: {  	_ =	shalt  }
0x76: {  	_ =	shalt  }
0x77: {  	_ =	shalt  }
0x78: {  	_ =	shalt  }
0x79: {  	_ =	shalt  }
0x7a: {  	_ =	shalt  }
0x7b: {  	_ =	shalt  }
0x7c: {  	_ =	shalt  }
0x7d: {  	_ =	shalt  }
0x7e: {  	_ =	shalt  }
0x7f: {  	_ =	shalt  }
0x80: {  	_ =	shalt  }
0x81: {  	_ =	shalt  }
0x82: {  	_ =	shalt  }
0x83: {  	_ =	shalt  }
0x84: {  	_ =	shalt  }
0x85: {  	_ =	shalt  }
0x86: {  	_ =	shalt  }
0x87: {  	_ =	shalt  }
.Lfunc_end0:
.L_simem_size_0:
called_computation.1_lowered:
.L_overlay_start_0:
0x88: {  	s2 =	sld [smem:$0x3FD9]  }
0x89: {  	s3 =	sld [smem:$0x3FFE];
	_ =	sdelay $0x1  }
0x8a: {  	s1 =	srdreg.scid  }
0x8b: {  	s0 =	sand.u32 $0x1, s1  }
0x8c: {  	s14 =	sshll.u32 s0, $0xA;
	s2 =	sadd.s32 s3, s2  }
0x8d: {  	s2 =	sadd.s32 s2, s14  }
0x8e: {  	[smem:$0x3FB7] =	sst s2  }
0x8f: {  	_ = 	snop  }
0x90: {  	s2 =	sld [smem:$0x3FD0];
	_ =	sdelay $0x2  }
0x91: {  	s15 =	simm.s32 $0xA;
	s4 =	simm.s32 $0x10  }
0x92: {  	[smem:s4], [sflag:s15] =	dma.local [hbm:s2], $0x1  }
0x93: {  	_ =	swait.eq [sflag:s15], $0x1  }
0x94: {  	[sflag:s15] =	ssyncset.done $0x0  }
0x95: {  	[sflag:s15] =	ssyncadd.s32 $0xFFFFFFFF  }
0x96: {  	s16 =	sld [smem:$0x10];
	(tm) =	ssettm $0x1  }
0x97: {  	s17 =	sld [smem:$0x3FFB];
	_ =	sdelay $0x3  }
0x98: {  	_ =	strace s17  }
0x99: {  	s3 =	sld [smem:$0x3FFC];
	_ =	sdelay $0x3  }
0x9a: {  	_ =	strace s3  }
0x9b: {  	s3 =	sld [smem:$0x3FFD];
	_ =	sdelay $0x3  }
0x9c: {  	_ =	strace s3  }
0x9d: {  	_ =	strace $0x8FFFFFFF  }
0x9e: {  	s18 =	sld [smem:$0x3FDB];
	_ =	sdelay $0x1  }
0x9f: {  	s19 =	simm.s32 $_scs_section_size  }
0xa0: {  	s5 =	simm.s32 $_size__tile_overlayer_lowered;
	s6 =	simm.s32 $_tile_overlayer_lowered  }
0xa1: {  	s22 =	simm.s32 $0x1BFF;
	s21 =	sshll.u32 s6, $0x1;
	s3 =	sadd.s32 s19, s18  }
0xa2: {  	s7 =	simm.s32 $0x0;
	s20 =	sshll.u32 s5, $0x1;
	s5 =	sadd.s32 s21, s3  }
0xa3: {  	[timem:s7], [sflag:s22] =	dma.local [hbm:s5], s20  }
0xa4: {  	_ =	swait.ge [sflag:s22], s20  }
0xa5: {  	s4 =	ssub.s32 $0x0, s20;
	[sflag:s22] =	ssyncset.done $0x0  }
0xa6: {  	[sflag:s22] =	ssyncadd.s32 s4;
	_ =	sdelay $0x1  }
0xa7: {  	s23 =	simm.s32 $0x1B8B  }
0xa8: {  	_ =	swait.ge [sflag:s23], $0x1  }
0xa9: {  	[sflag:s23] =	ssyncset.done $0x0  }
0xaa: {  	s25 =	simm.s32 $0x1B8E;
	s24 =	sld [smem:$0x3FFE];
	[sflag:s23] =	ssyncadd.s32 $0xFFFFFFFF  }
0xab: {  	s26 =	simm.s32 $execute0_lowered;
	[smem:$0x3FD2] =	sst s25  }
0xac: {  	s5 =	sshll.u32 s26, $0x1;
	_ =	strace $0x80000049;
	[dreg:$0x1] =	wrdreg $0xFFFFFFFF  }
0xad: {  	s28 =	simm.s32 $_size_execute0_lowered;
	s3 =	sadd.s32 s3, s5;
	[dreg:$0x0] =	wrdreg $0x0  }
0xae: {  	s5 =	sshll.u32 s28, $0x1;
	[dreg:$0x2] =	wrdreg s3  }
0xaf: {  	[dreg:$0x3] =	wrdreg s5  }
0xb0: {  	[dreg:$0x4] =	wrdreg $0xC0  }
0xb1: {  	_ =	task [dreg:s7], $0x5FFFF  }
0xb2: {  	[dreg:$0x1] =	wrdreg $0xFFFFFFFF  }
0xb3: {  	[dreg:$0x0] =	wrdreg $0x60  }
0xb4: {  	[dreg:$0x2] =	wrdreg s16  }
0xb5: {  	[dreg:$0x3] =	wrdreg s24  }
0xb6: {  	[dreg:$0x4] =	wrdreg $0xB1000  }
0xb7: {  	[dreg:$0x5] =	wrdreg $0x9  }
0xb8: {  	_ =	task.clear_ibuf [dreg:s7], $0x6FFFF;
	_ =	strace $0x90000049  }
0xb9: {  	s29 =	simm.s32 $0x9;
	_ =	strace $0x8000004B  }
0xba: {  	_ =	swait.ge [sflag:s29], $0x1  }
0xbb: {  	[sflag:s29] =	ssyncadd.s32 $0xFFFFFFFF  }
0xbc: {  	_ =	strace $0x9000004B  }
0xbd: {  	_ =	sfence  }
0xbe: {  	s30 =	sld [smem:$0x0];
	_ =	sdelay $0x2  }
0xbf: {  	s31 =	sshll.u32 s1, $0xD;
	s1 =	sshrl.u32 s1, $0x2  }
0xc0: {  	s3 =	sand.u32 $0x4000, s31;
	s1 =	sadd.s32 s1, s30  }
0xc1: {  	s0 =	sor.u32 s3, s0;
	s1 =	sshll.u32 s1, $0x11  }
0xc2: {  	s0 =	sor.u32 s1, s0  }
0xc3: {  	s0 =	sadd.s32 $0x8F2B, s0  }
0xc4: {  	[sflag:s0] =	ssyncadd.remote.s32 $0x1  }
0xc5: {  	_ =	sfence.sel $0xFFFF  }
0xc6: {  	[dreg:$0x0] =	wrdreg $0xFFFFFFFF;
	(pc) =	sbr.abs _section_cstart, $3  }
0xc7: {  	[dreg:$0x1] =	wrdreg $0xFFFFFFFF  }
0xc8: {  	_ =	task.clear_ibuf [dreg:s7], $0x2FFFF;
	_ =	strace $0x9FFFFFFF  }
0xc9: {  	(tm) =	ssettm $0x7FFFFFFF  }
tec
execute0_lowered:
.L_overlay_start_1:
0x0: {  	(tag) =	ssettag $0x1  }
0x1: {  	s0 =	srdreg.scid;
	s2 =	rddreg [dreg:$0x0]  }
0x2: {  	s7 =	stileid.u32;
	s4 =	rddreg [dreg:$0x1]  }
0x3: {  	s3 =	rddreg [dreg:$0x2];
	s8 =	simm.s32 $0x0;
	s30 =	simm.s32 $0xA100  }
0x4: {  	s31 =	simm.s32 $0x3;
	s9 =	simm.s32 $0x4F80;
	s0 =	sand.u32 $0x1, s0  }
0x5: {  	s10 =	simm.s32 $0x2;
	s6 =	smul.u32 $0x2800, s7;
	s1 =	sshll.u32 s0, $0x4  }
0x6: {  	s5 =	smul.u32 $0x28000, s0;
	s0 =	ssub.s32 $0x2, s0;
	s1 =	sor.u32 s7, s1  }
0x7: {  	[smem:$0x7FF] =	sst s8;
	s16 =	sshrl.u32 s0, $0x1;
	s1 =	smul.u32 $0x4E2, s1  }
0x8: {  	_ =	strace $0x8000004A;
	s7 =	smul.u32 $0x50000, s7;
	s0 =	ssub.s32 s0, s16  }
0x9: {  	s5 =	sadd.s32 s6, s5;
	s0 =	smax.u32 s0, $0x1;
	s1 =	sadd.s32 s1, s4  }
0xa: {  	s7 =	sshrl.u32 s7, $0x2;
	[dreg:$0x7] =	wrdreg s0;
	s17 =	sadd.s32 $0x11C00, s1  }
0xb: {  	s4 =	sadd.s32 s5, s4;
	s1 =	sadd.s32 $0x7E00, s1;
	[dreg:$0x4] =	wrdreg s17  }
0xc: {  	s5 =	sadd.s32 s7, s3;
	s18 =	sadd.s32 $0x1BA00, s4;
	[dreg:$0x5] =	wrdreg s1  }
0xd: {  	s11 =	simm.s32 $0x5080;
	s19 =	sadd.s32 $0x1000, s5;
	[dreg:$0x6] =	wrdreg s18  }
0xe: {  	s12 =	simm.s32 $0x0;
	s20 =	sadd.s32 $0x2000, s5;
	[dreg:$0x8] =	wrdreg s19  }
0xf: {  	s8 =	simm.s32 $0x1;
	s21 =	sadd.s32 $0x3000, s5;
	[dreg:$0x9] =	wrdreg s20  }
0x10: {  	s6 =	simm.s32 $0x5000;
	s22 =	sadd.s32 $0x4000, s5;
	[dreg:$0xa] =	wrdreg s21  }
0x11: {  	s0 =	simm.s32 $0x5100;
	s23 =	sadd.s32 $0x5000, s5;
	[dreg:$0xb] =	wrdreg s22  }
0x12: {  	s7 =	simm.s32 $0x7900;
	s24 =	sadd.s32 $0x6000, s5;
	[dreg:$0xc] =	wrdreg s23  }
0x13: {  	s25 =	sadd.s32 $0x7000, s5;
	s26 =	sadd.s32 $0x8000, s5;
	[dreg:$0xd] =	wrdreg s24  }
0x14: {  	s28 =	sadd.s32 $0x12000, s5;
	s29 =	sadd.s32 $0x13000, s5;
	[dreg:$0xe] =	wrdreg s25  }
0x15: {  	s4 =	simm.s32 $0x50;
	[dreg:$0xf] =	wrdreg s26;
	s18 =	sadd.s32 $0x9000, s5  }
0x16: {  	s19 =	sadd.s32 $0xA000, s5;
	s20 =	sadd.s32 $0xB000, s5;
	s21 =	sadd.s32 $0xC000, s5  }
0x17: {  	s22 =	sadd.s32 $0xD000, s5;
	s23 =	sadd.s32 $0xE000, s5;
	s24 =	sadd.s32 $0xF000, s5  }
0x18: {  	v0 =	vimm.f32 $0.0e+00;
	s25 =	sadd.s32 $0x10000, s5;
	s26 =	sadd.s32 $0x11000, s5;
	s1 =	simm.s32 $0x4F00  }
.LBB2_1:
0x19: {  	s13 =	simm.s32 $0x0  }
0x1a: {  	s14 =	sand.u32 $0xFFFFFF80, s13  }
0x1b: {  	s14 =	ssub.s32 $0x0, s14  }
0x1c: {  	s15 =	simm.s32 $0x0;
	s13 =	sand.u32 $0x3FFFFF80, s13;
	s14 =	sand.u32 $0xFFFFFF80, s14  }
0x1d: {  	s15 =	sand.u32 $0x70, s15;
	s14 =	sadd.s32 s14, s13  }
0x1e: {  	s13 =	simm.s32 $0x1;
	s15 =	sor.u32 s15, s14;
	s14 =	simm.s32 $0x0  }
.LBB2_2:
0x1f: {  	s16 =	sshll.u32 s13, $0x4;
	p0 =	sne.s32 s13, $0xFF;
	s13 =	sadd.s32 $0x1, s13;
	[tilespmem:s15+$0xA100] =	vst v0  }
.Ltmp0:
0x20: {  	s14 =	sadd.s32 $0x10, s14;
	s15 =	sand.u32 $0xFFFFFF80, s16;
	(pc) =	sbr.rel @p0 .LBB2_2-.Ltmp0, $4  }
0x21: {  	s15 =	ssub.s32 s14, s15  }
0x22: {  	s16 =	sand.u32 $0x3FFFFF80, s16;
	s15 =	sand.u32 $0xFFFFFF80, s15  }
0x23: {  	s17 =	sand.u32 $0x70, s14;
	s15 =	sadd.s32 s15, s16  }
0x24: {  	s15 =	sor.u32 s17, s15  }
0x25: {  	[tilespmem:s15+$0xA100] =	vst v0  }
0x26: {  	[spmem:s5] =	stream.linear.scatter [tilespmem:s30], [sflag:$0x3], $0x1000, $0x38;
	[tilespmem:$0x1F100] =	vst v63  }
0x27: {  	_ =	swait.ge [sflag:s31], $0x1000  }
0x28: {  	[sflag:s31] =	ssyncset.done $0x0  }
0x29: {  	s13 =	rddreg [dreg:$0x8];
	[sflag:s31] =	ssyncadd.s32 $0xFFFFF000  }
0x2a: {  	[spmem:s13] =	stream.linear.scatter [tilespmem:s30], [sflag:$0x3], $0x1000, $0x38;
	[tilespmem:$0x1F100] =	vst v63  }
0x2b: {  	_ =	swait.ge [sflag:s31], $0x1000  }
0x2c: {  	[sflag:s31] =	ssyncset.done $0x0  }
0x2d: {  	s17 =	rddreg [dreg:$0x9];
	[sflag:s31] =	ssyncadd.s32 $0xFFFFF000  }
0x2e: {  	[spmem:s17] =	stream.linear.scatter [tilespmem:s30], [sflag:$0x3], $0x1000, $0x38;
	[tilespmem:$0x1F100] =	vst v63  }
0x2f: {  	_ =	swait.ge [sflag:s31], $0x1000  }
0x30: {  	[sflag:s31] =	ssyncset.done $0x0  }
0x31: {  	s14 =	rddreg [dreg:$0xa];
	[sflag:s31] =	ssyncadd.s32 $0xFFFFF000  }
0x32: {  	[spmem:s14] =	stream.linear.scatter [tilespmem:s30], [sflag:$0x3], $0x1000, $0x38;
	[tilespmem:$0x1F100] =	vst v63  }
0x33: {  	_ =	swait.ge [sflag:s31], $0x1000  }
0x34: {  	[sflag:s31] =	ssyncset.done $0x0  }
0x35: {  	s15 =	rddreg [dreg:$0xb];
	[sflag:s31] =	ssyncadd.s32 $0xFFFFF000  }
0x36: {  	[spmem:s15] =	stream.linear.scatter [tilespmem:s30], [sflag:$0x3], $0x1000, $0x38;
	[tilespmem:$0x1F100] =	vst v63  }
0x37: {  	_ =	swait.ge [sflag:s31], $0x1000  }
0x38: {  	[sflag:s31] =	ssyncset.done $0x0  }
0x39: {  	s16 =	rddreg [dreg:$0xc];
	[sflag:s31] =	ssyncadd.s32 $0xFFFFF000  }
0x3a: {  	[spmem:s16] =	stream.linear.scatter [tilespmem:s30], [sflag:$0x3], $0x1000, $0x38;
	[tilespmem:$0x1F100] =	vst v63  }
0x3b: {  	_ =	swait.ge [sflag:s31], $0x1000  }
0x3c: {  	[sflag:s31] =	ssyncset.done $0x0  }
0x3d: {  	s17 =	rddreg [dreg:$0xd];
	[sflag:s31] =	ssyncadd.s32 $0xFFFFF000  }
0x3e: {  	[spmem:s17] =	stream.linear.scatter [tilespmem:s30], [sflag:$0x3], $0x1000, $0x38;
	[tilespmem:$0x1F100] =	vst v63  }
0x3f: {  	_ =	swait.ge [sflag:s31], $0x1000  }
0x40: {  	[sflag:s31] =	ssyncset.done $0x0  }
0x41: {  	s14 =	rddreg [dreg:$0xe];
	[sflag:s31] =	ssyncadd.s32 $0xFFFFF000  }
0x42: {  	[spmem:s14] =	stream.linear.scatter [tilespmem:s30], [sflag:$0x3], $0x1000, $0x38;
	[tilespmem:$0x1F100] =	vst v63  }
0x43: {  	_ =	swait.ge [sflag:s31], $0x1000  }
0x44: {  	[sflag:s31] =	ssyncset.done $0x0  }
0x45: {  	s15 =	rddreg [dreg:$0xf];
	[sflag:s31] =	ssyncadd.s32 $0xFFFFF000  }
0x46: {  	[spmem:s15] =	stream.linear.scatter [tilespmem:s30], [sflag:$0x3], $0x1000, $0x38;
	[tilespmem:$0x1F100] =	vst v63  }
0x47: {  	_ =	swait.ge [sflag:s31], $0x1000  }
0x48: {  	[sflag:s31] =	ssyncset.done $0x0  }
0x49: {  	[sflag:s31] =	ssyncadd.s32 $0xFFFFF000  }
0x4a: {  	[spmem:s18] =	stream.linear.scatter [tilespmem:s30], [sflag:$0x3], $0x1000, $0x38;
	[tilespmem:$0x1F100] =	vst v63  }
0x4b: {  	_ =	swait.ge [sflag:s31], $0x1000  }
0x4c: {  	[sflag:s31] =	ssyncset.done $0x0  }
0x4d: {  	[sflag:s31] =	ssyncadd.s32 $0xFFFFF000  }
0x4e: {  	[spmem:s19] =	stream.linear.scatter [tilespmem:s30], [sflag:$0x3], $0x1000, $0x38;
	[tilespmem:$0x1F100] =	vst v63  }
0x4f: {  	_ =	swait.ge [sflag:s31], $0x1000  }
0x50: {  	[sflag:s31] =	ssyncset.done $0x0  }
0x51: {  	[sflag:s31] =	ssyncadd.s32 $0xFFFFF000  }
0x52: {  	[spmem:s20] =	stream.linear.scatter [tilespmem:s30], [sflag:$0x3], $0x1000, $0x38;
	[tilespmem:$0x1F100] =	vst v63  }
0x53: {  	_ =	swait.ge [sflag:s31], $0x1000  }
0x54: {  	[sflag:s31] =	ssyncset.done $0x0  }
0x55: {  	[sflag:s31] =	ssyncadd.s32 $0xFFFFF000  }
0x56: {  	[spmem:s21] =	stream.linear.scatter [tilespmem:s30], [sflag:$0x3], $0x1000, $0x38;
	[tilespmem:$0x1F100] =	vst v63  }
0x57: {  	_ =	swait.ge [sflag:s31], $0x1000  }
0x58: {  	[sflag:s31] =	ssyncset.done $0x0  }
0x59: {  	[sflag:s31] =	ssyncadd.s32 $0xFFFFF000  }
0x5a: {  	[spmem:s22] =	stream.linear.scatter [tilespmem:s30], [sflag:$0x3], $0x1000, $0x38;
	[tilespmem:$0x1F100] =	vst v63  }
0x5b: {  	_ =	swait.ge [sflag:s31], $0x1000  }
0x5c: {  	[sflag:s31] =	ssyncset.done $0x0  }
0x5d: {  	[sflag:s31] =	ssyncadd.s32 $0xFFFFF000  }
0x5e: {  	[spmem:s23] =	stream.linear.scatter [tilespmem:s30], [sflag:$0x3], $0x1000, $0x38;
	[tilespmem:$0x1F100] =	vst v63  }
0x5f: {  	_ =	swait.ge [sflag:s31], $0x1000  }
0x60: {  	[sflag:s31] =	ssyncset.done $0x0  }
0x61: {  	[sflag:s31] =	ssyncadd.s32 $0xFFFFF000  }
0x62: {  	[spmem:s24] =	stream.linear.scatter [tilespmem:s30], [sflag:$0x3], $0x1000, $0x38;
	[tilespmem:$0x1F100] =	vst v63  }
0x63: {  	_ =	swait.ge [sflag:s31], $0x1000  }
0x64: {  	[sflag:s31] =	ssyncset.done $0x0  }
0x65: {  	[sflag:s31] =	ssyncadd.s32 $0xFFFFF000  }
0x66: {  	[spmem:s25] =	stream.linear.scatter [tilespmem:s30], [sflag:$0x3], $0x1000, $0x38;
	[tilespmem:$0x1F100] =	vst v63  }
0x67: {  	_ =	swait.ge [sflag:s31], $0x1000  }
0x68: {  	[sflag:s31] =	ssyncset.done $0x0  }
0x69: {  	[sflag:s31] =	ssyncadd.s32 $0xFFFFF000  }
0x6a: {  	[spmem:s26] =	stream.linear.scatter [tilespmem:s30], [sflag:$0x3], $0x1000, $0x38;
	[tilespmem:$0x1F100] =	vst v63  }
0x6b: {  	_ =	swait.ge [sflag:s31], $0x1000  }
0x6c: {  	[sflag:s31] =	ssyncset.done $0x0  }
0x6d: {  	[sflag:s31] =	ssyncadd.s32 $0xFFFFF000  }
0x6e: {  	[spmem:s28] =	stream.linear.scatter [tilespmem:s30], [sflag:$0x3], $0x1000, $0x38;
	[tilespmem:$0x1F100] =	vst v63  }
0x6f: {  	_ =	swait.ge [sflag:s31], $0x1000  }
0x70: {  	[sflag:s31] =	ssyncset.done $0x0  }
0x71: {  	[sflag:s31] =	ssyncadd.s32 $0xFFFFF000  }
0x72: {  	[spmem:s29] =	stream.linear.scatter [tilespmem:s30], [sflag:$0x3], $0x1000, $0x38;
	[tilespmem:$0x1F100] =	vst v63  }
0x73: {  	_ =	swait.ge [sflag:s31], $0x1000  }
0x74: {  	[sflag:s31] =	ssyncset.done $0x0  }
0x75: {  	[sflag:s31] =	ssyncadd.s32 $0xFFFFF000  }
0x76: {  	[bflag:$0x0] =	sbarrier.arrive $0xFFFF  }
0x77: {  	s15 =	simm.s32 $0x0;
	s16 =	rddreg [dreg:$0x4]  }
0x78: {  	[tilespmem:s15], [sflag:$0x3] =	stream.linear.gather [hbm4b:s16+s15], $0x2710, $0x38;
	[tilespmem:$0x1F100] =	vst v63  }
0x79: {  	_ =	swait.ge [sflag:s31], $0x2710  }
0x7a: {  	[sflag:s31] =	ssyncset.done $0x0  }
0x7b: {  	s14 =	simm.s32 $0x2780;
	s17 =	rddreg [dreg:$0x5];
	[sflag:s31] =	ssyncadd.s32 $0xFFFFD8F0  }
0x7c: {  	[tilespmem:s14], [sflag:$0x3] =	stream.linear.gather [hbm4b:s17+s15], $0x2710, $0x38;
	[tilespmem:$0x1F100] =	vst v63  }
0x7d: {  	_ =	swait.ge [sflag:s31], $0x2710  }
0x7e: {  	[sflag:s31] =	ssyncset.done $0x0  }
0x7f: {  	s13 =	simm.s32 $0x50;
	[sflag:s31] =	ssyncadd.s32 $0xFFFFD8F0  }
0x80: {  	v1 =	vld [tilespmem:s13+$0xFFFFFFB0];
	_ =	sdelay $0x4  }
0x81: {  	s14 =	simm.s32 $0x27D0;
	[tilespmem:$0x4F00] =	vst v1  }
0x82: {  	v1 =	vld [tilespmem:s14+$0xFFFFFFB0];
	_ =	sdelay $0x4  }
0x83: {  	[tilespmem:$0x4F80] =	vst v1  }
0x84: {  	v1 =	vld [tilespmem:s13+$0xFFFFFFC0];
	_ =	sdelay $0x4  }
0x85: {  	[tilespmem:$0x4F10] =	vst v1  }
0x86: {  	v1 =	vld [tilespmem:s14+$0xFFFFFFC0];
	_ =	sdelay $0x4  }
0x87: {  	[tilespmem:$0x4F90] =	vst v1  }
0x88: {  	v1 =	vld [tilespmem:s13+$0xFFFFFFD0];
	_ =	sdelay $0x4  }
0x89: {  	[tilespmem:$0x4F20] =	vst v1  }
0x8a: {  	v1 =	vld [tilespmem:s14+$0xFFFFFFD0];
	_ =	sdelay $0x4  }
0x8b: {  	[tilespmem:$0x4FA0] =	vst v1  }
0x8c: {  	v1 =	vld [tilespmem:s13+$0xFFFFFFE0];
	_ =	sdelay $0x4  }
0x8d: {  	[tilespmem:$0x4F30] =	vst v1  }
0x8e: {  	v1 =	vld [tilespmem:s14+$0xFFFFFFE0];
	_ =	sdelay $0x4  }
0x8f: {  	[tilespmem:$0x4FB0] =	vst v1  }
0x90: {  	v1 =	vld [tilespmem:s13+$0xFFFFFFF0];
	_ =	sdelay $0x4  }
0x91: {  	[tilespmem:$0x4F40] =	vst v1  }
0x92: {  	v1 =	vld [tilespmem:s14+$0xFFFFFFF0];
	_ =	sdelay $0x4  }
0x93: {  	[tilespmem:$0x4FC0] =	vst v1  }
0x94: {  	[tilespmem:s0], [sflag:$0x1] =	stream.indirect.gather [hbm4b:s2+s4], $0x80, s1, s4, $0xb8;
	[tilespmem:$0x1F100] =	vst v63  }
0x95: {  	v1 =	vld [tilespmem:s13+$0x0];
	_ =	sdelay $0x4  }
0x96: {  	[tilespmem:$0x5000] =	vst v1  }
0x97: {  	v1 =	vld [tilespmem:s14+$0x0];
	_ =	sdelay $0x4  }
0x98: {  	[tilespmem:$0x5080] =	vst v1  }
0x99: {  	v1 =	vld [tilespmem:s13+$0x10];
	_ =	sdelay $0x4  }
0x9a: {  	[tilespmem:$0x5010] =	vst v1  }
0x9b: {  	v1 =	vld [tilespmem:s14+$0x10];
	_ =	sdelay $0x4  }
0x9c: {  	[tilespmem:$0x5090] =	vst v1  }
0x9d: {  	v1 =	vld [tilespmem:s13+$0x20];
	_ =	sdelay $0x4  }
0x9e: {  	[tilespmem:$0x5020] =	vst v1  }
0x9f: {  	v1 =	vld [tilespmem:s14+$0x20];
	_ =	sdelay $0x4  }
0xa0: {  	s15 =	sand.u32 $0x3FE0, s15;
	[tilespmem:$0x50A0] =	vst v1  }
0xa1: {  	v1 =	vld [tilespmem:s15+$0x80];
	_ =	sdelay $0x4  }
0xa2: {  	[tilespmem:$0x5030] =	vst v1  }
0xa3: {  	v1 =	vld [tilespmem:s15+$0x2800];
	_ =	sdelay $0x4  }
0xa4: {  	[tilespmem:$0x50B0] =	vst v1  }
0xa5: {  	v1 =	vld [tilespmem:s13+$0x40];
	_ =	sdelay $0x4  }
0xa6: {  	[tilespmem:$0x5040] =	vst v1  }
0xa7: {  	v1 =	vld [tilespmem:s14+$0x40];
	_ =	sdelay $0x4  }
0xa8: {  	[tilespmem:$0x50C0] =	vst v1  }
0xa9: {  	[tilespmem:s7], [sflag:$0x2] =	stream.indirect.gather [hbm4b:s2+s4], $0x80, s6, s4, $0xb8;
	[tilespmem:$0x1F100] =	vst v63  }
0xaa: {  	_ =	swait.ge [sflag:s8], $0x2800  }
0xab: {  	[sflag:s8] =	ssyncset.done $0x0  }
0xac: {  	[sflag:s8] =	ssyncadd.s32 $0xFFFFD800  }
0xad: {  	[spmem:s3] =	stream.indirect.scatter.add.f32 [tilespmem:s0], [sflag:$0x3], $0x80, s9, s4, $0xb8;
	[tilespmem:$0x1F100] =	vst v63  }
0xae: {  	_ =	swait.ge [sflag:s31], $0x2800  }
0xaf: {  	[sflag:s31] =	ssyncset.done $0x0  }
0xb0: {  	[sflag:s31] =	ssyncadd.s32 $0xFFFFD800  }
0xb1: {  	_ =	swait.ge [sflag:s10], $0x2800  }
0xb2: {  	[sflag:s10] =	ssyncset.done $0x0  }
0xb3: {  	[sflag:s10] =	ssyncadd.s32 $0xFFFFD800  }
0xb4: {  	[spmem:s3] =	stream.indirect.scatter.add.f32 [tilespmem:s7], [sflag:$0x3], $0x80, s11, s4, $0xb8;
	[tilespmem:$0x1F100] =	vst v63  }
0xb5: {  	_ =	swait.ge [sflag:s31], $0x2800  }
0xb6: {  	s15 =	simm.s32 $0xA0;
	[sflag:s31] =	ssyncset.done $0x0  }
.LBB2_4:
0xb7: {  	[sflag:s31] =	ssyncadd.s32 $0xFFFFD800;
	s13 =	sadd.s32 $0xA0, s13;
	s14 =	sadd.s32 $0xA0, s14  }
0xb8: {  	p0 =	sne.s32 s15, $0x2620;
	s16 =	smov.u32 s15;
	s15 =	sadd.s32 $0xA0, s15;
	v1 =	vld [tilespmem:s13+$0xFFFFFFB0]  }
0xb9: {  	_ =	sdelay $0x3  }
0xba: {  	[tilespmem:$0x4F00] =	vst v1  }
0xbb: {  	v1 =	vld [tilespmem:s14+$0xFFFFFFB0];
	_ =	sdelay $0x4  }
0xbc: {  	[tilespmem:$0x4F80] =	vst v1  }
0xbd: {  	v1 =	vld [tilespmem:s13+$0xFFFFFFC0];
	_ =	sdelay $0x4  }
0xbe: {  	[tilespmem:$0x4F10] =	vst v1  }
0xbf: {  	v1 =	vld [tilespmem:s14+$0xFFFFFFC0];
	_ =	sdelay $0x4  }
0xc0: {  	[tilespmem:$0x4F90] =	vst v1  }
0xc1: {  	v1 =	vld [tilespmem:s13+$0xFFFFFFD0];
	_ =	sdelay $0x4  }
0xc2: {  	[tilespmem:$0x4F20] =	vst v1  }
0xc3: {  	v1 =	vld [tilespmem:s14+$0xFFFFFFD0];
	_ =	sdelay $0x4  }
0xc4: {  	[tilespmem:$0x4FA0] =	vst v1  }
0xc5: {  	v1 =	vld [tilespmem:s13+$0xFFFFFFE0];
	_ =	sdelay $0x4  }
0xc6: {  	[tilespmem:$0x4F30] =	vst v1  }
0xc7: {  	v1 =	vld [tilespmem:s14+$0xFFFFFFE0];
	_ =	sdelay $0x4  }
0xc8: {  	[tilespmem:$0x4FB0] =	vst v1  }
0xc9: {  	v1 =	vld [tilespmem:s13+$0xFFFFFFF0];
	_ =	sdelay $0x4  }
0xca: {  	[tilespmem:$0x4F40] =	vst v1  }
0xcb: {  	v1 =	vld [tilespmem:s14+$0xFFFFFFF0];
	_ =	sdelay $0x4  }
0xcc: {  	[tilespmem:$0x4FC0] =	vst v1  }
0xcd: {  	[tilespmem:s0], [sflag:$0x1] =	stream.indirect.gather [hbm4b:s2+s4], $0x80, s1, s4, $0xb8;
	[tilespmem:$0x1F100] =	vst v63  }
0xce: {  	v1 =	vld [tilespmem:s13+$0x0];
	_ =	sdelay $0x4  }
0xcf: {  	[tilespmem:$0x5000] =	vst v1  }
0xd0: {  	v1 =	vld [tilespmem:s14+$0x0];
	_ =	sdelay $0x4  }
0xd1: {  	[tilespmem:$0x5080] =	vst v1  }
0xd2: {  	v1 =	vld [tilespmem:s13+$0x10];
	_ =	sdelay $0x4  }
0xd3: {  	[tilespmem:$0x5010] =	vst v1  }
0xd4: {  	v1 =	vld [tilespmem:s14+$0x10];
	_ =	sdelay $0x4  }
0xd5: {  	[tilespmem:$0x5090] =	vst v1  }
0xd6: {  	v1 =	vld [tilespmem:s13+$0x20];
	_ =	sdelay $0x4  }
0xd7: {  	[tilespmem:$0x5020] =	vst v1  }
0xd8: {  	v1 =	vld [tilespmem:s14+$0x20];
	_ =	sdelay $0x4  }
0xd9: {  	s16 =	sand.u32 $0x3FE0, s16;
	[tilespmem:$0x50A0] =	vst v1  }
0xda: {  	v1 =	vld [tilespmem:s16+$0x80];
	_ =	sdelay $0x4  }
0xdb: {  	[tilespmem:$0x5030] =	vst v1  }
0xdc: {  	v1 =	vld [tilespmem:s16+$0x2800];
	_ =	sdelay $0x4  }
0xdd: {  	[tilespmem:$0x50B0] =	vst v1  }
0xde: {  	v1 =	vld [tilespmem:s13+$0x40];
	_ =	sdelay $0x4  }
0xdf: {  	[tilespmem:$0x5040] =	vst v1  }
0xe0: {  	v1 =	vld [tilespmem:s14+$0x40];
	_ =	sdelay $0x4  }
0xe1: {  	[tilespmem:$0x50C0] =	vst v1  }
0xe2: {  	[tilespmem:s7], [sflag:$0x2] =	stream.indirect.gather [hbm4b:s2+s4], $0x80, s6, s4, $0xb8;
	[tilespmem:$0x1F100] =	vst v63  }
0xe3: {  	_ =	swait.ge [sflag:s8], $0x2800  }
0xe4: {  	[sflag:s8] =	ssyncset.done $0x0  }
0xe5: {  	[sflag:s8] =	ssyncadd.s32 $0xFFFFD800  }
0xe6: {  	[spmem:s3] =	stream.indirect.scatter.add.f32 [tilespmem:s0], [sflag:$0x3], $0x80, s9, s4, $0xb8;
	[tilespmem:$0x1F100] =	vst v63  }
0xe7: {  	_ =	swait.ge [sflag:s31], $0x2800  }
0xe8: {  	[sflag:s31] =	ssyncset.done $0x0  }
0xe9: {  	[sflag:s31] =	ssyncadd.s32 $0xFFFFD800  }
0xea: {  	_ =	swait.ge [sflag:s10], $0x2800  }
.Ltmp1:
0xeb: {  	[sflag:s10] =	ssyncset.done $0x0;
	(pc) =	sbr.rel @p0 .LBB2_4-.Ltmp1, $4  }
0xec: {  	[sflag:s10] =	ssyncadd.s32 $0xFFFFD800  }
0xed: {  	[spmem:s3] =	stream.indirect.scatter.add.f32 [tilespmem:s7], [sflag:$0x3], $0x80, s11, s4, $0xb8;
	[tilespmem:$0x1F100] =	vst v63  }
0xee: {  	_ =	swait.ge [sflag:s31], $0x2800  }
0xef: {  	[sflag:s31] =	ssyncset.done $0x0  }
0xf0: {  	[sflag:s31] =	ssyncadd.s32 $0xFFFFD800  }
0xf1: {  	v1 =	vld [tilespmem:$0x26C0]  }
0xf2: {  	v2 =	vld [tilespmem:$0x4E40]  }
0xf3: {  	v3 =	vld [tilespmem:$0x26D0]  }
0xf4: {  	v4 =	vld [tilespmem:$0x4E50]  }
0xf5: {  	v5 =	vld [tilespmem:$0x26E0]  }
0xf6: {  	v62 =	vld [tilespmem:$0x2700];
	[tilespmem:$0x4F00] =	vst v1  }
0xf7: {  	v63 =	vld [tilespmem:$0x4E80];
	[tilespmem:$0x4F80] =	vst v2  }
0xf8: {  	v1 =	vld [tilespmem:$0x4E60];
	[tilespmem:$0x4F10] =	vst v3  }
0xf9: {  	v2 =	vld [tilespmem:$0x26F0];
	[tilespmem:$0x4F90] =	vst v4  }
0xfa: {  	v3 =	vld [tilespmem:$0x4E70];
	[tilespmem:$0x4F20] =	vst v5  }
0xfb: {  	[tilespmem:$0x4F40] =	vst v62  }
0xfc: {  	[tilespmem:$0x4FC0] =	vst v63  }
0xfd: {  	[tilespmem:$0x4FA0] =	vst v1  }
0xfe: {  	[tilespmem:$0x4F30] =	vst v2  }
0xff: {  	[tilespmem:$0x4FB0] =	vst v3  }
0x100: {  	[tilespmem:s0], [sflag:$0x1] =	stream.indirect.gather [hbm4b:s2+s4], $0x80, s1, s4, $0xb8;
	[tilespmem:$0x1F100] =	vst v63  }
0x101: {  	_ =	swait.ge [sflag:s8], $0x2800  }
0x102: {  	[sflag:s8] =	ssyncset.done $0x0  }
0x103: {  	[sflag:s8] =	ssyncadd.s32 $0xFFFFD800  }
0x104: {  	[spmem:s3] =	stream.indirect.scatter.add.f32 [tilespmem:s0], [sflag:$0x3], $0x80, s9, s4, $0xb8;
	[tilespmem:$0x1F100] =	vst v63  }
0x105: {  	_ =	swait.ge [sflag:s31], $0x2800  }
0x106: {  	[sflag:s31] =	ssyncset.done $0x0  }
0x107: {  	s13 =	stileid.u32;
	[sflag:s31] =	ssyncadd.s32 $0xFFFFD800  }
0x108: {  	s13 =	sshll.u32 s13, $0x6;
	[bflag:$0x0] =	sbarrier.arrive $0xFFFF  }
0x109: {  	s14 =	sshrl.u32 s5, $0x3;
	s13 =	sor.u32 $0x1C03, s13;
	s15 =	rddreg [dreg:$0x6]  }
0x10a: {  	[hbm:s15], [sflag:s13] =	dma.local [spmem:s14], $0x2800  }
0x10b: {  	_ =	swait.ge [sflag:s31], $0x2800  }
0x10c: {  	s12 =	sadd.s32 $0x1, s12;
	s17 =	rddreg [dreg:$0x7]  }
0x10d: {  	p0 =	sne.s32 s12, s17  }
.Ltmp2:
0x10e: {  	_ = 	snop;
	(pc) =	sbr.rel @p0 .LBB2_1-.Ltmp2, $3  }
0x10f: {  	_ =	sdelay $0x1  }
0x110: {  	[sflag:s31] =	ssyncset.done $0x0  }
0x111: {  	[sflag:s31] =	ssyncadd.s32 $0xFFFFD800  }
0x112: {  	_ =	sfence.sel $0x180000  }
0x113: {  	[bflag:$0x0] =	sbarrier.arrive $0xFFFF  }
0x114: {  	_ =	strace $0x9000004A  }
0x115: {  	s0 =	stileid.u32;
	[bflag:$0x2] =	sbarrier.arrive $0xFFFF  }
0x116: {  	p0 =	sne.s32 s0, $0x0;
	s0 =	rddreg [dreg:$0x3]  }
0x117: {  	s0 =	sadd.s32 @!p0 $0x100000, s0  }
0x118: {  	[sflag:s0] =	ssyncadd.tile.s32 @!p0 $0x1;
	_ =	shalt  }
.Lfunc_end2:
_tile_overlayer_lowered:
.L_overlay_start_2:
0x119: {  	(tag) =	ssettag $0x2  }
0x11a: {  	s0 =	rddreg [dreg:$0x0];
	s2 =	stileid.u32  }
0x11b: {  	s1 =	rddreg [dreg:$0x1];
	p0 =	sne.s32 s2, $0x0  }
0x11c: {  	s3 =	rddreg [dreg:$0x2];
	[bflag:$0x3] =	sbarrier.arrive $0xFFFF;
	s2 =	simm.s32 @!p0 $0x1C03  }
0x11d: {  	[timem:s3], [sflag:s2] =	dma.local @!p0 [hbm:s0], s1  }
0x11e: {  	s0 =	simm.s32 @!p0 $0x3  }
0x11f: {  	_ =	swait.ge @!p0 [sflag:s0], s1  }
0x120: {  	s1 =	ssub.s32 @!p0 $0x0, s1;
	[sflag:s0] =	ssyncset.done @!p0 $0x0  }
0x121: {  	[sflag:s0] =	ssyncadd.s32 @!p0 s1  }
0x122: {  	[bflag:$0x3] =	sbarrier.arrive $0xFFFF  }
0x123: {  	_ =	shalt  }

// kernel: kernel.30.cloned.1.call-start
scs
__scs_entry_jumppad:
0x0: {  	(pc) =	sbr.rel $0x88, $3  }
0x1: {  	(tag) =	ssettag $0x0;
	lr =	simm.s32 $0x1  }
0x2: {  	[smem:$0x3F90] =	sst lr;
	_ =	strace $0xD0000000  }
0x3: {  	_ = 	snop  }
0x4: {  	_ = 	snop  }
0x5: {  	_ = 	snop  }
0x6: {  	_ = 	snop  }
0x7: {  	_ = 	snop  }
__scs_overlays_trampoline_lowered:
0x8: {  	[smem:$0x3F9F] =	sst s0  }
0x9: {  	[smem:$0x3FA0] =	sst s1  }
0xa: {  	[smem:$0x3FA1] =	sst s2  }
0xb: {  	[smem:$0x3FA2] =	sst s3  }
0xc: {  	[smem:$0x3FA3] =	sst s4  }
0xd: {  	[smem:$0x3FA4] =	sst s5  }
0xe: {  	[smem:$0x3FA5] =	sst s6  }
0xf: {  	[smem:$0x3FA6] =	sst s7  }
0x10: {  	[smem:$0x3FA7] =	sst s8  }
0x11: {  	[smem:$0x3FA8] =	sst s9;
	s0 =	simm.s32 @!p0 $0x0  }
0x12: {  	s1 =	sld [smem:$0x3F8E];
	s0 =	simm.s32 @p0 $0x1  }
0x13: {  	[smem:$0x3FA9] =	sst s0;
	s0 =	simm.s32 @!p1 $0x0  }
0x14: {  	s2 =	sld [smem:$0x3F8D];
	s0 =	simm.s32 @p1 $0x1  }
0x15: {  	[smem:$0x3FAA] =	sst s0;
	s0 =	simm.s32 @!p2 $0x0  }
0x16: {  	s3 =	sld [smem:$0x3FDB];
	s0 =	simm.s32 @p2 $0x1  }
0x17: {  	s4 =	simm.s32 $0x1BF5;
	[smem:$0x3FAC] =	sst s0  }
0x18: {  	s0 =	sld [smem:$0x3F8F];
	_ =	swait.ge [sflag:s4], $0x0  }
0x19: {  	s7 =	sld [smem:$0x3F90]  }
0x1a: {  	s8 =	sadd.s32 $0xFFFFE003, lr  }
0x1b: {  	s9 =	sadd.s32 $0xFFFFFEF7, lr;
	s5 =	simm.s32 $0xFFFFFFFF;
	p2 =	slt.u32 s8, $0xFFFFF086  }
0x1c: {  	p1 =	slt.u32 s9, $0xF7A;
	s5 =	simm.s32 @!p2 $0x0  }
0x1d: {  	s5 =	simm.s32 @p1 $0x1;
	p0 =	seq.s32 s7, s2  }
0x1e: {  	s7 =	smul.u32 @!p0 $0xF7A, s2;
	p2 =	seq.s32 @!p0 s5, $0x0  }
0x1f: {  	s9 =	smul.u32 $0xF7A, s1;
	s8 =	simm.s32 @!p0 $0x1BF5;
	p2 =	por !p2, p0  }
0x20: {  	[sflag:s8] =	ssyncset.s32 @!p0 $0xFFFFF086;
	s6 =	sadd.s32 @!p0 s3, s7;
	s7 =	simm.s32 @!p0 $0x108  }
0x21: {  	s3 =	sadd.s32 s3, s9;
	s6 =	sadd.s32 @!p0 $0x88, s6;
	s7 =	simm.s32 @p2 $0x1082  }
0x22: {  	[simem:s7], [sflag:s8] =	dma.local @!p0 [hbm:s6], $0xF7A  }
0x23: {  	s9 =	sor.u32 $0xD0000000, s2;
	s6 =	simm.s32 $0x108;
	_ =	swait.ge @!p0 [sflag:s8], $0x0  }
0x24: {  	s3 =	sadd.s32 $0x88, s3;
	s6 =	simm.s32 @!p1 $0x1082;
	[sflag:s4] =	ssyncset.s32 $0xFFFFF086  }
0x25: {  	[simem:s6], [sflag:s4] =	dma.local [hbm:s3], $0xF7A  }
0x26: {  	[smem:$0x3F90] =	sst s1;
	(tag) =	ssettag s2;
	_ =	strace s9  }
0x27: {  	s1 =	sld [smem:$0x3FA0]  }
0x28: {  	s2 =	sld [smem:$0x3FA1]  }
0x29: {  	s4 =	sld [smem:$0x3FA3]  }
0x2a: {  	p0 =	seq.s32 s5, $0x0;
	s5 =	sld [smem:$0x3FA4]  }
0x2b: {  	s6 =	sld [smem:$0x3FA5]  }
0x2c: {  	s7 =	sld [smem:$0x3FA6]  }
0x2d: {  	s3 =	simm.s32 $0x108;
	s8 =	sld [smem:$0x3FA7]  }
0x2e: {  	s3 =	simm.s32 @!p0 $0x1082;
	s9 =	sld [smem:$0x3FA8]  }
0x2f: {  	lr =	sadd.s32 s0, s3;
	s0 =	sld [smem:$0x3F9F]  }
0x30: {  	s3 =	sld [smem:$0x3FA2]  }
0x31: {  	[smem:$0x3FAB] =	sst s10  }
0x32: {  	s10 =	sld [smem:$0x3FA9];
	_ =	sdelay $0x3  }
0x33: {  	p0 =	seq.s32 s10, $0x1;
	s10 =	sld [smem:$0x3FAB];
	_ =	sdelay $0x3  }
0x34: {  	[smem:$0x3FAB] =	sst s10  }
0x35: {  	s10 =	sld [smem:$0x3FAA];
	_ =	sdelay $0x3  }
0x36: {  	p1 =	seq.s32 s10, $0x1;
	s10 =	sld [smem:$0x3FAB];
	_ =	sdelay $0x3  }
0x37: {  	[smem:$0x3FAB] =	sst s10  }
0x38: {  	s10 =	sld [smem:$0x3FAC]  }
0x39: {  	_ = 	snop;
	(pc) =	sbr.ind lr, $3  }
0x3a: {  	_ = 	snop  }
0x3b: {  	_ = 	snop  }
0x3c: {  	p2 =	seq.s32 s10, $0x1;
	s10 =	sld [smem:$0x3FAB]  }
0x3d: {  	_ =	shalt  }
0x3e: {  	_ =	shalt  }
0x3f: {  	_ =	shalt  }
0x40: {  	_ =	shalt  }
0x41: {  	_ =	shalt  }
0x42: {  	_ =	shalt  }
0x43: {  	_ =	shalt  }
0x44: {  	_ =	shalt  }
0x45: {  	_ =	shalt  }
0x46: {  	_ =	shalt  }
0x47: {  	_ =	shalt  }
0x48: {  	_ =	shalt  }
0x49: {  	_ =	shalt  }
0x4a: {  	_ =	shalt  }
0x4b: {  	_ =	shalt  }
0x4c: {  	_ =	shalt  }
0x4d: {  	_ =	shalt  }
0x4e: {  	_ =	shalt  }
0x4f: {  	_ =	shalt  }
0x50: {  	_ =	shalt  }
0x51: {  	_ =	shalt  }
0x52: {  	_ =	shalt  }
0x53: {  	_ =	shalt  }
0x54: {  	_ =	shalt  }
0x55: {  	_ =	shalt  }
0x56: {  	_ =	shalt  }
0x57: {  	_ =	shalt  }
0x58: {  	_ =	shalt  }
0x59: {  	_ =	shalt  }
0x5a: {  	_ =	shalt  }
0x5b: {  	_ =	shalt  }
0x5c: {  	_ =	shalt  }
0x5d: {  	_ =	shalt  }
0x5e: {  	_ =	shalt  }
0x5f: {  	_ =	shalt  }
0x60: {  	_ =	shalt  }
0x61: {  	_ =	shalt  }
0x62: {  	_ =	shalt  }
0x63: {  	_ =	shalt  }
0x64: {  	_ =	shalt  }
0x65: {  	_ =	shalt  }
0x66: {  	_ =	shalt  }
0x67: {  	_ =	shalt  }
0x68: {  	_ =	shalt  }
0x69: {  	_ =	shalt  }
0x6a: {  	_ =	shalt  }
0x6b: {  	_ =	shalt  }
0x6c: {  	_ =	shalt  }
0x6d: {  	_ =	shalt  }
0x6e: {  	_ =	shalt  }
0x6f: {  	_ =	shalt  }
0x70: {  	_ =	shalt  }
0x71: {  	_ =	shalt  }
0x72: {  	_ =	shalt  }
0x73: {  	_ =	shalt  }
0x74: {  	_ =	shalt  }
0x75: {  	_ =	shalt  }
0x76: {  	_ =	shalt  }
0x77: {  	_ =	shalt  }
0x78: {  	_ =	shalt  }
0x79: {  	_ =	shalt  }
0x7a: {  	_ =	shalt  }
0x7b: {  	_ =	shalt  }
0x7c: {  	_ =	shalt  }
0x7d: {  	_ =	shalt  }
0x7e: {  	_ =	shalt  }
0x7f: {  	_ =	shalt  }
0x80: {  	_ =	shalt  }
0x81: {  	_ =	shalt  }
0x82: {  	_ =	shalt  }
0x83: {  	_ =	shalt  }
0x84: {  	_ =	shalt  }
0x85: {  	_ =	shalt  }
0x86: {  	_ =	shalt  }
0x87: {  	_ =	shalt  }
.Lfunc_end0:
.L_simem_size_0:
called_computation.2_lowered:
.L_overlay_start_0:
0x88: {  	s2 =	sld [smem:$0x3FD9]  }
0x89: {  	s3 =	sld [smem:$0x3FFE];
	_ =	sdelay $0x1  }
0x8a: {  	s1 =	srdreg.scid  }
0x8b: {  	s0 =	sand.u32 $0x1, s1  }
0x8c: {  	s14 =	sshll.u32 s0, $0xA;
	s2 =	sadd.s32 s3, s2  }
0x8d: {  	s2 =	sadd.s32 s2, s14  }
0x8e: {  	[smem:$0x3FB7] =	sst s2  }
0x8f: {  	_ = 	snop  }
0x90: {  	s2 =	sld [smem:$0x3FD0];
	_ =	sdelay $0x2  }
0x91: {  	s15 =	simm.s32 $0xA;
	s4 =	simm.s32 $0x10  }
0x92: {  	[smem:s4], [sflag:s15] =	dma.local [hbm:s2], $0x1  }
0x93: {  	_ =	swait.eq [sflag:s15], $0x1  }
0x94: {  	[sflag:s15] =	ssyncset.done $0x0  }
0x95: {  	[sflag:s15] =	ssyncadd.s32 $0xFFFFFFFF  }
0x96: {  	s16 =	sld [smem:$0x10];
	(tm) =	ssettm $0x1  }
0x97: {  	s17 =	sld [smem:$0x3FFB];
	_ =	sdelay $0x3  }
0x98: {  	_ =	strace s17  }
0x99: {  	s3 =	sld [smem:$0x3FFC];
	_ =	sdelay $0x3  }
0x9a: {  	_ =	strace s3  }
0x9b: {  	s3 =	sld [smem:$0x3FFD];
	_ =	sdelay $0x3  }
0x9c: {  	_ =	strace s3  }
0x9d: {  	_ =	strace $0x8FFFFFFF  }
0x9e: {  	s18 =	sld [smem:$0x3FDB];
	_ =	sdelay $0x1  }
0x9f: {  	s19 =	simm.s32 $_scs_section_size  }
0xa0: {  	s5 =	simm.s32 $_size__tile_overlayer_lowered;
	s6 =	simm.s32 $_tile_overlayer_lowered  }
0xa1: {  	s22 =	simm.s32 $0x1BFF;
	s21 =	sshll.u32 s6, $0x1;
	s3 =	sadd.s32 s19, s18  }
0xa2: {  	s7 =	simm.s32 $0x0;
	s20 =	sshll.u32 s5, $0x1;
	s5 =	sadd.s32 s21, s3  }
0xa3: {  	[timem:s7], [sflag:s22] =	dma.local [hbm:s5], s20  }
0xa4: {  	_ =	swait.ge [sflag:s22], s20  }
0xa5: {  	s4 =	ssub.s32 $0x0, s20;
	[sflag:s22] =	ssyncset.done $0x0  }
0xa6: {  	[sflag:s22] =	ssyncadd.s32 s4;
	_ =	sdelay $0x1  }
0xa7: {  	s23 =	simm.s32 $0x1B8B  }
0xa8: {  	_ =	swait.ge [sflag:s23], $0x1  }
0xa9: {  	[sflag:s23] =	ssyncset.done $0x0  }
0xaa: {  	s25 =	simm.s32 $0x1B8E;
	s24 =	sld [smem:$0x3FFE];
	[sflag:s23] =	ssyncadd.s32 $0xFFFFFFFF  }
0xab: {  	s26 =	simm.s32 $execute0_lowered;
	[smem:$0x3FD2] =	sst s25  }
0xac: {  	s5 =	sshll.u32 s26, $0x1;
	_ =	strace $0x8000004C;
	[dreg:$0x1] =	wrdreg $0xFFFFFFFF  }
0xad: {  	s28 =	simm.s32 $_size_execute0_lowered;
	s3 =	sadd.s32 s3, s5;
	[dreg:$0x0] =	wrdreg $0x0  }
0xae: {  	s5 =	sshll.u32 s28, $0x1;
	[dreg:$0x2] =	wrdreg s3  }
0xaf: {  	[dreg:$0x3] =	wrdreg s5  }
0xb0: {  	[dreg:$0x4] =	wrdreg $0xC0  }
0xb1: {  	_ =	task [dreg:s7], $0x5FFFF  }
0xb2: {  	[dreg:$0x1] =	wrdreg $0xFFFFFFFF  }
0xb3: {  	[dreg:$0x0] =	wrdreg $0x60  }
0xb4: {  	[dreg:$0x2] =	wrdreg s16  }
0xb5: {  	[dreg:$0x3] =	wrdreg s24  }
0xb6: {  	[dreg:$0x4] =	wrdreg $0xB1000  }
0xb7: {  	[dreg:$0x5] =	wrdreg $0x9  }
0xb8: {  	_ =	task.clear_ibuf [dreg:s7], $0x6FFFF;
	_ =	strace $0x9000004C  }
0xb9: {  	s29 =	simm.s32 $0x9;
	_ =	strace $0x8000004E  }
0xba: {  	_ =	swait.ge [sflag:s29], $0x1  }
0xbb: {  	[sflag:s29] =	ssyncadd.s32 $0xFFFFFFFF  }
0xbc: {  	_ =	strace $0x9000004E  }
0xbd: {  	_ =	sfence  }
0xbe: {  	s30 =	sld [smem:$0x0];
	_ =	sdelay $0x2  }
0xbf: {  	s31 =	sshll.u32 s1, $0xD;
	s1 =	sshrl.u32 s1, $0x2  }
0xc0: {  	s3 =	sand.u32 $0x4000, s31;
	s1 =	sadd.s32 s1, s30  }
0xc1: {  	s0 =	sor.u32 s3, s0;
	s1 =	sshll.u32 s1, $0x11  }
0xc2: {  	s0 =	sor.u32 s1, s0  }
0xc3: {  	s0 =	sadd.s32 $0x8F2B, s0  }
0xc4: {  	[sflag:s0] =	ssyncadd.remote.s32 $0x1  }
0xc5: {  	_ =	sfence.sel $0xFFFF  }
0xc6: {  	[dreg:$0x0] =	wrdreg $0xFFFFFFFF;
	(pc) =	sbr.abs _section_cstart, $3  }
0xc7: {  	[dreg:$0x1] =	wrdreg $0xFFFFFFFF  }
0xc8: {  	_ =	task.clear_ibuf [dreg:s7], $0x2FFFF;
	_ =	strace $0x9FFFFFFF  }
0xc9: {  	(tm) =	ssettm $0x7FFFFFFF  }
tec
execute0_lowered:
.L_overlay_start_1:
0x0: {  	(tag) =	ssettag $0x1  }
0x1: {  	s0 =	srdreg.scid;
	s2 =	rddreg [dreg:$0x0]  }
0x2: {  	s7 =	stileid.u32;
	s4 =	rddreg [dreg:$0x1]  }
0x3: {  	s3 =	rddreg [dreg:$0x2];
	s8 =	simm.s32 $0x0;
	s30 =	simm.s32 $0xA100  }
0x4: {  	s31 =	simm.s32 $0x3;
	s9 =	simm.s32 $0x4F80;
	s0 =	sand.u32 $0x1, s0  }
0x5: {  	s10 =	simm.s32 $0x2;
	s6 =	smul.u32 $0x2800, s7;
	s1 =	sshll.u32 s0, $0x4  }
0x6: {  	s5 =	smul.u32 $0x28000, s0;
	s0 =	ssub.s32 $0x2, s0;
	s1 =	sor.u32 s7, s1  }
0x7: {  	[smem:$0x7FF] =	sst s8;
	s16 =	sshrl.u32 s0, $0x1;
	s1 =	smul.u32 $0x4E2, s1  }
0x8: {  	_ =	strace $0x8000004D;
	s7 =	smul.u32 $0x50000, s7;
	s0 =	ssub.s32 s0, s16  }
0x9: {  	s5 =	sadd.s32 s6, s5;
	s0 =	smax.u32 s0, $0x1;
	s1 =	sadd.s32 s1, s4  }
0xa: {  	s7 =	sshrl.u32 s7, $0x2;
	[dreg:$0x7] =	wrdreg s0;
	s17 =	sadd.s32 $0x11C00, s1  }
0xb: {  	s4 =	sadd.s32 s5, s4;
	s1 =	sadd.s32 $0x7E00, s1;
	[dreg:$0x4] =	wrdreg s17  }
0xc: {  	s5 =	sadd.s32 s7, s3;
	s18 =	sadd.s32 $0x1BA00, s4;
	[dreg:$0x5] =	wrdreg s1  }
0xd: {  	s11 =	simm.s32 $0x5080;
	s19 =	sadd.s32 $0x1000, s5;
	[dreg:$0x6] =	wrdreg s18  }
0xe: {  	s12 =	simm.s32 $0x0;
	s20 =	sadd.s32 $0x2000, s5;
	[dreg:$0x8] =	wrdreg s19  }
0xf: {  	s8 =	simm.s32 $0x1;
	s21 =	sadd.s32 $0x3000, s5;
	[dreg:$0x9] =	wrdreg s20  }
0x10: {  	s6 =	simm.s32 $0x5000;
	s22 =	sadd.s32 $0x4000, s5;
	[dreg:$0xa] =	wrdreg s21  }
0x11: {  	s0 =	simm.s32 $0x5100;
	s23 =	sadd.s32 $0x5000, s5;
	[dreg:$0xb] =	wrdreg s22  }
0x12: {  	s7 =	simm.s32 $0x7900;
	s24 =	sadd.s32 $0x6000, s5;
	[dreg:$0xc] =	wrdreg s23  }
0x13: {  	s25 =	sadd.s32 $0x7000, s5;
	s26 =	sadd.s32 $0x8000, s5;
	[dreg:$0xd] =	wrdreg s24  }
0x14: {  	s28 =	sadd.s32 $0x12000, s5;
	s29 =	sadd.s32 $0x13000, s5;
	[dreg:$0xe] =	wrdreg s25  }
0x15: {  	s4 =	simm.s32 $0x50;
	[dreg:$0xf] =	wrdreg s26;
	s18 =	sadd.s32 $0x9000, s5  }
0x16: {  	s19 =	sadd.s32 $0xA000, s5;
	s20 =	sadd.s32 $0xB000, s5;
	s21 =	sadd.s32 $0xC000, s5  }
0x17: {  	s22 =	sadd.s32 $0xD000, s5;
	s23 =	sadd.s32 $0xE000, s5;
	s24 =	sadd.s32 $0xF000, s5  }
0x18: {  	v0 =	vimm.f32 $0.0e+00;
	s25 =	sadd.s32 $0x10000, s5;
	s26 =	sadd.s32 $0x11000, s5;
	s1 =	simm.s32 $0x4F00  }
.LBB2_1:
0x19: {  	s13 =	simm.s32 $0x0  }
0x1a: {  	s14 =	sand.u32 $0xFFFFFF80, s13  }
0x1b: {  	s14 =	ssub.s32 $0x0, s14  }
0x1c: {  	s15 =	simm.s32 $0x0;
	s13 =	sand.u32 $0x3FFFFF80, s13;
	s14 =	sand.u32 $0xFFFFFF80, s14  }
0x1d: {  	s15 =	sand.u32 $0x70, s15;
	s14 =	sadd.s32 s14, s13  }
0x1e: {  	s13 =	simm.s32 $0x1;
	s15 =	sor.u32 s15, s14;
	s14 =	simm.s32 $0x0  }
.LBB2_2:
0x1f: {  	s16 =	sshll.u32 s13, $0x4;
	p0 =	sne.s32 s13, $0xFF;
	s13 =	sadd.s32 $0x1, s13;
	[tilespmem:s15+$0xA100] =	vst v0  }
.Ltmp0:
0x20: {  	s14 =	sadd.s32 $0x10, s14;
	s15 =	sand.u32 $0xFFFFFF80, s16;
	(pc) =	sbr.rel @p0 .LBB2_2-.Ltmp0, $4  }
0x21: {  	s15 =	ssub.s32 s14, s15  }
0x22: {  	s16 =	sand.u32 $0x3FFFFF80, s16;
	s15 =	sand.u32 $0xFFFFFF80, s15  }
0x23: {  	s17 =	sand.u32 $0x70, s14;
	s15 =	sadd.s32 s15, s16  }
0x24: {  	s15 =	sor.u32 s17, s15  }
0x25: {  	[tilespmem:s15+$0xA100] =	vst v0  }
0x26: {  	[spmem:s5] =	stream.linear.scatter [tilespmem:s30], [sflag:$0x3], $0x1000, $0x38;
	[tilespmem:$0x1F100] =	vst v63  }
0x27: {  	_ =	swait.ge [sflag:s31], $0x1000  }
0x28: {  	[sflag:s31] =	ssyncset.done $0x0  }
0x29: {  	s13 =	rddreg [dreg:$0x8];
	[sflag:s31] =	ssyncadd.s32 $0xFFFFF000  }
0x2a: {  	[spmem:s13] =	stream.linear.scatter [tilespmem:s30], [sflag:$0x3], $0x1000, $0x38;
	[tilespmem:$0x1F100] =	vst v63  }
0x2b: {  	_ =	swait.ge [sflag:s31], $0x1000  }
0x2c: {  	[sflag:s31] =	ssyncset.done $0x0  }
0x2d: {  	s17 =	rddreg [dreg:$0x9];
	[sflag:s31] =	ssyncadd.s32 $0xFFFFF000  }
0x2e: {  	[spmem:s17] =	stream.linear.scatter [tilespmem:s30], [sflag:$0x3], $0x1000, $0x38;
	[tilespmem:$0x1F100] =	vst v63  }
0x2f: {  	_ =	swait.ge [sflag:s31], $0x1000  }
0x30: {  	[sflag:s31] =	ssyncset.done $0x0  }
0x31: {  	s14 =	rddreg [dreg:$0xa];
	[sflag:s31] =	ssyncadd.s32 $0xFFFFF000  }
0x32: {  	[spmem:s14] =	stream.linear.scatter [tilespmem:s30], [sflag:$0x3], $0x1000, $0x38;
	[tilespmem:$0x1F100] =	vst v63  }
0x33: {  	_ =	swait.ge [sflag:s31], $0x1000  }
0x34: {  	[sflag:s31] =	ssyncset.done $0x0  }
0x35: {  	s15 =	rddreg [dreg:$0xb];
	[sflag:s31] =	ssyncadd.s32 $0xFFFFF000  }
0x36: {  	[spmem:s15] =	stream.linear.scatter [tilespmem:s30], [sflag:$0x3], $0x1000, $0x38;
	[tilespmem:$0x1F100] =	vst v63  }
0x37: {  	_ =	swait.ge [sflag:s31], $0x1000  }
0x38: {  	[sflag:s31] =	ssyncset.done $0x0  }
0x39: {  	s16 =	rddreg [dreg:$0xc];
	[sflag:s31] =	ssyncadd.s32 $0xFFFFF000  }
0x3a: {  	[spmem:s16] =	stream.linear.scatter [tilespmem:s30], [sflag:$0x3], $0x1000, $0x38;
	[tilespmem:$0x1F100] =	vst v63  }
0x3b: {  	_ =	swait.ge [sflag:s31], $0x1000  }
0x3c: {  	[sflag:s31] =	ssyncset.done $0x0  }
0x3d: {  	s17 =	rddreg [dreg:$0xd];
	[sflag:s31] =	ssyncadd.s32 $0xFFFFF000  }
0x3e: {  	[spmem:s17] =	stream.linear.scatter [tilespmem:s30], [sflag:$0x3], $0x1000, $0x38;
	[tilespmem:$0x1F100] =	vst v63  }
0x3f: {  	_ =	swait.ge [sflag:s31], $0x1000  }
0x40: {  	[sflag:s31] =	ssyncset.done $0x0  }
0x41: {  	s14 =	rddreg [dreg:$0xe];
	[sflag:s31] =	ssyncadd.s32 $0xFFFFF000  }
0x42: {  	[spmem:s14] =	stream.linear.scatter [tilespmem:s30], [sflag:$0x3], $0x1000, $0x38;
	[tilespmem:$0x1F100] =	vst v63  }
0x43: {  	_ =	swait.ge [sflag:s31], $0x1000  }
0x44: {  	[sflag:s31] =	ssyncset.done $0x0  }
0x45: {  	s15 =	rddreg [dreg:$0xf];
	[sflag:s31] =	ssyncadd.s32 $0xFFFFF000  }
0x46: {  	[spmem:s15] =	stream.linear.scatter [tilespmem:s30], [sflag:$0x3], $0x1000, $0x38;
	[tilespmem:$0x1F100] =	vst v63  }
0x47: {  	_ =	swait.ge [sflag:s31], $0x1000  }
0x48: {  	[sflag:s31] =	ssyncset.done $0x0  }
0x49: {  	[sflag:s31] =	ssyncadd.s32 $0xFFFFF000  }
0x4a: {  	[spmem:s18] =	stream.linear.scatter [tilespmem:s30], [sflag:$0x3], $0x1000, $0x38;
	[tilespmem:$0x1F100] =	vst v63  }
0x4b: {  	_ =	swait.ge [sflag:s31], $0x1000  }
0x4c: {  	[sflag:s31] =	ssyncset.done $0x0  }
0x4d: {  	[sflag:s31] =	ssyncadd.s32 $0xFFFFF000  }
0x4e: {  	[spmem:s19] =	stream.linear.scatter [tilespmem:s30], [sflag:$0x3], $0x1000, $0x38;
	[tilespmem:$0x1F100] =	vst v63  }
0x4f: {  	_ =	swait.ge [sflag:s31], $0x1000  }
0x50: {  	[sflag:s31] =	ssyncset.done $0x0  }
0x51: {  	[sflag:s31] =	ssyncadd.s32 $0xFFFFF000  }
0x52: {  	[spmem:s20] =	stream.linear.scatter [tilespmem:s30], [sflag:$0x3], $0x1000, $0x38;
	[tilespmem:$0x1F100] =	vst v63  }
0x53: {  	_ =	swait.ge [sflag:s31], $0x1000  }
0x54: {  	[sflag:s31] =	ssyncset.done $0x0  }
0x55: {  	[sflag:s31] =	ssyncadd.s32 $0xFFFFF000  }
0x56: {  	[spmem:s21] =	stream.linear.scatter [tilespmem:s30], [sflag:$0x3], $0x1000, $0x38;
	[tilespmem:$0x1F100] =	vst v63  }
0x57: {  	_ =	swait.ge [sflag:s31], $0x1000  }
0x58: {  	[sflag:s31] =	ssyncset.done $0x0  }
0x59: {  	[sflag:s31] =	ssyncadd.s32 $0xFFFFF000  }
0x5a: {  	[spmem:s22] =	stream.linear.scatter [tilespmem:s30], [sflag:$0x3], $0x1000, $0x38;
	[tilespmem:$0x1F100] =	vst v63  }
0x5b: {  	_ =	swait.ge [sflag:s31], $0x1000  }
0x5c: {  	[sflag:s31] =	ssyncset.done $0x0  }
0x5d: {  	[sflag:s31] =	ssyncadd.s32 $0xFFFFF000  }
0x5e: {  	[spmem:s23] =	stream.linear.scatter [tilespmem:s30], [sflag:$0x3], $0x1000, $0x38;
	[tilespmem:$0x1F100] =	vst v63  }
0x5f: {  	_ =	swait.ge [sflag:s31], $0x1000  }
0x60: {  	[sflag:s31] =	ssyncset.done $0x0  }
0x61: {  	[sflag:s31] =	ssyncadd.s32 $0xFFFFF000  }
0x62: {  	[spmem:s24] =	stream.linear.scatter [tilespmem:s30], [sflag:$0x3], $0x1000, $0x38;
	[tilespmem:$0x1F100] =	vst v63  }
0x63: {  	_ =	swait.ge [sflag:s31], $0x1000  }
0x64: {  	[sflag:s31] =	ssyncset.done $0x0  }
0x65: {  	[sflag:s31] =	ssyncadd.s32 $0xFFFFF000  }
0x66: {  	[spmem:s25] =	stream.linear.scatter [tilespmem:s30], [sflag:$0x3], $0x1000, $0x38;
	[tilespmem:$0x1F100] =	vst v63  }
0x67: {  	_ =	swait.ge [sflag:s31], $0x1000  }
0x68: {  	[sflag:s31] =	ssyncset.done $0x0  }
0x69: {  	[sflag:s31] =	ssyncadd.s32 $0xFFFFF000  }
0x6a: {  	[spmem:s26] =	stream.linear.scatter [tilespmem:s30], [sflag:$0x3], $0x1000, $0x38;
	[tilespmem:$0x1F100] =	vst v63  }
0x6b: {  	_ =	swait.ge [sflag:s31], $0x1000  }
0x6c: {  	[sflag:s31] =	ssyncset.done $0x0  }
0x6d: {  	[sflag:s31] =	ssyncadd.s32 $0xFFFFF000  }
0x6e: {  	[spmem:s28] =	stream.linear.scatter [tilespmem:s30], [sflag:$0x3], $0x1000, $0x38;
	[tilespmem:$0x1F100] =	vst v63  }
0x6f: {  	_ =	swait.ge [sflag:s31], $0x1000  }
0x70: {  	[sflag:s31] =	ssyncset.done $0x0  }
0x71: {  	[sflag:s31] =	ssyncadd.s32 $0xFFFFF000  }
0x72: {  	[spmem:s29] =	stream.linear.scatter [tilespmem:s30], [sflag:$0x3], $0x1000, $0x38;
	[tilespmem:$0x1F100] =	vst v63  }
0x73: {  	_ =	swait.ge [sflag:s31], $0x1000  }
0x74: {  	[sflag:s31] =	ssyncset.done $0x0  }
0x75: {  	[sflag:s31] =	ssyncadd.s32 $0xFFFFF000  }
0x76: {  	[bflag:$0x0] =	sbarrier.arrive $0xFFFF  }
0x77: {  	s15 =	simm.s32 $0x0;
	s16 =	rddreg [dreg:$0x4]  }
0x78: {  	[tilespmem:s15], [sflag:$0x3] =	stream.linear.gather [hbm4b:s16+s15], $0x2710, $0x38;
	[tilespmem:$0x1F100] =	vst v63  }
0x79: {  	_ =	swait.ge [sflag:s31], $0x2710  }
0x7a: {  	[sflag:s31] =	ssyncset.done $0x0  }
0x7b: {  	s14 =	simm.s32 $0x2780;
	s17 =	rddreg [dreg:$0x5];
	[sflag:s31] =	ssyncadd.s32 $0xFFFFD8F0  }
0x7c: {  	[tilespmem:s14], [sflag:$0x3] =	stream.linear.gather [hbm4b:s17+s15], $0x2710, $0x38;
	[tilespmem:$0x1F100] =	vst v63  }
0x7d: {  	_ =	swait.ge [sflag:s31], $0x2710  }
0x7e: {  	[sflag:s31] =	ssyncset.done $0x0  }
0x7f: {  	s13 =	simm.s32 $0x50;
	[sflag:s31] =	ssyncadd.s32 $0xFFFFD8F0  }
0x80: {  	v1 =	vld [tilespmem:s13+$0xFFFFFFB0];
	_ =	sdelay $0x4  }
0x81: {  	s14 =	simm.s32 $0x27D0;
	[tilespmem:$0x4F00] =	vst v1  }
0x82: {  	v1 =	vld [tilespmem:s14+$0xFFFFFFB0];
	_ =	sdelay $0x4  }
0x83: {  	[tilespmem:$0x4F80] =	vst v1  }
0x84: {  	v1 =	vld [tilespmem:s13+$0xFFFFFFC0];
	_ =	sdelay $0x4  }
0x85: {  	[tilespmem:$0x4F10] =	vst v1  }
0x86: {  	v1 =	vld [tilespmem:s14+$0xFFFFFFC0];
	_ =	sdelay $0x4  }
0x87: {  	[tilespmem:$0x4F90] =	vst v1  }
0x88: {  	v1 =	vld [tilespmem:s13+$0xFFFFFFD0];
	_ =	sdelay $0x4  }
0x89: {  	[tilespmem:$0x4F20] =	vst v1  }
0x8a: {  	v1 =	vld [tilespmem:s14+$0xFFFFFFD0];
	_ =	sdelay $0x4  }
0x8b: {  	[tilespmem:$0x4FA0] =	vst v1  }
0x8c: {  	v1 =	vld [tilespmem:s13+$0xFFFFFFE0];
	_ =	sdelay $0x4  }
0x8d: {  	[tilespmem:$0x4F30] =	vst v1  }
0x8e: {  	v1 =	vld [tilespmem:s14+$0xFFFFFFE0];
	_ =	sdelay $0x4  }
0x8f: {  	[tilespmem:$0x4FB0] =	vst v1  }
0x90: {  	v1 =	vld [tilespmem:s13+$0xFFFFFFF0];
	_ =	sdelay $0x4  }
0x91: {  	[tilespmem:$0x4F40] =	vst v1  }
0x92: {  	v1 =	vld [tilespmem:s14+$0xFFFFFFF0];
	_ =	sdelay $0x4  }
0x93: {  	[tilespmem:$0x4FC0] =	vst v1  }
0x94: {  	[tilespmem:s0], [sflag:$0x1] =	stream.indirect.gather [hbm4b:s2+s4], $0x80, s1, s4, $0xb8;
	[tilespmem:$0x1F100] =	vst v63  }
0x95: {  	v1 =	vld [tilespmem:s13+$0x0];
	_ =	sdelay $0x4  }
0x96: {  	[tilespmem:$0x5000] =	vst v1  }
0x97: {  	v1 =	vld [tilespmem:s14+$0x0];
	_ =	sdelay $0x4  }
0x98: {  	[tilespmem:$0x5080] =	vst v1  }
0x99: {  	v1 =	vld [tilespmem:s13+$0x10];
	_ =	sdelay $0x4  }
0x9a: {  	[tilespmem:$0x5010] =	vst v1  }
0x9b: {  	v1 =	vld [tilespmem:s14+$0x10];
	_ =	sdelay $0x4  }
0x9c: {  	[tilespmem:$0x5090] =	vst v1  }
0x9d: {  	v1 =	vld [tilespmem:s13+$0x20];
	_ =	sdelay $0x4  }
0x9e: {  	[tilespmem:$0x5020] =	vst v1  }
0x9f: {  	v1 =	vld [tilespmem:s14+$0x20];
	_ =	sdelay $0x4  }
0xa0: {  	s15 =	sand.u32 $0x3FE0, s15;
	[tilespmem:$0x50A0] =	vst v1  }
0xa1: {  	v1 =	vld [tilespmem:s15+$0x80];
	_ =	sdelay $0x4  }
0xa2: {  	[tilespmem:$0x5030] =	vst v1  }
0xa3: {  	v1 =	vld [tilespmem:s15+$0x2800];
	_ =	sdelay $0x4  }
0xa4: {  	[tilespmem:$0x50B0] =	vst v1  }
0xa5: {  	v1 =	vld [tilespmem:s13+$0x40];
	_ =	sdelay $0x4  }
0xa6: {  	[tilespmem:$0x5040] =	vst v1  }
0xa7: {  	v1 =	vld [tilespmem:s14+$0x40];
	_ =	sdelay $0x4  }
0xa8: {  	[tilespmem:$0x50C0] =	vst v1  }
0xa9: {  	[tilespmem:s7], [sflag:$0x2] =	stream.indirect.gather [hbm4b:s2+s4], $0x80, s6, s4, $0xb8;
	[tilespmem:$0x1F100] =	vst v63  }
0xaa: {  	_ =	swait.ge [sflag:s8], $0x2800  }
0xab: {  	[sflag:s8] =	ssyncset.done $0x0  }
0xac: {  	[sflag:s8] =	ssyncadd.s32 $0xFFFFD800  }
0xad: {  	[spmem:s3] =	stream.indirect.scatter.add.f32 [tilespmem:s0], [sflag:$0x3], $0x80, s9, s4, $0xb8;
	[tilespmem:$0x1F100] =	vst v63  }
0xae: {  	_ =	swait.ge [sflag:s31], $0x2800  }
0xaf: {  	[sflag:s31] =	ssyncset.done $0x0  }
0xb0: {  	[sflag:s31] =	ssyncadd.s32 $0xFFFFD800  }
0xb1: {  	_ =	swait.ge [sflag:s10], $0x2800  }
0xb2: {  	[sflag:s10] =	ssyncset.done $0x0  }
0xb3: {  	[sflag:s10] =	ssyncadd.s32 $0xFFFFD800  }
0xb4: {  	[spmem:s3] =	stream.indirect.scatter.add.f32 [tilespmem:s7], [sflag:$0x3], $0x80, s11, s4, $0xb8;
	[tilespmem:$0x1F100] =	vst v63  }
0xb5: {  	_ =	swait.ge [sflag:s31], $0x2800  }
0xb6: {  	s15 =	simm.s32 $0xA0;
	[sflag:s31] =	ssyncset.done $0x0  }
.LBB2_4:
0xb7: {  	[sflag:s31] =	ssyncadd.s32 $0xFFFFD800;
	s13 =	sadd.s32 $0xA0, s13;
	s14 =	sadd.s32 $0xA0, s14  }
0xb8: {  	p0 =	sne.s32 s15, $0x2620;
	s16 =	smov.u32 s15;
	s15 =	sadd.s32 $0xA0, s15;
	v1 =	vld [tilespmem:s13+$0xFFFFFFB0]  }
0xb9: {  	_ =	sdelay $0x3  }
0xba: {  	[tilespmem:$0x4F00] =	vst v1  }
0xbb: {  	v1 =	vld [tilespmem:s14+$0xFFFFFFB0];
	_ =	sdelay $0x4  }
0xbc: {  	[tilespmem:$0x4F80] =	vst v1  }
0xbd: {  	v1 =	vld [tilespmem:s13+$0xFFFFFFC0];
	_ =	sdelay $0x4  }
0xbe: {  	[tilespmem:$0x4F10] =	vst v1  }
0xbf: {  	v1 =	vld [tilespmem:s14+$0xFFFFFFC0];
	_ =	sdelay $0x4  }
0xc0: {  	[tilespmem:$0x4F90] =	vst v1  }
0xc1: {  	v1 =	vld [tilespmem:s13+$0xFFFFFFD0];
	_ =	sdelay $0x4  }
0xc2: {  	[tilespmem:$0x4F20] =	vst v1  }
0xc3: {  	v1 =	vld [tilespmem:s14+$0xFFFFFFD0];
	_ =	sdelay $0x4  }
0xc4: {  	[tilespmem:$0x4FA0] =	vst v1  }
0xc5: {  	v1 =	vld [tilespmem:s13+$0xFFFFFFE0];
	_ =	sdelay $0x4  }
0xc6: {  	[tilespmem:$0x4F30] =	vst v1  }
0xc7: {  	v1 =	vld [tilespmem:s14+$0xFFFFFFE0];
	_ =	sdelay $0x4  }
0xc8: {  	[tilespmem:$0x4FB0] =	vst v1  }
0xc9: {  	v1 =	vld [tilespmem:s13+$0xFFFFFFF0];
	_ =	sdelay $0x4  }
0xca: {  	[tilespmem:$0x4F40] =	vst v1  }
0xcb: {  	v1 =	vld [tilespmem:s14+$0xFFFFFFF0];
	_ =	sdelay $0x4  }
0xcc: {  	[tilespmem:$0x4FC0] =	vst v1  }
0xcd: {  	[tilespmem:s0], [sflag:$0x1] =	stream.indirect.gather [hbm4b:s2+s4], $0x80, s1, s4, $0xb8;
	[tilespmem:$0x1F100] =	vst v63  }
0xce: {  	v1 =	vld [tilespmem:s13+$0x0];
	_ =	sdelay $0x4  }
0xcf: {  	[tilespmem:$0x5000] =	vst v1  }
0xd0: {  	v1 =	vld [tilespmem:s14+$0x0];
	_ =	sdelay $0x4  }
0xd1: {  	[tilespmem:$0x5080] =	vst v1  }
0xd2: {  	v1 =	vld [tilespmem:s13+$0x10];
	_ =	sdelay $0x4  }
0xd3: {  	[tilespmem:$0x5010] =	vst v1  }
0xd4: {  	v1 =	vld [tilespmem:s14+$0x10];
	_ =	sdelay $0x4  }
0xd5: {  	[tilespmem:$0x5090] =	vst v1  }
0xd6: {  	v1 =	vld [tilespmem:s13+$0x20];
	_ =	sdelay $0x4  }
0xd7: {  	[tilespmem:$0x5020] =	vst v1  }
0xd8: {  	v1 =	vld [tilespmem:s14+$0x20];
	_ =	sdelay $0x4  }
0xd9: {  	s16 =	sand.u32 $0x3FE0, s16;
	[tilespmem:$0x50A0] =	vst v1  }
0xda: {  	v1 =	vld [tilespmem:s16+$0x80];
	_ =	sdelay $0x4  }
0xdb: {  	[tilespmem:$0x5030] =	vst v1  }
0xdc: {  	v1 =	vld [tilespmem:s16+$0x2800];
	_ =	sdelay $0x4  }
0xdd: {  	[tilespmem:$0x50B0] =	vst v1  }
0xde: {  	v1 =	vld [tilespmem:s13+$0x40];
	_ =	sdelay $0x4  }
0xdf: {  	[tilespmem:$0x5040] =	vst v1  }
0xe0: {  	v1 =	vld [tilespmem:s14+$0x40];
	_ =	sdelay $0x4  }
0xe1: {  	[tilespmem:$0x50C0] =	vst v1  }
0xe2: {  	[tilespmem:s7], [sflag:$0x2] =	stream.indirect.gather [hbm4b:s2+s4], $0x80, s6, s4, $0xb8;
	[tilespmem:$0x1F100] =	vst v63  }
0xe3: {  	_ =	swait.ge [sflag:s8], $0x2800  }
0xe4: {  	[sflag:s8] =	ssyncset.done $0x0  }
0xe5: {  	[sflag:s8] =	ssyncadd.s32 $0xFFFFD800  }
0xe6: {  	[spmem:s3] =	stream.indirect.scatter.add.f32 [tilespmem:s0], [sflag:$0x3], $0x80, s9, s4, $0xb8;
	[tilespmem:$0x1F100] =	vst v63  }
0xe7: {  	_ =	swait.ge [sflag:s31], $0x2800  }
0xe8: {  	[sflag:s31] =	ssyncset.done $0x0  }
0xe9: {  	[sflag:s31] =	ssyncadd.s32 $0xFFFFD800  }
0xea: {  	_ =	swait.ge [sflag:s10], $0x2800  }
.Ltmp1:
0xeb: {  	[sflag:s10] =	ssyncset.done $0x0;
	(pc) =	sbr.rel @p0 .LBB2_4-.Ltmp1, $4  }
0xec: {  	[sflag:s10] =	ssyncadd.s32 $0xFFFFD800  }
0xed: {  	[spmem:s3] =	stream.indirect.scatter.add.f32 [tilespmem:s7], [sflag:$0x3], $0x80, s11, s4, $0xb8;
	[tilespmem:$0x1F100] =	vst v63  }
0xee: {  	_ =	swait.ge [sflag:s31], $0x2800  }
0xef: {  	[sflag:s31] =	ssyncset.done $0x0  }
0xf0: {  	[sflag:s31] =	ssyncadd.s32 $0xFFFFD800  }
0xf1: {  	v1 =	vld [tilespmem:$0x26C0]  }
0xf2: {  	v2 =	vld [tilespmem:$0x4E40]  }
0xf3: {  	v3 =	vld [tilespmem:$0x26D0]  }
0xf4: {  	v4 =	vld [tilespmem:$0x4E50]  }
0xf5: {  	v5 =	vld [tilespmem:$0x26E0]  }
0xf6: {  	v62 =	vld [tilespmem:$0x2700];
	[tilespmem:$0x4F00] =	vst v1  }
0xf7: {  	v63 =	vld [tilespmem:$0x4E80];
	[tilespmem:$0x4F80] =	vst v2  }
0xf8: {  	v1 =	vld [tilespmem:$0x4E60];
	[tilespmem:$0x4F10] =	vst v3  }
0xf9: {  	v2 =	vld [tilespmem:$0x26F0];
	[tilespmem:$0x4F90] =	vst v4  }
0xfa: {  	v3 =	vld [tilespmem:$0x4E70];
	[tilespmem:$0x4F20] =	vst v5  }
0xfb: {  	[tilespmem:$0x4F40] =	vst v62  }
0xfc: {  	[tilespmem:$0x4FC0] =	vst v63  }
0xfd: {  	[tilespmem:$0x4FA0] =	vst v1  }
0xfe: {  	[tilespmem:$0x4F30] =	vst v2  }
0xff: {  	[tilespmem:$0x4FB0] =	vst v3  }
0x100: {  	[tilespmem:s0], [sflag:$0x1] =	stream.indirect.gather [hbm4b:s2+s4], $0x80, s1, s4, $0xb8;
	[tilespmem:$0x1F100] =	vst v63  }
0x101: {  	_ =	swait.ge [sflag:s8], $0x2800  }
0x102: {  	[sflag:s8] =	ssyncset.done $0x0  }
0x103: {  	[sflag:s8] =	ssyncadd.s32 $0xFFFFD800  }
0x104: {  	[spmem:s3] =	stream.indirect.scatter.add.f32 [tilespmem:s0], [sflag:$0x3], $0x80, s9, s4, $0xb8;
	[tilespmem:$0x1F100] =	vst v63  }
0x105: {  	_ =	swait.ge [sflag:s31], $0x2800  }
0x106: {  	[sflag:s31] =	ssyncset.done $0x0  }
0x107: {  	s13 =	stileid.u32;
	[sflag:s31] =	ssyncadd.s32 $0xFFFFD800  }
0x108: {  	s13 =	sshll.u32 s13, $0x6;
	[bflag:$0x0] =	sbarrier.arrive $0xFFFF  }
0x109: {  	s14 =	sshrl.u32 s5, $0x3;
	s13 =	sor.u32 $0x1C03, s13;
	s15 =	rddreg [dreg:$0x6]  }
0x10a: {  	[hbm:s15], [sflag:s13] =	dma.local [spmem:s14], $0x2800  }
0x10b: {  	_ =	swait.ge [sflag:s31], $0x2800  }
0x10c: {  	s12 =	sadd.s32 $0x1, s12;
	s17 =	rddreg [dreg:$0x7]  }
0x10d: {  	p0 =	sne.s32 s12, s17  }
.Ltmp2:
0x10e: {  	_ = 	snop;
	(pc) =	sbr.rel @p0 .LBB2_1-.Ltmp2, $3  }
0x10f: {  	_ =	sdelay $0x1  }
0x110: {  	[sflag:s31] =	ssyncset.done $0x0  }
0x111: {  	[sflag:s31] =	ssyncadd.s32 $0xFFFFD800  }
0x112: {  	_ =	sfence.sel $0x180000  }
0x113: {  	[bflag:$0x0] =	sbarrier.arrive $0xFFFF  }
0x114: {  	_ =	strace $0x9000004D  }
0x115: {  	s0 =	stileid.u32;
	[bflag:$0x2] =	sbarrier.arrive $0xFFFF  }
0x116: {  	p0 =	sne.s32 s0, $0x0;
	s0 =	rddreg [dreg:$0x3]  }
0x117: {  	s0 =	sadd.s32 @!p0 $0x100000, s0  }
0x118: {  	[sflag:s0] =	ssyncadd.tile.s32 @!p0 $0x1;
	_ =	shalt  }
.Lfunc_end2:
_tile_overlayer_lowered:
.L_overlay_start_2:
0x119: {  	(tag) =	ssettag $0x2  }
0x11a: {  	s0 =	rddreg [dreg:$0x0];
	s2 =	stileid.u32  }
0x11b: {  	s1 =	rddreg [dreg:$0x1];
	p0 =	sne.s32 s2, $0x0  }
0x11c: {  	s3 =	rddreg [dreg:$0x2];
	[bflag:$0x3] =	sbarrier.arrive $0xFFFF;
	s2 =	simm.s32 @!p0 $0x1C03  }
0x11d: {  	[timem:s3], [sflag:s2] =	dma.local @!p0 [hbm:s0], s1  }
0x11e: {  	s0 =	simm.s32 @!p0 $0x3  }
0x11f: {  	_ =	swait.ge @!p0 [sflag:s0], s1  }
0x120: {  	s1 =	ssub.s32 @!p0 $0x0, s1;
	[sflag:s0] =	ssyncset.done @!p0 $0x0  }
0x121: {  	[sflag:s0] =	ssyncadd.s32 @!p0 s1  }
0x122: {  	[bflag:$0x3] =	sbarrier.arrive $0xFFFF  }
0x123: {  	_ =	shalt  }

// kernel: kernel.33.cloned.1.call-start
scs
__scs_entry_jumppad:
0x0: {  	(pc) =	sbr.rel $0x88, $3  }
0x1: {  	(tag) =	ssettag $0x0;
	lr =	simm.s32 $0x1  }
0x2: {  	[smem:$0x3F90] =	sst lr;
	_ =	strace $0xD0000000  }
0x3: {  	_ = 	snop  }
0x4: {  	_ = 	snop  }
0x5: {  	_ = 	snop  }
0x6: {  	_ = 	snop  }
0x7: {  	_ = 	snop  }
__scs_overlays_trampoline_lowered:
0x8: {  	[smem:$0x3F9F] =	sst s0  }
0x9: {  	[smem:$0x3FA0] =	sst s1  }
0xa: {  	[smem:$0x3FA1] =	sst s2  }
0xb: {  	[smem:$0x3FA2] =	sst s3  }
0xc: {  	[smem:$0x3FA3] =	sst s4  }
0xd: {  	[smem:$0x3FA4] =	sst s5  }
0xe: {  	[smem:$0x3FA5] =	sst s6  }
0xf: {  	[smem:$0x3FA6] =	sst s7  }
0x10: {  	[smem:$0x3FA7] =	sst s8  }
0x11: {  	[smem:$0x3FA8] =	sst s9;
	s0 =	simm.s32 @!p0 $0x0  }
0x12: {  	s1 =	sld [smem:$0x3F8E];
	s0 =	simm.s32 @p0 $0x1  }
0x13: {  	[smem:$0x3FA9] =	sst s0;
	s0 =	simm.s32 @!p1 $0x0  }
0x14: {  	s2 =	sld [smem:$0x3F8D];
	s0 =	simm.s32 @p1 $0x1  }
0x15: {  	[smem:$0x3FAA] =	sst s0;
	s0 =	simm.s32 @!p2 $0x0  }
0x16: {  	s3 =	sld [smem:$0x3FDB];
	s0 =	simm.s32 @p2 $0x1  }
0x17: {  	s4 =	simm.s32 $0x1BF5;
	[smem:$0x3FAC] =	sst s0  }
0x18: {  	s0 =	sld [smem:$0x3F8F];
	_ =	swait.ge [sflag:s4], $0x0  }
0x19: {  	s7 =	sld [smem:$0x3F90]  }
0x1a: {  	s8 =	sadd.s32 $0xFFFFE003, lr  }
0x1b: {  	s9 =	sadd.s32 $0xFFFFFEF7, lr;
	s5 =	simm.s32 $0xFFFFFFFF;
	p2 =	slt.u32 s8, $0xFFFFF086  }
0x1c: {  	p1 =	slt.u32 s9, $0xF7A;
	s5 =	simm.s32 @!p2 $0x0  }
0x1d: {  	s5 =	simm.s32 @p1 $0x1;
	p0 =	seq.s32 s7, s2  }
0x1e: {  	s7 =	smul.u32 @!p0 $0xF7A, s2;
	p2 =	seq.s32 @!p0 s5, $0x0  }
0x1f: {  	s9 =	smul.u32 $0xF7A, s1;
	s8 =	simm.s32 @!p0 $0x1BF5;
	p2 =	por !p2, p0  }
0x20: {  	[sflag:s8] =	ssyncset.s32 @!p0 $0xFFFFF086;
	s6 =	sadd.s32 @!p0 s3, s7;
	s7 =	simm.s32 @!p0 $0x108  }
0x21: {  	s3 =	sadd.s32 s3, s9;
	s6 =	sadd.s32 @!p0 $0x88, s6;
	s7 =	simm.s32 @p2 $0x1082  }
0x22: {  	[simem:s7], [sflag:s8] =	dma.local @!p0 [hbm:s6], $0xF7A  }
0x23: {  	s9 =	sor.u32 $0xD0000000, s2;
	s6 =	simm.s32 $0x108;
	_ =	swait.ge @!p0 [sflag:s8], $0x0  }
0x24: {  	s3 =	sadd.s32 $0x88, s3;
	s6 =	simm.s32 @!p1 $0x1082;
	[sflag:s4] =	ssyncset.s32 $0xFFFFF086  }
0x25: {  	[simem:s6], [sflag:s4] =	dma.local [hbm:s3], $0xF7A  }
0x26: {  	[smem:$0x3F90] =	sst s1;
	(tag) =	ssettag s2;
	_ =	strace s9  }
0x27: {  	s1 =	sld [smem:$0x3FA0]  }
0x28: {  	s2 =	sld [smem:$0x3FA1]  }
0x29: {  	s4 =	sld [smem:$0x3FA3]  }
0x2a: {  	p0 =	seq.s32 s5, $0x0;
	s5 =	sld [smem:$0x3FA4]  }
0x2b: {  	s6 =	sld [smem:$0x3FA5]  }
0x2c: {  	s7 =	sld [smem:$0x3FA6]  }
0x2d: {  	s3 =	simm.s32 $0x108;
	s8 =	sld [smem:$0x3FA7]  }
0x2e: {  	s3 =	simm.s32 @!p0 $0x1082;
	s9 =	sld [smem:$0x3FA8]  }
0x2f: {  	lr =	sadd.s32 s0, s3;
	s0 =	sld [smem:$0x3F9F]  }
0x30: {  	s3 =	sld [smem:$0x3FA2]  }
0x31: {  	[smem:$0x3FAB] =	sst s10  }
0x32: {  	s10 =	sld [smem:$0x3FA9];
	_ =	sdelay $0x3  }
0x33: {  	p0 =	seq.s32 s10, $0x1;
	s10 =	sld [smem:$0x3FAB];
	_ =	sdelay $0x3  }
0x34: {  	[smem:$0x3FAB] =	sst s10  }
0x35: {  	s10 =	sld [smem:$0x3FAA];
	_ =	sdelay $0x3  }
0x36: {  	p1 =	seq.s32 s10, $0x1;
	s10 =	sld [smem:$0x3FAB];
	_ =	sdelay $0x3  }
0x37: {  	[smem:$0x3FAB] =	sst s10  }
0x38: {  	s10 =	sld [smem:$0x3FAC]  }
0x39: {  	_ = 	snop;
	(pc) =	sbr.ind lr, $3  }
0x3a: {  	_ = 	snop  }
0x3b: {  	_ = 	snop  }
0x3c: {  	p2 =	seq.s32 s10, $0x1;
	s10 =	sld [smem:$0x3FAB]  }
0x3d: {  	_ =	shalt  }
0x3e: {  	_ =	shalt  }
0x3f: {  	_ =	shalt  }
0x40: {  	_ =	shalt  }
0x41: {  	_ =	shalt  }
0x42: {  	_ =	shalt  }
0x43: {  	_ =	shalt  }
0x44: {  	_ =	shalt  }
0x45: {  	_ =	shalt  }
0x46: {  	_ =	shalt  }
0x47: {  	_ =	shalt  }
0x48: {  	_ =	shalt  }
0x49: {  	_ =	shalt  }
0x4a: {  	_ =	shalt  }
0x4b: {  	_ =	shalt  }
0x4c: {  	_ =	shalt  }
0x4d: {  	_ =	shalt  }
0x4e: {  	_ =	shalt  }
0x4f: {  	_ =	shalt  }
0x50: {  	_ =	shalt  }
0x51: {  	_ =	shalt  }
0x52: {  	_ =	shalt  }
0x53: {  	_ =	shalt  }
0x54: {  	_ =	shalt  }
0x55: {  	_ =	shalt  }
0x56: {  	_ =	shalt  }
0x57: {  	_ =	shalt  }
0x58: {  	_ =	shalt  }
0x59: {  	_ =	shalt  }
0x5a: {  	_ =	shalt  }
0x5b: {  	_ =	shalt  }
0x5c: {  	_ =	shalt  }
0x5d: {  	_ =	shalt  }
0x5e: {  	_ =	shalt  }
0x5f: {  	_ =	shalt  }
0x60: {  	_ =	shalt  }
0x61: {  	_ =	shalt  }
0x62: {  	_ =	shalt  }
0x63: {  	_ =	shalt  }
0x64: {  	_ =	shalt  }
0x65: {  	_ =	shalt  }
0x66: {  	_ =	shalt  }
0x67: {  	_ =	shalt  }
0x68: {  	_ =	shalt  }
0x69: {  	_ =	shalt  }
0x6a: {  	_ =	shalt  }
0x6b: {  	_ =	shalt  }
0x6c: {  	_ =	shalt  }
0x6d: {  	_ =	shalt  }
0x6e: {  	_ =	shalt  }
0x6f: {  	_ =	shalt  }
0x70: {  	_ =	shalt  }
0x71: {  	_ =	shalt  }
0x72: {  	_ =	shalt  }
0x73: {  	_ =	shalt  }
0x74: {  	_ =	shalt  }
0x75: {  	_ =	shalt  }
0x76: {  	_ =	shalt  }
0x77: {  	_ =	shalt  }
0x78: {  	_ =	shalt  }
0x79: {  	_ =	shalt  }
0x7a: {  	_ =	shalt  }
0x7b: {  	_ =	shalt  }
0x7c: {  	_ =	shalt  }
0x7d: {  	_ =	shalt  }
0x7e: {  	_ =	shalt  }
0x7f: {  	_ =	shalt  }
0x80: {  	_ =	shalt  }
0x81: {  	_ =	shalt  }
0x82: {  	_ =	shalt  }
0x83: {  	_ =	shalt  }
0x84: {  	_ =	shalt  }
0x85: {  	_ =	shalt  }
0x86: {  	_ =	shalt  }
0x87: {  	_ =	shalt  }
.Lfunc_end0:
.L_simem_size_0:
called_computation.3_lowered:
.L_overlay_start_0:
0x88: {  	s2 =	sld [smem:$0x3FD9]  }
0x89: {  	s3 =	sld [smem:$0x3FFE];
	_ =	sdelay $0x1  }
0x8a: {  	s1 =	srdreg.scid  }
0x8b: {  	s0 =	sand.u32 $0x1, s1  }
0x8c: {  	s14 =	sshll.u32 s0, $0xA;
	s2 =	sadd.s32 s3, s2  }
0x8d: {  	s2 =	sadd.s32 s2, s14  }
0x8e: {  	[smem:$0x3FB7] =	sst s2  }
0x8f: {  	_ = 	snop  }
0x90: {  	s2 =	sld [smem:$0x3FD0];
	_ =	sdelay $0x2  }
0x91: {  	s15 =	simm.s32 $0xA;
	s4 =	simm.s32 $0x10  }
0x92: {  	[smem:s4], [sflag:s15] =	dma.local [hbm:s2], $0x1  }
0x93: {  	_ =	swait.eq [sflag:s15], $0x1  }
0x94: {  	[sflag:s15] =	ssyncset.done $0x0  }
0x95: {  	[sflag:s15] =	ssyncadd.s32 $0xFFFFFFFF  }
0x96: {  	s16 =	sld [smem:$0x10];
	(tm) =	ssettm $0x1  }
0x97: {  	s17 =	sld [smem:$0x3FFB];
	_ =	sdelay $0x3  }
0x98: {  	_ =	strace s17  }
0x99: {  	s3 =	sld [smem:$0x3FFC];
	_ =	sdelay $0x3  }
0x9a: {  	_ =	strace s3  }
0x9b: {  	s3 =	sld [smem:$0x3FFD];
	_ =	sdelay $0x3  }
0x9c: {  	_ =	strace s3  }
0x9d: {  	_ =	strace $0x8FFFFFFF  }
0x9e: {  	s18 =	sld [smem:$0x3FDB];
	_ =	sdelay $0x1  }
0x9f: {  	s19 =	simm.s32 $_scs_section_size  }
0xa0: {  	s5 =	simm.s32 $_size__tile_overlayer_lowered;
	s6 =	simm.s32 $_tile_overlayer_lowered  }
0xa1: {  	s22 =	simm.s32 $0x1BFF;
	s21 =	sshll.u32 s6, $0x1;
	s3 =	sadd.s32 s19, s18  }
0xa2: {  	s7 =	simm.s32 $0x0;
	s20 =	sshll.u32 s5, $0x1;
	s5 =	sadd.s32 s21, s3  }
0xa3: {  	[timem:s7], [sflag:s22] =	dma.local [hbm:s5], s20  }
0xa4: {  	_ =	swait.ge [sflag:s22], s20  }
0xa5: {  	s4 =	ssub.s32 $0x0, s20;
	[sflag:s22] =	ssyncset.done $0x0  }
0xa6: {  	[sflag:s22] =	ssyncadd.s32 s4;
	_ =	sdelay $0x1  }
0xa7: {  	s23 =	simm.s32 $0x1B8B  }
0xa8: {  	_ =	swait.ge [sflag:s23], $0x1  }
0xa9: {  	[sflag:s23] =	ssyncset.done $0x0  }
0xaa: {  	s25 =	simm.s32 $0x1B8E;
	s24 =	sld [smem:$0x3FFE];
	[sflag:s23] =	ssyncadd.s32 $0xFFFFFFFF  }
0xab: {  	s26 =	simm.s32 $execute0_lowered;
	[smem:$0x3FD2] =	sst s25  }
0xac: {  	s5 =	sshll.u32 s26, $0x1;
	_ =	strace $0x8000004F;
	[dreg:$0x1] =	wrdreg $0xFFFFFFFF  }
0xad: {  	s28 =	simm.s32 $_size_execute0_lowered;
	s3 =	sadd.s32 s3, s5;
	[dreg:$0x0] =	wrdreg $0x0  }
0xae: {  	s5 =	sshll.u32 s28, $0x1;
	[dreg:$0x2] =	wrdreg s3  }
0xaf: {  	[dreg:$0x3] =	wrdreg s5  }
0xb0: {  	[dreg:$0x4] =	wrdreg $0xC0  }
0xb1: {  	_ =	task [dreg:s7], $0x5FFFF  }
0xb2: {  	[dreg:$0x1] =	wrdreg $0xFFFFFFFF  }
0xb3: {  	[dreg:$0x0] =	wrdreg $0x60  }
0xb4: {  	[dreg:$0x2] =	wrdreg s16  }
0xb5: {  	[dreg:$0x3] =	wrdreg s24  }
0xb6: {  	[dreg:$0x4] =	wrdreg $0xB1000  }
0xb7: {  	[dreg:$0x5] =	wrdreg $0x9  }
0xb8: {  	_ =	task.clear_ibuf [dreg:s7], $0x6FFFF;
	_ =	strace $0x9000004F  }
0xb9: {  	s29 =	simm.s32 $0x9;
	_ =	strace $0x80000051  }
0xba: {  	_ =	swait.ge [sflag:s29], $0x1  }
0xbb: {  	[sflag:s29] =	ssyncadd.s32 $0xFFFFFFFF  }
0xbc: {  	_ =	strace $0x90000051  }
0xbd: {  	_ =	sfence  }
0xbe: {  	s30 =	sld [smem:$0x0];
	_ =	sdelay $0x2  }
0xbf: {  	s31 =	sshll.u32 s1, $0xD;
	s1 =	sshrl.u32 s1, $0x2  }
0xc0: {  	s3 =	sand.u32 $0x4000, s31;
	s1 =	sadd.s32 s1, s30  }
0xc1: {  	s0 =	sor.u32 s3, s0;
	s1 =	sshll.u32 s1, $0x11  }
0xc2: {  	s0 =	sor.u32 s1, s0  }
0xc3: {  	s0 =	sadd.s32 $0x8F2B, s0  }
0xc4: {  	[sflag:s0] =	ssyncadd.remote.s32 $0x1  }
0xc5: {  	_ =	sfence.sel $0xFFFF  }
0xc6: {  	[dreg:$0x0] =	wrdreg $0xFFFFFFFF;
	(pc) =	sbr.abs _section_cstart, $3  }
0xc7: {  	[dreg:$0x1] =	wrdreg $0xFFFFFFFF  }
0xc8: {  	_ =	task.clear_ibuf [dreg:s7], $0x2FFFF;
	_ =	strace $0x9FFFFFFF  }
0xc9: {  	(tm) =	ssettm $0x7FFFFFFF  }
tec
execute0_lowered:
.L_overlay_start_1:
0x0: {  	(tag) =	ssettag $0x1  }
0x1: {  	s0 =	srdreg.scid;
	s2 =	rddreg [dreg:$0x0]  }
0x2: {  	s7 =	stileid.u32;
	s4 =	rddreg [dreg:$0x1]  }
0x3: {  	s3 =	rddreg [dreg:$0x2];
	s8 =	simm.s32 $0x0;
	s30 =	simm.s32 $0xA100  }
0x4: {  	s31 =	simm.s32 $0x3;
	s9 =	simm.s32 $0x4F80;
	s0 =	sand.u32 $0x1, s0  }
0x5: {  	s10 =	simm.s32 $0x2;
	s6 =	smul.u32 $0x2800, s7;
	s1 =	sshll.u32 s0, $0x4  }
0x6: {  	s5 =	smul.u32 $0x28000, s0;
	s0 =	ssub.s32 $0x2, s0;
	s1 =	sor.u32 s7, s1  }
0x7: {  	[smem:$0x7FF] =	sst s8;
	s16 =	sshrl.u32 s0, $0x1;
	s1 =	smul.u32 $0x4E2, s1  }
0x8: {  	_ =	strace $0x80000050;
	s7 =	smul.u32 $0x50000, s7;
	s0 =	ssub.s32 s0, s16  }
0x9: {  	s5 =	sadd.s32 s6, s5;
	s0 =	smax.u32 s0, $0x1;
	s1 =	sadd.s32 s1, s4  }
0xa: {  	s7 =	sshrl.u32 s7, $0x2;
	[dreg:$0x7] =	wrdreg s0;
	s17 =	sadd.s32 $0x11C00, s1  }
0xb: {  	s4 =	sadd.s32 s5, s4;
	s1 =	sadd.s32 $0x7E00, s1;
	[dreg:$0x4] =	wrdreg s17  }
0xc: {  	s5 =	sadd.s32 s7, s3;
	s18 =	sadd.s32 $0x1BA00, s4;
	[dreg:$0x5] =	wrdreg s1  }
0xd: {  	s11 =	simm.s32 $0x5080;
	s19 =	sadd.s32 $0x1000, s5;
	[dreg:$0x6] =	wrdreg s18  }
0xe: {  	s12 =	simm.s32 $0x0;
	s20 =	sadd.s32 $0x2000, s5;
	[dreg:$0x8] =	wrdreg s19  }
0xf: {  	s8 =	simm.s32 $0x1;
	s21 =	sadd.s32 $0x3000, s5;
	[dreg:$0x9] =	wrdreg s20  }
0x10: {  	s6 =	simm.s32 $0x5000;
	s22 =	sadd.s32 $0x4000, s5;
	[dreg:$0xa] =	wrdreg s21  }
0x11: {  	s0 =	simm.s32 $0x5100;
	s23 =	sadd.s32 $0x5000, s5;
	[dreg:$0xb] =	wrdreg s22  }
0x12: {  	s7 =	simm.s32 $0x7900;
	s24 =	sadd.s32 $0x6000, s5;
	[dreg:$0xc] =	wrdreg s23  }
0x13: {  	s25 =	sadd.s32 $0x7000, s5;
	s26 =	sadd.s32 $0x8000, s5;
	[dreg:$0xd] =	wrdreg s24  }
0x14: {  	s28 =	sadd.s32 $0x12000, s5;
	s29 =	sadd.s32 $0x13000, s5;
	[dreg:$0xe] =	wrdreg s25  }
0x15: {  	s4 =	simm.s32 $0x50;
	[dreg:$0xf] =	wrdreg s26;
	s18 =	sadd.s32 $0x9000, s5  }
0x16: {  	s19 =	sadd.s32 $0xA000, s5;
	s20 =	sadd.s32 $0xB000, s5;
	s21 =	sadd.s32 $0xC000, s5  }
0x17: {  	s22 =	sadd.s32 $0xD000, s5;
	s23 =	sadd.s32 $0xE000, s5;
	s24 =	sadd.s32 $0xF000, s5  }
0x18: {  	v0 =	vimm.f32 $0.0e+00;
	s25 =	sadd.s32 $0x10000, s5;
	s26 =	sadd.s32 $0x11000, s5;
	s1 =	simm.s32 $0x4F00  }
.LBB2_1:
0x19: {  	s13 =	simm.s32 $0x0  }
0x1a: {  	s14 =	sand.u32 $0xFFFFFF80, s13  }
0x1b: {  	s14 =	ssub.s32 $0x0, s14  }
0x1c: {  	s15 =	simm.s32 $0x0;
	s13 =	sand.u32 $0x3FFFFF80, s13;
	s14 =	sand.u32 $0xFFFFFF80, s14  }
0x1d: {  	s15 =	sand.u32 $0x70, s15;
	s14 =	sadd.s32 s14, s13  }
0x1e: {  	s13 =	simm.s32 $0x1;
	s15 =	sor.u32 s15, s14;
	s14 =	simm.s32 $0x0  }
.LBB2_2:
0x1f: {  	s16 =	sshll.u32 s13, $0x4;
	p0 =	sne.s32 s13, $0xFF;
	s13 =	sadd.s32 $0x1, s13;
	[tilespmem:s15+$0xA100] =	vst v0  }
.Ltmp0:
0x20: {  	s14 =	sadd.s32 $0x10, s14;
	s15 =	sand.u32 $0xFFFFFF80, s16;
	(pc) =	sbr.rel @p0 .LBB2_2-.Ltmp0, $4  }
0x21: {  	s15 =	ssub.s32 s14, s15  }
0x22: {  	s16 =	sand.u32 $0x3FFFFF80, s16;
	s15 =	sand.u32 $0xFFFFFF80, s15  }
0x23: {  	s17 =	sand.u32 $0x70, s14;
	s15 =	sadd.s32 s15, s16  }
0x24: {  	s15 =	sor.u32 s17, s15  }
0x25: {  	[tilespmem:s15+$0xA100] =	vst v0  }
0x26: {  	[spmem:s5] =	stream.linear.scatter [tilespmem:s30], [sflag:$0x3], $0x1000, $0x38;
	[tilespmem:$0x1F100] =	vst v63  }
0x27: {  	_ =	swait.ge [sflag:s31], $0x1000  }
0x28: {  	[sflag:s31] =	ssyncset.done $0x0  }
0x29: {  	s13 =	rddreg [dreg:$0x8];
	[sflag:s31] =	ssyncadd.s32 $0xFFFFF000  }
0x2a: {  	[spmem:s13] =	stream.linear.scatter [tilespmem:s30], [sflag:$0x3], $0x1000, $0x38;
	[tilespmem:$0x1F100] =	vst v63  }
0x2b: {  	_ =	swait.ge [sflag:s31], $0x1000  }
0x2c: {  	[sflag:s31] =	ssyncset.done $0x0  }
0x2d: {  	s17 =	rddreg [dreg:$0x9];
	[sflag:s31] =	ssyncadd.s32 $0xFFFFF000  }
0x2e: {  	[spmem:s17] =	stream.linear.scatter [tilespmem:s30], [sflag:$0x3], $0x1000, $0x38;
	[tilespmem:$0x1F100] =	vst v63  }
0x2f: {  	_ =	swait.ge [sflag:s31], $0x1000  }
0x30: {  	[sflag:s31] =	ssyncset.done $0x0  }
0x31: {  	s14 =	rddreg [dreg:$0xa];
	[sflag:s31] =	ssyncadd.s32 $0xFFFFF000  }
0x32: {  	[spmem:s14] =	stream.linear.scatter [tilespmem:s30], [sflag:$0x3], $0x1000, $0x38;
	[tilespmem:$0x1F100] =	vst v63  }
0x33: {  	_ =	swait.ge [sflag:s31], $0x1000  }
0x34: {  	[sflag:s31] =	ssyncset.done $0x0  }
0x35: {  	s15 =	rddreg [dreg:$0xb];
	[sflag:s31] =	ssyncadd.s32 $0xFFFFF000  }
0x36: {  	[spmem:s15] =	stream.linear.scatter [tilespmem:s30], [sflag:$0x3], $0x1000, $0x38;
	[tilespmem:$0x1F100] =	vst v63  }
0x37: {  	_ =	swait.ge [sflag:s31], $0x1000  }
0x38: {  	[sflag:s31] =	ssyncset.done $0x0  }
0x39: {  	s16 =	rddreg [dreg:$0xc];
	[sflag:s31] =	ssyncadd.s32 $0xFFFFF000  }
0x3a: {  	[spmem:s16] =	stream.linear.scatter [tilespmem:s30], [sflag:$0x3], $0x1000, $0x38;
	[tilespmem:$0x1F100] =	vst v63  }
0x3b: {  	_ =	swait.ge [sflag:s31], $0x1000  }
0x3c: {  	[sflag:s31] =	ssyncset.done $0x0  }
0x3d: {  	s17 =	rddreg [dreg:$0xd];
	[sflag:s31] =	ssyncadd.s32 $0xFFFFF000  }
0x3e: {  	[spmem:s17] =	stream.linear.scatter [tilespmem:s30], [sflag:$0x3], $0x1000, $0x38;
	[tilespmem:$0x1F100] =	vst v63  }
0x3f: {  	_ =	swait.ge [sflag:s31], $0x1000  }
0x40: {  	[sflag:s31] =	ssyncset.done $0x0  }
0x41: {  	s14 =	rddreg [dreg:$0xe];
	[sflag:s31] =	ssyncadd.s32 $0xFFFFF000  }
0x42: {  	[spmem:s14] =	stream.linear.scatter [tilespmem:s30], [sflag:$0x3], $0x1000, $0x38;
	[tilespmem:$0x1F100] =	vst v63  }
0x43: {  	_ =	swait.ge [sflag:s31], $0x1000  }
0x44: {  	[sflag:s31] =	ssyncset.done $0x0  }
0x45: {  	s15 =	rddreg [dreg:$0xf];
	[sflag:s31] =	ssyncadd.s32 $0xFFFFF000  }
0x46: {  	[spmem:s15] =	stream.linear.scatter [tilespmem:s30], [sflag:$0x3], $0x1000, $0x38;
	[tilespmem:$0x1F100] =	vst v63  }
0x47: {  	_ =	swait.ge [sflag:s31], $0x1000  }
0x48: {  	[sflag:s31] =	ssyncset.done $0x0  }
0x49: {  	[sflag:s31] =	ssyncadd.s32 $0xFFFFF000  }
0x4a: {  	[spmem:s18] =	stream.linear.scatter [tilespmem:s30], [sflag:$0x3], $0x1000, $0x38;
	[tilespmem:$0x1F100] =	vst v63  }
0x4b: {  	_ =	swait.ge [sflag:s31], $0x1000  }
0x4c: {  	[sflag:s31] =	ssyncset.done $0x0  }
0x4d: {  	[sflag:s31] =	ssyncadd.s32 $0xFFFFF000  }
0x4e: {  	[spmem:s19] =	stream.linear.scatter [tilespmem:s30], [sflag:$0x3], $0x1000, $0x38;
	[tilespmem:$0x1F100] =	vst v63  }
0x4f: {  	_ =	swait.ge [sflag:s31], $0x1000  }
0x50: {  	[sflag:s31] =	ssyncset.done $0x0  }
0x51: {  	[sflag:s31] =	ssyncadd.s32 $0xFFFFF000  }
0x52: {  	[spmem:s20] =	stream.linear.scatter [tilespmem:s30], [sflag:$0x3], $0x1000, $0x38;
	[tilespmem:$0x1F100] =	vst v63  }
0x53: {  	_ =	swait.ge [sflag:s31], $0x1000  }
0x54: {  	[sflag:s31] =	ssyncset.done $0x0  }
0x55: {  	[sflag:s31] =	ssyncadd.s32 $0xFFFFF000  }
0x56: {  	[spmem:s21] =	stream.linear.scatter [tilespmem:s30], [sflag:$0x3], $0x1000, $0x38;
	[tilespmem:$0x1F100] =	vst v63  }
0x57: {  	_ =	swait.ge [sflag:s31], $0x1000  }
0x58: {  	[sflag:s31] =	ssyncset.done $0x0  }
0x59: {  	[sflag:s31] =	ssyncadd.s32 $0xFFFFF000  }
0x5a: {  	[spmem:s22] =	stream.linear.scatter [tilespmem:s30], [sflag:$0x3], $0x1000, $0x38;
	[tilespmem:$0x1F100] =	vst v63  }
0x5b: {  	_ =	swait.ge [sflag:s31], $0x1000  }
0x5c: {  	[sflag:s31] =	ssyncset.done $0x0  }
0x5d: {  	[sflag:s31] =	ssyncadd.s32 $0xFFFFF000  }
0x5e: {  	[spmem:s23] =	stream.linear.scatter [tilespmem:s30], [sflag:$0x3], $0x1000, $0x38;
	[tilespmem:$0x1F100] =	vst v63  }
0x5f: {  	_ =	swait.ge [sflag:s31], $0x1000  }
0x60: {  	[sflag:s31] =	ssyncset.done $0x0  }
0x61: {  	[sflag:s31] =	ssyncadd.s32 $0xFFFFF000  }
0x62: {  	[spmem:s24] =	stream.linear.scatter [tilespmem:s30], [sflag:$0x3], $0x1000, $0x38;
	[tilespmem:$0x1F100] =	vst v63  }
0x63: {  	_ =	swait.ge [sflag:s31], $0x1000  }
0x64: {  	[sflag:s31] =	ssyncset.done $0x0  }
0x65: {  	[sflag:s31] =	ssyncadd.s32 $0xFFFFF000  }
0x66: {  	[spmem:s25] =	stream.linear.scatter [tilespmem:s30], [sflag:$0x3], $0x1000, $0x38;
	[tilespmem:$0x1F100] =	vst v63  }
0x67: {  	_ =	swait.ge [sflag:s31], $0x1000  }
0x68: {  	[sflag:s31] =	ssyncset.done $0x0  }
0x69: {  	[sflag:s31] =	ssyncadd.s32 $0xFFFFF000  }
0x6a: {  	[spmem:s26] =	stream.linear.scatter [tilespmem:s30], [sflag:$0x3], $0x1000, $0x38;
	[tilespmem:$0x1F100] =	vst v63  }
0x6b: {  	_ =	swait.ge [sflag:s31], $0x1000  }
0x6c: {  	[sflag:s31] =	ssyncset.done $0x0  }
0x6d: {  	[sflag:s31] =	ssyncadd.s32 $0xFFFFF000  }
0x6e: {  	[spmem:s28] =	stream.linear.scatter [tilespmem:s30], [sflag:$0x3], $0x1000, $0x38;
	[tilespmem:$0x1F100] =	vst v63  }
0x6f: {  	_ =	swait.ge [sflag:s31], $0x1000  }
0x70: {  	[sflag:s31] =	ssyncset.done $0x0  }
0x71: {  	[sflag:s31] =	ssyncadd.s32 $0xFFFFF000  }
0x72: {  	[spmem:s29] =	stream.linear.scatter [tilespmem:s30], [sflag:$0x3], $0x1000, $0x38;
	[tilespmem:$0x1F100] =	vst v63  }
0x73: {  	_ =	swait.ge [sflag:s31], $0x1000  }
0x74: {  	[sflag:s31] =	ssyncset.done $0x0  }
0x75: {  	[sflag:s31] =	ssyncadd.s32 $0xFFFFF000  }
0x76: {  	[bflag:$0x0] =	sbarrier.arrive $0xFFFF  }
0x77: {  	s15 =	simm.s32 $0x0;
	s16 =	rddreg [dreg:$0x4]  }
0x78: {  	[tilespmem:s15], [sflag:$0x3] =	stream.linear.gather [hbm4b:s16+s15], $0x2710, $0x38;
	[tilespmem:$0x1F100] =	vst v63  }
0x79: {  	_ =	swait.ge [sflag:s31], $0x2710  }
0x7a: {  	[sflag:s31] =	ssyncset.done $0x0  }
0x7b: {  	s14 =	simm.s32 $0x2780;
	s17 =	rddreg [dreg:$0x5];
	[sflag:s31] =	ssyncadd.s32 $0xFFFFD8F0  }
0x7c: {  	[tilespmem:s14], [sflag:$0x3] =	stream.linear.gather [hbm4b:s17+s15], $0x2710, $0x38;
	[tilespmem:$0x1F100] =	vst v63  }
0x7d: {  	_ =	swait.ge [sflag:s31], $0x2710  }
0x7e: {  	[sflag:s31] =	ssyncset.done $0x0  }
0x7f: {  	s13 =	simm.s32 $0x50;
	[sflag:s31] =	ssyncadd.s32 $0xFFFFD8F0  }
0x80: {  	v1 =	vld [tilespmem:s13+$0xFFFFFFB0];
	_ =	sdelay $0x4  }
0x81: {  	s14 =	simm.s32 $0x27D0;
	[tilespmem:$0x4F00] =	vst v1  }
0x82: {  	v1 =	vld [tilespmem:s14+$0xFFFFFFB0];
	_ =	sdelay $0x4  }
0x83: {  	[tilespmem:$0x4F80] =	vst v1  }
0x84: {  	v1 =	vld [tilespmem:s13+$0xFFFFFFC0];
	_ =	sdelay $0x4  }
0x85: {  	[tilespmem:$0x4F10] =	vst v1  }
0x86: {  	v1 =	vld [tilespmem:s14+$0xFFFFFFC0];
	_ =	sdelay $0x4  }
0x87: {  	[tilespmem:$0x4F90] =	vst v1  }
0x88: {  	v1 =	vld [tilespmem:s13+$0xFFFFFFD0];
	_ =	sdelay $0x4  }
0x89: {  	[tilespmem:$0x4F20] =	vst v1  }
0x8a: {  	v1 =	vld [tilespmem:s14+$0xFFFFFFD0];
	_ =	sdelay $0x4  }
0x8b: {  	[tilespmem:$0x4FA0] =	vst v1  }
0x8c: {  	v1 =	vld [tilespmem:s13+$0xFFFFFFE0];
	_ =	sdelay $0x4  }
0x8d: {  	[tilespmem:$0x4F30] =	vst v1  }
0x8e: {  	v1 =	vld [tilespmem:s14+$0xFFFFFFE0];
	_ =	sdelay $0x4  }
0x8f: {  	[tilespmem:$0x4FB0] =	vst v1  }
0x90: {  	v1 =	vld [tilespmem:s13+$0xFFFFFFF0];
	_ =	sdelay $0x4  }
0x91: {  	[tilespmem:$0x4F40] =	vst v1  }
0x92: {  	v1 =	vld [tilespmem:s14+$0xFFFFFFF0];
	_ =	sdelay $0x4  }
0x93: {  	[tilespmem:$0x4FC0] =	vst v1  }
0x94: {  	[tilespmem:s0], [sflag:$0x1] =	stream.indirect.gather [hbm4b:s2+s4], $0x80, s1, s4, $0xb8;
	[tilespmem:$0x1F100] =	vst v63  }
0x95: {  	v1 =	vld [tilespmem:s13+$0x0];
	_ =	sdelay $0x4  }
0x96: {  	[tilespmem:$0x5000] =	vst v1  }
0x97: {  	v1 =	vld [tilespmem:s14+$0x0];
	_ =	sdelay $0x4  }
0x98: {  	[tilespmem:$0x5080] =	vst v1  }
0x99: {  	v1 =	vld [tilespmem:s13+$0x10];
	_ =	sdelay $0x4  }
0x9a: {  	[tilespmem:$0x5010] =	vst v1  }
0x9b: {  	v1 =	vld [tilespmem:s14+$0x10];
	_ =	sdelay $0x4  }
0x9c: {  	[tilespmem:$0x5090] =	vst v1  }
0x9d: {  	v1 =	vld [tilespmem:s13+$0x20];
	_ =	sdelay $0x4  }
0x9e: {  	[tilespmem:$0x5020] =	vst v1  }
0x9f: {  	v1 =	vld [tilespmem:s14+$0x20];
	_ =	sdelay $0x4  }
0xa0: {  	s15 =	sand.u32 $0x3FE0, s15;
	[tilespmem:$0x50A0] =	vst v1  }
0xa1: {  	v1 =	vld [tilespmem:s15+$0x80];
	_ =	sdelay $0x4  }
0xa2: {  	[tilespmem:$0x5030] =	vst v1  }
0xa3: {  	v1 =	vld [tilespmem:s15+$0x2800];
	_ =	sdelay $0x4  }
0xa4: {  	[tilespmem:$0x50B0] =	vst v1  }
0xa5: {  	v1 =	vld [tilespmem:s13+$0x40];
	_ =	sdelay $0x4  }
0xa6: {  	[tilespmem:$0x5040] =	vst v1  }
0xa7: {  	v1 =	vld [tilespmem:s14+$0x40];
	_ =	sdelay $0x4  }
0xa8: {  	[tilespmem:$0x50C0] =	vst v1  }
0xa9: {  	[tilespmem:s7], [sflag:$0x2] =	stream.indirect.gather [hbm4b:s2+s4], $0x80, s6, s4, $0xb8;
	[tilespmem:$0x1F100] =	vst v63  }
0xaa: {  	_ =	swait.ge [sflag:s8], $0x2800  }
0xab: {  	[sflag:s8] =	ssyncset.done $0x0  }
0xac: {  	[sflag:s8] =	ssyncadd.s32 $0xFFFFD800  }
0xad: {  	[spmem:s3] =	stream.indirect.scatter.add.f32 [tilespmem:s0], [sflag:$0x3], $0x80, s9, s4, $0xb8;
	[tilespmem:$0x1F100] =	vst v63  }
0xae: {  	_ =	swait.ge [sflag:s31], $0x2800  }
0xaf: {  	[sflag:s31] =	ssyncset.done $0x0  }
0xb0: {  	[sflag:s31] =	ssyncadd.s32 $0xFFFFD800  }
0xb1: {  	_ =	swait.ge [sflag:s10], $0x2800  }
0xb2: {  	[sflag:s10] =	ssyncset.done $0x0  }
0xb3: {  	[sflag:s10] =	ssyncadd.s32 $0xFFFFD800  }
0xb4: {  	[spmem:s3] =	stream.indirect.scatter.add.f32 [tilespmem:s7], [sflag:$0x3], $0x80, s11, s4, $0xb8;
	[tilespmem:$0x1F100] =	vst v63  }
0xb5: {  	_ =	swait.ge [sflag:s31], $0x2800  }
0xb6: {  	s15 =	simm.s32 $0xA0;
	[sflag:s31] =	ssyncset.done $0x0  }
.LBB2_4:
0xb7: {  	[sflag:s31] =	ssyncadd.s32 $0xFFFFD800;
	s13 =	sadd.s32 $0xA0, s13;
	s14 =	sadd.s32 $0xA0, s14  }
0xb8: {  	p0 =	sne.s32 s15, $0x2620;
	s16 =	smov.u32 s15;
	s15 =	sadd.s32 $0xA0, s15;
	v1 =	vld [tilespmem:s13+$0xFFFFFFB0]  }
0xb9: {  	_ =	sdelay $0x3  }
0xba: {  	[tilespmem:$0x4F00] =	vst v1  }
0xbb: {  	v1 =	vld [tilespmem:s14+$0xFFFFFFB0];
	_ =	sdelay $0x4  }
0xbc: {  	[tilespmem:$0x4F80] =	vst v1  }
0xbd: {  	v1 =	vld [tilespmem:s13+$0xFFFFFFC0];
	_ =	sdelay $0x4  }
0xbe: {  	[tilespmem:$0x4F10] =	vst v1  }
0xbf: {  	v1 =	vld [tilespmem:s14+$0xFFFFFFC0];
	_ =	sdelay $0x4  }
0xc0: {  	[tilespmem:$0x4F90] =	vst v1  }
0xc1: {  	v1 =	vld [tilespmem:s13+$0xFFFFFFD0];
	_ =	sdelay $0x4  }
0xc2: {  	[tilespmem:$0x4F20] =	vst v1  }
0xc3: {  	v1 =	vld [tilespmem:s14+$0xFFFFFFD0];
	_ =	sdelay $0x4  }
0xc4: {  	[tilespmem:$0x4FA0] =	vst v1  }
0xc5: {  	v1 =	vld [tilespmem:s13+$0xFFFFFFE0];
	_ =	sdelay $0x4  }
0xc6: {  	[tilespmem:$0x4F30] =	vst v1  }
0xc7: {  	v1 =	vld [tilespmem:s14+$0xFFFFFFE0];
	_ =	sdelay $0x4  }
0xc8: {  	[tilespmem:$0x4FB0] =	vst v1  }
0xc9: {  	v1 =	vld [tilespmem:s13+$0xFFFFFFF0];
	_ =	sdelay $0x4  }
0xca: {  	[tilespmem:$0x4F40] =	vst v1  }
0xcb: {  	v1 =	vld [tilespmem:s14+$0xFFFFFFF0];
	_ =	sdelay $0x4  }
0xcc: {  	[tilespmem:$0x4FC0] =	vst v1  }
0xcd: {  	[tilespmem:s0], [sflag:$0x1] =	stream.indirect.gather [hbm4b:s2+s4], $0x80, s1, s4, $0xb8;
	[tilespmem:$0x1F100] =	vst v63  }
0xce: {  	v1 =	vld [tilespmem:s13+$0x0];
	_ =	sdelay $0x4  }
0xcf: {  	[tilespmem:$0x5000] =	vst v1  }
0xd0: {  	v1 =	vld [tilespmem:s14+$0x0];
	_ =	sdelay $0x4  }
0xd1: {  	[tilespmem:$0x5080] =	vst v1  }
0xd2: {  	v1 =	vld [tilespmem:s13+$0x10];
	_ =	sdelay $0x4  }
0xd3: {  	[tilespmem:$0x5010] =	vst v1  }
0xd4: {  	v1 =	vld [tilespmem:s14+$0x10];
	_ =	sdelay $0x4  }
0xd5: {  	[tilespmem:$0x5090] =	vst v1  }
0xd6: {  	v1 =	vld [tilespmem:s13+$0x20];
	_ =	sdelay $0x4  }
0xd7: {  	[tilespmem:$0x5020] =	vst v1  }
0xd8: {  	v1 =	vld [tilespmem:s14+$0x20];
	_ =	sdelay $0x4  }
0xd9: {  	s16 =	sand.u32 $0x3FE0, s16;
	[tilespmem:$0x50A0] =	vst v1  }
0xda: {  	v1 =	vld [tilespmem:s16+$0x80];
	_ =	sdelay $0x4  }
0xdb: {  	[tilespmem:$0x5030] =	vst v1  }
0xdc: {  	v1 =	vld [tilespmem:s16+$0x2800];
	_ =	sdelay $0x4  }
0xdd: {  	[tilespmem:$0x50B0] =	vst v1  }
0xde: {  	v1 =	vld [tilespmem:s13+$0x40];
	_ =	sdelay $0x4  }
0xdf: {  	[tilespmem:$0x5040] =	vst v1  }
0xe0: {  	v1 =	vld [tilespmem:s14+$0x40];
	_ =	sdelay $0x4  }
0xe1: {  	[tilespmem:$0x50C0] =	vst v1  }
0xe2: {  	[tilespmem:s7], [sflag:$0x2] =	stream.indirect.gather [hbm4b:s2+s4], $0x80, s6, s4, $0xb8;
	[tilespmem:$0x1F100] =	vst v63  }
0xe3: {  	_ =	swait.ge [sflag:s8], $0x2800  }
0xe4: {  	[sflag:s8] =	ssyncset.done $0x0  }
0xe5: {  	[sflag:s8] =	ssyncadd.s32 $0xFFFFD800  }
0xe6: {  	[spmem:s3] =	stream.indirect.scatter.add.f32 [tilespmem:s0], [sflag:$0x3], $0x80, s9, s4, $0xb8;
	[tilespmem:$0x1F100] =	vst v63  }
0xe7: {  	_ =	swait.ge [sflag:s31], $0x2800  }
0xe8: {  	[sflag:s31] =	ssyncset.done $0x0  }
0xe9: {  	[sflag:s31] =	ssyncadd.s32 $0xFFFFD800  }
0xea: {  	_ =	swait.ge [sflag:s10], $0x2800  }
.Ltmp1:
0xeb: {  	[sflag:s10] =	ssyncset.done $0x0;
	(pc) =	sbr.rel @p0 .LBB2_4-.Ltmp1, $4  }
0xec: {  	[sflag:s10] =	ssyncadd.s32 $0xFFFFD800  }
0xed: {  	[spmem:s3] =	stream.indirect.scatter.add.f32 [tilespmem:s7], [sflag:$0x3], $0x80, s11, s4, $0xb8;
	[tilespmem:$0x1F100] =	vst v63  }
0xee: {  	_ =	swait.ge [sflag:s31], $0x2800  }
0xef: {  	[sflag:s31] =	ssyncset.done $0x0  }
0xf0: {  	[sflag:s31] =	ssyncadd.s32 $0xFFFFD800  }
0xf1: {  	v1 =	vld [tilespmem:$0x26C0]  }
0xf2: {  	v2 =	vld [tilespmem:$0x4E40]  }
0xf3: {  	v3 =	vld [tilespmem:$0x26D0]  }
0xf4: {  	v4 =	vld [tilespmem:$0x4E50]  }
0xf5: {  	v5 =	vld [tilespmem:$0x26E0]  }
0xf6: {  	v62 =	vld [tilespmem:$0x2700];
	[tilespmem:$0x4F00] =	vst v1  }
0xf7: {  	v63 =	vld [tilespmem:$0x4E80];
	[tilespmem:$0x4F80] =	vst v2  }
0xf8: {  	v1 =	vld [tilespmem:$0x4E60];
	[tilespmem:$0x4F10] =	vst v3  }
0xf9: {  	v2 =	vld [tilespmem:$0x26F0];
	[tilespmem:$0x4F90] =	vst v4  }
0xfa: {  	v3 =	vld [tilespmem:$0x4E70];
	[tilespmem:$0x4F20] =	vst v5  }
0xfb: {  	[tilespmem:$0x4F40] =	vst v62  }
0xfc: {  	[tilespmem:$0x4FC0] =	vst v63  }
0xfd: {  	[tilespmem:$0x4FA0] =	vst v1  }
0xfe: {  	[tilespmem:$0x4F30] =	vst v2  }
0xff: {  	[tilespmem:$0x4FB0] =	vst v3  }
0x100: {  	[tilespmem:s0], [sflag:$0x1] =	stream.indirect.gather [hbm4b:s2+s4], $0x80, s1, s4, $0xb8;
	[tilespmem:$0x1F100] =	vst v63  }
0x101: {  	_ =	swait.ge [sflag:s8], $0x2800  }
0x102: {  	[sflag:s8] =	ssyncset.done $0x0  }
0x103: {  	[sflag:s8] =	ssyncadd.s32 $0xFFFFD800  }
0x104: {  	[spmem:s3] =	stream.indirect.scatter.add.f32 [tilespmem:s0], [sflag:$0x3], $0x80, s9, s4, $0xb8;
	[tilespmem:$0x1F100] =	vst v63  }
0x105: {  	_ =	swait.ge [sflag:s31], $0x2800  }
0x106: {  	[sflag:s31] =	ssyncset.done $0x0  }
0x107: {  	s13 =	stileid.u32;
	[sflag:s31] =	ssyncadd.s32 $0xFFFFD800  }
0x108: {  	s13 =	sshll.u32 s13, $0x6;
	[bflag:$0x0] =	sbarrier.arrive $0xFFFF  }
0x109: {  	s14 =	sshrl.u32 s5, $0x3;
	s13 =	sor.u32 $0x1C03, s13;
	s15 =	rddreg [dreg:$0x6]  }
0x10a: {  	[hbm:s15], [sflag:s13] =	dma.local [spmem:s14], $0x2800  }
0x10b: {  	_ =	swait.ge [sflag:s31], $0x2800  }
0x10c: {  	s12 =	sadd.s32 $0x1, s12;
	s17 =	rddreg [dreg:$0x7]  }
0x10d: {  	p0 =	sne.s32 s12, s17  }
.Ltmp2:
0x10e: {  	_ = 	snop;
	(pc) =	sbr.rel @p0 .LBB2_1-.Ltmp2, $3  }
0x10f: {  	_ =	sdelay $0x1  }
0x110: {  	[sflag:s31] =	ssyncset.done $0x0  }
0x111: {  	[sflag:s31] =	ssyncadd.s32 $0xFFFFD800  }
0x112: {  	_ =	sfence.sel $0x180000  }
0x113: {  	[bflag:$0x0] =	sbarrier.arrive $0xFFFF  }
0x114: {  	_ =	strace $0x90000050  }
0x115: {  	s0 =	stileid.u32;
	[bflag:$0x2] =	sbarrier.arrive $0xFFFF  }
0x116: {  	p0 =	sne.s32 s0, $0x0;
	s0 =	rddreg [dreg:$0x3]  }
0x117: {  	s0 =	sadd.s32 @!p0 $0x100000, s0  }
0x118: {  	[sflag:s0] =	ssyncadd.tile.s32 @!p0 $0x1;
	_ =	shalt  }
.Lfunc_end2:
_tile_overlayer_lowered:
.L_overlay_start_2:
0x119: {  	(tag) =	ssettag $0x2  }
0x11a: {  	s0 =	rddreg [dreg:$0x0];
	s2 =	stileid.u32  }
0x11b: {  	s1 =	rddreg [dreg:$0x1];
	p0 =	sne.s32 s2, $0x0  }
0x11c: {  	s3 =	rddreg [dreg:$0x2];
	[bflag:$0x3] =	sbarrier.arrive $0xFFFF;
	s2 =	simm.s32 @!p0 $0x1C03  }
0x11d: {  	[timem:s3], [sflag:s2] =	dma.local @!p0 [hbm:s0], s1  }
0x11e: {  	s0 =	simm.s32 @!p0 $0x3  }
0x11f: {  	_ =	swait.ge @!p0 [sflag:s0], s1  }
0x120: {  	s1 =	ssub.s32 @!p0 $0x0, s1;
	[sflag:s0] =	ssyncset.done @!p0 $0x0  }
0x121: {  	[sflag:s0] =	ssyncadd.s32 @!p0 s1  }
0x122: {  	[bflag:$0x3] =	sbarrier.arrive $0xFFFF  }
0x123: {  	_ =	shalt  }

// kernel: kernel.36.cloned.1.call-start
scs
__scs_entry_jumppad:
0x0: {  	(pc) =	sbr.rel $0x88, $3  }
0x1: {  	(tag) =	ssettag $0x0;
	lr =	simm.s32 $0x1  }
0x2: {  	[smem:$0x3F90] =	sst lr;
	_ =	strace $0xD0000000  }
0x3: {  	_ = 	snop  }
0x4: {  	_ = 	snop  }
0x5: {  	_ = 	snop  }
0x6: {  	_ = 	snop  }
0x7: {  	_ = 	snop  }
__scs_overlays_trampoline_lowered:
0x8: {  	[smem:$0x3F9F] =	sst s0  }
0x9: {  	[smem:$0x3FA0] =	sst s1  }
0xa: {  	[smem:$0x3FA1] =	sst s2  }
0xb: {  	[smem:$0x3FA2] =	sst s3  }
0xc: {  	[smem:$0x3FA3] =	sst s4  }
0xd: {  	[smem:$0x3FA4] =	sst s5  }
0xe: {  	[smem:$0x3FA5] =	sst s6  }
0xf: {  	[smem:$0x3FA6] =	sst s7  }
0x10: {  	[smem:$0x3FA7] =	sst s8  }
0x11: {  	[smem:$0x3FA8] =	sst s9;
	s0 =	simm.s32 @!p0 $0x0  }
0x12: {  	s1 =	sld [smem:$0x3F8E];
	s0 =	simm.s32 @p0 $0x1  }
0x13: {  	[smem:$0x3FA9] =	sst s0;
	s0 =	simm.s32 @!p1 $0x0  }
0x14: {  	s2 =	sld [smem:$0x3F8D];
	s0 =	simm.s32 @p1 $0x1  }
0x15: {  	[smem:$0x3FAA] =	sst s0;
	s0 =	simm.s32 @!p2 $0x0  }
0x16: {  	s3 =	sld [smem:$0x3FDB];
	s0 =	simm.s32 @p2 $0x1  }
0x17: {  	s4 =	simm.s32 $0x1BF5;
	[smem:$0x3FAC] =	sst s0  }
0x18: {  	s0 =	sld [smem:$0x3F8F];
	_ =	swait.ge [sflag:s4], $0x0  }
0x19: {  	s7 =	sld [smem:$0x3F90]  }
0x1a: {  	s8 =	sadd.s32 $0xFFFFE003, lr  }
0x1b: {  	s9 =	sadd.s32 $0xFFFFFEF7, lr;
	s5 =	simm.s32 $0xFFFFFFFF;
	p2 =	slt.u32 s8, $0xFFFFF086  }
0x1c: {  	p1 =	slt.u32 s9, $0xF7A;
	s5 =	simm.s32 @!p2 $0x0  }
0x1d: {  	s5 =	simm.s32 @p1 $0x1;
	p0 =	seq.s32 s7, s2  }
0x1e: {  	s7 =	smul.u32 @!p0 $0xF7A, s2;
	p2 =	seq.s32 @!p0 s5, $0x0  }
0x1f: {  	s9 =	smul.u32 $0xF7A, s1;
	s8 =	simm.s32 @!p0 $0x1BF5;
	p2 =	por !p2, p0  }
0x20: {  	[sflag:s8] =	ssyncset.s32 @!p0 $0xFFFFF086;
	s6 =	sadd.s32 @!p0 s3, s7;
	s7 =	simm.s32 @!p0 $0x108  }
0x21: {  	s3 =	sadd.s32 s3, s9;
	s6 =	sadd.s32 @!p0 $0x88, s6;
	s7 =	simm.s32 @p2 $0x1082  }
0x22: {  	[simem:s7], [sflag:s8] =	dma.local @!p0 [hbm:s6], $0xF7A  }
0x23: {  	s9 =	sor.u32 $0xD0000000, s2;
	s6 =	simm.s32 $0x108;
	_ =	swait.ge @!p0 [sflag:s8], $0x0  }
0x24: {  	s3 =	sadd.s32 $0x88, s3;
	s6 =	simm.s32 @!p1 $0x1082;
	[sflag:s4] =	ssyncset.s32 $0xFFFFF086  }
0x25: {  	[simem:s6], [sflag:s4] =	dma.local [hbm:s3], $0xF7A  }
0x26: {  	[smem:$0x3F90] =	sst s1;
	(tag) =	ssettag s2;
	_ =	strace s9  }
0x27: {  	s1 =	sld [smem:$0x3FA0]  }
0x28: {  	s2 =	sld [smem:$0x3FA1]  }
0x29: {  	s4 =	sld [smem:$0x3FA3]  }
0x2a: {  	p0 =	seq.s32 s5, $0x0;
	s5 =	sld [smem:$0x3FA4]  }
0x2b: {  	s6 =	sld [smem:$0x3FA5]  }
0x2c: {  	s7 =	sld [smem:$0x3FA6]  }
0x2d: {  	s3 =	simm.s32 $0x108;
	s8 =	sld [smem:$0x3FA7]  }
0x2e: {  	s3 =	simm.s32 @!p0 $0x1082;
	s9 =	sld [smem:$0x3FA8]  }
0x2f: {  	lr =	sadd.s32 s0, s3;
	s0 =	sld [smem:$0x3F9F]  }
0x30: {  	s3 =	sld [smem:$0x3FA2]  }
0x31: {  	[smem:$0x3FAB] =	sst s10  }
0x32: {  	s10 =	sld [smem:$0x3FA9];
	_ =	sdelay $0x3  }
0x33: {  	p0 =	seq.s32 s10, $0x1;
	s10 =	sld [smem:$0x3FAB];
	_ =	sdelay $0x3  }
0x34: {  	[smem:$0x3FAB] =	sst s10  }
0x35: {  	s10 =	sld [smem:$0x3FAA];
	_ =	sdelay $0x3  }
0x36: {  	p1 =	seq.s32 s10, $0x1;
	s10 =	sld [smem:$0x3FAB];
	_ =	sdelay $0x3  }
0x37: {  	[smem:$0x3FAB] =	sst s10  }
0x38: {  	s10 =	sld [smem:$0x3FAC]  }
0x39: {  	_ = 	snop;
	(pc) =	sbr.ind lr, $3  }
0x3a: {  	_ = 	snop  }
0x3b: {  	_ = 	snop  }
0x3c: {  	p2 =	seq.s32 s10, $0x1;
	s10 =	sld [smem:$0x3FAB]  }
0x3d: {  	_ =	shalt  }
0x3e: {  	_ =	shalt  }
0x3f: {  	_ =	shalt  }
0x40: {  	_ =	shalt  }
0x41: {  	_ =	shalt  }
0x42: {  	_ =	shalt  }
0x43: {  	_ =	shalt  }
0x44: {  	_ =	shalt  }
0x45: {  	_ =	shalt  }
0x46: {  	_ =	shalt  }
0x47: {  	_ =	shalt  }
0x48: {  	_ =	shalt  }
0x49: {  	_ =	shalt  }
0x4a: {  	_ =	shalt  }
0x4b: {  	_ =	shalt  }
0x4c: {  	_ =	shalt  }
0x4d: {  	_ =	shalt  }
0x4e: {  	_ =	shalt  }
0x4f: {  	_ =	shalt  }
0x50: {  	_ =	shalt  }
0x51: {  	_ =	shalt  }
0x52: {  	_ =	shalt  }
0x53: {  	_ =	shalt  }
0x54: {  	_ =	shalt  }
0x55: {  	_ =	shalt  }
0x56: {  	_ =	shalt  }
0x57: {  	_ =	shalt  }
0x58: {  	_ =	shalt  }
0x59: {  	_ =	shalt  }
0x5a: {  	_ =	shalt  }
0x5b: {  	_ =	shalt  }
0x5c: {  	_ =	shalt  }
0x5d: {  	_ =	shalt  }
0x5e: {  	_ =	shalt  }
0x5f: {  	_ =	shalt  }
0x60: {  	_ =	shalt  }
0x61: {  	_ =	shalt  }
0x62: {  	_ =	shalt  }
0x63: {  	_ =	shalt  }
0x64: {  	_ =	shalt  }
0x65: {  	_ =	shalt  }
0x66: {  	_ =	shalt  }
0x67: {  	_ =	shalt  }
0x68: {  	_ =	shalt  }
0x69: {  	_ =	shalt  }
0x6a: {  	_ =	shalt  }
0x6b: {  	_ =	shalt  }
0x6c: {  	_ =	shalt  }
0x6d: {  	_ =	shalt  }
0x6e: {  	_ =	shalt  }
0x6f: {  	_ =	shalt  }
0x70: {  	_ =	shalt  }
0x71: {  	_ =	shalt  }
0x72: {  	_ =	shalt  }
0x73: {  	_ =	shalt  }
0x74: {  	_ =	shalt  }
0x75: {  	_ =	shalt  }
0x76: {  	_ =	shalt  }
0x77: {  	_ =	shalt  }
0x78: {  	_ =	shalt  }
0x79: {  	_ =	shalt  }
0x7a: {  	_ =	shalt  }
0x7b: {  	_ =	shalt  }
0x7c: {  	_ =	shalt  }
0x7d: {  	_ =	shalt  }
0x7e: {  	_ =	shalt  }
0x7f: {  	_ =	shalt  }
0x80: {  	_ =	shalt  }
0x81: {  	_ =	shalt  }
0x82: {  	_ =	shalt  }
0x83: {  	_ =	shalt  }
0x84: {  	_ =	shalt  }
0x85: {  	_ =	shalt  }
0x86: {  	_ =	shalt  }
0x87: {  	_ =	shalt  }
.Lfunc_end0:
.L_simem_size_0:
called_computation.4_lowered:
.L_overlay_start_0:
0x88: {  	s2 =	sld [smem:$0x3FD9]  }
0x89: {  	s3 =	sld [smem:$0x3FFE];
	_ =	sdelay $0x1  }
0x8a: {  	s1 =	srdreg.scid  }
0x8b: {  	s0 =	sand.u32 $0x1, s1  }
0x8c: {  	s14 =	sshll.u32 s0, $0xA;
	s2 =	sadd.s32 s3, s2  }
0x8d: {  	s2 =	sadd.s32 s2, s14  }
0x8e: {  	[smem:$0x3FB7] =	sst s2  }
0x8f: {  	_ = 	snop  }
0x90: {  	s2 =	sld [smem:$0x3FD0];
	_ =	sdelay $0x2  }
0x91: {  	s15 =	simm.s32 $0xA;
	s4 =	simm.s32 $0x10  }
0x92: {  	[smem:s4], [sflag:s15] =	dma.local [hbm:s2], $0x1  }
0x93: {  	_ =	swait.eq [sflag:s15], $0x1  }
0x94: {  	[sflag:s15] =	ssyncset.done $0x0  }
0x95: {  	[sflag:s15] =	ssyncadd.s32 $0xFFFFFFFF  }
0x96: {  	s16 =	sld [smem:$0x10];
	(tm) =	ssettm $0x1  }
0x97: {  	s17 =	sld [smem:$0x3FFB];
	_ =	sdelay $0x3  }
0x98: {  	_ =	strace s17  }
0x99: {  	s3 =	sld [smem:$0x3FFC];
	_ =	sdelay $0x3  }
0x9a: {  	_ =	strace s3  }
0x9b: {  	s3 =	sld [smem:$0x3FFD];
	_ =	sdelay $0x3  }
0x9c: {  	_ =	strace s3  }
0x9d: {  	_ =	strace $0x8FFFFFFF  }
0x9e: {  	s18 =	sld [smem:$0x3FDB];
	_ =	sdelay $0x1  }
0x9f: {  	s19 =	simm.s32 $_scs_section_size  }
0xa0: {  	s5 =	simm.s32 $_size__tile_overlayer_lowered;
	s6 =	simm.s32 $_tile_overlayer_lowered  }
0xa1: {  	s22 =	simm.s32 $0x1BFF;
	s21 =	sshll.u32 s6, $0x1;
	s3 =	sadd.s32 s19, s18  }
0xa2: {  	s7 =	simm.s32 $0x0;
	s20 =	sshll.u32 s5, $0x1;
	s5 =	sadd.s32 s21, s3  }
0xa3: {  	[timem:s7], [sflag:s22] =	dma.local [hbm:s5], s20  }
0xa4: {  	_ =	swait.ge [sflag:s22], s20  }
0xa5: {  	s4 =	ssub.s32 $0x0, s20;
	[sflag:s22] =	ssyncset.done $0x0  }
0xa6: {  	[sflag:s22] =	ssyncadd.s32 s4;
	_ =	sdelay $0x1  }
0xa7: {  	s23 =	simm.s32 $0x1B8B  }
0xa8: {  	_ =	swait.ge [sflag:s23], $0x1  }
0xa9: {  	[sflag:s23] =	ssyncset.done $0x0  }
0xaa: {  	s25 =	simm.s32 $0x1B8E;
	s24 =	sld [smem:$0x3FFE];
	[sflag:s23] =	ssyncadd.s32 $0xFFFFFFFF  }
0xab: {  	s26 =	simm.s32 $execute0_lowered;
	[smem:$0x3FD2] =	sst s25  }
0xac: {  	s5 =	sshll.u32 s26, $0x1;
	_ =	strace $0x80000052;
	[dreg:$0x1] =	wrdreg $0xFFFFFFFF  }
0xad: {  	s28 =	simm.s32 $_size_execute0_lowered;
	s3 =	sadd.s32 s3, s5;
	[dreg:$0x0] =	wrdreg $0x0  }
0xae: {  	s5 =	sshll.u32 s28, $0x1;
	[dreg:$0x2] =	wrdreg s3  }
0xaf: {  	[dreg:$0x3] =	wrdreg s5  }
0xb0: {  	[dreg:$0x4] =	wrdreg $0xC0  }
0xb1: {  	_ =	task [dreg:s7], $0x5FFFF  }
0xb2: {  	[dreg:$0x1] =	wrdreg $0xFFFFFFFF  }
0xb3: {  	[dreg:$0x0] =	wrdreg $0x60  }
0xb4: {  	[dreg:$0x2] =	wrdreg s16  }
0xb5: {  	[dreg:$0x3] =	wrdreg s24  }
0xb6: {  	[dreg:$0x4] =	wrdreg $0xB1000  }
0xb7: {  	[dreg:$0x5] =	wrdreg $0x9  }
0xb8: {  	_ =	task.clear_ibuf [dreg:s7], $0x6FFFF;
	_ =	strace $0x90000052  }
0xb9: {  	s29 =	simm.s32 $0x9;
	_ =	strace $0x80000054  }
0xba: {  	_ =	swait.ge [sflag:s29], $0x1  }
0xbb: {  	[sflag:s29] =	ssyncadd.s32 $0xFFFFFFFF  }
0xbc: {  	_ =	strace $0x90000054  }
0xbd: {  	_ =	sfence  }
0xbe: {  	s30 =	sld [smem:$0x0];
	_ =	sdelay $0x2  }
0xbf: {  	s31 =	sshll.u32 s1, $0xD;
	s1 =	sshrl.u32 s1, $0x2  }
0xc0: {  	s3 =	sand.u32 $0x4000, s31;
	s1 =	sadd.s32 s1, s30  }
0xc1: {  	s0 =	sor.u32 s3, s0;
	s1 =	sshll.u32 s1, $0x11  }
0xc2: {  	s0 =	sor.u32 s1, s0  }
0xc3: {  	s0 =	sadd.s32 $0x8F2B, s0  }
0xc4: {  	[sflag:s0] =	ssyncadd.remote.s32 $0x1  }
0xc5: {  	_ =	sfence.sel $0xFFFF  }
0xc6: {  	[dreg:$0x0] =	wrdreg $0xFFFFFFFF;
	(pc) =	sbr.abs _section_cstart, $3  }
0xc7: {  	[dreg:$0x1] =	wrdreg $0xFFFFFFFF  }
0xc8: {  	_ =	task.clear_ibuf [dreg:s7], $0x2FFFF;
	_ =	strace $0x9FFFFFFF  }
0xc9: {  	(tm) =	ssettm $0x7FFFFFFF  }
tec
execute0_lowered:
.L_overlay_start_1:
0x0: {  	(tag) =	ssettag $0x1  }
0x1: {  	s0 =	srdreg.scid;
	s2 =	rddreg [dreg:$0x0]  }
0x2: {  	s7 =	stileid.u32;
	s4 =	rddreg [dreg:$0x1]  }
0x3: {  	s3 =	rddreg [dreg:$0x2];
	s8 =	simm.s32 $0x0;
	s30 =	simm.s32 $0xA100  }
0x4: {  	s31 =	simm.s32 $0x3;
	s9 =	simm.s32 $0x4F80;
	s0 =	sand.u32 $0x1, s0  }
0x5: {  	s10 =	simm.s32 $0x2;
	s6 =	smul.u32 $0x2800, s7;
	s1 =	sshll.u32 s0, $0x4  }
0x6: {  	s5 =	smul.u32 $0x28000, s0;
	s0 =	ssub.s32 $0x2, s0;
	s1 =	sor.u32 s7, s1  }
0x7: {  	[smem:$0x7FF] =	sst s8;
	s16 =	sshrl.u32 s0, $0x1;
	s1 =	smul.u32 $0x4E2, s1  }
0x8: {  	_ =	strace $0x80000053;
	s7 =	smul.u32 $0x50000, s7;
	s0 =	ssub.s32 s0, s16  }
0x9: {  	s5 =	sadd.s32 s6, s5;
	s0 =	smax.u32 s0, $0x1;
	s1 =	sadd.s32 s1, s4  }
0xa: {  	s7 =	sshrl.u32 s7, $0x2;
	[dreg:$0x7] =	wrdreg s0;
	s17 =	sadd.s32 $0x11C00, s1  }
0xb: {  	s4 =	sadd.s32 s5, s4;
	s1 =	sadd.s32 $0x7E00, s1;
	[dreg:$0x4] =	wrdreg s17  }
0xc: {  	s5 =	sadd.s32 s7, s3;
	s18 =	sadd.s32 $0x1BA00, s4;
	[dreg:$0x5] =	wrdreg s1  }
0xd: {  	s11 =	simm.s32 $0x5080;
	s19 =	sadd.s32 $0x1000, s5;
	[dreg:$0x6] =	wrdreg s18  }
0xe: {  	s12 =	simm.s32 $0x0;
	s20 =	sadd.s32 $0x2000, s5;
	[dreg:$0x8] =	wrdreg s19  }
0xf: {  	s8 =	simm.s32 $0x1;
	s21 =	sadd.s32 $0x3000, s5;
	[dreg:$0x9] =	wrdreg s20  }
0x10: {  	s6 =	simm.s32 $0x5000;
	s22 =	sadd.s32 $0x4000, s5;
	[dreg:$0xa] =	wrdreg s21  }
0x11: {  	s0 =	simm.s32 $0x5100;
	s23 =	sadd.s32 $0x5000, s5;
	[dreg:$0xb] =	wrdreg s22  }
0x12: {  	s7 =	simm.s32 $0x7900;
	s24 =	sadd.s32 $0x6000, s5;
	[dreg:$0xc] =	wrdreg s23  }
0x13: {  	s25 =	sadd.s32 $0x7000, s5;
	s26 =	sadd.s32 $0x8000, s5;
	[dreg:$0xd] =	wrdreg s24  }
0x14: {  	s28 =	sadd.s32 $0x12000, s5;
	s29 =	sadd.s32 $0x13000, s5;
	[dreg:$0xe] =	wrdreg s25  }
0x15: {  	s4 =	simm.s32 $0x50;
	[dreg:$0xf] =	wrdreg s26;
	s18 =	sadd.s32 $0x9000, s5  }
0x16: {  	s19 =	sadd.s32 $0xA000, s5;
	s20 =	sadd.s32 $0xB000, s5;
	s21 =	sadd.s32 $0xC000, s5  }
0x17: {  	s22 =	sadd.s32 $0xD000, s5;
	s23 =	sadd.s32 $0xE000, s5;
	s24 =	sadd.s32 $0xF000, s5  }
0x18: {  	v0 =	vimm.f32 $0.0e+00;
	s25 =	sadd.s32 $0x10000, s5;
	s26 =	sadd.s32 $0x11000, s5;
	s1 =	simm.s32 $0x4F00  }
.LBB2_1:
0x19: {  	s13 =	simm.s32 $0x0  }
0x1a: {  	s14 =	sand.u32 $0xFFFFFF80, s13  }
0x1b: {  	s14 =	ssub.s32 $0x0, s14  }
0x1c: {  	s15 =	simm.s32 $0x0;
	s13 =	sand.u32 $0x3FFFFF80, s13;
	s14 =	sand.u32 $0xFFFFFF80, s14  }
0x1d: {  	s15 =	sand.u32 $0x70, s15;
	s14 =	sadd.s32 s14, s13  }
0x1e: {  	s13 =	simm.s32 $0x1;
	s15 =	sor.u32 s15, s14;
	s14 =	simm.s32 $0x0  }
.LBB2_2:
0x1f: {  	s16 =	sshll.u32 s13, $0x4;
	p0 =	sne.s32 s13, $0xFF;
	s13 =	sadd.s32 $0x1, s13;
	[tilespmem:s15+$0xA100] =	vst v0  }
.Ltmp0:
0x20: {  	s14 =	sadd.s32 $0x10, s14;
	s15 =	sand.u32 $0xFFFFFF80, s16;
	(pc) =	sbr.rel @p0 .LBB2_2-.Ltmp0, $4  }
0x21: {  	s15 =	ssub.s32 s14, s15  }
0x22: {  	s16 =	sand.u32 $0x3FFFFF80, s16;
	s15 =	sand.u32 $0xFFFFFF80, s15  }
0x23: {  	s17 =	sand.u32 $0x70, s14;
	s15 =	sadd.s32 s15, s16  }
0x24: {  	s15 =	sor.u32 s17, s15  }
0x25: {  	[tilespmem:s15+$0xA100] =	vst v0  }
0x26: {  	[spmem:s5] =	stream.linear.scatter [tilespmem:s30], [sflag:$0x3], $0x1000, $0x38;
	[tilespmem:$0x1F100] =	vst v63  }
0x27: {  	_ =	swait.ge [sflag:s31], $0x1000  }
0x28: {  	[sflag:s31] =	ssyncset.done $0x0  }
0x29: {  	s13 =	rddreg [dreg:$0x8];
	[sflag:s31] =	ssyncadd.s32 $0xFFFFF000  }
0x2a: {  	[spmem:s13] =	stream.linear.scatter [tilespmem:s30], [sflag:$0x3], $0x1000, $0x38;
	[tilespmem:$0x1F100] =	vst v63  }
0x2b: {  	_ =	swait.ge [sflag:s31], $0x1000  }
0x2c: {  	[sflag:s31] =	ssyncset.done $0x0  }
0x2d: {  	s17 =	rddreg [dreg:$0x9];
	[sflag:s31] =	ssyncadd.s32 $0xFFFFF000  }
0x2e: {  	[spmem:s17] =	stream.linear.scatter [tilespmem:s30], [sflag:$0x3], $0x1000, $0x38;
	[tilespmem:$0x1F100] =	vst v63  }
0x2f: {  	_ =	swait.ge [sflag:s31], $0x1000  }
0x30: {  	[sflag:s31] =	ssyncset.done $0x0  }
0x31: {  	s14 =	rddreg [dreg:$0xa];
	[sflag:s31] =	ssyncadd.s32 $0xFFFFF000  }
0x32: {  	[spmem:s14] =	stream.linear.scatter [tilespmem:s30], [sflag:$0x3], $0x1000, $0x38;
	[tilespmem:$0x1F100] =	vst v63  }
0x33: {  	_ =	swait.ge [sflag:s31], $0x1000  }
0x34: {  	[sflag:s31] =	ssyncset.done $0x0  }
0x35: {  	s15 =	rddreg [dreg:$0xb];
	[sflag:s31] =	ssyncadd.s32 $0xFFFFF000  }
0x36: {  	[spmem:s15] =	stream.linear.scatter [tilespmem:s30], [sflag:$0x3], $0x1000, $0x38;
	[tilespmem:$0x1F100] =	vst v63  }
0x37: {  	_ =	swait.ge [sflag:s31], $0x1000  }
0x38: {  	[sflag:s31] =	ssyncset.done $0x0  }
0x39: {  	s16 =	rddreg [dreg:$0xc];
	[sflag:s31] =	ssyncadd.s32 $0xFFFFF000  }
0x3a: {  	[spmem:s16] =	stream.linear.scatter [tilespmem:s30], [sflag:$0x3], $0x1000, $0x38;
	[tilespmem:$0x1F100] =	vst v63  }
0x3b: {  	_ =	swait.ge [sflag:s31], $0x1000  }
0x3c: {  	[sflag:s31] =	ssyncset.done $0x0  }
0x3d: {  	s17 =	rddreg [dreg:$0xd];
	[sflag:s31] =	ssyncadd.s32 $0xFFFFF000  }
0x3e: {  	[spmem:s17] =	stream.linear.scatter [tilespmem:s30], [sflag:$0x3], $0x1000, $0x38;
	[tilespmem:$0x1F100] =	vst v63  }
0x3f: {  	_ =	swait.ge [sflag:s31], $0x1000  }
0x40: {  	[sflag:s31] =	ssyncset.done $0x0  }
0x41: {  	s14 =	rddreg [dreg:$0xe];
	[sflag:s31] =	ssyncadd.s32 $0xFFFFF000  }
0x42: {  	[spmem:s14] =	stream.linear.scatter [tilespmem:s30], [sflag:$0x3], $0x1000, $0x38;
	[tilespmem:$0x1F100] =	vst v63  }
0x43: {  	_ =	swait.ge [sflag:s31], $0x1000  }
0x44: {  	[sflag:s31] =	ssyncset.done $0x0  }
0x45: {  	s15 =	rddreg [dreg:$0xf];
	[sflag:s31] =	ssyncadd.s32 $0xFFFFF000  }
0x46: {  	[spmem:s15] =	stream.linear.scatter [tilespmem:s30], [sflag:$0x3], $0x1000, $0x38;
	[tilespmem:$0x1F100] =	vst v63  }
0x47: {  	_ =	swait.ge [sflag:s31], $0x1000  }
0x48: {  	[sflag:s31] =	ssyncset.done $0x0  }
0x49: {  	[sflag:s31] =	ssyncadd.s32 $0xFFFFF000  }
0x4a: {  	[spmem:s18] =	stream.linear.scatter [tilespmem:s30], [sflag:$0x3], $0x1000, $0x38;
	[tilespmem:$0x1F100] =	vst v63  }
0x4b: {  	_ =	swait.ge [sflag:s31], $0x1000  }
0x4c: {  	[sflag:s31] =	ssyncset.done $0x0  }
0x4d: {  	[sflag:s31] =	ssyncadd.s32 $0xFFFFF000  }
0x4e: {  	[spmem:s19] =	stream.linear.scatter [tilespmem:s30], [sflag:$0x3], $0x1000, $0x38;
	[tilespmem:$0x1F100] =	vst v63  }
0x4f: {  	_ =	swait.ge [sflag:s31], $0x1000  }
0x50: {  	[sflag:s31] =	ssyncset.done $0x0  }
0x51: {  	[sflag:s31] =	ssyncadd.s32 $0xFFFFF000  }
0x52: {  	[spmem:s20] =	stream.linear.scatter [tilespmem:s30], [sflag:$0x3], $0x1000, $0x38;
	[tilespmem:$0x1F100] =	vst v63  }
0x53: {  	_ =	swait.ge [sflag:s31], $0x1000  }
0x54: {  	[sflag:s31] =	ssyncset.done $0x0  }
0x55: {  	[sflag:s31] =	ssyncadd.s32 $0xFFFFF000  }
0x56: {  	[spmem:s21] =	stream.linear.scatter [tilespmem:s30], [sflag:$0x3], $0x1000, $0x38;
	[tilespmem:$0x1F100] =	vst v63  }
0x57: {  	_ =	swait.ge [sflag:s31], $0x1000  }
0x58: {  	[sflag:s31] =	ssyncset.done $0x0  }
0x59: {  	[sflag:s31] =	ssyncadd.s32 $0xFFFFF000  }
0x5a: {  	[spmem:s22] =	stream.linear.scatter [tilespmem:s30], [sflag:$0x3], $0x1000, $0x38;
	[tilespmem:$0x1F100] =	vst v63  }
0x5b: {  	_ =	swait.ge [sflag:s31], $0x1000  }
0x5c: {  	[sflag:s31] =	ssyncset.done $0x0  }
0x5d: {  	[sflag:s31] =	ssyncadd.s32 $0xFFFFF000  }
0x5e: {  	[spmem:s23] =	stream.linear.scatter [tilespmem:s30], [sflag:$0x3], $0x1000, $0x38;
	[tilespmem:$0x1F100] =	vst v63  }
0x5f: {  	_ =	swait.ge [sflag:s31], $0x1000  }
0x60: {  	[sflag:s31] =	ssyncset.done $0x0  }
0x61: {  	[sflag:s31] =	ssyncadd.s32 $0xFFFFF000  }
0x62: {  	[spmem:s24] =	stream.linear.scatter [tilespmem:s30], [sflag:$0x3], $0x1000, $0x38;
	[tilespmem:$0x1F100] =	vst v63  }
0x63: {  	_ =	swait.ge [sflag:s31], $0x1000  }
0x64: {  	[sflag:s31] =	ssyncset.done $0x0  }
0x65: {  	[sflag:s31] =	ssyncadd.s32 $0xFFFFF000  }
0x66: {  	[spmem:s25] =	stream.linear.scatter [tilespmem:s30], [sflag:$0x3], $0x1000, $0x38;
	[tilespmem:$0x1F100] =	vst v63  }
0x67: {  	_ =	swait.ge [sflag:s31], $0x1000  }
0x68: {  	[sflag:s31] =	ssyncset.done $0x0  }
0x69: {  	[sflag:s31] =	ssyncadd.s32 $0xFFFFF000  }
0x6a: {  	[spmem:s26] =	stream.linear.scatter [tilespmem:s30], [sflag:$0x3], $0x1000, $0x38;
	[tilespmem:$0x1F100] =	vst v63  }
0x6b: {  	_ =	swait.ge [sflag:s31], $0x1000  }
0x6c: {  	[sflag:s31] =	ssyncset.done $0x0  }
0x6d: {  	[sflag:s31] =	ssyncadd.s32 $0xFFFFF000  }
0x6e: {  	[spmem:s28] =	stream.linear.scatter [tilespmem:s30], [sflag:$0x3], $0x1000, $0x38;
	[tilespmem:$0x1F100] =	vst v63  }
0x6f: {  	_ =	swait.ge [sflag:s31], $0x1000  }
0x70: {  	[sflag:s31] =	ssyncset.done $0x0  }
0x71: {  	[sflag:s31] =	ssyncadd.s32 $0xFFFFF000  }
0x72: {  	[spmem:s29] =	stream.linear.scatter [tilespmem:s30], [sflag:$0x3], $0x1000, $0x38;
	[tilespmem:$0x1F100] =	vst v63  }
0x73: {  	_ =	swait.ge [sflag:s31], $0x1000  }
0x74: {  	[sflag:s31] =	ssyncset.done $0x0  }
0x75: {  	[sflag:s31] =	ssyncadd.s32 $0xFFFFF000  }
0x76: {  	[bflag:$0x0] =	sbarrier.arrive $0xFFFF  }
0x77: {  	s15 =	simm.s32 $0x0;
	s16 =	rddreg [dreg:$0x4]  }
0x78: {  	[tilespmem:s15], [sflag:$0x3] =	stream.linear.gather [hbm4b:s16+s15], $0x2710, $0x38;
	[tilespmem:$0x1F100] =	vst v63  }
0x79: {  	_ =	swait.ge [sflag:s31], $0x2710  }
0x7a: {  	[sflag:s31] =	ssyncset.done $0x0  }
0x7b: {  	s14 =	simm.s32 $0x2780;
	s17 =	rddreg [dreg:$0x5];
	[sflag:s31] =	ssyncadd.s32 $0xFFFFD8F0  }
0x7c: {  	[tilespmem:s14], [sflag:$0x3] =	stream.linear.gather [hbm4b:s17+s15], $0x2710, $0x38;
	[tilespmem:$0x1F100] =	vst v63  }
0x7d: {  	_ =	swait.ge [sflag:s31], $0x2710  }
0x7e: {  	[sflag:s31] =	ssyncset.done $0x0  }
0x7f: {  	s13 =	simm.s32 $0x50;
	[sflag:s31] =	ssyncadd.s32 $0xFFFFD8F0  }
0x80: {  	v1 =	vld [tilespmem:s13+$0xFFFFFFB0];
	_ =	sdelay $0x4  }
0x81: {  	s14 =	simm.s32 $0x27D0;
	[tilespmem:$0x4F00] =	vst v1  }
0x82: {  	v1 =	vld [tilespmem:s14+$0xFFFFFFB0];
	_ =	sdelay $0x4  }
0x83: {  	[tilespmem:$0x4F80] =	vst v1  }
0x84: {  	v1 =	vld [tilespmem:s13+$0xFFFFFFC0];
	_ =	sdelay $0x4  }
0x85: {  	[tilespmem:$0x4F10] =	vst v1  }
0x86: {  	v1 =	vld [tilespmem:s14+$0xFFFFFFC0];
	_ =	sdelay $0x4  }
0x87: {  	[tilespmem:$0x4F90] =	vst v1  }
0x88: {  	v1 =	vld [tilespmem:s13+$0xFFFFFFD0];
	_ =	sdelay $0x4  }
0x89: {  	[tilespmem:$0x4F20] =	vst v1  }
0x8a: {  	v1 =	vld [tilespmem:s14+$0xFFFFFFD0];
	_ =	sdelay $0x4  }
0x8b: {  	[tilespmem:$0x4FA0] =	vst v1  }
0x8c: {  	v1 =	vld [tilespmem:s13+$0xFFFFFFE0];
	_ =	sdelay $0x4  }
0x8d: {  	[tilespmem:$0x4F30] =	vst v1  }
0x8e: {  	v1 =	vld [tilespmem:s14+$0xFFFFFFE0];
	_ =	sdelay $0x4  }
0x8f: {  	[tilespmem:$0x4FB0] =	vst v1  }
0x90: {  	v1 =	vld [tilespmem:s13+$0xFFFFFFF0];
	_ =	sdelay $0x4  }
0x91: {  	[tilespmem:$0x4F40] =	vst v1  }
0x92: {  	v1 =	vld [tilespmem:s14+$0xFFFFFFF0];
	_ =	sdelay $0x4  }
0x93: {  	[tilespmem:$0x4FC0] =	vst v1  }
0x94: {  	[tilespmem:s0], [sflag:$0x1] =	stream.indirect.gather [hbm4b:s2+s4], $0x80, s1, s4, $0xb8;
	[tilespmem:$0x1F100] =	vst v63  }
0x95: {  	v1 =	vld [tilespmem:s13+$0x0];
	_ =	sdelay $0x4  }
0x96: {  	[tilespmem:$0x5000] =	vst v1  }
0x97: {  	v1 =	vld [tilespmem:s14+$0x0];
	_ =	sdelay $0x4  }
0x98: {  	[tilespmem:$0x5080] =	vst v1  }
0x99: {  	v1 =	vld [tilespmem:s13+$0x10];
	_ =	sdelay $0x4  }
0x9a: {  	[tilespmem:$0x5010] =	vst v1  }
0x9b: {  	v1 =	vld [tilespmem:s14+$0x10];
	_ =	sdelay $0x4  }
0x9c: {  	[tilespmem:$0x5090] =	vst v1  }
0x9d: {  	v1 =	vld [tilespmem:s13+$0x20];
	_ =	sdelay $0x4  }
0x9e: {  	[tilespmem:$0x5020] =	vst v1  }
0x9f: {  	v1 =	vld [tilespmem:s14+$0x20];
	_ =	sdelay $0x4  }
0xa0: {  	s15 =	sand.u32 $0x3FE0, s15;
	[tilespmem:$0x50A0] =	vst v1  }
0xa1: {  	v1 =	vld [tilespmem:s15+$0x80];
	_ =	sdelay $0x4  }
0xa2: {  	[tilespmem:$0x5030] =	vst v1  }
0xa3: {  	v1 =	vld [tilespmem:s15+$0x2800];
	_ =	sdelay $0x4  }
0xa4: {  	[tilespmem:$0x50B0] =	vst v1  }
0xa5: {  	v1 =	vld [tilespmem:s13+$0x40];
	_ =	sdelay $0x4  }
0xa6: {  	[tilespmem:$0x5040] =	vst v1  }
0xa7: {  	v1 =	vld [tilespmem:s14+$0x40];
	_ =	sdelay $0x4  }
0xa8: {  	[tilespmem:$0x50C0] =	vst v1  }
0xa9: {  	[tilespmem:s7], [sflag:$0x2] =	stream.indirect.gather [hbm4b:s2+s4], $0x80, s6, s4, $0xb8;
	[tilespmem:$0x1F100] =	vst v63  }
0xaa: {  	_ =	swait.ge [sflag:s8], $0x2800  }
0xab: {  	[sflag:s8] =	ssyncset.done $0x0  }
0xac: {  	[sflag:s8] =	ssyncadd.s32 $0xFFFFD800  }
0xad: {  	[spmem:s3] =	stream.indirect.scatter.add.f32 [tilespmem:s0], [sflag:$0x3], $0x80, s9, s4, $0xb8;
	[tilespmem:$0x1F100] =	vst v63  }
0xae: {  	_ =	swait.ge [sflag:s31], $0x2800  }
0xaf: {  	[sflag:s31] =	ssyncset.done $0x0  }
0xb0: {  	[sflag:s31] =	ssyncadd.s32 $0xFFFFD800  }
0xb1: {  	_ =	swait.ge [sflag:s10], $0x2800  }
0xb2: {  	[sflag:s10] =	ssyncset.done $0x0  }
0xb3: {  	[sflag:s10] =	ssyncadd.s32 $0xFFFFD800  }
0xb4: {  	[spmem:s3] =	stream.indirect.scatter.add.f32 [tilespmem:s7], [sflag:$0x3], $0x80, s11, s4, $0xb8;
	[tilespmem:$0x1F100] =	vst v63  }
0xb5: {  	_ =	swait.ge [sflag:s31], $0x2800  }
0xb6: {  	s15 =	simm.s32 $0xA0;
	[sflag:s31] =	ssyncset.done $0x0  }
.LBB2_4:
0xb7: {  	[sflag:s31] =	ssyncadd.s32 $0xFFFFD800;
	s13 =	sadd.s32 $0xA0, s13;
	s14 =	sadd.s32 $0xA0, s14  }
0xb8: {  	p0 =	sne.s32 s15, $0x2620;
	s16 =	smov.u32 s15;
	s15 =	sadd.s32 $0xA0, s15;
	v1 =	vld [tilespmem:s13+$0xFFFFFFB0]  }
0xb9: {  	_ =	sdelay $0x3  }
0xba: {  	[tilespmem:$0x4F00] =	vst v1  }
0xbb: {  	v1 =	vld [tilespmem:s14+$0xFFFFFFB0];
	_ =	sdelay $0x4  }
0xbc: {  	[tilespmem:$0x4F80] =	vst v1  }
0xbd: {  	v1 =	vld [tilespmem:s13+$0xFFFFFFC0];
	_ =	sdelay $0x4  }
0xbe: {  	[tilespmem:$0x4F10] =	vst v1  }
0xbf: {  	v1 =	vld [tilespmem:s14+$0xFFFFFFC0];
	_ =	sdelay $0x4  }
0xc0: {  	[tilespmem:$0x4F90] =	vst v1  }
0xc1: {  	v1 =	vld [tilespmem:s13+$0xFFFFFFD0];
	_ =	sdelay $0x4  }
0xc2: {  	[tilespmem:$0x4F20] =	vst v1  }
0xc3: {  	v1 =	vld [tilespmem:s14+$0xFFFFFFD0];
	_ =	sdelay $0x4  }
0xc4: {  	[tilespmem:$0x4FA0] =	vst v1  }
0xc5: {  	v1 =	vld [tilespmem:s13+$0xFFFFFFE0];
	_ =	sdelay $0x4  }
0xc6: {  	[tilespmem:$0x4F30] =	vst v1  }
0xc7: {  	v1 =	vld [tilespmem:s14+$0xFFFFFFE0];
	_ =	sdelay $0x4  }
0xc8: {  	[tilespmem:$0x4FB0] =	vst v1  }
0xc9: {  	v1 =	vld [tilespmem:s13+$0xFFFFFFF0];
	_ =	sdelay $0x4  }
0xca: {  	[tilespmem:$0x4F40] =	vst v1  }
0xcb: {  	v1 =	vld [tilespmem:s14+$0xFFFFFFF0];
	_ =	sdelay $0x4  }
0xcc: {  	[tilespmem:$0x4FC0] =	vst v1  }
0xcd: {  	[tilespmem:s0], [sflag:$0x1] =	stream.indirect.gather [hbm4b:s2+s4], $0x80, s1, s4, $0xb8;
	[tilespmem:$0x1F100] =	vst v63  }
0xce: {  	v1 =	vld [tilespmem:s13+$0x0];
	_ =	sdelay $0x4  }
0xcf: {  	[tilespmem:$0x5000] =	vst v1  }
0xd0: {  	v1 =	vld [tilespmem:s14+$0x0];
	_ =	sdelay $0x4  }
0xd1: {  	[tilespmem:$0x5080] =	vst v1  }
0xd2: {  	v1 =	vld [tilespmem:s13+$0x10];
	_ =	sdelay $0x4  }
0xd3: {  	[tilespmem:$0x5010] =	vst v1  }
0xd4: {  	v1 =	vld [tilespmem:s14+$0x10];
	_ =	sdelay $0x4  }
0xd5: {  	[tilespmem:$0x5090] =	vst v1  }
0xd6: {  	v1 =	vld [tilespmem:s13+$0x20];
	_ =	sdelay $0x4  }
0xd7: {  	[tilespmem:$0x5020] =	vst v1  }
0xd8: {  	v1 =	vld [tilespmem:s14+$0x20];
	_ =	sdelay $0x4  }
0xd9: {  	s16 =	sand.u32 $0x3FE0, s16;
	[tilespmem:$0x50A0] =	vst v1  }
0xda: {  	v1 =	vld [tilespmem:s16+$0x80];
	_ =	sdelay $0x4  }
0xdb: {  	[tilespmem:$0x5030] =	vst v1  }
0xdc: {  	v1 =	vld [tilespmem:s16+$0x2800];
	_ =	sdelay $0x4  }
0xdd: {  	[tilespmem:$0x50B0] =	vst v1  }
0xde: {  	v1 =	vld [tilespmem:s13+$0x40];
	_ =	sdelay $0x4  }
0xdf: {  	[tilespmem:$0x5040] =	vst v1  }
0xe0: {  	v1 =	vld [tilespmem:s14+$0x40];
	_ =	sdelay $0x4  }
0xe1: {  	[tilespmem:$0x50C0] =	vst v1  }
0xe2: {  	[tilespmem:s7], [sflag:$0x2] =	stream.indirect.gather [hbm4b:s2+s4], $0x80, s6, s4, $0xb8;
	[tilespmem:$0x1F100] =	vst v63  }
0xe3: {  	_ =	swait.ge [sflag:s8], $0x2800  }
0xe4: {  	[sflag:s8] =	ssyncset.done $0x0  }
0xe5: {  	[sflag:s8] =	ssyncadd.s32 $0xFFFFD800  }
0xe6: {  	[spmem:s3] =	stream.indirect.scatter.add.f32 [tilespmem:s0], [sflag:$0x3], $0x80, s9, s4, $0xb8;
	[tilespmem:$0x1F100] =	vst v63  }
0xe7: {  	_ =	swait.ge [sflag:s31], $0x2800  }
0xe8: {  	[sflag:s31] =	ssyncset.done $0x0  }
0xe9: {  	[sflag:s31] =	ssyncadd.s32 $0xFFFFD800  }
0xea: {  	_ =	swait.ge [sflag:s10], $0x2800  }
.Ltmp1:
0xeb: {  	[sflag:s10] =	ssyncset.done $0x0;
	(pc) =	sbr.rel @p0 .LBB2_4-.Ltmp1, $4  }
0xec: {  	[sflag:s10] =	ssyncadd.s32 $0xFFFFD800  }
0xed: {  	[spmem:s3] =	stream.indirect.scatter.add.f32 [tilespmem:s7], [sflag:$0x3], $0x80, s11, s4, $0xb8;
	[tilespmem:$0x1F100] =	vst v63  }
0xee: {  	_ =	swait.ge [sflag:s31], $0x2800  }
0xef: {  	[sflag:s31] =	ssyncset.done $0x0  }
0xf0: {  	[sflag:s31] =	ssyncadd.s32 $0xFFFFD800  }
0xf1: {  	v1 =	vld [tilespmem:$0x26C0]  }
0xf2: {  	v2 =	vld [tilespmem:$0x4E40]  }
0xf3: {  	v3 =	vld [tilespmem:$0x26D0]  }
0xf4: {  	v4 =	vld [tilespmem:$0x4E50]  }
0xf5: {  	v5 =	vld [tilespmem:$0x26E0]  }
0xf6: {  	v62 =	vld [tilespmem:$0x2700];
	[tilespmem:$0x4F00] =	vst v1  }
0xf7: {  	v63 =	vld [tilespmem:$0x4E80];
	[tilespmem:$0x4F80] =	vst v2  }
0xf8: {  	v1 =	vld [tilespmem:$0x4E60];
	[tilespmem:$0x4F10] =	vst v3  }
0xf9: {  	v2 =	vld [tilespmem:$0x26F0];
	[tilespmem:$0x4F90] =	vst v4  }
0xfa: {  	v3 =	vld [tilespmem:$0x4E70];
	[tilespmem:$0x4F20] =	vst v5  }
0xfb: {  	[tilespmem:$0x4F40] =	vst v62  }
0xfc: {  	[tilespmem:$0x4FC0] =	vst v63  }
0xfd: {  	[tilespmem:$0x4FA0] =	vst v1  }
0xfe: {  	[tilespmem:$0x4F30] =	vst v2  }
0xff: {  	[tilespmem:$0x4FB0] =	vst v3  }
0x100: {  	[tilespmem:s0], [sflag:$0x1] =	stream.indirect.gather [hbm4b:s2+s4], $0x80, s1, s4, $0xb8;
	[tilespmem:$0x1F100] =	vst v63  }
0x101: {  	_ =	swait.ge [sflag:s8], $0x2800  }
0x102: {  	[sflag:s8] =	ssyncset.done $0x0  }
0x103: {  	[sflag:s8] =	ssyncadd.s32 $0xFFFFD800  }
0x104: {  	[spmem:s3] =	stream.indirect.scatter.add.f32 [tilespmem:s0], [sflag:$0x3], $0x80, s9, s4, $0xb8;
	[tilespmem:$0x1F100] =	vst v63  }
0x105: {  	_ =	swait.ge [sflag:s31], $0x2800  }
0x106: {  	[sflag:s31] =	ssyncset.done $0x0  }
0x107: {  	s13 =	stileid.u32;
	[sflag:s31] =	ssyncadd.s32 $0xFFFFD800  }
0x108: {  	s13 =	sshll.u32 s13, $0x6;
	[bflag:$0x0] =	sbarrier.arrive $0xFFFF  }
0x109: {  	s14 =	sshrl.u32 s5, $0x3;
	s13 =	sor.u32 $0x1C03, s13;
	s15 =	rddreg [dreg:$0x6]  }
0x10a: {  	[hbm:s15], [sflag:s13] =	dma.local [spmem:s14], $0x2800  }
0x10b: {  	_ =	swait.ge [sflag:s31], $0x2800  }
0x10c: {  	s12 =	sadd.s32 $0x1, s12;
	s17 =	rddreg [dreg:$0x7]  }
0x10d: {  	p0 =	sne.s32 s12, s17  }
.Ltmp2:
0x10e: {  	_ = 	snop;
	(pc) =	sbr.rel @p0 .LBB2_1-.Ltmp2, $3  }
0x10f: {  	_ =	sdelay $0x1  }
0x110: {  	[sflag:s31] =	ssyncset.done $0x0  }
0x111: {  	[sflag:s31] =	ssyncadd.s32 $0xFFFFD800  }
0x112: {  	_ =	sfence.sel $0x180000  }
0x113: {  	[bflag:$0x0] =	sbarrier.arrive $0xFFFF  }
0x114: {  	_ =	strace $0x90000053  }
0x115: {  	s0 =	stileid.u32;
	[bflag:$0x2] =	sbarrier.arrive $0xFFFF  }
0x116: {  	p0 =	sne.s32 s0, $0x0;
	s0 =	rddreg [dreg:$0x3]  }
0x117: {  	s0 =	sadd.s32 @!p0 $0x100000, s0  }
0x118: {  	[sflag:s0] =	ssyncadd.tile.s32 @!p0 $0x1;
	_ =	shalt  }
.Lfunc_end2:
_tile_overlayer_lowered:
.L_overlay_start_2:
0x119: {  	(tag) =	ssettag $0x2  }
0x11a: {  	s0 =	rddreg [dreg:$0x0];
	s2 =	stileid.u32  }
0x11b: {  	s1 =	rddreg [dreg:$0x1];
	p0 =	sne.s32 s2, $0x0  }
0x11c: {  	s3 =	rddreg [dreg:$0x2];
	[bflag:$0x3] =	sbarrier.arrive $0xFFFF;
	s2 =	simm.s32 @!p0 $0x1C03  }
0x11d: {  	[timem:s3], [sflag:s2] =	dma.local @!p0 [hbm:s0], s1  }
0x11e: {  	s0 =	simm.s32 @!p0 $0x3  }
0x11f: {  	_ =	swait.ge @!p0 [sflag:s0], s1  }
0x120: {  	s1 =	ssub.s32 @!p0 $0x0, s1;
	[sflag:s0] =	ssyncset.done @!p0 $0x0  }
0x121: {  	[sflag:s0] =	ssyncadd.s32 @!p0 s1  }
0x122: {  	[bflag:$0x3] =	sbarrier.arrive $0xFFFF  }
0x123: {  	_ =	shalt  }

</sc_bundles>
